<compile_context>
chip_gen: v7x
topology: tpu7x:2x2x1
jax: 0.10.2.dev20260603
libtpu: 0.0.44.dev20260713+nightly
codegen_flags: <defaults>
</compile_context>

<pallas_src>
import functools

import jax
import jax.numpy as jnp
import numpy as np
from jax import lax
from jax.experimental import pallas as pl
from jax.experimental.pallas import tpu as pltpu
from jax.experimental.pallas import tpu_sc as plsc

_NUM_L = 3
_NUM_LM = 9
_AVG_NUM_NEIGHBORS = 16.0
_LM_TO_L = np.repeat(np.arange(_NUM_L), [2 * l + 1 for l in range(_NUM_L)])

_B = 64
_LANES = 16
_CL = 32
_NC = 2
_NS = 16
_NIN = 2
_NSC = 2


def _dense_pre(node_feats, node_attrs, w_up_s, w_skip_flat):
    n, c = node_feats.shape
    ne = node_attrs.shape[1]
    blk = 1000
    grid = n // blk

    def body(nf_ref, na_ref, wup_ref, wsk_ref, h_ref, sc_ref):
        nf = nf_ref[...]
        h_ref[...] = jnp.dot(nf, wup_ref[...], preferred_element_type=jnp.float32)
        t = jnp.dot(nf, wsk_ref[...], preferred_element_type=jnp.float32)
        na = na_ref[...]
        sc_ref[...] = jnp.sum(t.reshape(blk, ne, c) * na[:, :, None], axis=1)

    return pl.pallas_call(
        body,
        grid=(grid,),
        in_specs=[
            pl.BlockSpec((blk, c), lambda i: (i, 0)),
            pl.BlockSpec((blk, ne), lambda i: (i, 0)),
            pl.BlockSpec((c, c), lambda i: (0, 0)),
            pl.BlockSpec((c, ne * c), lambda i: (0, 0)),
        ],
        out_specs=[
            pl.BlockSpec((blk, c), lambda i: (i, 0)),
            pl.BlockSpec((blk, c), lambda i: (i, 0)),
        ],
        out_shape=[
            jax.ShapeDtypeStruct((n, c), jnp.float32),
            jax.ShapeDtypeStruct((n, c), jnp.float32),
        ],
    )(node_feats, node_attrs, w_up_s, w_skip_flat)


def _dense_post(partials, w_msg_e):
    _, _, n, c = partials.shape
    blk = 1000
    grid = n // blk

    def body(p_ref, w_ref, o_ref):
        msg = (p_ref[0].astype(jnp.float32) +
               p_ref[1].astype(jnp.float32))
        for lm in range(_NUM_LM):
            o_ref[:, lm, :] = jnp.dot(msg[lm], w_ref[lm],
                                      preferred_element_type=jnp.float32)

    return pl.pallas_call(
        body,
        grid=(grid,),
        in_specs=[
            pl.BlockSpec((2, _NUM_LM, blk, c), lambda i: (0, 0, i, 0)),
            pl.BlockSpec((_NUM_LM, c, c), lambda i: (0, 0, 0)),
        ],
        out_specs=pl.BlockSpec((blk, _NUM_LM, c), lambda i: (i, 0, 0)),
        out_shape=jax.ShapeDtypeStruct((n, _NUM_LM, c), jnp.float32),
    )(partials, w_msg_e)


def _make_sc_kernel(n, e, c):
    k_chunks = c // _CL
    blocks = e // _B
    blocks_per_core = blocks // _NC
    rows_per_tile = n // _NS
    nslots = 80

    mesh = plsc.VectorSubcoreMesh(core_axis_name="c", subcore_axis_name="s")

    scratch = [pltpu.VMEM_SHARED((n, _NUM_LM, _CL), jnp.bfloat16)]
    scratch += [pltpu.VMEM_SHARED((n, _CL), jnp.bfloat16)]
    scratch += [pltpu.VMEM((2 * _B,), jnp.int32) for _ in range(_NIN)]
    scratch += [pltpu.VMEM((_B * _NUM_LM + _LANES,), jnp.float32)
                for _ in range(_NIN)]
    scratch += [pltpu.VMEM((_B, _NUM_L * _CL), jnp.float32)
                for _ in range(_NIN)]
    scratch += [pltpu.VMEM((_B,), jnp.int32) for _ in range(_NSC)]
    scratch += [pltpu.VMEM((_B, _CL), jnp.bfloat16) for _ in range(_NSC)]
    scratch += [pltpu.VMEM((_B // 2,), jnp.int32) for _ in range(_NSC)]
    scratch += [pltpu.VMEM((_B // 2, _NUM_LM, _CL), jnp.bfloat16)
                for _ in range(_NSC)]
    scratch += [pltpu.SemaphoreType.DMA for _ in range(_NIN)]
    scratch += [pltpu.SemaphoreType.DMA for _ in range(_NSC)]
    scratch += [pltpu.SemaphoreType.DMA for _ in range(_NSC)]

    @functools.partial(
        pl.kernel,
        out_type=jax.ShapeDtypeStruct((_NC, _NUM_LM, n, c), jnp.bfloat16),
        mesh=mesh,
        compiler_params=pltpu.CompilerParams(use_tc_tiling_on_sc=False,
                                             needs_layout_passes=False),
        scratch_types=scratch,
    )
    def sc_msg(h_hbm, ef_hbm, ea_hbm, sr_hbm, z_hbm, out_hbm, acc, h_sh,
               *sc):
        srb = sc[0:_NIN]
        av = sc[_NIN:2 * _NIN]
        rv = sc[2 * _NIN:3 * _NIN]
        o = 3 * _NIN
        gidx = sc[o:o + _NSC]
        hv = sc[o + _NSC:o + 2 * _NSC]
        ridx_s = sc[o + 2 * _NSC:o + 3 * _NSC]
        mv = sc[o + 3 * _NSC:o + 4 * _NSC]
        o = o + 4 * _NSC
        sem_in = sc[o:o + _NIN]
        sem_g = sc[o + _NIN:o + _NIN + _NSC]
        sem_sc = sc[o + _NIN + _NSC:o + _NIN + 2 * _NSC]

        cid = lax.axis_index("c")
        sid = lax.axis_index("s")
        row0 = sid * rows_per_tile

        def blk_of(m):
            return cid * blocks_per_core + sid + _NS * m

        def base_of(m):
            return blk_of(m) * _B

        def valid(m):
            return sid + _NS * m < blocks_per_core

        def in_descs(m, bi, k):
            b = base_of(m)
            return [
                (sr_hbm.at[blk_of(m), :], srb[bi]),
                (ea_hbm.at[pl.ds(b * _NUM_LM, _B * _NUM_LM)],
                 av[bi].at[pl.ds(0, _B * _NUM_LM)]),
            ] + [
                (ef_hbm.at[pl.ds(b, _B), pl.ds(0, _NUM_L * _CL)],
                 rv[bi])
            ]

        def issue_in(m, bi, k):
            @pl.when(valid(m))
            def _():
                for s, d in in_descs(m, bi, k):
                    pltpu.async_copy(s, d, sem_in[bi])

        def wait_in(m, bi, k):
            @pl.when(valid(m))
            def _():
                for s, d in in_descs(m, bi, k):
                    pltpu.make_async_copy(s, d, sem_in[bi]).wait()

        def issue_gather(m, bi, gi, k):
            @pl.when(valid(m))
            def _():
                for i in range(_B // _LANES):
                    gidx[gi][pl.ds(i * _LANES, _LANES)] = (
                        srb[bi][pl.ds(i * _LANES, _LANES)])
                pltpu.async_copy(h_sh.at[gidx[gi]], hv[gi], sem_g[gi])

        def wait_gather(m, gi):
            @pl.when(valid(m))
            def _():
                pltpu.make_async_copy(h_sh.at[gidx[gi]], hv[gi],
                                      sem_g[gi]).wait()

        def wait_scatter(m, half):
            @pl.when(valid(m) & (m >= 0))
            def _():
                pltpu.make_async_copy(mv[half], acc.at[ridx_s[half]],
                                      sem_sc[half]).wait()

        def compute_and_scatter(m, bi, gi):
            hb = _B // 2
            for half in range(2):
                wait_scatter(m - 1, half)

                @pl.when(valid(m))
                def _():
                    for i in range(hb // _LANES):
                        ridx_s[half][pl.ds(i * _LANES, _LANES)] = (
                            srb[bi][pl.ds(_B + half * hb + i * _LANES,
                                          _LANES)])

                    @plsc.parallel_loop(half * hb, (half + 1) * hb, unroll=2)
                    def _edge(ei):
                        h0, h1 = plsc.unpack(
                            hv[gi][ei, :],
                            format=plsc.PackFormat.INTERLEAVED)
                        a = av[bi][pl.ds(ei * _NUM_LM, _LANES)]
                        t = []
                        for l in range(_NUM_L):
                            t.append((rv[bi][ei, pl.ds(l * _CL, _LANES)] * h0,
                                      rv[bi][ei, pl.ds(l * _CL + _LANES,
                                                       _LANES)] * h1))
                        mvb = mv[half]
                        for lm in range(_NUM_LM):
                            tl = t[_LM_TO_L[lm]]
                            mvb[ei - half * hb, lm, :] = plsc.pack(
                                a[lm] * tl[0], a[lm] * tl[1],
                                format=plsc.PackFormat.INTERLEAVED)

                    pltpu.async_copy(mv[half], acc.at[ridx_s[half]],
                                     sem_sc[half], add=True)

        @pl.loop(0, k_chunks)
        def _chunk(k):
            pltpu.sync_copy(
                h_hbm.at[pl.ds(row0, rows_per_tile), pl.ds(k * _CL, _CL)],
                h_sh.at[pl.ds(row0, rows_per_tile)])
            pltpu.sync_copy(z_hbm, mv[0])
            hb = _B // 2
            for t in range(rows_per_tile // hb):
                pltpu.sync_copy(mv[0].at[pl.ds(0, hb)],
                                acc.at[pl.ds(row0 + t * hb, hb)])
            rem = rows_per_tile - (rows_per_tile // hb) * hb
            if rem:
                pltpu.sync_copy(mv[0].at[pl.ds(0, rem)],
                                acc.at[pl.ds(row0 + rows_per_tile - rem,
                                             rem)])
            plsc.subcore_barrier()

            for m in range(_NIN):
                issue_in(m, m % _NIN, k)
            wait_in(0, 0, k)
            issue_gather(0, 0, 0, k)

            @pl.loop(0, nslots // (_NIN * _NSC))
            def _slotgrp(jo):
                for t in range(_NIN * _NSC):
                    j = jo * (_NIN * _NSC) + t
                    bi, bi1 = t % _NIN, (t + 1) % _NIN
                    gi, gi1 = t % _NSC, (t + 1) % _NSC
                    wait_in(j + 1, bi1, k)
                    issue_gather(j + 1, bi1, gi1, k)
                    wait_gather(j, gi)
                    compute_and_scatter(j, bi, gi)
                    issue_in(j + _NIN, bi, k)

            for half in range(2):
                wait_scatter(nslots - 1, half)

            plsc.subcore_barrier()
            for lm in range(_NUM_LM):
                pltpu.sync_copy(
                    acc.at[pl.ds(row0, rows_per_tile), lm, :],
                    out_hbm.at[cid, lm, pl.ds(row0, rows_per_tile),
                               pl.ds(k * _CL, _CL)])

    return sc_msg


def kernel(node_attrs, node_feats, edge_attrs, edge_feats, edge_index,
           W_up, W_skip, W_msg):
    n, c = node_feats.shape
    ne = node_attrs.shape[1]
    e = edge_attrs.shape[0]

    inv_sqrt_c = 1.0 / np.sqrt(c)
    w_up_s = W_up * inv_sqrt_c
    w_skip_flat = W_skip.reshape(c, ne * c) * (1.0 / np.sqrt(c * ne))
    w_msg_e = (W_msg[jnp.asarray(_LM_TO_L)] *
               (inv_sqrt_c / _AVG_NUM_NEIGHBORS))
    p = np.arange(c)
    perm = (p // _CL) * _CL + (p % _CL) // 2 + 16 * (p % 2)
    w_msg_e = w_msg_e[:, jnp.asarray(perm), :]

    h, sc = _dense_pre(node_feats, node_attrs, w_up_s, w_skip_flat)

    h2 = h[:, jnp.asarray(perm)].astype(jnp.bfloat16)
    eidx_blocked = jnp.concatenate(
        [edge_index[0].reshape(e // _B, _B),
         edge_index[1].reshape(e // _B, _B)], axis=1)
    zeros = jnp.zeros((_B // 2, _NUM_LM, _CL), jnp.bfloat16)

    ea_flat = edge_attrs.reshape(e * _NUM_LM)
    sc_fn = _make_sc_kernel(n, e, c)
    partials = sc_fn(h2, edge_feats, ea_flat, eidx_blocked, zeros)

    out = _dense_post(partials, w_msg_e)
    return (out, sc)

# --- scband reference (transcript-rebuilt; emitter-appended) ---
"""Pipeline reference for scband-invariant-residual-interaction-27109833572362 (READ-ONLY COPY).

The authoritative reference and input builder live on the scoring server;
editing this copy changes nothing except your own understanding.
"""

import jax, jax.numpy as jnp
import numpy as np

N = 10000
E = 160000
C = 128
NUM_ELEM = 10
NUM_L = 3
NUM_LM = 9
AVG_NUM_NEIGHBORS = 16.0
LM_TO_L = np.repeat(np.arange(NUM_L), [2 * l + 1 for l in range(NUM_L)])


def setup_inputs(seed: int = 0) -> dict:
    key = jax.random.key(seed)
    ks = jax.random.split(key, 8)
    node_attrs = jax.random.uniform(ks[0], (N, NUM_ELEM), dtype=jnp.float32)
    node_feats = jax.random.normal(ks[1], (N, C), dtype=jnp.float32)
    edge_attrs = jax.random.normal(ks[2], (E, NUM_LM), dtype=jnp.float32)
    edge_feats = jax.random.normal(ks[3], (E, NUM_L * C), dtype=jnp.float32)
    edge_index = jax.random.randint(ks[4], (2, E), 0, N, dtype=jnp.int32)
    W_up = jax.random.normal(ks[5], (C, C), dtype=jnp.float32)
    W_skip = jax.random.normal(ks[6], (C, NUM_ELEM, C), dtype=jnp.float32)
    W_msg = jax.random.normal(ks[7], (NUM_L, C, C), dtype=jnp.float32)
    return {
        'node_attrs': node_attrs,
        'node_feats': node_feats,
        'edge_attrs': edge_attrs,
        'edge_feats': edge_feats,
        'edge_index': edge_index,
        'W_up': W_up,
        'W_skip': W_skip,
        'W_msg': W_msg,
    }


def reference(node_attrs, node_feats, edge_attrs, edge_feats, edge_index, W_up, W_skip, W_msg):
    sender = edge_index[0]
    receiver = edge_index[1]
    num_nodes = node_feats.shape[0]
    c = node_feats.shape[1]
    # skip_tp: fully-connected tensor product node_feats (x) node_attrs -> sc (e3nn path normalization)
    sc = jnp.einsum('nc,ne,cek->nk', node_feats, node_attrs, W_skip) / jnp.sqrt(c * node_attrs.shape[1])
    # linear_up: plain channel matmul, weights prescaled by 1/sqrt(num_channels_in)
    h = node_feats @ (W_up / jnp.sqrt(c))
    # InvariantMessagePassingTP: per-edge Y[e,lm] * R[e,l(lm),c] * h[sender[e],c], scatter-add to receiver
    R = edge_feats.reshape(edge_feats.shape[0], -1, c)  # [E, NUM_L, C]
    tmp = R * h[sender][:, None, :]  # [E, NUM_L, C]
    lm_to_l = jnp.asarray(LM_TO_L)
    m_edge = edge_attrs[:, :, None] * tmp[:, lm_to_l, :]  # [E, NUM_LM, C]
    message = jnp.zeros((num_nodes, edge_attrs.shape[1], c), dtype=node_feats.dtype).at[receiver].add(m_edge)
    # e3nn Linear on message irreps: per-l channel mixing with 1/sqrt(C) normalization
    out = jnp.einsum('nlc,lcd->nld', message, W_msg[lm_to_l]) / jnp.sqrt(c)
    out = out / AVG_NUM_NEIGHBORS
    return (out, sc)

if __name__ == "__main__":
    import jax
    _d = setup_inputs()
    print(jax.jit(kernel)(*tuple(_d.values())))

</pallas_src>

<mosaic_0001>
#map = affine_map<(d0, d1) -> (0, 0)>
#map1 = affine_map<(d0, d1) -> (0)>
#map2 = affine_map<(d0, d1) -> (0, 0, 0)>
#map3 = affine_map<(d0, d1) -> (0, 0, 0, 0)>
module attributes {stable_mosaic.version = 14 : i64} {
  func.func @sc_msg(%arg0: i32, %arg1: i32, %arg2: memref<10000x128xbf16, #tpu.memory_space<hbm>>, %arg3: memref<160000x384xf32, #tpu.memory_space<hbm>>, %arg4: memref<1440000xf32, #tpu.memory_space<hbm>>, %arg5: memref<2500x128xi32, #tpu.memory_space<hbm>>, %arg6: memref<32x9x32xbf16, #tpu.memory_space<hbm>>, %arg7: memref<2x9x10000x128xbf16, #tpu.memory_space<hbm>>, %arg8: memref<10000x9x32xbf16, #tpu.memory_space<vmem_shared>>, %arg9: memref<10000x32xbf16, #tpu.memory_space<vmem_shared>>, %arg10: memref<128xi32, #tpu.memory_space<vmem>>, %arg11: memref<128xi32, #tpu.memory_space<vmem>>, %arg12: memref<592xf32, #tpu.memory_space<vmem>>, %arg13: memref<592xf32, #tpu.memory_space<vmem>>, %arg14: memref<64x96xf32, #tpu.memory_space<vmem>>, %arg15: memref<64x96xf32, #tpu.memory_space<vmem>>, %arg16: memref<64xi32, #tpu.memory_space<vmem>>, %arg17: memref<64xi32, #tpu.memory_space<vmem>>, %arg18: memref<64x32xbf16, #tpu.memory_space<vmem>>, %arg19: memref<64x32xbf16, #tpu.memory_space<vmem>>, %arg20: memref<32xi32, #tpu.memory_space<vmem>>, %arg21: memref<32xi32, #tpu.memory_space<vmem>>, %arg22: memref<32x9x32xbf16, #tpu.memory_space<vmem>>, %arg23: memref<32x9x32xbf16, #tpu.memory_space<vmem>>, %arg24: memref<!tpu.dma_semaphore, #tpu.memory_space<semaphore_mem>>, %arg25: memref<!tpu.dma_semaphore, #tpu.memory_space<semaphore_mem>>, %arg26: memref<!tpu.dma_semaphore, #tpu.memory_space<semaphore_mem>>, %arg27: memref<!tpu.dma_semaphore, #tpu.memory_space<semaphore_mem>>, %arg28: memref<!tpu.dma_semaphore, #tpu.memory_space<semaphore_mem>>, %arg29: memref<!tpu.dma_semaphore, #tpu.memory_space<semaphore_mem>>) attributes {dimension_semantics = [#tpu.dimension_semantics<core_parallel>, #tpu.dimension_semantics<subcore_parallel>], iteration_bounds = array<i64: 2, 16>, scalar_prefetch = 0 : i64, scratch_operands = 22 : i64, tpu.core_type = #tpu.core_type<sc_vector_subcore>, window_params = [{transform_indices = #map}, {transform_indices = #map}, {transform_indices = #map1}, {transform_indices = #map}, {transform_indices = #map2}, {transform_indices = #map3}]} {
    %mul3A = arith.constant 625 : i32
    %mul3A_0 = arith.muli %arg1, %mul3A : i32
    %scan3A = arith.constant 0 : i32
    %scan3A_1 = arith.constant 4 : i32
    %scan3A_2 = arith.addi %scan3A, %scan3A_1 : i32
    %scan3A_3 = arith.constant 1 : i32
    scf.for %scan3A_5 = %scan3A to %scan3A_2 step %scan3A_3  : i32 {
      %mul3A_6 = arith.constant 1 : i32
      %mul3A_7 = arith.muli %scan3A_5, %mul3A_6 : i32
      %add3A = arith.constant 0 : i32
      %add3A_8 = arith.addi %add3A, %mul3A_7 : i32
      %mul3A_9 = arith.constant 32 : i32
      %mul3A_10 = arith.muli %add3A_8, %mul3A_9 : i32
      "tpu.region"() ({
        %run_scoped3A_135 = tpu.sem_alloc : memref<!tpu.dma_semaphore, #tpu.memory_space<semaphore_mem>>
        %dma_start3A = arith.constant 0 : i32
        %dma_start3A_136 = tpu.memref_slice %arg9[%mul3A_0, %dma_start3A] : memref<10000x32xbf16, #tpu.memory_space<vmem_shared>> -> memref<625x32xbf16, #tpu.memory_space<vmem_shared>>
        %dma_start3A_137 = tpu.memref_slice %arg2[%mul3A_0, %mul3A_10] : memref<10000x128xbf16, #tpu.memory_space<hbm>> -> memref<625x32xbf16, #tpu.memory_space<hbm>>
        tpu.enqueue_dma source(%dma_start3A_137 : memref<625x32xbf16, #tpu.memory_space<hbm>>) target(%dma_start3A_136 : memref<625x32xbf16, #tpu.memory_space<vmem_shared>>) target_semaphore(%run_scoped3A_135 : memref<!tpu.dma_semaphore, #tpu.memory_space<semaphore_mem>>)
        %dma_wait3A = arith.constant 0 : i32
        %dma_wait3A_138 = tpu.memref_slice %arg9[%mul3A_0, %dma_wait3A] : memref<10000x32xbf16, #tpu.memory_space<vmem_shared>> -> memref<625x32xbf16, #tpu.memory_space<vmem_shared>>
        %dma_wait3A_139 = tpu.memref_slice %arg2[%mul3A_0, %mul3A_10] : memref<10000x128xbf16, #tpu.memory_space<hbm>> -> memref<625x32xbf16, #tpu.memory_space<hbm>>
        tpu.wait_dma2 semaphore(%run_scoped3A_135 : memref<!tpu.dma_semaphore, #tpu.memory_space<semaphore_mem>>) src(%dma_wait3A_139 : memref<625x32xbf16, #tpu.memory_space<hbm>>) dst(%dma_wait3A_138 : memref<625x32xbf16, #tpu.memory_space<vmem_shared>>)
        tpu.yield
      }) : () -> ()
      "tpu.region"() ({
        %run_scoped3A_135 = tpu.sem_alloc : memref<!tpu.dma_semaphore, #tpu.memory_space<semaphore_mem>>
        tpu.enqueue_dma source(%arg6 : memref<32x9x32xbf16, #tpu.memory_space<hbm>>) target(%arg22 : memref<32x9x32xbf16, #tpu.memory_space<vmem>>) target_semaphore(%run_scoped3A_135 : memref<!tpu.dma_semaphore, #tpu.memory_space<semaphore_mem>>)
        tpu.wait_dma2 semaphore(%run_scoped3A_135 : memref<!tpu.dma_semaphore, #tpu.memory_space<semaphore_mem>>) src(%arg6 : memref<32x9x32xbf16, #tpu.memory_space<hbm>>) dst(%arg22 : memref<32x9x32xbf16, #tpu.memory_space<vmem>>)
        tpu.yield
      }) : () -> ()
      %add3A_11 = arith.constant 0 : i32
      %add3A_12 = arith.addi %mul3A_0, %add3A_11 : i32
      "tpu.region"() ({
        %run_scoped3A_135 = tpu.sem_alloc : memref<!tpu.dma_semaphore, #tpu.memory_space<semaphore_mem>>
        %dma_start3A = arith.constant 0 : i32
        %dma_start3A_136 = arith.constant 0 : i32
        %dma_start3A_137 = arith.constant 0 : i32
        %dma_start3A_138 = tpu.memref_slice %arg22[%dma_start3A, %dma_start3A_136, %dma_start3A_137] : memref<32x9x32xbf16, #tpu.memory_space<vmem>> -> memref<32x9x32xbf16, #tpu.memory_space<vmem>>
        %dma_start3A_139 = arith.constant 0 : i32
        %dma_start3A_140 = arith.constant 0 : i32
        %dma_start3A_141 = tpu.memref_slice %arg8[%add3A_12, %dma_start3A_139, %dma_start3A_140] : memref<10000x9x32xbf16, #tpu.memory_space<vmem_shared>> -> memref<32x9x32xbf16, #tpu.memory_space<vmem_shared>>
        %dma_start3A_142 = arith.constant 0 : i32
        %dma_start3A_143 = arith.constant 0 : i32
        %dma_start3A_144 = tpu.memref_slice %arg8[%add3A_12, %dma_start3A_142, %dma_start3A_143] : memref<10000x9x32xbf16, #tpu.memory_space<vmem_shared>> -> memref<32x9x32xbf16, #tpu.memory_space<vmem_shared>>
        %dma_start3A_145 = arith.constant 0 : i32
        %dma_start3A_146 = arith.constant 0 : i32
        %dma_start3A_147 = arith.constant 0 : i32
        %dma_start3A_148 = tpu.memref_slice %arg22[%dma_start3A_145, %dma_start3A_146, %dma_start3A_147] : memref<32x9x32xbf16, #tpu.memory_space<vmem>> -> memref<32x9x32xbf16, #tpu.memory_space<vmem>>
        tpu.enqueue_dma source(%dma_start3A_148 : memref<32x9x32xbf16, #tpu.memory_space<vmem>>) target(%dma_start3A_144 : memref<32x9x32xbf16, #tpu.memory_space<vmem_shared>>) target_semaphore(%run_scoped3A_135 : memref<!tpu.dma_semaphore, #tpu.memory_space<semaphore_mem>>)
        %dma_wait3A = arith.constant 0 : i32
        %dma_wait3A_149 = arith.constant 0 : i32
        %dma_wait3A_150 = arith.constant 0 : i32
        %dma_wait3A_151 = tpu.memref_slice %arg22[%dma_wait3A, %dma_wait3A_149, %dma_wait3A_150] : memref<32x9x32xbf16, #tpu.memory_space<vmem>> -> memref<32x9x32xbf16, #tpu.memory_space<vmem>>
        %dma_wait3A_152 = arith.constant 0 : i32
        %dma_wait3A_153 = arith.constant 0 : i32
        %dma_wait3A_154 = tpu.memref_slice %arg8[%add3A_12, %dma_wait3A_152, %dma_wait3A_153] : memref<10000x9x32xbf16, #tpu.memory_space<vmem_shared>> -> memref<32x9x32xbf16, #tpu.memory_space<vmem_shared>>
        %dma_wait3A_155 = arith.constant 0 : i32
        %dma_wait3A_156 = arith.constant 0 : i32
        %dma_wait3A_157 = tpu.memref_slice %arg8[%add3A_12, %dma_wait3A_155, %dma_wait3A_156] : memref<10000x9x32xbf16, #tpu.memory_space<vmem_shared>> -> memref<32x9x32xbf16, #tpu.memory_space<vmem_shared>>
        %dma_wait3A_158 = arith.constant 0 : i32
        %dma_wait3A_159 = arith.constant 0 : i32
        %dma_wait3A_160 = arith.constant 0 : i32
        %dma_wait3A_161 = tpu.memref_slice %arg22[%dma_wait3A_158, %dma_wait3A_159, %dma_wait3A_160] : memref<32x9x32xbf16, #tpu.memory_space<vmem>> -> memref<32x9x32xbf16, #tpu.memory_space<vmem>>
        tpu.wait_dma2 semaphore(%run_scoped3A_135 : memref<!tpu.dma_semaphore, #tpu.memory_space<semaphore_mem>>) src(%dma_wait3A_161 : memref<32x9x32xbf16, #tpu.memory_space<vmem>>) dst(%dma_wait3A_157 : memref<32x9x32xbf16, #tpu.memory_space<vmem_shared>>)
        tpu.yield
      }) : () -> ()
      %add3A_13 = arith.constant 32 : i32
      %add3A_14 = arith.addi %mul3A_0, %add3A_13 : i32
      "tpu.region"() ({
        %run_scoped3A_135 = tpu.sem_alloc : memref<!tpu.dma_semaphore, #tpu.memory_space<semaphore_mem>>
        %dma_start3A = arith.constant 0 : i32
        %dma_start3A_136 = arith.constant 0 : i32
        %dma_start3A_137 = arith.constant 0 : i32
        %dma_start3A_138 = tpu.memref_slice %arg22[%dma_start3A, %dma_start3A_136, %dma_start3A_137] : memref<32x9x32xbf16, #tpu.memory_space<vmem>> -> memref<32x9x32xbf16, #tpu.memory_space<vmem>>
        %dma_start3A_139 = arith.constant 0 : i32
        %dma_start3A_140 = arith.constant 0 : i32
        %dma_start3A_141 = tpu.memref_slice %arg8[%add3A_14, %dma_start3A_139, %dma_start3A_140] : memref<10000x9x32xbf16, #tpu.memory_space<vmem_shared>> -> memref<32x9x32xbf16, #tpu.memory_space<vmem_shared>>
        %dma_start3A_142 = arith.constant 0 : i32
        %dma_start3A_143 = arith.constant 0 : i32
        %dma_start3A_144 = tpu.memref_slice %arg8[%add3A_14, %dma_start3A_142, %dma_start3A_143] : memref<10000x9x32xbf16, #tpu.memory_space<vmem_shared>> -> memref<32x9x32xbf16, #tpu.memory_space<vmem_shared>>
        %dma_start3A_145 = arith.constant 0 : i32
        %dma_start3A_146 = arith.constant 0 : i32
        %dma_start3A_147 = arith.constant 0 : i32
        %dma_start3A_148 = tpu.memref_slice %arg22[%dma_start3A_145, %dma_start3A_146, %dma_start3A_147] : memref<32x9x32xbf16, #tpu.memory_space<vmem>> -> memref<32x9x32xbf16, #tpu.memory_space<vmem>>
        tpu.enqueue_dma source(%dma_start3A_148 : memref<32x9x32xbf16, #tpu.memory_space<vmem>>) target(%dma_start3A_144 : memref<32x9x32xbf16, #tpu.memory_space<vmem_shared>>) target_semaphore(%run_scoped3A_135 : memref<!tpu.dma_semaphore, #tpu.memory_space<semaphore_mem>>)
        %dma_wait3A = arith.constant 0 : i32
        %dma_wait3A_149 = arith.constant 0 : i32
        %dma_wait3A_150 = arith.constant 0 : i32
        %dma_wait3A_151 = tpu.memref_slice %arg22[%dma_wait3A, %dma_wait3A_149, %dma_wait3A_150] : memref<32x9x32xbf16, #tpu.memory_space<vmem>> -> memref<32x9x32xbf16, #tpu.memory_space<vmem>>
        %dma_wait3A_152 = arith.constant 0 : i32
        %dma_wait3A_153 = arith.constant 0 : i32
        %dma_wait3A_154 = tpu.memref_slice %arg8[%add3A_14, %dma_wait3A_152, %dma_wait3A_153] : memref<10000x9x32xbf16, #tpu.memory_space<vmem_shared>> -> memref<32x9x32xbf16, #tpu.memory_space<vmem_shared>>
        %dma_wait3A_155 = arith.constant 0 : i32
        %dma_wait3A_156 = arith.constant 0 : i32
        %dma_wait3A_157 = tpu.memref_slice %arg8[%add3A_14, %dma_wait3A_155, %dma_wait3A_156] : memref<10000x9x32xbf16, #tpu.memory_space<vmem_shared>> -> memref<32x9x32xbf16, #tpu.memory_space<vmem_shared>>
        %dma_wait3A_158 = arith.constant 0 : i32
        %dma_wait3A_159 = arith.constant 0 : i32
        %dma_wait3A_160 = arith.constant 0 : i32
        %dma_wait3A_161 = tpu.memref_slice %arg22[%dma_wait3A_158, %dma_wait3A_159, %dma_wait3A_160] : memref<32x9x32xbf16, #tpu.memory_space<vmem>> -> memref<32x9x32xbf16, #tpu.memory_space<vmem>>
        tpu.wait_dma2 semaphore(%run_scoped3A_135 : memref<!tpu.dma_semaphore, #tpu.memory_space<semaphore_mem>>) src(%dma_wait3A_161 : memref<32x9x32xbf16, #tpu.memory_space<vmem>>) dst(%dma_wait3A_157 : memref<32x9x32xbf16, #tpu.memory_space<vmem_shared>>)
        tpu.yield
      }) : () -> ()
      %add3A_15 = arith.constant 64 : i32
      %add3A_16 = arith.addi %mul3A_0, %add3A_15 : i32
      "tpu.region"() ({
        %run_scoped3A_135 = tpu.sem_alloc : memref<!tpu.dma_semaphore, #tpu.memory_space<semaphore_mem>>
        %dma_start3A = arith.constant 0 : i32
        %dma_start3A_136 = arith.constant 0 : i32
        %dma_start3A_137 = arith.constant 0 : i32
        %dma_start3A_138 = tpu.memref_slice %arg22[%dma_start3A, %dma_start3A_136, %dma_start3A_137] : memref<32x9x32xbf16, #tpu.memory_space<vmem>> -> memref<32x9x32xbf16, #tpu.memory_space<vmem>>
        %dma_start3A_139 = arith.constant 0 : i32
        %dma_start3A_140 = arith.constant 0 : i32
        %dma_start3A_141 = tpu.memref_slice %arg8[%add3A_16, %dma_start3A_139, %dma_start3A_140] : memref<10000x9x32xbf16, #tpu.memory_space<vmem_shared>> -> memref<32x9x32xbf16, #tpu.memory_space<vmem_shared>>
        %dma_start3A_142 = arith.constant 0 : i32
        %dma_start3A_143 = arith.constant 0 : i32
        %dma_start3A_144 = tpu.memref_slice %arg8[%add3A_16, %dma_start3A_142, %dma_start3A_143] : memref<10000x9x32xbf16, #tpu.memory_space<vmem_shared>> -> memref<32x9x32xbf16, #tpu.memory_space<vmem_shared>>
        %dma_start3A_145 = arith.constant 0 : i32
        %dma_start3A_146 = arith.constant 0 : i32
        %dma_start3A_147 = arith.constant 0 : i32
        %dma_start3A_148 = tpu.memref_slice %arg22[%dma_start3A_145, %dma_start3A_146, %dma_start3A_147] : memref<32x9x32xbf16, #tpu.memory_space<vmem>> -> memref<32x9x32xbf16, #tpu.memory_space<vmem>>
        tpu.enqueue_dma source(%dma_start3A_148 : memref<32x9x32xbf16, #tpu.memory_space<vmem>>) target(%dma_start3A_144 : memref<32x9x32xbf16, #tpu.memory_space<vmem_shared>>) target_semaphore(%run_scoped3A_135 : memref<!tpu.dma_semaphore, #tpu.memory_space<semaphore_mem>>)
        %dma_wait3A = arith.constant 0 : i32
        %dma_wait3A_149 = arith.constant 0 : i32
        %dma_wait3A_150 = arith.constant 0 : i32
        %dma_wait3A_151 = tpu.memref_slice %arg22[%dma_wait3A, %dma_wait3A_149, %dma_wait3A_150] : memref<32x9x32xbf16, #tpu.memory_space<vmem>> -> memref<32x9x32xbf16, #tpu.memory_space<vmem>>
        %dma_wait3A_152 = arith.constant 0 : i32
        %dma_wait3A_153 = arith.constant 0 : i32
        %dma_wait3A_154 = tpu.memref_slice %arg8[%add3A_16, %dma_wait3A_152, %dma_wait3A_153] : memref<10000x9x32xbf16, #tpu.memory_space<vmem_shared>> -> memref<32x9x32xbf16, #tpu.memory_space<vmem_shared>>
        %dma_wait3A_155 = arith.constant 0 : i32
        %dma_wait3A_156 = arith.constant 0 : i32
        %dma_wait3A_157 = tpu.memref_slice %arg8[%add3A_16, %dma_wait3A_155, %dma_wait3A_156] : memref<10000x9x32xbf16, #tpu.memory_space<vmem_shared>> -> memref<32x9x32xbf16, #tpu.memory_space<vmem_shared>>
        %dma_wait3A_158 = arith.constant 0 : i32
        %dma_wait3A_159 = arith.constant 0 : i32
        %dma_wait3A_160 = arith.constant 0 : i32
        %dma_wait3A_161 = tpu.memref_slice %arg22[%dma_wait3A_158, %dma_wait3A_159, %dma_wait3A_160] : memref<32x9x32xbf16, #tpu.memory_space<vmem>> -> memref<32x9x32xbf16, #tpu.memory_space<vmem>>
        tpu.wait_dma2 semaphore(%run_scoped3A_135 : memref<!tpu.dma_semaphore, #tpu.memory_space<semaphore_mem>>) src(%dma_wait3A_161 : memref<32x9x32xbf16, #tpu.memory_space<vmem>>) dst(%dma_wait3A_157 : memref<32x9x32xbf16, #tpu.memory_space<vmem_shared>>)
        tpu.yield
      }) : () -> ()
      %add3A_17 = arith.constant 96 : i32
      %add3A_18 = arith.addi %mul3A_0, %add3A_17 : i32
      "tpu.region"() ({
        %run_scoped3A_135 = tpu.sem_alloc : memref<!tpu.dma_semaphore, #tpu.memory_space<semaphore_mem>>
        %dma_start3A = arith.constant 0 : i32
        %dma_start3A_136 = arith.constant 0 : i32
        %dma_start3A_137 = arith.constant 0 : i32
        %dma_start3A_138 = tpu.memref_slice %arg22[%dma_start3A, %dma_start3A_136, %dma_start3A_137] : memref<32x9x32xbf16, #tpu.memory_space<vmem>> -> memref<32x9x32xbf16, #tpu.memory_space<vmem>>
        %dma_start3A_139 = arith.constant 0 : i32
        %dma_start3A_140 = arith.constant 0 : i32
        %dma_start3A_141 = tpu.memref_slice %arg8[%add3A_18, %dma_start3A_139, %dma_start3A_140] : memref<10000x9x32xbf16, #tpu.memory_space<vmem_shared>> -> memref<32x9x32xbf16, #tpu.memory_space<vmem_shared>>
        %dma_start3A_142 = arith.constant 0 : i32
        %dma_start3A_143 = arith.constant 0 : i32
        %dma_start3A_144 = tpu.memref_slice %arg8[%add3A_18, %dma_start3A_142, %dma_start3A_143] : memref<10000x9x32xbf16, #tpu.memory_space<vmem_shared>> -> memref<32x9x32xbf16, #tpu.memory_space<vmem_shared>>
        %dma_start3A_145 = arith.constant 0 : i32
        %dma_start3A_146 = arith.constant 0 : i32
        %dma_start3A_147 = arith.constant 0 : i32
        %dma_start3A_148 = tpu.memref_slice %arg22[%dma_start3A_145, %dma_start3A_146, %dma_start3A_147] : memref<32x9x32xbf16, #tpu.memory_space<vmem>> -> memref<32x9x32xbf16, #tpu.memory_space<vmem>>
        tpu.enqueue_dma source(%dma_start3A_148 : memref<32x9x32xbf16, #tpu.memory_space<vmem>>) target(%dma_start3A_144 : memref<32x9x32xbf16, #tpu.memory_space<vmem_shared>>) target_semaphore(%run_scoped3A_135 : memref<!tpu.dma_semaphore, #tpu.memory_space<semaphore_mem>>)
        %dma_wait3A = arith.constant 0 : i32
        %dma_wait3A_149 = arith.constant 0 : i32
        %dma_wait3A_150 = arith.constant 0 : i32
        %dma_wait3A_151 = tpu.memref_slice %arg22[%dma_wait3A, %dma_wait3A_149, %dma_wait3A_150] : memref<32x9x32xbf16, #tpu.memory_space<vmem>> -> memref<32x9x32xbf16, #tpu.memory_space<vmem>>
        %dma_wait3A_152 = arith.constant 0 : i32
        %dma_wait3A_153 = arith.constant 0 : i32
        %dma_wait3A_154 = tpu.memref_slice %arg8[%add3A_18, %dma_wait3A_152, %dma_wait3A_153] : memref<10000x9x32xbf16, #tpu.memory_space<vmem_shared>> -> memref<32x9x32xbf16, #tpu.memory_space<vmem_shared>>
        %dma_wait3A_155 = arith.constant 0 : i32
        %dma_wait3A_156 = arith.constant 0 : i32
        %dma_wait3A_157 = tpu.memref_slice %arg8[%add3A_18, %dma_wait3A_155, %dma_wait3A_156] : memref<10000x9x32xbf16, #tpu.memory_space<vmem_shared>> -> memref<32x9x32xbf16, #tpu.memory_space<vmem_shared>>
        %dma_wait3A_158 = arith.constant 0 : i32
        %dma_wait3A_159 = arith.constant 0 : i32
        %dma_wait3A_160 = arith.constant 0 : i32
        %dma_wait3A_161 = tpu.memref_slice %arg22[%dma_wait3A_158, %dma_wait3A_159, %dma_wait3A_160] : memref<32x9x32xbf16, #tpu.memory_space<vmem>> -> memref<32x9x32xbf16, #tpu.memory_space<vmem>>
        tpu.wait_dma2 semaphore(%run_scoped3A_135 : memref<!tpu.dma_semaphore, #tpu.memory_space<semaphore_mem>>) src(%dma_wait3A_161 : memref<32x9x32xbf16, #tpu.memory_space<vmem>>) dst(%dma_wait3A_157 : memref<32x9x32xbf16, #tpu.memory_space<vmem_shared>>)
        tpu.yield
      }) : () -> ()
      %add3A_19 = arith.constant 128 : i32
      %add3A_20 = arith.addi %mul3A_0, %add3A_19 : i32
      "tpu.region"() ({
        %run_scoped3A_135 = tpu.sem_alloc : memref<!tpu.dma_semaphore, #tpu.memory_space<semaphore_mem>>
        %dma_start3A = arith.constant 0 : i32
        %dma_start3A_136 = arith.constant 0 : i32
        %dma_start3A_137 = arith.constant 0 : i32
        %dma_start3A_138 = tpu.memref_slice %arg22[%dma_start3A, %dma_start3A_136, %dma_start3A_137] : memref<32x9x32xbf16, #tpu.memory_space<vmem>> -> memref<32x9x32xbf16, #tpu.memory_space<vmem>>
        %dma_start3A_139 = arith.constant 0 : i32
        %dma_start3A_140 = arith.constant 0 : i32
        %dma_start3A_141 = tpu.memref_slice %arg8[%add3A_20, %dma_start3A_139, %dma_start3A_140] : memref<10000x9x32xbf16, #tpu.memory_space<vmem_shared>> -> memref<32x9x32xbf16, #tpu.memory_space<vmem_shared>>
        %dma_start3A_142 = arith.constant 0 : i32
        %dma_start3A_143 = arith.constant 0 : i32
        %dma_start3A_144 = tpu.memref_slice %arg8[%add3A_20, %dma_start3A_142, %dma_start3A_143] : memref<10000x9x32xbf16, #tpu.memory_space<vmem_shared>> -> memref<32x9x32xbf16, #tpu.memory_space<vmem_shared>>
        %dma_start3A_145 = arith.constant 0 : i32
        %dma_start3A_146 = arith.constant 0 : i32
        %dma_start3A_147 = arith.constant 0 : i32
        %dma_start3A_148 = tpu.memref_slice %arg22[%dma_start3A_145, %dma_start3A_146, %dma_start3A_147] : memref<32x9x32xbf16, #tpu.memory_space<vmem>> -> memref<32x9x32xbf16, #tpu.memory_space<vmem>>
        tpu.enqueue_dma source(%dma_start3A_148 : memref<32x9x32xbf16, #tpu.memory_space<vmem>>) target(%dma_start3A_144 : memref<32x9x32xbf16, #tpu.memory_space<vmem_shared>>) target_semaphore(%run_scoped3A_135 : memref<!tpu.dma_semaphore, #tpu.memory_space<semaphore_mem>>)
        %dma_wait3A = arith.constant 0 : i32
        %dma_wait3A_149 = arith.constant 0 : i32
        %dma_wait3A_150 = arith.constant 0 : i32
        %dma_wait3A_151 = tpu.memref_slice %arg22[%dma_wait3A, %dma_wait3A_149, %dma_wait3A_150] : memref<32x9x32xbf16, #tpu.memory_space<vmem>> -> memref<32x9x32xbf16, #tpu.memory_space<vmem>>
        %dma_wait3A_152 = arith.constant 0 : i32
        %dma_wait3A_153 = arith.constant 0 : i32
        %dma_wait3A_154 = tpu.memref_slice %arg8[%add3A_20, %dma_wait3A_152, %dma_wait3A_153] : memref<10000x9x32xbf16, #tpu.memory_space<vmem_shared>> -> memref<32x9x32xbf16, #tpu.memory_space<vmem_shared>>
        %dma_wait3A_155 = arith.constant 0 : i32
        %dma_wait3A_156 = arith.constant 0 : i32
        %dma_wait3A_157 = tpu.memref_slice %arg8[%add3A_20, %dma_wait3A_155, %dma_wait3A_156] : memref<10000x9x32xbf16, #tpu.memory_space<vmem_shared>> -> memref<32x9x32xbf16, #tpu.memory_space<vmem_shared>>
        %dma_wait3A_158 = arith.constant 0 : i32
        %dma_wait3A_159 = arith.constant 0 : i32
        %dma_wait3A_160 = arith.constant 0 : i32
        %dma_wait3A_161 = tpu.memref_slice %arg22[%dma_wait3A_158, %dma_wait3A_159, %dma_wait3A_160] : memref<32x9x32xbf16, #tpu.memory_space<vmem>> -> memref<32x9x32xbf16, #tpu.memory_space<vmem>>
        tpu.wait_dma2 semaphore(%run_scoped3A_135 : memref<!tpu.dma_semaphore, #tpu.memory_space<semaphore_mem>>) src(%dma_wait3A_161 : memref<32x9x32xbf16, #tpu.memory_space<vmem>>) dst(%dma_wait3A_157 : memref<32x9x32xbf16, #tpu.memory_space<vmem_shared>>)
        tpu.yield
      }) : () -> ()
      %add3A_21 = arith.constant 160 : i32
      %add3A_22 = arith.addi %mul3A_0, %add3A_21 : i32
      "tpu.region"() ({
        %run_scoped3A_135 = tpu.sem_alloc : memref<!tpu.dma_semaphore, #tpu.memory_space<semaphore_mem>>
        %dma_start3A = arith.constant 0 : i32
        %dma_start3A_136 = arith.constant 0 : i32
        %dma_start3A_137 = arith.constant 0 : i32
        %dma_start3A_138 = tpu.memref_slice %arg22[%dma_start3A, %dma_start3A_136, %dma_start3A_137] : memref<32x9x32xbf16, #tpu.memory_space<vmem>> -> memref<32x9x32xbf16, #tpu.memory_space<vmem>>
        %dma_start3A_139 = arith.constant 0 : i32
        %dma_start3A_140 = arith.constant 0 : i32
        %dma_start3A_141 = tpu.memref_slice %arg8[%add3A_22, %dma_start3A_139, %dma_start3A_140] : memref<10000x9x32xbf16, #tpu.memory_space<vmem_shared>> -> memref<32x9x32xbf16, #tpu.memory_space<vmem_shared>>
        %dma_start3A_142 = arith.constant 0 : i32
        %dma_start3A_143 = arith.constant 0 : i32
        %dma_start3A_144 = tpu.memref_slice %arg8[%add3A_22, %dma_start3A_142, %dma_start3A_143] : memref<10000x9x32xbf16, #tpu.memory_space<vmem_shared>> -> memref<32x9x32xbf16, #tpu.memory_space<vmem_shared>>
        %dma_start3A_145 = arith.constant 0 : i32
        %dma_start3A_146 = arith.constant 0 : i32
        %dma_start3A_147 = arith.constant 0 : i32
        %dma_start3A_148 = tpu.memref_slice %arg22[%dma_start3A_145, %dma_start3A_146, %dma_start3A_147] : memref<32x9x32xbf16, #tpu.memory_space<vmem>> -> memref<32x9x32xbf16, #tpu.memory_space<vmem>>
        tpu.enqueue_dma source(%dma_start3A_148 : memref<32x9x32xbf16, #tpu.memory_space<vmem>>) target(%dma_start3A_144 : memref<32x9x32xbf16, #tpu.memory_space<vmem_shared>>) target_semaphore(%run_scoped3A_135 : memref<!tpu.dma_semaphore, #tpu.memory_space<semaphore_mem>>)
        %dma_wait3A = arith.constant 0 : i32
        %dma_wait3A_149 = arith.constant 0 : i32
        %dma_wait3A_150 = arith.constant 0 : i32
        %dma_wait3A_151 = tpu.memref_slice %arg22[%dma_wait3A, %dma_wait3A_149, %dma_wait3A_150] : memref<32x9x32xbf16, #tpu.memory_space<vmem>> -> memref<32x9x32xbf16, #tpu.memory_space<vmem>>
        %dma_wait3A_152 = arith.constant 0 : i32
        %dma_wait3A_153 = arith.constant 0 : i32
        %dma_wait3A_154 = tpu.memref_slice %arg8[%add3A_22, %dma_wait3A_152, %dma_wait3A_153] : memref<10000x9x32xbf16, #tpu.memory_space<vmem_shared>> -> memref<32x9x32xbf16, #tpu.memory_space<vmem_shared>>
        %dma_wait3A_155 = arith.constant 0 : i32
        %dma_wait3A_156 = arith.constant 0 : i32
        %dma_wait3A_157 = tpu.memref_slice %arg8[%add3A_22, %dma_wait3A_155, %dma_wait3A_156] : memref<10000x9x32xbf16, #tpu.memory_space<vmem_shared>> -> memref<32x9x32xbf16, #tpu.memory_space<vmem_shared>>
        %dma_wait3A_158 = arith.constant 0 : i32
        %dma_wait3A_159 = arith.constant 0 : i32
        %dma_wait3A_160 = arith.constant 0 : i32
        %dma_wait3A_161 = tpu.memref_slice %arg22[%dma_wait3A_158, %dma_wait3A_159, %dma_wait3A_160] : memref<32x9x32xbf16, #tpu.memory_space<vmem>> -> memref<32x9x32xbf16, #tpu.memory_space<vmem>>
        tpu.wait_dma2 semaphore(%run_scoped3A_135 : memref<!tpu.dma_semaphore, #tpu.memory_space<semaphore_mem>>) src(%dma_wait3A_161 : memref<32x9x32xbf16, #tpu.memory_space<vmem>>) dst(%dma_wait3A_157 : memref<32x9x32xbf16, #tpu.memory_space<vmem_shared>>)
        tpu.yield
      }) : () -> ()
      %add3A_23 = arith.constant 192 : i32
      %add3A_24 = arith.addi %mul3A_0, %add3A_23 : i32
      "tpu.region"() ({
        %run_scoped3A_135 = tpu.sem_alloc : memref<!tpu.dma_semaphore, #tpu.memory_space<semaphore_mem>>
        %dma_start3A = arith.constant 0 : i32
        %dma_start3A_136 = arith.constant 0 : i32
        %dma_start3A_137 = arith.constant 0 : i32
        %dma_start3A_138 = tpu.memref_slice %arg22[%dma_start3A, %dma_start3A_136, %dma_start3A_137] : memref<32x9x32xbf16, #tpu.memory_space<vmem>> -> memref<32x9x32xbf16, #tpu.memory_space<vmem>>
        %dma_start3A_139 = arith.constant 0 : i32
        %dma_start3A_140 = arith.constant 0 : i32
        %dma_start3A_141 = tpu.memref_slice %arg8[%add3A_24, %dma_start3A_139, %dma_start3A_140] : memref<10000x9x32xbf16, #tpu.memory_space<vmem_shared>> -> memref<32x9x32xbf16, #tpu.memory_space<vmem_shared>>
        %dma_start3A_142 = arith.constant 0 : i32
        %dma_start3A_143 = arith.constant 0 : i32
        %dma_start3A_144 = tpu.memref_slice %arg8[%add3A_24, %dma_start3A_142, %dma_start3A_143] : memref<10000x9x32xbf16, #tpu.memory_space<vmem_shared>> -> memref<32x9x32xbf16, #tpu.memory_space<vmem_shared>>
        %dma_start3A_145 = arith.constant 0 : i32
        %dma_start3A_146 = arith.constant 0 : i32
        %dma_start3A_147 = arith.constant 0 : i32
        %dma_start3A_148 = tpu.memref_slice %arg22[%dma_start3A_145, %dma_start3A_146, %dma_start3A_147] : memref<32x9x32xbf16, #tpu.memory_space<vmem>> -> memref<32x9x32xbf16, #tpu.memory_space<vmem>>
        tpu.enqueue_dma source(%dma_start3A_148 : memref<32x9x32xbf16, #tpu.memory_space<vmem>>) target(%dma_start3A_144 : memref<32x9x32xbf16, #tpu.memory_space<vmem_shared>>) target_semaphore(%run_scoped3A_135 : memref<!tpu.dma_semaphore, #tpu.memory_space<semaphore_mem>>)
        %dma_wait3A = arith.constant 0 : i32
        %dma_wait3A_149 = arith.constant 0 : i32
        %dma_wait3A_150 = arith.constant 0 : i32
        %dma_wait3A_151 = tpu.memref_slice %arg22[%dma_wait3A, %dma_wait3A_149, %dma_wait3A_150] : memref<32x9x32xbf16, #tpu.memory_space<vmem>> -> memref<32x9x32xbf16, #tpu.memory_space<vmem>>
        %dma_wait3A_152 = arith.constant 0 : i32
        %dma_wait3A_153 = arith.constant 0 : i32
        %dma_wait3A_154 = tpu.memref_slice %arg8[%add3A_24, %dma_wait3A_152, %dma_wait3A_153] : memref<10000x9x32xbf16, #tpu.memory_space<vmem_shared>> -> memref<32x9x32xbf16, #tpu.memory_space<vmem_shared>>
        %dma_wait3A_155 = arith.constant 0 : i32
        %dma_wait3A_156 = arith.constant 0 : i32
        %dma_wait3A_157 = tpu.memref_slice %arg8[%add3A_24, %dma_wait3A_155, %dma_wait3A_156] : memref<10000x9x32xbf16, #tpu.memory_space<vmem_shared>> -> memref<32x9x32xbf16, #tpu.memory_space<vmem_shared>>
        %dma_wait3A_158 = arith.constant 0 : i32
        %dma_wait3A_159 = arith.constant 0 : i32
        %dma_wait3A_160 = arith.constant 0 : i32
        %dma_wait3A_161 = tpu.memref_slice %arg22[%dma_wait3A_158, %dma_wait3A_159, %dma_wait3A_160] : memref<32x9x32xbf16, #tpu.memory_space<vmem>> -> memref<32x9x32xbf16, #tpu.memory_space<vmem>>
        tpu.wait_dma2 semaphore(%run_scoped3A_135 : memref<!tpu.dma_semaphore, #tpu.memory_space<semaphore_mem>>) src(%dma_wait3A_161 : memref<32x9x32xbf16, #tpu.memory_space<vmem>>) dst(%dma_wait3A_157 : memref<32x9x32xbf16, #tpu.memory_space<vmem_shared>>)
        tpu.yield
      }) : () -> ()
      %add3A_25 = arith.constant 224 : i32
      %add3A_26 = arith.addi %mul3A_0, %add3A_25 : i32
      "tpu.region"() ({
        %run_scoped3A_135 = tpu.sem_alloc : memref<!tpu.dma_semaphore, #tpu.memory_space<semaphore_mem>>
        %dma_start3A = arith.constant 0 : i32
        %dma_start3A_136 = arith.constant 0 : i32
        %dma_start3A_137 = arith.constant 0 : i32
        %dma_start3A_138 = tpu.memref_slice %arg22[%dma_start3A, %dma_start3A_136, %dma_start3A_137] : memref<32x9x32xbf16, #tpu.memory_space<vmem>> -> memref<32x9x32xbf16, #tpu.memory_space<vmem>>
        %dma_start3A_139 = arith.constant 0 : i32
        %dma_start3A_140 = arith.constant 0 : i32
        %dma_start3A_141 = tpu.memref_slice %arg8[%add3A_26, %dma_start3A_139, %dma_start3A_140] : memref<10000x9x32xbf16, #tpu.memory_space<vmem_shared>> -> memref<32x9x32xbf16, #tpu.memory_space<vmem_shared>>
        %dma_start3A_142 = arith.constant 0 : i32
        %dma_start3A_143 = arith.constant 0 : i32
        %dma_start3A_144 = tpu.memref_slice %arg8[%add3A_26, %dma_start3A_142, %dma_start3A_143] : memref<10000x9x32xbf16, #tpu.memory_space<vmem_shared>> -> memref<32x9x32xbf16, #tpu.memory_space<vmem_shared>>
        %dma_start3A_145 = arith.constant 0 : i32
        %dma_start3A_146 = arith.constant 0 : i32
        %dma_start3A_147 = arith.constant 0 : i32
        %dma_start3A_148 = tpu.memref_slice %arg22[%dma_start3A_145, %dma_start3A_146, %dma_start3A_147] : memref<32x9x32xbf16, #tpu.memory_space<vmem>> -> memref<32x9x32xbf16, #tpu.memory_space<vmem>>
        tpu.enqueue_dma source(%dma_start3A_148 : memref<32x9x32xbf16, #tpu.memory_space<vmem>>) target(%dma_start3A_144 : memref<32x9x32xbf16, #tpu.memory_space<vmem_shared>>) target_semaphore(%run_scoped3A_135 : memref<!tpu.dma_semaphore, #tpu.memory_space<semaphore_mem>>)
        %dma_wait3A = arith.constant 0 : i32
        %dma_wait3A_149 = arith.constant 0 : i32
        %dma_wait3A_150 = arith.constant 0 : i32
        %dma_wait3A_151 = tpu.memref_slice %arg22[%dma_wait3A, %dma_wait3A_149, %dma_wait3A_150] : memref<32x9x32xbf16, #tpu.memory_space<vmem>> -> memref<32x9x32xbf16, #tpu.memory_space<vmem>>
        %dma_wait3A_152 = arith.constant 0 : i32
        %dma_wait3A_153 = arith.constant 0 : i32
        %dma_wait3A_154 = tpu.memref_slice %arg8[%add3A_26, %dma_wait3A_152, %dma_wait3A_153] : memref<10000x9x32xbf16, #tpu.memory_space<vmem_shared>> -> memref<32x9x32xbf16, #tpu.memory_space<vmem_shared>>
        %dma_wait3A_155 = arith.constant 0 : i32
        %dma_wait3A_156 = arith.constant 0 : i32
        %dma_wait3A_157 = tpu.memref_slice %arg8[%add3A_26, %dma_wait3A_155, %dma_wait3A_156] : memref<10000x9x32xbf16, #tpu.memory_space<vmem_shared>> -> memref<32x9x32xbf16, #tpu.memory_space<vmem_shared>>
        %dma_wait3A_158 = arith.constant 0 : i32
        %dma_wait3A_159 = arith.constant 0 : i32
        %dma_wait3A_160 = arith.constant 0 : i32
        %dma_wait3A_161 = tpu.memref_slice %arg22[%dma_wait3A_158, %dma_wait3A_159, %dma_wait3A_160] : memref<32x9x32xbf16, #tpu.memory_space<vmem>> -> memref<32x9x32xbf16, #tpu.memory_space<vmem>>
        tpu.wait_dma2 semaphore(%run_scoped3A_135 : memref<!tpu.dma_semaphore, #tpu.memory_space<semaphore_mem>>) src(%dma_wait3A_161 : memref<32x9x32xbf16, #tpu.memory_space<vmem>>) dst(%dma_wait3A_157 : memref<32x9x32xbf16, #tpu.memory_space<vmem_shared>>)
        tpu.yield
      }) : () -> ()
      %add3A_27 = arith.constant 256 : i32
      %add3A_28 = arith.addi %mul3A_0, %add3A_27 : i32
      "tpu.region"() ({
        %run_scoped3A_135 = tpu.sem_alloc : memref<!tpu.dma_semaphore, #tpu.memory_space<semaphore_mem>>
        %dma_start3A = arith.constant 0 : i32
        %dma_start3A_136 = arith.constant 0 : i32
        %dma_start3A_137 = arith.constant 0 : i32
        %dma_start3A_138 = tpu.memref_slice %arg22[%dma_start3A, %dma_start3A_136, %dma_start3A_137] : memref<32x9x32xbf16, #tpu.memory_space<vmem>> -> memref<32x9x32xbf16, #tpu.memory_space<vmem>>
        %dma_start3A_139 = arith.constant 0 : i32
        %dma_start3A_140 = arith.constant 0 : i32
        %dma_start3A_141 = tpu.memref_slice %arg8[%add3A_28, %dma_start3A_139, %dma_start3A_140] : memref<10000x9x32xbf16, #tpu.memory_space<vmem_shared>> -> memref<32x9x32xbf16, #tpu.memory_space<vmem_shared>>
        %dma_start3A_142 = arith.constant 0 : i32
        %dma_start3A_143 = arith.constant 0 : i32
        %dma_start3A_144 = tpu.memref_slice %arg8[%add3A_28, %dma_start3A_142, %dma_start3A_143] : memref<10000x9x32xbf16, #tpu.memory_space<vmem_shared>> -> memref<32x9x32xbf16, #tpu.memory_space<vmem_shared>>
        %dma_start3A_145 = arith.constant 0 : i32
        %dma_start3A_146 = arith.constant 0 : i32
        %dma_start3A_147 = arith.constant 0 : i32
        %dma_start3A_148 = tpu.memref_slice %arg22[%dma_start3A_145, %dma_start3A_146, %dma_start3A_147] : memref<32x9x32xbf16, #tpu.memory_space<vmem>> -> memref<32x9x32xbf16, #tpu.memory_space<vmem>>
        tpu.enqueue_dma source(%dma_start3A_148 : memref<32x9x32xbf16, #tpu.memory_space<vmem>>) target(%dma_start3A_144 : memref<32x9x32xbf16, #tpu.memory_space<vmem_shared>>) target_semaphore(%run_scoped3A_135 : memref<!tpu.dma_semaphore, #tpu.memory_space<semaphore_mem>>)
        %dma_wait3A = arith.constant 0 : i32
        %dma_wait3A_149 = arith.constant 0 : i32
        %dma_wait3A_150 = arith.constant 0 : i32
        %dma_wait3A_151 = tpu.memref_slice %arg22[%dma_wait3A, %dma_wait3A_149, %dma_wait3A_150] : memref<32x9x32xbf16, #tpu.memory_space<vmem>> -> memref<32x9x32xbf16, #tpu.memory_space<vmem>>
        %dma_wait3A_152 = arith.constant 0 : i32
        %dma_wait3A_153 = arith.constant 0 : i32
        %dma_wait3A_154 = tpu.memref_slice %arg8[%add3A_28, %dma_wait3A_152, %dma_wait3A_153] : memref<10000x9x32xbf16, #tpu.memory_space<vmem_shared>> -> memref<32x9x32xbf16, #tpu.memory_space<vmem_shared>>
        %dma_wait3A_155 = arith.constant 0 : i32
        %dma_wait3A_156 = arith.constant 0 : i32
        %dma_wait3A_157 = tpu.memref_slice %arg8[%add3A_28, %dma_wait3A_155, %dma_wait3A_156] : memref<10000x9x32xbf16, #tpu.memory_space<vmem_shared>> -> memref<32x9x32xbf16, #tpu.memory_space<vmem_shared>>
        %dma_wait3A_158 = arith.constant 0 : i32
        %dma_wait3A_159 = arith.constant 0 : i32
        %dma_wait3A_160 = arith.constant 0 : i32
        %dma_wait3A_161 = tpu.memref_slice %arg22[%dma_wait3A_158, %dma_wait3A_159, %dma_wait3A_160] : memref<32x9x32xbf16, #tpu.memory_space<vmem>> -> memref<32x9x32xbf16, #tpu.memory_space<vmem>>
        tpu.wait_dma2 semaphore(%run_scoped3A_135 : memref<!tpu.dma_semaphore, #tpu.memory_space<semaphore_mem>>) src(%dma_wait3A_161 : memref<32x9x32xbf16, #tpu.memory_space<vmem>>) dst(%dma_wait3A_157 : memref<32x9x32xbf16, #tpu.memory_space<vmem_shared>>)
        tpu.yield
      }) : () -> ()
      %add3A_29 = arith.constant 288 : i32
      %add3A_30 = arith.addi %mul3A_0, %add3A_29 : i32
      "tpu.region"() ({
        %run_scoped3A_135 = tpu.sem_alloc : memref<!tpu.dma_semaphore, #tpu.memory_space<semaphore_mem>>
        %dma_start3A = arith.constant 0 : i32
        %dma_start3A_136 = arith.constant 0 : i32
        %dma_start3A_137 = arith.constant 0 : i32
        %dma_start3A_138 = tpu.memref_slice %arg22[%dma_start3A, %dma_start3A_136, %dma_start3A_137] : memref<32x9x32xbf16, #tpu.memory_space<vmem>> -> memref<32x9x32xbf16, #tpu.memory_space<vmem>>
        %dma_start3A_139 = arith.constant 0 : i32
        %dma_start3A_140 = arith.constant 0 : i32
        %dma_start3A_141 = tpu.memref_slice %arg8[%add3A_30, %dma_start3A_139, %dma_start3A_140] : memref<10000x9x32xbf16, #tpu.memory_space<vmem_shared>> -> memref<32x9x32xbf16, #tpu.memory_space<vmem_shared>>
        %dma_start3A_142 = arith.constant 0 : i32
        %dma_start3A_143 = arith.constant 0 : i32
        %dma_start3A_144 = tpu.memref_slice %arg8[%add3A_30, %dma_start3A_142, %dma_start3A_143] : memref<10000x9x32xbf16, #tpu.memory_space<vmem_shared>> -> memref<32x9x32xbf16, #tpu.memory_space<vmem_shared>>
        %dma_start3A_145 = arith.constant 0 : i32
        %dma_start3A_146 = arith.constant 0 : i32
        %dma_start3A_147 = arith.constant 0 : i32
        %dma_start3A_148 = tpu.memref_slice %arg22[%dma_start3A_145, %dma_start3A_146, %dma_start3A_147] : memref<32x9x32xbf16, #tpu.memory_space<vmem>> -> memref<32x9x32xbf16, #tpu.memory_space<vmem>>
        tpu.enqueue_dma source(%dma_start3A_148 : memref<32x9x32xbf16, #tpu.memory_space<vmem>>) target(%dma_start3A_144 : memref<32x9x32xbf16, #tpu.memory_space<vmem_shared>>) target_semaphore(%run_scoped3A_135 : memref<!tpu.dma_semaphore, #tpu.memory_space<semaphore_mem>>)
        %dma_wait3A = arith.constant 0 : i32
        %dma_wait3A_149 = arith.constant 0 : i32
        %dma_wait3A_150 = arith.constant 0 : i32
        %dma_wait3A_151 = tpu.memref_slice %arg22[%dma_wait3A, %dma_wait3A_149, %dma_wait3A_150] : memref<32x9x32xbf16, #tpu.memory_space<vmem>> -> memref<32x9x32xbf16, #tpu.memory_space<vmem>>
        %dma_wait3A_152 = arith.constant 0 : i32
        %dma_wait3A_153 = arith.constant 0 : i32
        %dma_wait3A_154 = tpu.memref_slice %arg8[%add3A_30, %dma_wait3A_152, %dma_wait3A_153] : memref<10000x9x32xbf16, #tpu.memory_space<vmem_shared>> -> memref<32x9x32xbf16, #tpu.memory_space<vmem_shared>>
        %dma_wait3A_155 = arith.constant 0 : i32
        %dma_wait3A_156 = arith.constant 0 : i32
        %dma_wait3A_157 = tpu.memref_slice %arg8[%add3A_30, %dma_wait3A_155, %dma_wait3A_156] : memref<10000x9x32xbf16, #tpu.memory_space<vmem_shared>> -> memref<32x9x32xbf16, #tpu.memory_space<vmem_shared>>
        %dma_wait3A_158 = arith.constant 0 : i32
        %dma_wait3A_159 = arith.constant 0 : i32
        %dma_wait3A_160 = arith.constant 0 : i32
        %dma_wait3A_161 = tpu.memref_slice %arg22[%dma_wait3A_158, %dma_wait3A_159, %dma_wait3A_160] : memref<32x9x32xbf16, #tpu.memory_space<vmem>> -> memref<32x9x32xbf16, #tpu.memory_space<vmem>>
        tpu.wait_dma2 semaphore(%run_scoped3A_135 : memref<!tpu.dma_semaphore, #tpu.memory_space<semaphore_mem>>) src(%dma_wait3A_161 : memref<32x9x32xbf16, #tpu.memory_space<vmem>>) dst(%dma_wait3A_157 : memref<32x9x32xbf16, #tpu.memory_space<vmem_shared>>)
        tpu.yield
      }) : () -> ()
      %add3A_31 = arith.constant 320 : i32
      %add3A_32 = arith.addi %mul3A_0, %add3A_31 : i32
      "tpu.region"() ({
        %run_scoped3A_135 = tpu.sem_alloc : memref<!tpu.dma_semaphore, #tpu.memory_space<semaphore_mem>>
        %dma_start3A = arith.constant 0 : i32
        %dma_start3A_136 = arith.constant 0 : i32
        %dma_start3A_137 = arith.constant 0 : i32
        %dma_start3A_138 = tpu.memref_slice %arg22[%dma_start3A, %dma_start3A_136, %dma_start3A_137] : memref<32x9x32xbf16, #tpu.memory_space<vmem>> -> memref<32x9x32xbf16, #tpu.memory_space<vmem>>
        %dma_start3A_139 = arith.constant 0 : i32
        %dma_start3A_140 = arith.constant 0 : i32
        %dma_start3A_141 = tpu.memref_slice %arg8[%add3A_32, %dma_start3A_139, %dma_start3A_140] : memref<10000x9x32xbf16, #tpu.memory_space<vmem_shared>> -> memref<32x9x32xbf16, #tpu.memory_space<vmem_shared>>
        %dma_start3A_142 = arith.constant 0 : i32
        %dma_start3A_143 = arith.constant 0 : i32
        %dma_start3A_144 = tpu.memref_slice %arg8[%add3A_32, %dma_start3A_142, %dma_start3A_143] : memref<10000x9x32xbf16, #tpu.memory_space<vmem_shared>> -> memref<32x9x32xbf16, #tpu.memory_space<vmem_shared>>
        %dma_start3A_145 = arith.constant 0 : i32
        %dma_start3A_146 = arith.constant 0 : i32
        %dma_start3A_147 = arith.constant 0 : i32
        %dma_start3A_148 = tpu.memref_slice %arg22[%dma_start3A_145, %dma_start3A_146, %dma_start3A_147] : memref<32x9x32xbf16, #tpu.memory_space<vmem>> -> memref<32x9x32xbf16, #tpu.memory_space<vmem>>
        tpu.enqueue_dma source(%dma_start3A_148 : memref<32x9x32xbf16, #tpu.memory_space<vmem>>) target(%dma_start3A_144 : memref<32x9x32xbf16, #tpu.memory_space<vmem_shared>>) target_semaphore(%run_scoped3A_135 : memref<!tpu.dma_semaphore, #tpu.memory_space<semaphore_mem>>)
        %dma_wait3A = arith.constant 0 : i32
        %dma_wait3A_149 = arith.constant 0 : i32
        %dma_wait3A_150 = arith.constant 0 : i32
        %dma_wait3A_151 = tpu.memref_slice %arg22[%dma_wait3A, %dma_wait3A_149, %dma_wait3A_150] : memref<32x9x32xbf16, #tpu.memory_space<vmem>> -> memref<32x9x32xbf16, #tpu.memory_space<vmem>>
        %dma_wait3A_152 = arith.constant 0 : i32
        %dma_wait3A_153 = arith.constant 0 : i32
        %dma_wait3A_154 = tpu.memref_slice %arg8[%add3A_32, %dma_wait3A_152, %dma_wait3A_153] : memref<10000x9x32xbf16, #tpu.memory_space<vmem_shared>> -> memref<32x9x32xbf16, #tpu.memory_space<vmem_shared>>
        %dma_wait3A_155 = arith.constant 0 : i32
        %dma_wait3A_156 = arith.constant 0 : i32
        %dma_wait3A_157 = tpu.memref_slice %arg8[%add3A_32, %dma_wait3A_155, %dma_wait3A_156] : memref<10000x9x32xbf16, #tpu.memory_space<vmem_shared>> -> memref<32x9x32xbf16, #tpu.memory_space<vmem_shared>>
        %dma_wait3A_158 = arith.constant 0 : i32
        %dma_wait3A_159 = arith.constant 0 : i32
        %dma_wait3A_160 = arith.constant 0 : i32
        %dma_wait3A_161 = tpu.memref_slice %arg22[%dma_wait3A_158, %dma_wait3A_159, %dma_wait3A_160] : memref<32x9x32xbf16, #tpu.memory_space<vmem>> -> memref<32x9x32xbf16, #tpu.memory_space<vmem>>
        tpu.wait_dma2 semaphore(%run_scoped3A_135 : memref<!tpu.dma_semaphore, #tpu.memory_space<semaphore_mem>>) src(%dma_wait3A_161 : memref<32x9x32xbf16, #tpu.memory_space<vmem>>) dst(%dma_wait3A_157 : memref<32x9x32xbf16, #tpu.memory_space<vmem_shared>>)
        tpu.yield
      }) : () -> ()
      %add3A_33 = arith.constant 352 : i32
      %add3A_34 = arith.addi %mul3A_0, %add3A_33 : i32
      "tpu.region"() ({
        %run_scoped3A_135 = tpu.sem_alloc : memref<!tpu.dma_semaphore, #tpu.memory_space<semaphore_mem>>
        %dma_start3A = arith.constant 0 : i32
        %dma_start3A_136 = arith.constant 0 : i32
        %dma_start3A_137 = arith.constant 0 : i32
        %dma_start3A_138 = tpu.memref_slice %arg22[%dma_start3A, %dma_start3A_136, %dma_start3A_137] : memref<32x9x32xbf16, #tpu.memory_space<vmem>> -> memref<32x9x32xbf16, #tpu.memory_space<vmem>>
        %dma_start3A_139 = arith.constant 0 : i32
        %dma_start3A_140 = arith.constant 0 : i32
        %dma_start3A_141 = tpu.memref_slice %arg8[%add3A_34, %dma_start3A_139, %dma_start3A_140] : memref<10000x9x32xbf16, #tpu.memory_space<vmem_shared>> -> memref<32x9x32xbf16, #tpu.memory_space<vmem_shared>>
        %dma_start3A_142 = arith.constant 0 : i32
        %dma_start3A_143 = arith.constant 0 : i32
        %dma_start3A_144 = tpu.memref_slice %arg8[%add3A_34, %dma_start3A_142, %dma_start3A_143] : memref<10000x9x32xbf16, #tpu.memory_space<vmem_shared>> -> memref<32x9x32xbf16, #tpu.memory_space<vmem_shared>>
        %dma_start3A_145 = arith.constant 0 : i32
        %dma_start3A_146 = arith.constant 0 : i32
        %dma_start3A_147 = arith.constant 0 : i32
        %dma_start3A_148 = tpu.memref_slice %arg22[%dma_start3A_145, %dma_start3A_146, %dma_start3A_147] : memref<32x9x32xbf16, #tpu.memory_space<vmem>> -> memref<32x9x32xbf16, #tpu.memory_space<vmem>>
        tpu.enqueue_dma source(%dma_start3A_148 : memref<32x9x32xbf16, #tpu.memory_space<vmem>>) target(%dma_start3A_144 : memref<32x9x32xbf16, #tpu.memory_space<vmem_shared>>) target_semaphore(%run_scoped3A_135 : memref<!tpu.dma_semaphore, #tpu.memory_space<semaphore_mem>>)
        %dma_wait3A = arith.constant 0 : i32
        %dma_wait3A_149 = arith.constant 0 : i32
        %dma_wait3A_150 = arith.constant 0 : i32
        %dma_wait3A_151 = tpu.memref_slice %arg22[%dma_wait3A, %dma_wait3A_149, %dma_wait3A_150] : memref<32x9x32xbf16, #tpu.memory_space<vmem>> -> memref<32x9x32xbf16, #tpu.memory_space<vmem>>
        %dma_wait3A_152 = arith.constant 0 : i32
        %dma_wait3A_153 = arith.constant 0 : i32
        %dma_wait3A_154 = tpu.memref_slice %arg8[%add3A_34, %dma_wait3A_152, %dma_wait3A_153] : memref<10000x9x32xbf16, #tpu.memory_space<vmem_shared>> -> memref<32x9x32xbf16, #tpu.memory_space<vmem_shared>>
        %dma_wait3A_155 = arith.constant 0 : i32
        %dma_wait3A_156 = arith.constant 0 : i32
        %dma_wait3A_157 = tpu.memref_slice %arg8[%add3A_34, %dma_wait3A_155, %dma_wait3A_156] : memref<10000x9x32xbf16, #tpu.memory_space<vmem_shared>> -> memref<32x9x32xbf16, #tpu.memory_space<vmem_shared>>
        %dma_wait3A_158 = arith.constant 0 : i32
        %dma_wait3A_159 = arith.constant 0 : i32
        %dma_wait3A_160 = arith.constant 0 : i32
        %dma_wait3A_161 = tpu.memref_slice %arg22[%dma_wait3A_158, %dma_wait3A_159, %dma_wait3A_160] : memref<32x9x32xbf16, #tpu.memory_space<vmem>> -> memref<32x9x32xbf16, #tpu.memory_space<vmem>>
        tpu.wait_dma2 semaphore(%run_scoped3A_135 : memref<!tpu.dma_semaphore, #tpu.memory_space<semaphore_mem>>) src(%dma_wait3A_161 : memref<32x9x32xbf16, #tpu.memory_space<vmem>>) dst(%dma_wait3A_157 : memref<32x9x32xbf16, #tpu.memory_space<vmem_shared>>)
        tpu.yield
      }) : () -> ()
      %add3A_35 = arith.constant 384 : i32
      %add3A_36 = arith.addi %mul3A_0, %add3A_35 : i32
      "tpu.region"() ({
        %run_scoped3A_135 = tpu.sem_alloc : memref<!tpu.dma_semaphore, #tpu.memory_space<semaphore_mem>>
        %dma_start3A = arith.constant 0 : i32
        %dma_start3A_136 = arith.constant 0 : i32
        %dma_start3A_137 = arith.constant 0 : i32
        %dma_start3A_138 = tpu.memref_slice %arg22[%dma_start3A, %dma_start3A_136, %dma_start3A_137] : memref<32x9x32xbf16, #tpu.memory_space<vmem>> -> memref<32x9x32xbf16, #tpu.memory_space<vmem>>
        %dma_start3A_139 = arith.constant 0 : i32
        %dma_start3A_140 = arith.constant 0 : i32
        %dma_start3A_141 = tpu.memref_slice %arg8[%add3A_36, %dma_start3A_139, %dma_start3A_140] : memref<10000x9x32xbf16, #tpu.memory_space<vmem_shared>> -> memref<32x9x32xbf16, #tpu.memory_space<vmem_shared>>
        %dma_start3A_142 = arith.constant 0 : i32
        %dma_start3A_143 = arith.constant 0 : i32
        %dma_start3A_144 = tpu.memref_slice %arg8[%add3A_36, %dma_start3A_142, %dma_start3A_143] : memref<10000x9x32xbf16, #tpu.memory_space<vmem_shared>> -> memref<32x9x32xbf16, #tpu.memory_space<vmem_shared>>
        %dma_start3A_145 = arith.constant 0 : i32
        %dma_start3A_146 = arith.constant 0 : i32
        %dma_start3A_147 = arith.constant 0 : i32
        %dma_start3A_148 = tpu.memref_slice %arg22[%dma_start3A_145, %dma_start3A_146, %dma_start3A_147] : memref<32x9x32xbf16, #tpu.memory_space<vmem>> -> memref<32x9x32xbf16, #tpu.memory_space<vmem>>
        tpu.enqueue_dma source(%dma_start3A_148 : memref<32x9x32xbf16, #tpu.memory_space<vmem>>) target(%dma_start3A_144 : memref<32x9x32xbf16, #tpu.memory_space<vmem_shared>>) target_semaphore(%run_scoped3A_135 : memref<!tpu.dma_semaphore, #tpu.memory_space<semaphore_mem>>)
        %dma_wait3A = arith.constant 0 : i32
        %dma_wait3A_149 = arith.constant 0 : i32
        %dma_wait3A_150 = arith.constant 0 : i32
        %dma_wait3A_151 = tpu.memref_slice %arg22[%dma_wait3A, %dma_wait3A_149, %dma_wait3A_150] : memref<32x9x32xbf16, #tpu.memory_space<vmem>> -> memref<32x9x32xbf16, #tpu.memory_space<vmem>>
        %dma_wait3A_152 = arith.constant 0 : i32
        %dma_wait3A_153 = arith.constant 0 : i32
        %dma_wait3A_154 = tpu.memref_slice %arg8[%add3A_36, %dma_wait3A_152, %dma_wait3A_153] : memref<10000x9x32xbf16, #tpu.memory_space<vmem_shared>> -> memref<32x9x32xbf16, #tpu.memory_space<vmem_shared>>
        %dma_wait3A_155 = arith.constant 0 : i32
        %dma_wait3A_156 = arith.constant 0 : i32
        %dma_wait3A_157 = tpu.memref_slice %arg8[%add3A_36, %dma_wait3A_155, %dma_wait3A_156] : memref<10000x9x32xbf16, #tpu.memory_space<vmem_shared>> -> memref<32x9x32xbf16, #tpu.memory_space<vmem_shared>>
        %dma_wait3A_158 = arith.constant 0 : i32
        %dma_wait3A_159 = arith.constant 0 : i32
        %dma_wait3A_160 = arith.constant 0 : i32
        %dma_wait3A_161 = tpu.memref_slice %arg22[%dma_wait3A_158, %dma_wait3A_159, %dma_wait3A_160] : memref<32x9x32xbf16, #tpu.memory_space<vmem>> -> memref<32x9x32xbf16, #tpu.memory_space<vmem>>
        tpu.wait_dma2 semaphore(%run_scoped3A_135 : memref<!tpu.dma_semaphore, #tpu.memory_space<semaphore_mem>>) src(%dma_wait3A_161 : memref<32x9x32xbf16, #tpu.memory_space<vmem>>) dst(%dma_wait3A_157 : memref<32x9x32xbf16, #tpu.memory_space<vmem_shared>>)
        tpu.yield
      }) : () -> ()
      %add3A_37 = arith.constant 416 : i32
      %add3A_38 = arith.addi %mul3A_0, %add3A_37 : i32
      "tpu.region"() ({
        %run_scoped3A_135 = tpu.sem_alloc : memref<!tpu.dma_semaphore, #tpu.memory_space<semaphore_mem>>
        %dma_start3A = arith.constant 0 : i32
        %dma_start3A_136 = arith.constant 0 : i32
        %dma_start3A_137 = arith.constant 0 : i32
        %dma_start3A_138 = tpu.memref_slice %arg22[%dma_start3A, %dma_start3A_136, %dma_start3A_137] : memref<32x9x32xbf16, #tpu.memory_space<vmem>> -> memref<32x9x32xbf16, #tpu.memory_space<vmem>>
        %dma_start3A_139 = arith.constant 0 : i32
        %dma_start3A_140 = arith.constant 0 : i32
        %dma_start3A_141 = tpu.memref_slice %arg8[%add3A_38, %dma_start3A_139, %dma_start3A_140] : memref<10000x9x32xbf16, #tpu.memory_space<vmem_shared>> -> memref<32x9x32xbf16, #tpu.memory_space<vmem_shared>>
        %dma_start3A_142 = arith.constant 0 : i32
        %dma_start3A_143 = arith.constant 0 : i32
        %dma_start3A_144 = tpu.memref_slice %arg8[%add3A_38, %dma_start3A_142, %dma_start3A_143] : memref<10000x9x32xbf16, #tpu.memory_space<vmem_shared>> -> memref<32x9x32xbf16, #tpu.memory_space<vmem_shared>>
        %dma_start3A_145 = arith.constant 0 : i32
        %dma_start3A_146 = arith.constant 0 : i32
        %dma_start3A_147 = arith.constant 0 : i32
        %dma_start3A_148 = tpu.memref_slice %arg22[%dma_start3A_145, %dma_start3A_146, %dma_start3A_147] : memref<32x9x32xbf16, #tpu.memory_space<vmem>> -> memref<32x9x32xbf16, #tpu.memory_space<vmem>>
        tpu.enqueue_dma source(%dma_start3A_148 : memref<32x9x32xbf16, #tpu.memory_space<vmem>>) target(%dma_start3A_144 : memref<32x9x32xbf16, #tpu.memory_space<vmem_shared>>) target_semaphore(%run_scoped3A_135 : memref<!tpu.dma_semaphore, #tpu.memory_space<semaphore_mem>>)
        %dma_wait3A = arith.constant 0 : i32
        %dma_wait3A_149 = arith.constant 0 : i32
        %dma_wait3A_150 = arith.constant 0 : i32
        %dma_wait3A_151 = tpu.memref_slice %arg22[%dma_wait3A, %dma_wait3A_149, %dma_wait3A_150] : memref<32x9x32xbf16, #tpu.memory_space<vmem>> -> memref<32x9x32xbf16, #tpu.memory_space<vmem>>
        %dma_wait3A_152 = arith.constant 0 : i32
        %dma_wait3A_153 = arith.constant 0 : i32
        %dma_wait3A_154 = tpu.memref_slice %arg8[%add3A_38, %dma_wait3A_152, %dma_wait3A_153] : memref<10000x9x32xbf16, #tpu.memory_space<vmem_shared>> -> memref<32x9x32xbf16, #tpu.memory_space<vmem_shared>>
        %dma_wait3A_155 = arith.constant 0 : i32
        %dma_wait3A_156 = arith.constant 0 : i32
        %dma_wait3A_157 = tpu.memref_slice %arg8[%add3A_38, %dma_wait3A_155, %dma_wait3A_156] : memref<10000x9x32xbf16, #tpu.memory_space<vmem_shared>> -> memref<32x9x32xbf16, #tpu.memory_space<vmem_shared>>
        %dma_wait3A_158 = arith.constant 0 : i32
        %dma_wait3A_159 = arith.constant 0 : i32
        %dma_wait3A_160 = arith.constant 0 : i32
        %dma_wait3A_161 = tpu.memref_slice %arg22[%dma_wait3A_158, %dma_wait3A_159, %dma_wait3A_160] : memref<32x9x32xbf16, #tpu.memory_space<vmem>> -> memref<32x9x32xbf16, #tpu.memory_space<vmem>>
        tpu.wait_dma2 semaphore(%run_scoped3A_135 : memref<!tpu.dma_semaphore, #tpu.memory_space<semaphore_mem>>) src(%dma_wait3A_161 : memref<32x9x32xbf16, #tpu.memory_space<vmem>>) dst(%dma_wait3A_157 : memref<32x9x32xbf16, #tpu.memory_space<vmem_shared>>)
        tpu.yield
      }) : () -> ()
      %add3A_39 = arith.constant 448 : i32
      %add3A_40 = arith.addi %mul3A_0, %add3A_39 : i32
      "tpu.region"() ({
        %run_scoped3A_135 = tpu.sem_alloc : memref<!tpu.dma_semaphore, #tpu.memory_space<semaphore_mem>>
        %dma_start3A = arith.constant 0 : i32
        %dma_start3A_136 = arith.constant 0 : i32
        %dma_start3A_137 = arith.constant 0 : i32
        %dma_start3A_138 = tpu.memref_slice %arg22[%dma_start3A, %dma_start3A_136, %dma_start3A_137] : memref<32x9x32xbf16, #tpu.memory_space<vmem>> -> memref<32x9x32xbf16, #tpu.memory_space<vmem>>
        %dma_start3A_139 = arith.constant 0 : i32
        %dma_start3A_140 = arith.constant 0 : i32
        %dma_start3A_141 = tpu.memref_slice %arg8[%add3A_40, %dma_start3A_139, %dma_start3A_140] : memref<10000x9x32xbf16, #tpu.memory_space<vmem_shared>> -> memref<32x9x32xbf16, #tpu.memory_space<vmem_shared>>
        %dma_start3A_142 = arith.constant 0 : i32
        %dma_start3A_143 = arith.constant 0 : i32
        %dma_start3A_144 = tpu.memref_slice %arg8[%add3A_40, %dma_start3A_142, %dma_start3A_143] : memref<10000x9x32xbf16, #tpu.memory_space<vmem_shared>> -> memref<32x9x32xbf16, #tpu.memory_space<vmem_shared>>
        %dma_start3A_145 = arith.constant 0 : i32
        %dma_start3A_146 = arith.constant 0 : i32
        %dma_start3A_147 = arith.constant 0 : i32
        %dma_start3A_148 = tpu.memref_slice %arg22[%dma_start3A_145, %dma_start3A_146, %dma_start3A_147] : memref<32x9x32xbf16, #tpu.memory_space<vmem>> -> memref<32x9x32xbf16, #tpu.memory_space<vmem>>
        tpu.enqueue_dma source(%dma_start3A_148 : memref<32x9x32xbf16, #tpu.memory_space<vmem>>) target(%dma_start3A_144 : memref<32x9x32xbf16, #tpu.memory_space<vmem_shared>>) target_semaphore(%run_scoped3A_135 : memref<!tpu.dma_semaphore, #tpu.memory_space<semaphore_mem>>)
        %dma_wait3A = arith.constant 0 : i32
        %dma_wait3A_149 = arith.constant 0 : i32
        %dma_wait3A_150 = arith.constant 0 : i32
        %dma_wait3A_151 = tpu.memref_slice %arg22[%dma_wait3A, %dma_wait3A_149, %dma_wait3A_150] : memref<32x9x32xbf16, #tpu.memory_space<vmem>> -> memref<32x9x32xbf16, #tpu.memory_space<vmem>>
        %dma_wait3A_152 = arith.constant 0 : i32
        %dma_wait3A_153 = arith.constant 0 : i32
        %dma_wait3A_154 = tpu.memref_slice %arg8[%add3A_40, %dma_wait3A_152, %dma_wait3A_153] : memref<10000x9x32xbf16, #tpu.memory_space<vmem_shared>> -> memref<32x9x32xbf16, #tpu.memory_space<vmem_shared>>
        %dma_wait3A_155 = arith.constant 0 : i32
        %dma_wait3A_156 = arith.constant 0 : i32
        %dma_wait3A_157 = tpu.memref_slice %arg8[%add3A_40, %dma_wait3A_155, %dma_wait3A_156] : memref<10000x9x32xbf16, #tpu.memory_space<vmem_shared>> -> memref<32x9x32xbf16, #tpu.memory_space<vmem_shared>>
        %dma_wait3A_158 = arith.constant 0 : i32
        %dma_wait3A_159 = arith.constant 0 : i32
        %dma_wait3A_160 = arith.constant 0 : i32
        %dma_wait3A_161 = tpu.memref_slice %arg22[%dma_wait3A_158, %dma_wait3A_159, %dma_wait3A_160] : memref<32x9x32xbf16, #tpu.memory_space<vmem>> -> memref<32x9x32xbf16, #tpu.memory_space<vmem>>
        tpu.wait_dma2 semaphore(%run_scoped3A_135 : memref<!tpu.dma_semaphore, #tpu.memory_space<semaphore_mem>>) src(%dma_wait3A_161 : memref<32x9x32xbf16, #tpu.memory_space<vmem>>) dst(%dma_wait3A_157 : memref<32x9x32xbf16, #tpu.memory_space<vmem_shared>>)
        tpu.yield
      }) : () -> ()
      %add3A_41 = arith.constant 480 : i32
      %add3A_42 = arith.addi %mul3A_0, %add3A_41 : i32
      "tpu.region"() ({
        %run_scoped3A_135 = tpu.sem_alloc : memref<!tpu.dma_semaphore, #tpu.memory_space<semaphore_mem>>
        %dma_start3A = arith.constant 0 : i32
        %dma_start3A_136 = arith.constant 0 : i32
        %dma_start3A_137 = arith.constant 0 : i32
        %dma_start3A_138 = tpu.memref_slice %arg22[%dma_start3A, %dma_start3A_136, %dma_start3A_137] : memref<32x9x32xbf16, #tpu.memory_space<vmem>> -> memref<32x9x32xbf16, #tpu.memory_space<vmem>>
        %dma_start3A_139 = arith.constant 0 : i32
        %dma_start3A_140 = arith.constant 0 : i32
        %dma_start3A_141 = tpu.memref_slice %arg8[%add3A_42, %dma_start3A_139, %dma_start3A_140] : memref<10000x9x32xbf16, #tpu.memory_space<vmem_shared>> -> memref<32x9x32xbf16, #tpu.memory_space<vmem_shared>>
        %dma_start3A_142 = arith.constant 0 : i32
        %dma_start3A_143 = arith.constant 0 : i32
        %dma_start3A_144 = tpu.memref_slice %arg8[%add3A_42, %dma_start3A_142, %dma_start3A_143] : memref<10000x9x32xbf16, #tpu.memory_space<vmem_shared>> -> memref<32x9x32xbf16, #tpu.memory_space<vmem_shared>>
        %dma_start3A_145 = arith.constant 0 : i32
        %dma_start3A_146 = arith.constant 0 : i32
        %dma_start3A_147 = arith.constant 0 : i32
        %dma_start3A_148 = tpu.memref_slice %arg22[%dma_start3A_145, %dma_start3A_146, %dma_start3A_147] : memref<32x9x32xbf16, #tpu.memory_space<vmem>> -> memref<32x9x32xbf16, #tpu.memory_space<vmem>>
        tpu.enqueue_dma source(%dma_start3A_148 : memref<32x9x32xbf16, #tpu.memory_space<vmem>>) target(%dma_start3A_144 : memref<32x9x32xbf16, #tpu.memory_space<vmem_shared>>) target_semaphore(%run_scoped3A_135 : memref<!tpu.dma_semaphore, #tpu.memory_space<semaphore_mem>>)
        %dma_wait3A = arith.constant 0 : i32
        %dma_wait3A_149 = arith.constant 0 : i32
        %dma_wait3A_150 = arith.constant 0 : i32
        %dma_wait3A_151 = tpu.memref_slice %arg22[%dma_wait3A, %dma_wait3A_149, %dma_wait3A_150] : memref<32x9x32xbf16, #tpu.memory_space<vmem>> -> memref<32x9x32xbf16, #tpu.memory_space<vmem>>
        %dma_wait3A_152 = arith.constant 0 : i32
        %dma_wait3A_153 = arith.constant 0 : i32
        %dma_wait3A_154 = tpu.memref_slice %arg8[%add3A_42, %dma_wait3A_152, %dma_wait3A_153] : memref<10000x9x32xbf16, #tpu.memory_space<vmem_shared>> -> memref<32x9x32xbf16, #tpu.memory_space<vmem_shared>>
        %dma_wait3A_155 = arith.constant 0 : i32
        %dma_wait3A_156 = arith.constant 0 : i32
        %dma_wait3A_157 = tpu.memref_slice %arg8[%add3A_42, %dma_wait3A_155, %dma_wait3A_156] : memref<10000x9x32xbf16, #tpu.memory_space<vmem_shared>> -> memref<32x9x32xbf16, #tpu.memory_space<vmem_shared>>
        %dma_wait3A_158 = arith.constant 0 : i32
        %dma_wait3A_159 = arith.constant 0 : i32
        %dma_wait3A_160 = arith.constant 0 : i32
        %dma_wait3A_161 = tpu.memref_slice %arg22[%dma_wait3A_158, %dma_wait3A_159, %dma_wait3A_160] : memref<32x9x32xbf16, #tpu.memory_space<vmem>> -> memref<32x9x32xbf16, #tpu.memory_space<vmem>>
        tpu.wait_dma2 semaphore(%run_scoped3A_135 : memref<!tpu.dma_semaphore, #tpu.memory_space<semaphore_mem>>) src(%dma_wait3A_161 : memref<32x9x32xbf16, #tpu.memory_space<vmem>>) dst(%dma_wait3A_157 : memref<32x9x32xbf16, #tpu.memory_space<vmem_shared>>)
        tpu.yield
      }) : () -> ()
      %add3A_43 = arith.constant 512 : i32
      %add3A_44 = arith.addi %mul3A_0, %add3A_43 : i32
      "tpu.region"() ({
        %run_scoped3A_135 = tpu.sem_alloc : memref<!tpu.dma_semaphore, #tpu.memory_space<semaphore_mem>>
        %dma_start3A = arith.constant 0 : i32
        %dma_start3A_136 = arith.constant 0 : i32
        %dma_start3A_137 = arith.constant 0 : i32
        %dma_start3A_138 = tpu.memref_slice %arg22[%dma_start3A, %dma_start3A_136, %dma_start3A_137] : memref<32x9x32xbf16, #tpu.memory_space<vmem>> -> memref<32x9x32xbf16, #tpu.memory_space<vmem>>
        %dma_start3A_139 = arith.constant 0 : i32
        %dma_start3A_140 = arith.constant 0 : i32
        %dma_start3A_141 = tpu.memref_slice %arg8[%add3A_44, %dma_start3A_139, %dma_start3A_140] : memref<10000x9x32xbf16, #tpu.memory_space<vmem_shared>> -> memref<32x9x32xbf16, #tpu.memory_space<vmem_shared>>
        %dma_start3A_142 = arith.constant 0 : i32
        %dma_start3A_143 = arith.constant 0 : i32
        %dma_start3A_144 = tpu.memref_slice %arg8[%add3A_44, %dma_start3A_142, %dma_start3A_143] : memref<10000x9x32xbf16, #tpu.memory_space<vmem_shared>> -> memref<32x9x32xbf16, #tpu.memory_space<vmem_shared>>
        %dma_start3A_145 = arith.constant 0 : i32
        %dma_start3A_146 = arith.constant 0 : i32
        %dma_start3A_147 = arith.constant 0 : i32
        %dma_start3A_148 = tpu.memref_slice %arg22[%dma_start3A_145, %dma_start3A_146, %dma_start3A_147] : memref<32x9x32xbf16, #tpu.memory_space<vmem>> -> memref<32x9x32xbf16, #tpu.memory_space<vmem>>
        tpu.enqueue_dma source(%dma_start3A_148 : memref<32x9x32xbf16, #tpu.memory_space<vmem>>) target(%dma_start3A_144 : memref<32x9x32xbf16, #tpu.memory_space<vmem_shared>>) target_semaphore(%run_scoped3A_135 : memref<!tpu.dma_semaphore, #tpu.memory_space<semaphore_mem>>)
        %dma_wait3A = arith.constant 0 : i32
        %dma_wait3A_149 = arith.constant 0 : i32
        %dma_wait3A_150 = arith.constant 0 : i32
        %dma_wait3A_151 = tpu.memref_slice %arg22[%dma_wait3A, %dma_wait3A_149, %dma_wait3A_150] : memref<32x9x32xbf16, #tpu.memory_space<vmem>> -> memref<32x9x32xbf16, #tpu.memory_space<vmem>>
        %dma_wait3A_152 = arith.constant 0 : i32
        %dma_wait3A_153 = arith.constant 0 : i32
        %dma_wait3A_154 = tpu.memref_slice %arg8[%add3A_44, %dma_wait3A_152, %dma_wait3A_153] : memref<10000x9x32xbf16, #tpu.memory_space<vmem_shared>> -> memref<32x9x32xbf16, #tpu.memory_space<vmem_shared>>
        %dma_wait3A_155 = arith.constant 0 : i32
        %dma_wait3A_156 = arith.constant 0 : i32
        %dma_wait3A_157 = tpu.memref_slice %arg8[%add3A_44, %dma_wait3A_155, %dma_wait3A_156] : memref<10000x9x32xbf16, #tpu.memory_space<vmem_shared>> -> memref<32x9x32xbf16, #tpu.memory_space<vmem_shared>>
        %dma_wait3A_158 = arith.constant 0 : i32
        %dma_wait3A_159 = arith.constant 0 : i32
        %dma_wait3A_160 = arith.constant 0 : i32
        %dma_wait3A_161 = tpu.memref_slice %arg22[%dma_wait3A_158, %dma_wait3A_159, %dma_wait3A_160] : memref<32x9x32xbf16, #tpu.memory_space<vmem>> -> memref<32x9x32xbf16, #tpu.memory_space<vmem>>
        tpu.wait_dma2 semaphore(%run_scoped3A_135 : memref<!tpu.dma_semaphore, #tpu.memory_space<semaphore_mem>>) src(%dma_wait3A_161 : memref<32x9x32xbf16, #tpu.memory_space<vmem>>) dst(%dma_wait3A_157 : memref<32x9x32xbf16, #tpu.memory_space<vmem_shared>>)
        tpu.yield
      }) : () -> ()
      %add3A_45 = arith.constant 544 : i32
      %add3A_46 = arith.addi %mul3A_0, %add3A_45 : i32
      "tpu.region"() ({
        %run_scoped3A_135 = tpu.sem_alloc : memref<!tpu.dma_semaphore, #tpu.memory_space<semaphore_mem>>
        %dma_start3A = arith.constant 0 : i32
        %dma_start3A_136 = arith.constant 0 : i32
        %dma_start3A_137 = arith.constant 0 : i32
        %dma_start3A_138 = tpu.memref_slice %arg22[%dma_start3A, %dma_start3A_136, %dma_start3A_137] : memref<32x9x32xbf16, #tpu.memory_space<vmem>> -> memref<32x9x32xbf16, #tpu.memory_space<vmem>>
        %dma_start3A_139 = arith.constant 0 : i32
        %dma_start3A_140 = arith.constant 0 : i32
        %dma_start3A_141 = tpu.memref_slice %arg8[%add3A_46, %dma_start3A_139, %dma_start3A_140] : memref<10000x9x32xbf16, #tpu.memory_space<vmem_shared>> -> memref<32x9x32xbf16, #tpu.memory_space<vmem_shared>>
        %dma_start3A_142 = arith.constant 0 : i32
        %dma_start3A_143 = arith.constant 0 : i32
        %dma_start3A_144 = tpu.memref_slice %arg8[%add3A_46, %dma_start3A_142, %dma_start3A_143] : memref<10000x9x32xbf16, #tpu.memory_space<vmem_shared>> -> memref<32x9x32xbf16, #tpu.memory_space<vmem_shared>>
        %dma_start3A_145 = arith.constant 0 : i32
        %dma_start3A_146 = arith.constant 0 : i32
        %dma_start3A_147 = arith.constant 0 : i32
        %dma_start3A_148 = tpu.memref_slice %arg22[%dma_start3A_145, %dma_start3A_146, %dma_start3A_147] : memref<32x9x32xbf16, #tpu.memory_space<vmem>> -> memref<32x9x32xbf16, #tpu.memory_space<vmem>>
        tpu.enqueue_dma source(%dma_start3A_148 : memref<32x9x32xbf16, #tpu.memory_space<vmem>>) target(%dma_start3A_144 : memref<32x9x32xbf16, #tpu.memory_space<vmem_shared>>) target_semaphore(%run_scoped3A_135 : memref<!tpu.dma_semaphore, #tpu.memory_space<semaphore_mem>>)
        %dma_wait3A = arith.constant 0 : i32
        %dma_wait3A_149 = arith.constant 0 : i32
        %dma_wait3A_150 = arith.constant 0 : i32
        %dma_wait3A_151 = tpu.memref_slice %arg22[%dma_wait3A, %dma_wait3A_149, %dma_wait3A_150] : memref<32x9x32xbf16, #tpu.memory_space<vmem>> -> memref<32x9x32xbf16, #tpu.memory_space<vmem>>
        %dma_wait3A_152 = arith.constant 0 : i32
        %dma_wait3A_153 = arith.constant 0 : i32
        %dma_wait3A_154 = tpu.memref_slice %arg8[%add3A_46, %dma_wait3A_152, %dma_wait3A_153] : memref<10000x9x32xbf16, #tpu.memory_space<vmem_shared>> -> memref<32x9x32xbf16, #tpu.memory_space<vmem_shared>>
        %dma_wait3A_155 = arith.constant 0 : i32
        %dma_wait3A_156 = arith.constant 0 : i32
        %dma_wait3A_157 = tpu.memref_slice %arg8[%add3A_46, %dma_wait3A_155, %dma_wait3A_156] : memref<10000x9x32xbf16, #tpu.memory_space<vmem_shared>> -> memref<32x9x32xbf16, #tpu.memory_space<vmem_shared>>
        %dma_wait3A_158 = arith.constant 0 : i32
        %dma_wait3A_159 = arith.constant 0 : i32
        %dma_wait3A_160 = arith.constant 0 : i32
        %dma_wait3A_161 = tpu.memref_slice %arg22[%dma_wait3A_158, %dma_wait3A_159, %dma_wait3A_160] : memref<32x9x32xbf16, #tpu.memory_space<vmem>> -> memref<32x9x32xbf16, #tpu.memory_space<vmem>>
        tpu.wait_dma2 semaphore(%run_scoped3A_135 : memref<!tpu.dma_semaphore, #tpu.memory_space<semaphore_mem>>) src(%dma_wait3A_161 : memref<32x9x32xbf16, #tpu.memory_space<vmem>>) dst(%dma_wait3A_157 : memref<32x9x32xbf16, #tpu.memory_space<vmem_shared>>)
        tpu.yield
      }) : () -> ()
      %add3A_47 = arith.constant 576 : i32
      %add3A_48 = arith.addi %mul3A_0, %add3A_47 : i32
      "tpu.region"() ({
        %run_scoped3A_135 = tpu.sem_alloc : memref<!tpu.dma_semaphore, #tpu.memory_space<semaphore_mem>>
        %dma_start3A = arith.constant 0 : i32
        %dma_start3A_136 = arith.constant 0 : i32
        %dma_start3A_137 = arith.constant 0 : i32
        %dma_start3A_138 = tpu.memref_slice %arg22[%dma_start3A, %dma_start3A_136, %dma_start3A_137] : memref<32x9x32xbf16, #tpu.memory_space<vmem>> -> memref<32x9x32xbf16, #tpu.memory_space<vmem>>
        %dma_start3A_139 = arith.constant 0 : i32
        %dma_start3A_140 = arith.constant 0 : i32
        %dma_start3A_141 = tpu.memref_slice %arg8[%add3A_48, %dma_start3A_139, %dma_start3A_140] : memref<10000x9x32xbf16, #tpu.memory_space<vmem_shared>> -> memref<32x9x32xbf16, #tpu.memory_space<vmem_shared>>
        %dma_start3A_142 = arith.constant 0 : i32
        %dma_start3A_143 = arith.constant 0 : i32
        %dma_start3A_144 = tpu.memref_slice %arg8[%add3A_48, %dma_start3A_142, %dma_start3A_143] : memref<10000x9x32xbf16, #tpu.memory_space<vmem_shared>> -> memref<32x9x32xbf16, #tpu.memory_space<vmem_shared>>
        %dma_start3A_145 = arith.constant 0 : i32
        %dma_start3A_146 = arith.constant 0 : i32
        %dma_start3A_147 = arith.constant 0 : i32
        %dma_start3A_148 = tpu.memref_slice %arg22[%dma_start3A_145, %dma_start3A_146, %dma_start3A_147] : memref<32x9x32xbf16, #tpu.memory_space<vmem>> -> memref<32x9x32xbf16, #tpu.memory_space<vmem>>
        tpu.enqueue_dma source(%dma_start3A_148 : memref<32x9x32xbf16, #tpu.memory_space<vmem>>) target(%dma_start3A_144 : memref<32x9x32xbf16, #tpu.memory_space<vmem_shared>>) target_semaphore(%run_scoped3A_135 : memref<!tpu.dma_semaphore, #tpu.memory_space<semaphore_mem>>)
        %dma_wait3A = arith.constant 0 : i32
        %dma_wait3A_149 = arith.constant 0 : i32
        %dma_wait3A_150 = arith.constant 0 : i32
        %dma_wait3A_151 = tpu.memref_slice %arg22[%dma_wait3A, %dma_wait3A_149, %dma_wait3A_150] : memref<32x9x32xbf16, #tpu.memory_space<vmem>> -> memref<32x9x32xbf16, #tpu.memory_space<vmem>>
        %dma_wait3A_152 = arith.constant 0 : i32
        %dma_wait3A_153 = arith.constant 0 : i32
        %dma_wait3A_154 = tpu.memref_slice %arg8[%add3A_48, %dma_wait3A_152, %dma_wait3A_153] : memref<10000x9x32xbf16, #tpu.memory_space<vmem_shared>> -> memref<32x9x32xbf16, #tpu.memory_space<vmem_shared>>
        %dma_wait3A_155 = arith.constant 0 : i32
        %dma_wait3A_156 = arith.constant 0 : i32
        %dma_wait3A_157 = tpu.memref_slice %arg8[%add3A_48, %dma_wait3A_155, %dma_wait3A_156] : memref<10000x9x32xbf16, #tpu.memory_space<vmem_shared>> -> memref<32x9x32xbf16, #tpu.memory_space<vmem_shared>>
        %dma_wait3A_158 = arith.constant 0 : i32
        %dma_wait3A_159 = arith.constant 0 : i32
        %dma_wait3A_160 = arith.constant 0 : i32
        %dma_wait3A_161 = tpu.memref_slice %arg22[%dma_wait3A_158, %dma_wait3A_159, %dma_wait3A_160] : memref<32x9x32xbf16, #tpu.memory_space<vmem>> -> memref<32x9x32xbf16, #tpu.memory_space<vmem>>
        tpu.wait_dma2 semaphore(%run_scoped3A_135 : memref<!tpu.dma_semaphore, #tpu.memory_space<semaphore_mem>>) src(%dma_wait3A_161 : memref<32x9x32xbf16, #tpu.memory_space<vmem>>) dst(%dma_wait3A_157 : memref<32x9x32xbf16, #tpu.memory_space<vmem_shared>>)
        tpu.yield
      }) : () -> ()
      %add3A_49 = arith.constant 625 : i32
      %add3A_50 = arith.addi %mul3A_0, %add3A_49 : i32
      %sub3A = arith.constant 17 : i32
      %sub3A_51 = arith.subi %add3A_50, %sub3A : i32
      "tpu.region"() ({
        %run_scoped3A_135 = tpu.sem_alloc : memref<!tpu.dma_semaphore, #tpu.memory_space<semaphore_mem>>
        %dma_start3A = arith.constant 0 : i32
        %dma_start3A_136 = arith.constant 0 : i32
        %dma_start3A_137 = arith.constant 0 : i32
        %dma_start3A_138 = tpu.memref_slice %arg22[%dma_start3A, %dma_start3A_136, %dma_start3A_137] : memref<32x9x32xbf16, #tpu.memory_space<vmem>> -> memref<17x9x32xbf16, #tpu.memory_space<vmem>>
        %dma_start3A_139 = arith.constant 0 : i32
        %dma_start3A_140 = arith.constant 0 : i32
        %dma_start3A_141 = tpu.memref_slice %arg8[%sub3A_51, %dma_start3A_139, %dma_start3A_140] : memref<10000x9x32xbf16, #tpu.memory_space<vmem_shared>> -> memref<17x9x32xbf16, #tpu.memory_space<vmem_shared>>
        %dma_start3A_142 = arith.constant 0 : i32
        %dma_start3A_143 = arith.constant 0 : i32
        %dma_start3A_144 = tpu.memref_slice %arg8[%sub3A_51, %dma_start3A_142, %dma_start3A_143] : memref<10000x9x32xbf16, #tpu.memory_space<vmem_shared>> -> memref<17x9x32xbf16, #tpu.memory_space<vmem_shared>>
        %dma_start3A_145 = arith.constant 0 : i32
        %dma_start3A_146 = arith.constant 0 : i32
        %dma_start3A_147 = arith.constant 0 : i32
        %dma_start3A_148 = tpu.memref_slice %arg22[%dma_start3A_145, %dma_start3A_146, %dma_start3A_147] : memref<32x9x32xbf16, #tpu.memory_space<vmem>> -> memref<17x9x32xbf16, #tpu.memory_space<vmem>>
        tpu.enqueue_dma source(%dma_start3A_148 : memref<17x9x32xbf16, #tpu.memory_space<vmem>>) target(%dma_start3A_144 : memref<17x9x32xbf16, #tpu.memory_space<vmem_shared>>) target_semaphore(%run_scoped3A_135 : memref<!tpu.dma_semaphore, #tpu.memory_space<semaphore_mem>>)
        %dma_wait3A = arith.constant 0 : i32
        %dma_wait3A_149 = arith.constant 0 : i32
        %dma_wait3A_150 = arith.constant 0 : i32
        %dma_wait3A_151 = tpu.memref_slice %arg22[%dma_wait3A, %dma_wait3A_149, %dma_wait3A_150] : memref<32x9x32xbf16, #tpu.memory_space<vmem>> -> memref<17x9x32xbf16, #tpu.memory_space<vmem>>
        %dma_wait3A_152 = arith.constant 0 : i32
        %dma_wait3A_153 = arith.constant 0 : i32
        %dma_wait3A_154 = tpu.memref_slice %arg8[%sub3A_51, %dma_wait3A_152, %dma_wait3A_153] : memref<10000x9x32xbf16, #tpu.memory_space<vmem_shared>> -> memref<17x9x32xbf16, #tpu.memory_space<vmem_shared>>
        %dma_wait3A_155 = arith.constant 0 : i32
        %dma_wait3A_156 = arith.constant 0 : i32
        %dma_wait3A_157 = tpu.memref_slice %arg8[%sub3A_51, %dma_wait3A_155, %dma_wait3A_156] : memref<10000x9x32xbf16, #tpu.memory_space<vmem_shared>> -> memref<17x9x32xbf16, #tpu.memory_space<vmem_shared>>
        %dma_wait3A_158 = arith.constant 0 : i32
        %dma_wait3A_159 = arith.constant 0 : i32
        %dma_wait3A_160 = arith.constant 0 : i32
        %dma_wait3A_161 = tpu.memref_slice %arg22[%dma_wait3A_158, %dma_wait3A_159, %dma_wait3A_160] : memref<32x9x32xbf16, #tpu.memory_space<vmem>> -> memref<17x9x32xbf16, #tpu.memory_space<vmem>>
        tpu.wait_dma2 semaphore(%run_scoped3A_135 : memref<!tpu.dma_semaphore, #tpu.memory_space<semaphore_mem>>) src(%dma_wait3A_161 : memref<17x9x32xbf16, #tpu.memory_space<vmem>>) dst(%dma_wait3A_157 : memref<17x9x32xbf16, #tpu.memory_space<vmem_shared>>)
        tpu.yield
      }) : () -> ()
      %barrier3A = arith.constant 0 : index
      tpu.barrier barrier_id(%barrier3A)
      %add3A_52 = arith.constant 0 : i32
      %add3A_53 = arith.addi %arg1, %add3A_52 : i32
      %lt3A = arith.constant 1250 : i32
      %lt3A_54 = arith.cmpi slt, %add3A_53, %lt3A : i32
      %convert_element_type3A = arith.extui %lt3A_54 : i1 to i32
      %cond3A = arith.constant 0 : i32
      %cond3A_55 = arith.cmpi ne, %convert_element_type3A, %cond3A : i32
      scf.if %cond3A_55 {
        %mul3A_135 = arith.constant 1250 : i32
        %mul3A_136 = arith.muli %arg0, %mul3A_135 : i32
        %add3A_137 = arith.addi %mul3A_136, %arg1 : i32
        %add3A_138 = arith.constant 0 : i32
        %add3A_139 = arith.addi %add3A_137, %add3A_138 : i32
        %mul3A_140 = arith.constant 64 : i32
        %mul3A_141 = arith.muli %add3A_139, %mul3A_140 : i32
        %mul3A_142 = arith.constant 1250 : i32
        %mul3A_143 = arith.muli %arg0, %mul3A_142 : i32
        %add3A_144 = arith.addi %mul3A_143, %arg1 : i32
        %add3A_145 = arith.constant 0 : i32
        %add3A_146 = arith.addi %add3A_144, %add3A_145 : i32
        %mul3A_147 = arith.constant 9 : i32
        %mul3A_148 = arith.muli %mul3A_141, %mul3A_147 : i32
        %dma_start3A = arith.constant 0 : i32
        %dma_start3A_149 = tpu.memref_slice %arg5[%add3A_146, %dma_start3A] : memref<2500x128xi32, #tpu.memory_space<hbm>> -> memref<1x128xi32, #tpu.memory_space<hbm>>
        %dma_start3A_150 = tpu.memref_squeeze %dma_start3A_149 : memref<1x128xi32, #tpu.memory_space<hbm>> -> memref<128xi32, #tpu.memory_space<hbm>>
        %dma_start3A_151 = arith.constant 0 : i32
        %dma_start3A_152 = tpu.memref_slice %arg5[%add3A_146, %dma_start3A_151] : memref<2500x128xi32, #tpu.memory_space<hbm>> -> memref<1x128xi32, #tpu.memory_space<hbm>>
        %dma_start3A_153 = tpu.memref_squeeze %dma_start3A_152 : memref<1x128xi32, #tpu.memory_space<hbm>> -> memref<128xi32, #tpu.memory_space<hbm>>
        tpu.enqueue_dma source(%dma_start3A_153 : memref<128xi32, #tpu.memory_space<hbm>>) target(%arg10 : memref<128xi32, #tpu.memory_space<vmem>>) target_semaphore(%arg24 : memref<!tpu.dma_semaphore, #tpu.memory_space<semaphore_mem>>)
        %dma_start3A_154 = arith.constant 0 : i32
        %dma_start3A_155 = tpu.memref_slice %arg12[%dma_start3A_154] : memref<592xf32, #tpu.memory_space<vmem>> -> memref<576xf32, #tpu.memory_space<vmem>>
        %dma_start3A_156 = tpu.memref_slice %arg4[%mul3A_148] : memref<1440000xf32, #tpu.memory_space<hbm>> -> memref<576xf32, #tpu.memory_space<hbm>>
        %dma_start3A_157 = arith.constant 0 : i32
        %dma_start3A_158 = tpu.memref_slice %arg12[%dma_start3A_157] : memref<592xf32, #tpu.memory_space<vmem>> -> memref<576xf32, #tpu.memory_space<vmem>>
        %dma_start3A_159 = tpu.memref_slice %arg4[%mul3A_148] : memref<1440000xf32, #tpu.memory_space<hbm>> -> memref<576xf32, #tpu.memory_space<hbm>>
        tpu.enqueue_dma source(%dma_start3A_159 : memref<576xf32, #tpu.memory_space<hbm>>) target(%dma_start3A_158 : memref<576xf32, #tpu.memory_space<vmem>>) target_semaphore(%arg24 : memref<!tpu.dma_semaphore, #tpu.memory_space<semaphore_mem>>)
        %dma_start3A_160 = arith.constant 0 : i32
        %dma_start3A_161 = tpu.memref_slice %arg3[%mul3A_141, %dma_start3A_160] : memref<160000x384xf32, #tpu.memory_space<hbm>> -> memref<64x96xf32, #tpu.memory_space<hbm>>
        %dma_start3A_162 = arith.constant 0 : i32
        %dma_start3A_163 = tpu.memref_slice %arg3[%mul3A_141, %dma_start3A_162] : memref<160000x384xf32, #tpu.memory_space<hbm>> -> memref<64x96xf32, #tpu.memory_space<hbm>>
        tpu.enqueue_dma source(%dma_start3A_163 : memref<64x96xf32, #tpu.memory_space<hbm>>) target(%arg14 : memref<64x96xf32, #tpu.memory_space<vmem>>) target_semaphore(%arg24 : memref<!tpu.dma_semaphore, #tpu.memory_space<semaphore_mem>>)
      } else {
      }
      %add3A_56 = arith.constant 16 : i32
      %add3A_57 = arith.addi %arg1, %add3A_56 : i32
      %lt3A_58 = arith.constant 1250 : i32
      %lt3A_59 = arith.cmpi slt, %add3A_57, %lt3A_58 : i32
      %convert_element_type3A_60 = arith.extui %lt3A_59 : i1 to i32
      %cond3A_61 = arith.constant 0 : i32
      %cond3A_62 = arith.cmpi ne, %convert_element_type3A_60, %cond3A_61 : i32
      scf.if %cond3A_62 {
        %mul3A_135 = arith.constant 1250 : i32
        %mul3A_136 = arith.muli %arg0, %mul3A_135 : i32
        %add3A_137 = arith.addi %mul3A_136, %arg1 : i32
        %add3A_138 = arith.constant 16 : i32
        %add3A_139 = arith.addi %add3A_137, %add3A_138 : i32
        %mul3A_140 = arith.constant 64 : i32
        %mul3A_141 = arith.muli %add3A_139, %mul3A_140 : i32
        %mul3A_142 = arith.constant 1250 : i32
        %mul3A_143 = arith.muli %arg0, %mul3A_142 : i32
        %add3A_144 = arith.addi %mul3A_143, %arg1 : i32
        %add3A_145 = arith.constant 16 : i32
        %add3A_146 = arith.addi %add3A_144, %add3A_145 : i32
        %mul3A_147 = arith.constant 9 : i32
        %mul3A_148 = arith.muli %mul3A_141, %mul3A_147 : i32
        %dma_start3A = arith.constant 0 : i32
        %dma_start3A_149 = tpu.memref_slice %arg5[%add3A_146, %dma_start3A] : memref<2500x128xi32, #tpu.memory_space<hbm>> -> memref<1x128xi32, #tpu.memory_space<hbm>>
        %dma_start3A_150 = tpu.memref_squeeze %dma_start3A_149 : memref<1x128xi32, #tpu.memory_space<hbm>> -> memref<128xi32, #tpu.memory_space<hbm>>
        %dma_start3A_151 = arith.constant 0 : i32
        %dma_start3A_152 = tpu.memref_slice %arg5[%add3A_146, %dma_start3A_151] : memref<2500x128xi32, #tpu.memory_space<hbm>> -> memref<1x128xi32, #tpu.memory_space<hbm>>
        %dma_start3A_153 = tpu.memref_squeeze %dma_start3A_152 : memref<1x128xi32, #tpu.memory_space<hbm>> -> memref<128xi32, #tpu.memory_space<hbm>>
        tpu.enqueue_dma source(%dma_start3A_153 : memref<128xi32, #tpu.memory_space<hbm>>) target(%arg11 : memref<128xi32, #tpu.memory_space<vmem>>) target_semaphore(%arg25 : memref<!tpu.dma_semaphore, #tpu.memory_space<semaphore_mem>>)
        %dma_start3A_154 = arith.constant 0 : i32
        %dma_start3A_155 = tpu.memref_slice %arg13[%dma_start3A_154] : memref<592xf32, #tpu.memory_space<vmem>> -> memref<576xf32, #tpu.memory_space<vmem>>
        %dma_start3A_156 = tpu.memref_slice %arg4[%mul3A_148] : memref<1440000xf32, #tpu.memory_space<hbm>> -> memref<576xf32, #tpu.memory_space<hbm>>
        %dma_start3A_157 = arith.constant 0 : i32
        %dma_start3A_158 = tpu.memref_slice %arg13[%dma_start3A_157] : memref<592xf32, #tpu.memory_space<vmem>> -> memref<576xf32, #tpu.memory_space<vmem>>
        %dma_start3A_159 = tpu.memref_slice %arg4[%mul3A_148] : memref<1440000xf32, #tpu.memory_space<hbm>> -> memref<576xf32, #tpu.memory_space<hbm>>
        tpu.enqueue_dma source(%dma_start3A_159 : memref<576xf32, #tpu.memory_space<hbm>>) target(%dma_start3A_158 : memref<576xf32, #tpu.memory_space<vmem>>) target_semaphore(%arg25 : memref<!tpu.dma_semaphore, #tpu.memory_space<semaphore_mem>>)
        %dma_start3A_160 = arith.constant 0 : i32
        %dma_start3A_161 = tpu.memref_slice %arg3[%mul3A_141, %dma_start3A_160] : memref<160000x384xf32, #tpu.memory_space<hbm>> -> memref<64x96xf32, #tpu.memory_space<hbm>>
        %dma_start3A_162 = arith.constant 0 : i32
        %dma_start3A_163 = tpu.memref_slice %arg3[%mul3A_141, %dma_start3A_162] : memref<160000x384xf32, #tpu.memory_space<hbm>> -> memref<64x96xf32, #tpu.memory_space<hbm>>
        tpu.enqueue_dma source(%dma_start3A_163 : memref<64x96xf32, #tpu.memory_space<hbm>>) target(%arg15 : memref<64x96xf32, #tpu.memory_space<vmem>>) target_semaphore(%arg25 : memref<!tpu.dma_semaphore, #tpu.memory_space<semaphore_mem>>)
      } else {
      }
      %add3A_63 = arith.constant 0 : i32
      %add3A_64 = arith.addi %arg1, %add3A_63 : i32
      %lt3A_65 = arith.constant 1250 : i32
      %lt3A_66 = arith.cmpi slt, %add3A_64, %lt3A_65 : i32
      %convert_element_type3A_67 = arith.extui %lt3A_66 : i1 to i32
      %cond3A_68 = arith.constant 0 : i32
      %cond3A_69 = arith.cmpi ne, %convert_element_type3A_67, %cond3A_68 : i32
      scf.if %cond3A_69 {
        %mul3A_135 = arith.constant 1250 : i32
        %mul3A_136 = arith.muli %arg0, %mul3A_135 : i32
        %add3A_137 = arith.addi %mul3A_136, %arg1 : i32
        %add3A_138 = arith.constant 0 : i32
        %add3A_139 = arith.addi %add3A_137, %add3A_138 : i32
        %mul3A_140 = arith.constant 64 : i32
        %mul3A_141 = arith.muli %add3A_139, %mul3A_140 : i32
        %mul3A_142 = arith.constant 1250 : i32
        %mul3A_143 = arith.muli %arg0, %mul3A_142 : i32
        %add3A_144 = arith.addi %mul3A_143, %arg1 : i32
        %add3A_145 = arith.constant 0 : i32
        %add3A_146 = arith.addi %add3A_144, %add3A_145 : i32
        %mul3A_147 = arith.constant 9 : i32
        %mul3A_148 = arith.muli %mul3A_141, %mul3A_147 : i32
        %dma_wait3A = arith.constant 0 : i32
        %dma_wait3A_149 = tpu.memref_slice %arg5[%add3A_146, %dma_wait3A] : memref<2500x128xi32, #tpu.memory_space<hbm>> -> memref<1x128xi32, #tpu.memory_space<hbm>>
        %dma_wait3A_150 = tpu.memref_squeeze %dma_wait3A_149 : memref<1x128xi32, #tpu.memory_space<hbm>> -> memref<128xi32, #tpu.memory_space<hbm>>
        %dma_wait3A_151 = arith.constant 0 : i32
        %dma_wait3A_152 = tpu.memref_slice %arg5[%add3A_146, %dma_wait3A_151] : memref<2500x128xi32, #tpu.memory_space<hbm>> -> memref<1x128xi32, #tpu.memory_space<hbm>>
        %dma_wait3A_153 = tpu.memref_squeeze %dma_wait3A_152 : memref<1x128xi32, #tpu.memory_space<hbm>> -> memref<128xi32, #tpu.memory_space<hbm>>
        tpu.wait_dma2 semaphore(%arg24 : memref<!tpu.dma_semaphore, #tpu.memory_space<semaphore_mem>>) src(%dma_wait3A_153 : memref<128xi32, #tpu.memory_space<hbm>>) dst(%arg10 : memref<128xi32, #tpu.memory_space<vmem>>)
        %dma_wait3A_154 = arith.constant 0 : i32
        %dma_wait3A_155 = tpu.memref_slice %arg12[%dma_wait3A_154] : memref<592xf32, #tpu.memory_space<vmem>> -> memref<576xf32, #tpu.memory_space<vmem>>
        %dma_wait3A_156 = tpu.memref_slice %arg4[%mul3A_148] : memref<1440000xf32, #tpu.memory_space<hbm>> -> memref<576xf32, #tpu.memory_space<hbm>>
        %dma_wait3A_157 = arith.constant 0 : i32
        %dma_wait3A_158 = tpu.memref_slice %arg12[%dma_wait3A_157] : memref<592xf32, #tpu.memory_space<vmem>> -> memref<576xf32, #tpu.memory_space<vmem>>
        %dma_wait3A_159 = tpu.memref_slice %arg4[%mul3A_148] : memref<1440000xf32, #tpu.memory_space<hbm>> -> memref<576xf32, #tpu.memory_space<hbm>>
        tpu.wait_dma2 semaphore(%arg24 : memref<!tpu.dma_semaphore, #tpu.memory_space<semaphore_mem>>) src(%dma_wait3A_159 : memref<576xf32, #tpu.memory_space<hbm>>) dst(%dma_wait3A_158 : memref<576xf32, #tpu.memory_space<vmem>>)
        %dma_wait3A_160 = arith.constant 0 : i32
        %dma_wait3A_161 = tpu.memref_slice %arg3[%mul3A_141, %dma_wait3A_160] : memref<160000x384xf32, #tpu.memory_space<hbm>> -> memref<64x96xf32, #tpu.memory_space<hbm>>
        %dma_wait3A_162 = arith.constant 0 : i32
        %dma_wait3A_163 = tpu.memref_slice %arg3[%mul3A_141, %dma_wait3A_162] : memref<160000x384xf32, #tpu.memory_space<hbm>> -> memref<64x96xf32, #tpu.memory_space<hbm>>
        tpu.wait_dma2 semaphore(%arg24 : memref<!tpu.dma_semaphore, #tpu.memory_space<semaphore_mem>>) src(%dma_wait3A_163 : memref<64x96xf32, #tpu.memory_space<hbm>>) dst(%arg14 : memref<64x96xf32, #tpu.memory_space<vmem>>)
      } else {
      }
      %add3A_70 = arith.constant 0 : i32
      %add3A_71 = arith.addi %arg1, %add3A_70 : i32
      %lt3A_72 = arith.constant 1250 : i32
      %lt3A_73 = arith.cmpi slt, %add3A_71, %lt3A_72 : i32
      %convert_element_type3A_74 = arith.extui %lt3A_73 : i1 to i32
      %cond3A_75 = arith.constant 0 : i32
      %cond3A_76 = arith.cmpi ne, %convert_element_type3A_74, %cond3A_75 : i32
      scf.if %cond3A_76 {
        %get3A = arith.constant 0 : index
        %get3A_135 = tpu.vector_load %arg10[%get3A] {strides = array<i32>} : memref<128xi32, #tpu.memory_space<vmem>>, vector<16xi32>,
        %swap3A = arith.constant 0 : index
        %swap3A_136 = tpu.vector_load %arg16[%swap3A] {strides = array<i32>} : memref<64xi32, #tpu.memory_space<vmem>>, vector<16xi32>,
        tpu.vector_store %arg16[%swap3A], %get3A_135 {strides = array<i32>} : memref<64xi32, #tpu.memory_space<vmem>>, vector<16xi32>,
        %get3A_137 = arith.constant 16 : index
        %get3A_138 = tpu.vector_load %arg10[%get3A_137] {strides = array<i32>} : memref<128xi32, #tpu.memory_space<vmem>>, vector<16xi32>,
        %swap3A_139 = arith.constant 16 : index
        %swap3A_140 = tpu.vector_load %arg16[%swap3A_139] {strides = array<i32>} : memref<64xi32, #tpu.memory_space<vmem>>, vector<16xi32>,
        tpu.vector_store %arg16[%swap3A_139], %get3A_138 {strides = array<i32>} : memref<64xi32, #tpu.memory_space<vmem>>, vector<16xi32>,
        %get3A_141 = arith.constant 32 : index
        %get3A_142 = tpu.vector_load %arg10[%get3A_141] {strides = array<i32>} : memref<128xi32, #tpu.memory_space<vmem>>, vector<16xi32>,
        %swap3A_143 = arith.constant 32 : index
        %swap3A_144 = tpu.vector_load %arg16[%swap3A_143] {strides = array<i32>} : memref<64xi32, #tpu.memory_space<vmem>>, vector<16xi32>,
        tpu.vector_store %arg16[%swap3A_143], %get3A_142 {strides = array<i32>} : memref<64xi32, #tpu.memory_space<vmem>>, vector<16xi32>,
        %get3A_145 = arith.constant 48 : index
        %get3A_146 = tpu.vector_load %arg10[%get3A_145] {strides = array<i32>} : memref<128xi32, #tpu.memory_space<vmem>>, vector<16xi32>,
        %swap3A_147 = arith.constant 48 : index
        %swap3A_148 = tpu.vector_load %arg16[%swap3A_147] {strides = array<i32>} : memref<64xi32, #tpu.memory_space<vmem>>, vector<16xi32>,
        tpu.vector_store %arg16[%swap3A_147], %get3A_146 {strides = array<i32>} : memref<64xi32, #tpu.memory_space<vmem>>, vector<16xi32>,
        %dma_start3A = arith.constant 0 : i32
        %dma_start3A_149 = arith.constant 0 : i32
        %dma_start3A_150 = tpu.memref_slice %arg9[%dma_start3A, %dma_start3A_149] : memref<10000x32xbf16, #tpu.memory_space<vmem_shared>> -> memref<10000x32xbf16, #tpu.memory_space<vmem_shared>>
        tpu.enqueue_indirect_dma source(%dma_start3A_150 : memref<10000x32xbf16, #tpu.memory_space<vmem_shared>>) target(%arg18 : memref<64x32xbf16, #tpu.memory_space<vmem>>) offsets(%arg16 : memref<64xi32, #tpu.memory_space<vmem>>) semaphore(%arg26 : memref<!tpu.dma_semaphore, #tpu.memory_space<semaphore_mem>>)
      } else {
      }
      %scan3A_77 = arith.constant 0 : i32
      %scan3A_78 = arith.constant 20 : i32
      %scan3A_79 = arith.addi %scan3A_77, %scan3A_78 : i32
      %scan3A_80 = arith.constant 1 : i32
      scf.for %scan3A_135 = %scan3A_77 to %scan3A_79 step %scan3A_80  : i32 {
        %mul3A_136 = arith.constant 1 : i32
        %mul3A_137 = arith.muli %scan3A_135, %mul3A_136 : i32
        %add3A_138 = arith.constant 0 : i32
        %add3A_139 = arith.addi %add3A_138, %mul3A_137 : i32
        %mul3A_140 = arith.constant 4 : i32
        %mul3A_141 = arith.muli %add3A_139, %mul3A_140 : i32
        %add3A_142 = arith.constant 0 : i32
        %add3A_143 = arith.addi %mul3A_141, %add3A_142 : i32
        %add3A_144 = arith.constant 1 : i32
        %add3A_145 = arith.addi %add3A_143, %add3A_144 : i32
        %mul3A_146 = arith.constant 16 : i32
        %mul3A_147 = arith.muli %mul3A_146, %add3A_145 : i32
        %add3A_148 = arith.addi %arg1, %mul3A_147 : i32
        %lt3A_149 = arith.constant 1250 : i32
        %lt3A_150 = arith.cmpi slt, %add3A_148, %lt3A_149 : i32
        %convert_element_type3A_151 = arith.extui %lt3A_150 : i1 to i32
        %cond3A_152 = arith.constant 0 : i32
        %cond3A_153 = arith.cmpi ne, %convert_element_type3A_151, %cond3A_152 : i32
        scf.if %cond3A_153 {
          %mul3A_475 = arith.constant 1250 : i32
          %mul3A_476 = arith.muli %arg0, %mul3A_475 : i32
          %add3A_477 = arith.addi %mul3A_476, %arg1 : i32
          %mul3A_478 = arith.constant 16 : i32
          %mul3A_479 = arith.muli %mul3A_478, %add3A_145 : i32
          %add3A_480 = arith.addi %add3A_477, %mul3A_479 : i32
          %mul3A_481 = arith.constant 64 : i32
          %mul3A_482 = arith.muli %add3A_480, %mul3A_481 : i32
          %mul3A_483 = arith.constant 1250 : i32
          %mul3A_484 = arith.muli %arg0, %mul3A_483 : i32
          %add3A_485 = arith.addi %mul3A_484, %arg1 : i32
          %mul3A_486 = arith.constant 16 : i32
          %mul3A_487 = arith.muli %mul3A_486, %add3A_145 : i32
          %add3A_488 = arith.addi %add3A_485, %mul3A_487 : i32
          %mul3A_489 = arith.constant 9 : i32
          %mul3A_490 = arith.muli %mul3A_482, %mul3A_489 : i32
          %dma_wait3A = arith.constant 0 : i32
          %dma_wait3A_491 = tpu.memref_slice %arg5[%add3A_488, %dma_wait3A] : memref<2500x128xi32, #tpu.memory_space<hbm>> -> memref<1x128xi32, #tpu.memory_space<hbm>>
          %dma_wait3A_492 = tpu.memref_squeeze %dma_wait3A_491 : memref<1x128xi32, #tpu.memory_space<hbm>> -> memref<128xi32, #tpu.memory_space<hbm>>
          %dma_wait3A_493 = arith.constant 0 : i32
          %dma_wait3A_494 = tpu.memref_slice %arg5[%add3A_488, %dma_wait3A_493] : memref<2500x128xi32, #tpu.memory_space<hbm>> -> memref<1x128xi32, #tpu.memory_space<hbm>>
          %dma_wait3A_495 = tpu.memref_squeeze %dma_wait3A_494 : memref<1x128xi32, #tpu.memory_space<hbm>> -> memref<128xi32, #tpu.memory_space<hbm>>
          tpu.wait_dma2 semaphore(%arg25 : memref<!tpu.dma_semaphore, #tpu.memory_space<semaphore_mem>>) src(%dma_wait3A_495 : memref<128xi32, #tpu.memory_space<hbm>>) dst(%arg11 : memref<128xi32, #tpu.memory_space<vmem>>)
          %dma_wait3A_496 = arith.constant 0 : i32
          %dma_wait3A_497 = tpu.memref_slice %arg13[%dma_wait3A_496] : memref<592xf32, #tpu.memory_space<vmem>> -> memref<576xf32, #tpu.memory_space<vmem>>
          %dma_wait3A_498 = tpu.memref_slice %arg4[%mul3A_490] : memref<1440000xf32, #tpu.memory_space<hbm>> -> memref<576xf32, #tpu.memory_space<hbm>>
          %dma_wait3A_499 = arith.constant 0 : i32
          %dma_wait3A_500 = tpu.memref_slice %arg13[%dma_wait3A_499] : memref<592xf32, #tpu.memory_space<vmem>> -> memref<576xf32, #tpu.memory_space<vmem>>
          %dma_wait3A_501 = tpu.memref_slice %arg4[%mul3A_490] : memref<1440000xf32, #tpu.memory_space<hbm>> -> memref<576xf32, #tpu.memory_space<hbm>>
          tpu.wait_dma2 semaphore(%arg25 : memref<!tpu.dma_semaphore, #tpu.memory_space<semaphore_mem>>) src(%dma_wait3A_501 : memref<576xf32, #tpu.memory_space<hbm>>) dst(%dma_wait3A_500 : memref<576xf32, #tpu.memory_space<vmem>>)
          %dma_wait3A_502 = arith.constant 0 : i32
          %dma_wait3A_503 = tpu.memref_slice %arg3[%mul3A_482, %dma_wait3A_502] : memref<160000x384xf32, #tpu.memory_space<hbm>> -> memref<64x96xf32, #tpu.memory_space<hbm>>
          %dma_wait3A_504 = arith.constant 0 : i32
          %dma_wait3A_505 = tpu.memref_slice %arg3[%mul3A_482, %dma_wait3A_504] : memref<160000x384xf32, #tpu.memory_space<hbm>> -> memref<64x96xf32, #tpu.memory_space<hbm>>
          tpu.wait_dma2 semaphore(%arg25 : memref<!tpu.dma_semaphore, #tpu.memory_space<semaphore_mem>>) src(%dma_wait3A_505 : memref<64x96xf32, #tpu.memory_space<hbm>>) dst(%arg15 : memref<64x96xf32, #tpu.memory_space<vmem>>)
        } else {
        }
        %add3A_154 = arith.constant 1 : i32
        %add3A_155 = arith.addi %add3A_143, %add3A_154 : i32
        %mul3A_156 = arith.constant 16 : i32
        %mul3A_157 = arith.muli %mul3A_156, %add3A_155 : i32
        %add3A_158 = arith.addi %arg1, %mul3A_157 : i32
        %lt3A_159 = arith.constant 1250 : i32
        %lt3A_160 = arith.cmpi slt, %add3A_158, %lt3A_159 : i32
        %convert_element_type3A_161 = arith.extui %lt3A_160 : i1 to i32
        %cond3A_162 = arith.constant 0 : i32
        %cond3A_163 = arith.cmpi ne, %convert_element_type3A_161, %cond3A_162 : i32
        scf.if %cond3A_163 {
          %get3A = arith.constant 0 : index
          %get3A_475 = tpu.vector_load %arg11[%get3A] {strides = array<i32>} : memref<128xi32, #tpu.memory_space<vmem>>, vector<16xi32>,
          %swap3A = arith.constant 0 : index
          %swap3A_476 = tpu.vector_load %arg17[%swap3A] {strides = array<i32>} : memref<64xi32, #tpu.memory_space<vmem>>, vector<16xi32>,
          tpu.vector_store %arg17[%swap3A], %get3A_475 {strides = array<i32>} : memref<64xi32, #tpu.memory_space<vmem>>, vector<16xi32>,
          %get3A_477 = arith.constant 16 : index
          %get3A_478 = tpu.vector_load %arg11[%get3A_477] {strides = array<i32>} : memref<128xi32, #tpu.memory_space<vmem>>, vector<16xi32>,
          %swap3A_479 = arith.constant 16 : index
          %swap3A_480 = tpu.vector_load %arg17[%swap3A_479] {strides = array<i32>} : memref<64xi32, #tpu.memory_space<vmem>>, vector<16xi32>,
          tpu.vector_store %arg17[%swap3A_479], %get3A_478 {strides = array<i32>} : memref<64xi32, #tpu.memory_space<vmem>>, vector<16xi32>,
          %get3A_481 = arith.constant 32 : index
          %get3A_482 = tpu.vector_load %arg11[%get3A_481] {strides = array<i32>} : memref<128xi32, #tpu.memory_space<vmem>>, vector<16xi32>,
          %swap3A_483 = arith.constant 32 : index
          %swap3A_484 = tpu.vector_load %arg17[%swap3A_483] {strides = array<i32>} : memref<64xi32, #tpu.memory_space<vmem>>, vector<16xi32>,
          tpu.vector_store %arg17[%swap3A_483], %get3A_482 {strides = array<i32>} : memref<64xi32, #tpu.memory_space<vmem>>, vector<16xi32>,
          %get3A_485 = arith.constant 48 : index
          %get3A_486 = tpu.vector_load %arg11[%get3A_485] {strides = array<i32>} : memref<128xi32, #tpu.memory_space<vmem>>, vector<16xi32>,
          %swap3A_487 = arith.constant 48 : index
          %swap3A_488 = tpu.vector_load %arg17[%swap3A_487] {strides = array<i32>} : memref<64xi32, #tpu.memory_space<vmem>>, vector<16xi32>,
          tpu.vector_store %arg17[%swap3A_487], %get3A_486 {strides = array<i32>} : memref<64xi32, #tpu.memory_space<vmem>>, vector<16xi32>,
          %dma_start3A = arith.constant 0 : i32
          %dma_start3A_489 = arith.constant 0 : i32
          %dma_start3A_490 = tpu.memref_slice %arg9[%dma_start3A, %dma_start3A_489] : memref<10000x32xbf16, #tpu.memory_space<vmem_shared>> -> memref<10000x32xbf16, #tpu.memory_space<vmem_shared>>
          tpu.enqueue_indirect_dma source(%dma_start3A_490 : memref<10000x32xbf16, #tpu.memory_space<vmem_shared>>) target(%arg19 : memref<64x32xbf16, #tpu.memory_space<vmem>>) offsets(%arg17 : memref<64xi32, #tpu.memory_space<vmem>>) semaphore(%arg27 : memref<!tpu.dma_semaphore, #tpu.memory_space<semaphore_mem>>)
        } else {
        }
        %mul3A_164 = arith.constant 16 : i32
        %mul3A_165 = arith.muli %mul3A_164, %add3A_143 : i32
        %add3A_166 = arith.addi %arg1, %mul3A_165 : i32
        %lt3A_167 = arith.constant 1250 : i32
        %lt3A_168 = arith.cmpi slt, %add3A_166, %lt3A_167 : i32
        %convert_element_type3A_169 = arith.extui %lt3A_168 : i1 to i32
        %cond3A_170 = arith.constant 0 : i32
        %cond3A_171 = arith.cmpi ne, %convert_element_type3A_169, %cond3A_170 : i32
        scf.if %cond3A_171 {
          %dma_wait3A = arith.constant 0 : i32
          %dma_wait3A_475 = arith.constant 0 : i32
          %dma_wait3A_476 = tpu.memref_slice %arg9[%dma_wait3A, %dma_wait3A_475] : memref<10000x32xbf16, #tpu.memory_space<vmem_shared>> -> memref<10000x32xbf16, #tpu.memory_space<vmem_shared>>
          tpu.wait_indirect_dma semaphore(%arg26 : memref<!tpu.dma_semaphore, #tpu.memory_space<semaphore_mem>>) src(%dma_wait3A_476 : memref<10000x32xbf16, #tpu.memory_space<vmem_shared>>) dst(%arg18 : memref<64x32xbf16, #tpu.memory_space<vmem>>)
        } else {
        }
        %sub3A_172 = arith.constant 1 : i32
        %sub3A_173 = arith.subi %add3A_143, %sub3A_172 : i32
        %mul3A_174 = arith.constant 16 : i32
        %mul3A_175 = arith.muli %mul3A_174, %sub3A_173 : i32
        %add3A_176 = arith.addi %arg1, %mul3A_175 : i32
        %lt3A_177 = arith.constant 1250 : i32
        %lt3A_178 = arith.cmpi slt, %add3A_176, %lt3A_177 : i32
        %ge3A = arith.constant 0 : i32
        %ge3A_179 = arith.cmpi sge, %sub3A_173, %ge3A : i32
        %and3A_180 = arith.andi %lt3A_178, %ge3A_179 : i1
        %convert_element_type3A_181 = arith.extui %and3A_180 : i1 to i32
        %cond3A_182 = arith.constant 0 : i32
        %cond3A_183 = arith.cmpi ne, %convert_element_type3A_181, %cond3A_182 : i32
        scf.if %cond3A_183 {
          %dma_wait3A = arith.constant 0 : i32
          %dma_wait3A_475 = arith.constant 0 : i32
          %dma_wait3A_476 = arith.constant 0 : i32
          %dma_wait3A_477 = tpu.memref_slice %arg8[%dma_wait3A, %dma_wait3A_475, %dma_wait3A_476] : memref<10000x9x32xbf16, #tpu.memory_space<vmem_shared>> -> memref<10000x9x32xbf16, #tpu.memory_space<vmem_shared>>
          tpu.wait_indirect_dma semaphore(%arg28 : memref<!tpu.dma_semaphore, #tpu.memory_space<semaphore_mem>>) src(%arg22 : memref<32x9x32xbf16, #tpu.memory_space<vmem>>) dst(%dma_wait3A_477 : memref<10000x9x32xbf16, #tpu.memory_space<vmem_shared>>)
        } else {
        }
        %mul3A_184 = arith.constant 16 : i32
        %mul3A_185 = arith.muli %mul3A_184, %add3A_143 : i32
        %add3A_186 = arith.addi %arg1, %mul3A_185 : i32
        %lt3A_187 = arith.constant 1250 : i32
        %lt3A_188 = arith.cmpi slt, %add3A_186, %lt3A_187 : i32
        %convert_element_type3A_189 = arith.extui %lt3A_188 : i1 to i32
        %cond3A_190 = arith.constant 0 : i32
        %cond3A_191 = arith.cmpi ne, %convert_element_type3A_189, %cond3A_190 : i32
        scf.if %cond3A_191 {
          %get3A = arith.constant 64 : index
          %get3A_475 = tpu.vector_load %arg10[%get3A] {strides = array<i32>} : memref<128xi32, #tpu.memory_space<vmem>>, vector<16xi32>,
          %swap3A = arith.constant 0 : index
          %swap3A_476 = tpu.vector_load %arg20[%swap3A] {strides = array<i32>} : memref<32xi32, #tpu.memory_space<vmem>>, vector<16xi32>,
          tpu.vector_store %arg20[%swap3A], %get3A_475 {strides = array<i32>} : memref<32xi32, #tpu.memory_space<vmem>>, vector<16xi32>,
          %get3A_477 = arith.constant 80 : index
          %get3A_478 = tpu.vector_load %arg10[%get3A_477] {strides = array<i32>} : memref<128xi32, #tpu.memory_space<vmem>>, vector<16xi32>,
          %swap3A_479 = arith.constant 16 : index
          %swap3A_480 = tpu.vector_load %arg20[%swap3A_479] {strides = array<i32>} : memref<32xi32, #tpu.memory_space<vmem>>, vector<16xi32>,
          tpu.vector_store %arg20[%swap3A_479], %get3A_478 {strides = array<i32>} : memref<32xi32, #tpu.memory_space<vmem>>, vector<16xi32>,
          %parallel_loop3A = arith.constant 0 : i32
          %parallel_loop3A_481 = arith.constant 32 : i32
          %parallel_loop3A_482 = arith.constant 1 : i32
          scf.for %parallel_loop3A_486 = %parallel_loop3A to %parallel_loop3A_481 step %parallel_loop3A_482  : i32 {
            %parallel_loop3A_487 = arith.index_cast %parallel_loop3A_486 : i32 to index
            %parallel_loop3A_488 = arith.constant 0 : index
            %parallel_loop3A_489 = tpu.vector_load %arg18[%parallel_loop3A_487, %parallel_loop3A_488] {strides = array<i32>} : memref<64x32xbf16, #tpu.memory_space<vmem>>, vector<32xbf16>,
            %parallel_loop3A_490 = tpu.unpack_subelements %parallel_loop3A_489, 0 {pack_format = #tpu.pack_format<interleaved>} : vector<32xbf16> -> vector<16xf32>
            %parallel_loop3A_491 = tpu.unpack_subelements %parallel_loop3A_489, 1 {pack_format = #tpu.pack_format<interleaved>} : vector<32xbf16> -> vector<16xf32>
            %parallel_loop3A_492 = arith.constant 9 : i32
            %parallel_loop3A_493 = arith.muli %parallel_loop3A_486, %parallel_loop3A_492 : i32
            %parallel_loop3A_494 = arith.index_cast %parallel_loop3A_493 : i32 to index
            %parallel_loop3A_495 = tpu.vector_load %arg12[%parallel_loop3A_494] {strides = array<i32>} : memref<592xf32, #tpu.memory_space<vmem>>, vector<16xf32>,
            %parallel_loop3A_496 = arith.index_cast %parallel_loop3A_486 : i32 to index
            %parallel_loop3A_497 = arith.constant 0 : index
            %parallel_loop3A_498 = tpu.vector_load %arg14[%parallel_loop3A_496, %parallel_loop3A_497] {strides = array<i32>} : memref<64x96xf32, #tpu.memory_space<vmem>>, vector<16xf32>,
            %parallel_loop3A_499 = arith.mulf %parallel_loop3A_498, %parallel_loop3A_490 : vector<16xf32>
            %parallel_loop3A_500 = arith.index_cast %parallel_loop3A_486 : i32 to index
            %parallel_loop3A_501 = arith.constant 16 : index
            %parallel_loop3A_502 = tpu.vector_load %arg14[%parallel_loop3A_500, %parallel_loop3A_501] {strides = array<i32>} : memref<64x96xf32, #tpu.memory_space<vmem>>, vector<16xf32>,
            %parallel_loop3A_503 = arith.mulf %parallel_loop3A_502, %parallel_loop3A_491 : vector<16xf32>
            %parallel_loop3A_504 = arith.index_cast %parallel_loop3A_486 : i32 to index
            %parallel_loop3A_505 = arith.constant 32 : index
            %parallel_loop3A_506 = tpu.vector_load %arg14[%parallel_loop3A_504, %parallel_loop3A_505] {strides = array<i32>} : memref<64x96xf32, #tpu.memory_space<vmem>>, vector<16xf32>,
            %parallel_loop3A_507 = arith.mulf %parallel_loop3A_506, %parallel_loop3A_490 : vector<16xf32>
            %parallel_loop3A_508 = arith.index_cast %parallel_loop3A_486 : i32 to index
            %parallel_loop3A_509 = arith.constant 48 : index
            %parallel_loop3A_510 = tpu.vector_load %arg14[%parallel_loop3A_508, %parallel_loop3A_509] {strides = array<i32>} : memref<64x96xf32, #tpu.memory_space<vmem>>, vector<16xf32>,
            %parallel_loop3A_511 = arith.mulf %parallel_loop3A_510, %parallel_loop3A_491 : vector<16xf32>
            %parallel_loop3A_512 = arith.index_cast %parallel_loop3A_486 : i32 to index
            %parallel_loop3A_513 = arith.constant 64 : index
            %parallel_loop3A_514 = tpu.vector_load %arg14[%parallel_loop3A_512, %parallel_loop3A_513] {strides = array<i32>} : memref<64x96xf32, #tpu.memory_space<vmem>>, vector<16xf32>,
            %parallel_loop3A_515 = arith.mulf %parallel_loop3A_514, %parallel_loop3A_490 : vector<16xf32>
            %parallel_loop3A_516 = arith.index_cast %parallel_loop3A_486 : i32 to index
            %parallel_loop3A_517 = arith.constant 80 : index
            %parallel_loop3A_518 = tpu.vector_load %arg14[%parallel_loop3A_516, %parallel_loop3A_517] {strides = array<i32>} : memref<64x96xf32, #tpu.memory_space<vmem>>, vector<16xf32>,
            %parallel_loop3A_519 = arith.mulf %parallel_loop3A_518, %parallel_loop3A_491 : vector<16xf32>
            %parallel_loop3A_520 = vector.extract_strided_slice %parallel_loop3A_495 {offsets = [0], sizes = [1], strides = [1]} : vector<16xf32> to vector<1xf32>
            %parallel_loop3A_521 = vector.extract %parallel_loop3A_520[0] : f32 from vector<1xf32>
            %parallel_loop3A_522 = vector.broadcast %parallel_loop3A_521 : f32 to vector<16xf32>
            %parallel_loop3A_523 = arith.mulf %parallel_loop3A_522, %parallel_loop3A_499 : vector<16xf32>
            %parallel_loop3A_524 = vector.extract_strided_slice %parallel_loop3A_495 {offsets = [0], sizes = [1], strides = [1]} : vector<16xf32> to vector<1xf32>
            %parallel_loop3A_525 = vector.extract %parallel_loop3A_524[0] : f32 from vector<1xf32>
            %parallel_loop3A_526 = vector.broadcast %parallel_loop3A_525 : f32 to vector<16xf32>
            %parallel_loop3A_527 = arith.mulf %parallel_loop3A_526, %parallel_loop3A_503 : vector<16xf32>
            %parallel_loop3A_528 = tpu.pack_subelements %parallel_loop3A_523, %parallel_loop3A_527 {pack_format = #tpu.pack_format<interleaved>, positions = array<i32: 0, 1>} : vector<16xf32>, vector<16xf32> -> vector<32xbf16>
            %parallel_loop3A_529 = arith.constant 0 : i32
            %parallel_loop3A_530 = arith.subi %parallel_loop3A_486, %parallel_loop3A_529 : i32
            %parallel_loop3A_531 = arith.constant 0 : i32
            %parallel_loop3A_532 = arith.index_cast %parallel_loop3A_530 : i32 to index
            %parallel_loop3A_533 = arith.index_cast %parallel_loop3A_531 : i32 to index
            %parallel_loop3A_534 = arith.constant 0 : index
            %parallel_loop3A_535 = tpu.vector_load %arg22[%parallel_loop3A_532, %parallel_loop3A_533, %parallel_loop3A_534] {strides = array<i32>} : memref<32x9x32xbf16, #tpu.memory_space<vmem>>, vector<32xbf16>,
            tpu.vector_store %arg22[%parallel_loop3A_532, %parallel_loop3A_533, %parallel_loop3A_534], %parallel_loop3A_528 {strides = array<i32>} : memref<32x9x32xbf16, #tpu.memory_space<vmem>>, vector<32xbf16>,
            %parallel_loop3A_536 = vector.extract_strided_slice %parallel_loop3A_495 {offsets = [1], sizes = [1], strides = [1]} : vector<16xf32> to vector<1xf32>
            %parallel_loop3A_537 = vector.extract %parallel_loop3A_536[0] : f32 from vector<1xf32>
            %parallel_loop3A_538 = vector.broadcast %parallel_loop3A_537 : f32 to vector<16xf32>
            %parallel_loop3A_539 = arith.mulf %parallel_loop3A_538, %parallel_loop3A_507 : vector<16xf32>
            %parallel_loop3A_540 = vector.extract_strided_slice %parallel_loop3A_495 {offsets = [1], sizes = [1], strides = [1]} : vector<16xf32> to vector<1xf32>
            %parallel_loop3A_541 = vector.extract %parallel_loop3A_540[0] : f32 from vector<1xf32>
            %parallel_loop3A_542 = vector.broadcast %parallel_loop3A_541 : f32 to vector<16xf32>
            %parallel_loop3A_543 = arith.mulf %parallel_loop3A_542, %parallel_loop3A_511 : vector<16xf32>
            %parallel_loop3A_544 = tpu.pack_subelements %parallel_loop3A_539, %parallel_loop3A_543 {pack_format = #tpu.pack_format<interleaved>, positions = array<i32: 0, 1>} : vector<16xf32>, vector<16xf32> -> vector<32xbf16>
            %parallel_loop3A_545 = arith.constant 0 : i32
            %parallel_loop3A_546 = arith.subi %parallel_loop3A_486, %parallel_loop3A_545 : i32
            %parallel_loop3A_547 = arith.constant 1 : i32
            %parallel_loop3A_548 = arith.index_cast %parallel_loop3A_546 : i32 to index
            %parallel_loop3A_549 = arith.index_cast %parallel_loop3A_547 : i32 to index
            %parallel_loop3A_550 = arith.constant 0 : index
            %parallel_loop3A_551 = tpu.vector_load %arg22[%parallel_loop3A_548, %parallel_loop3A_549, %parallel_loop3A_550] {strides = array<i32>} : memref<32x9x32xbf16, #tpu.memory_space<vmem>>, vector<32xbf16>,
            tpu.vector_store %arg22[%parallel_loop3A_548, %parallel_loop3A_549, %parallel_loop3A_550], %parallel_loop3A_544 {strides = array<i32>} : memref<32x9x32xbf16, #tpu.memory_space<vmem>>, vector<32xbf16>,
            %parallel_loop3A_552 = vector.extract_strided_slice %parallel_loop3A_495 {offsets = [2], sizes = [1], strides = [1]} : vector<16xf32> to vector<1xf32>
            %parallel_loop3A_553 = vector.extract %parallel_loop3A_552[0] : f32 from vector<1xf32>
            %parallel_loop3A_554 = vector.broadcast %parallel_loop3A_553 : f32 to vector<16xf32>
            %parallel_loop3A_555 = arith.mulf %parallel_loop3A_554, %parallel_loop3A_507 : vector<16xf32>
            %parallel_loop3A_556 = vector.extract_strided_slice %parallel_loop3A_495 {offsets = [2], sizes = [1], strides = [1]} : vector<16xf32> to vector<1xf32>
            %parallel_loop3A_557 = vector.extract %parallel_loop3A_556[0] : f32 from vector<1xf32>
            %parallel_loop3A_558 = vector.broadcast %parallel_loop3A_557 : f32 to vector<16xf32>
            %parallel_loop3A_559 = arith.mulf %parallel_loop3A_558, %parallel_loop3A_511 : vector<16xf32>
            %parallel_loop3A_560 = tpu.pack_subelements %parallel_loop3A_555, %parallel_loop3A_559 {pack_format = #tpu.pack_format<interleaved>, positions = array<i32: 0, 1>} : vector<16xf32>, vector<16xf32> -> vector<32xbf16>
            %parallel_loop3A_561 = arith.constant 0 : i32
            %parallel_loop3A_562 = arith.subi %parallel_loop3A_486, %parallel_loop3A_561 : i32
            %parallel_loop3A_563 = arith.constant 2 : i32
            %parallel_loop3A_564 = arith.index_cast %parallel_loop3A_562 : i32 to index
            %parallel_loop3A_565 = arith.index_cast %parallel_loop3A_563 : i32 to index
            %parallel_loop3A_566 = arith.constant 0 : index
            %parallel_loop3A_567 = tpu.vector_load %arg22[%parallel_loop3A_564, %parallel_loop3A_565, %parallel_loop3A_566] {strides = array<i32>} : memref<32x9x32xbf16, #tpu.memory_space<vmem>>, vector<32xbf16>,
            tpu.vector_store %arg22[%parallel_loop3A_564, %parallel_loop3A_565, %parallel_loop3A_566], %parallel_loop3A_560 {strides = array<i32>} : memref<32x9x32xbf16, #tpu.memory_space<vmem>>, vector<32xbf16>,
            %parallel_loop3A_568 = vector.extract_strided_slice %parallel_loop3A_495 {offsets = [3], sizes = [1], strides = [1]} : vector<16xf32> to vector<1xf32>
            %parallel_loop3A_569 = vector.extract %parallel_loop3A_568[0] : f32 from vector<1xf32>
            %parallel_loop3A_570 = vector.broadcast %parallel_loop3A_569 : f32 to vector<16xf32>
            %parallel_loop3A_571 = arith.mulf %parallel_loop3A_570, %parallel_loop3A_507 : vector<16xf32>
            %parallel_loop3A_572 = vector.extract_strided_slice %parallel_loop3A_495 {offsets = [3], sizes = [1], strides = [1]} : vector<16xf32> to vector<1xf32>
            %parallel_loop3A_573 = vector.extract %parallel_loop3A_572[0] : f32 from vector<1xf32>
            %parallel_loop3A_574 = vector.broadcast %parallel_loop3A_573 : f32 to vector<16xf32>
            %parallel_loop3A_575 = arith.mulf %parallel_loop3A_574, %parallel_loop3A_511 : vector<16xf32>
            %parallel_loop3A_576 = tpu.pack_subelements %parallel_loop3A_571, %parallel_loop3A_575 {pack_format = #tpu.pack_format<interleaved>, positions = array<i32: 0, 1>} : vector<16xf32>, vector<16xf32> -> vector<32xbf16>
            %parallel_loop3A_577 = arith.constant 0 : i32
            %parallel_loop3A_578 = arith.subi %parallel_loop3A_486, %parallel_loop3A_577 : i32
            %parallel_loop3A_579 = arith.constant 3 : i32
            %parallel_loop3A_580 = arith.index_cast %parallel_loop3A_578 : i32 to index
            %parallel_loop3A_581 = arith.index_cast %parallel_loop3A_579 : i32 to index
            %parallel_loop3A_582 = arith.constant 0 : index
            %parallel_loop3A_583 = tpu.vector_load %arg22[%parallel_loop3A_580, %parallel_loop3A_581, %parallel_loop3A_582] {strides = array<i32>} : memref<32x9x32xbf16, #tpu.memory_space<vmem>>, vector<32xbf16>,
            tpu.vector_store %arg22[%parallel_loop3A_580, %parallel_loop3A_581, %parallel_loop3A_582], %parallel_loop3A_576 {strides = array<i32>} : memref<32x9x32xbf16, #tpu.memory_space<vmem>>, vector<32xbf16>,
            %parallel_loop3A_584 = vector.extract_strided_slice %parallel_loop3A_495 {offsets = [4], sizes = [1], strides = [1]} : vector<16xf32> to vector<1xf32>
            %parallel_loop3A_585 = vector.extract %parallel_loop3A_584[0] : f32 from vector<1xf32>
            %parallel_loop3A_586 = vector.broadcast %parallel_loop3A_585 : f32 to vector<16xf32>
            %parallel_loop3A_587 = arith.mulf %parallel_loop3A_586, %parallel_loop3A_515 : vector<16xf32>
            %parallel_loop3A_588 = vector.extract_strided_slice %parallel_loop3A_495 {offsets = [4], sizes = [1], strides = [1]} : vector<16xf32> to vector<1xf32>
            %parallel_loop3A_589 = vector.extract %parallel_loop3A_588[0] : f32 from vector<1xf32>
            %parallel_loop3A_590 = vector.broadcast %parallel_loop3A_589 : f32 to vector<16xf32>
            %parallel_loop3A_591 = arith.mulf %parallel_loop3A_590, %parallel_loop3A_519 : vector<16xf32>
            %parallel_loop3A_592 = tpu.pack_subelements %parallel_loop3A_587, %parallel_loop3A_591 {pack_format = #tpu.pack_format<interleaved>, positions = array<i32: 0, 1>} : vector<16xf32>, vector<16xf32> -> vector<32xbf16>
            %parallel_loop3A_593 = arith.constant 0 : i32
            %parallel_loop3A_594 = arith.subi %parallel_loop3A_486, %parallel_loop3A_593 : i32
            %parallel_loop3A_595 = arith.constant 4 : i32
            %parallel_loop3A_596 = arith.index_cast %parallel_loop3A_594 : i32 to index
            %parallel_loop3A_597 = arith.index_cast %parallel_loop3A_595 : i32 to index
            %parallel_loop3A_598 = arith.constant 0 : index
            %parallel_loop3A_599 = tpu.vector_load %arg22[%parallel_loop3A_596, %parallel_loop3A_597, %parallel_loop3A_598] {strides = array<i32>} : memref<32x9x32xbf16, #tpu.memory_space<vmem>>, vector<32xbf16>,
            tpu.vector_store %arg22[%parallel_loop3A_596, %parallel_loop3A_597, %parallel_loop3A_598], %parallel_loop3A_592 {strides = array<i32>} : memref<32x9x32xbf16, #tpu.memory_space<vmem>>, vector<32xbf16>,
            %parallel_loop3A_600 = vector.extract_strided_slice %parallel_loop3A_495 {offsets = [5], sizes = [1], strides = [1]} : vector<16xf32> to vector<1xf32>
            %parallel_loop3A_601 = vector.extract %parallel_loop3A_600[0] : f32 from vector<1xf32>
            %parallel_loop3A_602 = vector.broadcast %parallel_loop3A_601 : f32 to vector<16xf32>
            %parallel_loop3A_603 = arith.mulf %parallel_loop3A_602, %parallel_loop3A_515 : vector<16xf32>
            %parallel_loop3A_604 = vector.extract_strided_slice %parallel_loop3A_495 {offsets = [5], sizes = [1], strides = [1]} : vector<16xf32> to vector<1xf32>
            %parallel_loop3A_605 = vector.extract %parallel_loop3A_604[0] : f32 from vector<1xf32>
            %parallel_loop3A_606 = vector.broadcast %parallel_loop3A_605 : f32 to vector<16xf32>
            %parallel_loop3A_607 = arith.mulf %parallel_loop3A_606, %parallel_loop3A_519 : vector<16xf32>
            %parallel_loop3A_608 = tpu.pack_subelements %parallel_loop3A_603, %parallel_loop3A_607 {pack_format = #tpu.pack_format<interleaved>, positions = array<i32: 0, 1>} : vector<16xf32>, vector<16xf32> -> vector<32xbf16>
            %parallel_loop3A_609 = arith.constant 0 : i32
            %parallel_loop3A_610 = arith.subi %parallel_loop3A_486, %parallel_loop3A_609 : i32
            %parallel_loop3A_611 = arith.constant 5 : i32
            %parallel_loop3A_612 = arith.index_cast %parallel_loop3A_610 : i32 to index
            %parallel_loop3A_613 = arith.index_cast %parallel_loop3A_611 : i32 to index
            %parallel_loop3A_614 = arith.constant 0 : index
            %parallel_loop3A_615 = tpu.vector_load %arg22[%parallel_loop3A_612, %parallel_loop3A_613, %parallel_loop3A_614] {strides = array<i32>} : memref<32x9x32xbf16, #tpu.memory_space<vmem>>, vector<32xbf16>,
            tpu.vector_store %arg22[%parallel_loop3A_612, %parallel_loop3A_613, %parallel_loop3A_614], %parallel_loop3A_608 {strides = array<i32>} : memref<32x9x32xbf16, #tpu.memory_space<vmem>>, vector<32xbf16>,
            %parallel_loop3A_616 = vector.extract_strided_slice %parallel_loop3A_495 {offsets = [6], sizes = [1], strides = [1]} : vector<16xf32> to vector<1xf32>
            %parallel_loop3A_617 = vector.extract %parallel_loop3A_616[0] : f32 from vector<1xf32>
            %parallel_loop3A_618 = vector.broadcast %parallel_loop3A_617 : f32 to vector<16xf32>
            %parallel_loop3A_619 = arith.mulf %parallel_loop3A_618, %parallel_loop3A_515 : vector<16xf32>
            %parallel_loop3A_620 = vector.extract_strided_slice %parallel_loop3A_495 {offsets = [6], sizes = [1], strides = [1]} : vector<16xf32> to vector<1xf32>
            %parallel_loop3A_621 = vector.extract %parallel_loop3A_620[0] : f32 from vector<1xf32>
            %parallel_loop3A_622 = vector.broadcast %parallel_loop3A_621 : f32 to vector<16xf32>
            %parallel_loop3A_623 = arith.mulf %parallel_loop3A_622, %parallel_loop3A_519 : vector<16xf32>
            %parallel_loop3A_624 = tpu.pack_subelements %parallel_loop3A_619, %parallel_loop3A_623 {pack_format = #tpu.pack_format<interleaved>, positions = array<i32: 0, 1>} : vector<16xf32>, vector<16xf32> -> vector<32xbf16>
            %parallel_loop3A_625 = arith.constant 0 : i32
            %parallel_loop3A_626 = arith.subi %parallel_loop3A_486, %parallel_loop3A_625 : i32
            %parallel_loop3A_627 = arith.constant 6 : i32
            %parallel_loop3A_628 = arith.index_cast %parallel_loop3A_626 : i32 to index
            %parallel_loop3A_629 = arith.index_cast %parallel_loop3A_627 : i32 to index
            %parallel_loop3A_630 = arith.constant 0 : index
            %parallel_loop3A_631 = tpu.vector_load %arg22[%parallel_loop3A_628, %parallel_loop3A_629, %parallel_loop3A_630] {strides = array<i32>} : memref<32x9x32xbf16, #tpu.memory_space<vmem>>, vector<32xbf16>,
            tpu.vector_store %arg22[%parallel_loop3A_628, %parallel_loop3A_629, %parallel_loop3A_630], %parallel_loop3A_624 {strides = array<i32>} : memref<32x9x32xbf16, #tpu.memory_space<vmem>>, vector<32xbf16>,
            %parallel_loop3A_632 = vector.extract_strided_slice %parallel_loop3A_495 {offsets = [7], sizes = [1], strides = [1]} : vector<16xf32> to vector<1xf32>
            %parallel_loop3A_633 = vector.extract %parallel_loop3A_632[0] : f32 from vector<1xf32>
            %parallel_loop3A_634 = vector.broadcast %parallel_loop3A_633 : f32 to vector<16xf32>
            %parallel_loop3A_635 = arith.mulf %parallel_loop3A_634, %parallel_loop3A_515 : vector<16xf32>
            %parallel_loop3A_636 = vector.extract_strided_slice %parallel_loop3A_495 {offsets = [7], sizes = [1], strides = [1]} : vector<16xf32> to vector<1xf32>
            %parallel_loop3A_637 = vector.extract %parallel_loop3A_636[0] : f32 from vector<1xf32>
            %parallel_loop3A_638 = vector.broadcast %parallel_loop3A_637 : f32 to vector<16xf32>
            %parallel_loop3A_639 = arith.mulf %parallel_loop3A_638, %parallel_loop3A_519 : vector<16xf32>
            %parallel_loop3A_640 = tpu.pack_subelements %parallel_loop3A_635, %parallel_loop3A_639 {pack_format = #tpu.pack_format<interleaved>, positions = array<i32: 0, 1>} : vector<16xf32>, vector<16xf32> -> vector<32xbf16>
            %parallel_loop3A_641 = arith.constant 0 : i32
            %parallel_loop3A_642 = arith.subi %parallel_loop3A_486, %parallel_loop3A_641 : i32
            %parallel_loop3A_643 = arith.constant 7 : i32
            %parallel_loop3A_644 = arith.index_cast %parallel_loop3A_642 : i32 to index
            %parallel_loop3A_645 = arith.index_cast %parallel_loop3A_643 : i32 to index
            %parallel_loop3A_646 = arith.constant 0 : index
            %parallel_loop3A_647 = tpu.vector_load %arg22[%parallel_loop3A_644, %parallel_loop3A_645, %parallel_loop3A_646] {strides = array<i32>} : memref<32x9x32xbf16, #tpu.memory_space<vmem>>, vector<32xbf16>,
            tpu.vector_store %arg22[%parallel_loop3A_644, %parallel_loop3A_645, %parallel_loop3A_646], %parallel_loop3A_640 {strides = array<i32>} : memref<32x9x32xbf16, #tpu.memory_space<vmem>>, vector<32xbf16>,
            %parallel_loop3A_648 = vector.extract_strided_slice %parallel_loop3A_495 {offsets = [8], sizes = [1], strides = [1]} : vector<16xf32> to vector<1xf32>
            %parallel_loop3A_649 = vector.extract %parallel_loop3A_648[0] : f32 from vector<1xf32>
            %parallel_loop3A_650 = vector.broadcast %parallel_loop3A_649 : f32 to vector<16xf32>
            %parallel_loop3A_651 = arith.mulf %parallel_loop3A_650, %parallel_loop3A_515 : vector<16xf32>
            %parallel_loop3A_652 = vector.extract_strided_slice %parallel_loop3A_495 {offsets = [8], sizes = [1], strides = [1]} : vector<16xf32> to vector<1xf32>
            %parallel_loop3A_653 = vector.extract %parallel_loop3A_652[0] : f32 from vector<1xf32>
            %parallel_loop3A_654 = vector.broadcast %parallel_loop3A_653 : f32 to vector<16xf32>
            %parallel_loop3A_655 = arith.mulf %parallel_loop3A_654, %parallel_loop3A_519 : vector<16xf32>
            %parallel_loop3A_656 = tpu.pack_subelements %parallel_loop3A_651, %parallel_loop3A_655 {pack_format = #tpu.pack_format<interleaved>, positions = array<i32: 0, 1>} : vector<16xf32>, vector<16xf32> -> vector<32xbf16>
            %parallel_loop3A_657 = arith.constant 0 : i32
            %parallel_loop3A_658 = arith.subi %parallel_loop3A_486, %parallel_loop3A_657 : i32
            %parallel_loop3A_659 = arith.constant 8 : i32
            %parallel_loop3A_660 = arith.index_cast %parallel_loop3A_658 : i32 to index
            %parallel_loop3A_661 = arith.index_cast %parallel_loop3A_659 : i32 to index
            %parallel_loop3A_662 = arith.constant 0 : index
            %parallel_loop3A_663 = tpu.vector_load %arg22[%parallel_loop3A_660, %parallel_loop3A_661, %parallel_loop3A_662] {strides = array<i32>} : memref<32x9x32xbf16, #tpu.memory_space<vmem>>, vector<32xbf16>,
            tpu.vector_store %arg22[%parallel_loop3A_660, %parallel_loop3A_661, %parallel_loop3A_662], %parallel_loop3A_656 {strides = array<i32>} : memref<32x9x32xbf16, #tpu.memory_space<vmem>>, vector<32xbf16>,
          } {sc.loop_unroll_factor = 2 : i64, sc.parallel_access}
          %dma_start3A = arith.constant 0 : i32
          %dma_start3A_483 = arith.constant 0 : i32
          %dma_start3A_484 = arith.constant 0 : i32
          %dma_start3A_485 = tpu.memref_slice %arg8[%dma_start3A, %dma_start3A_483, %dma_start3A_484] : memref<10000x9x32xbf16, #tpu.memory_space<vmem_shared>> -> memref<10000x9x32xbf16, #tpu.memory_space<vmem_shared>>
          tpu.enqueue_indirect_dma source(%arg22 : memref<32x9x32xbf16, #tpu.memory_space<vmem>>) target(%dma_start3A_485 : memref<10000x9x32xbf16, #tpu.memory_space<vmem_shared>>) offsets(%arg20 : memref<32xi32, #tpu.memory_space<vmem>>) semaphore(%arg28 : memref<!tpu.dma_semaphore, #tpu.memory_space<semaphore_mem>>) {add = true}
        } else {
        }
        %sub3A_192 = arith.constant 1 : i32
        %sub3A_193 = arith.subi %add3A_143, %sub3A_192 : i32
        %mul3A_194 = arith.constant 16 : i32
        %mul3A_195 = arith.muli %mul3A_194, %sub3A_193 : i32
        %add3A_196 = arith.addi %arg1, %mul3A_195 : i32
        %lt3A_197 = arith.constant 1250 : i32
        %lt3A_198 = arith.cmpi slt, %add3A_196, %lt3A_197 : i32
        %ge3A_199 = arith.constant 0 : i32
        %ge3A_200 = arith.cmpi sge, %sub3A_193, %ge3A_199 : i32
        %and3A_201 = arith.andi %lt3A_198, %ge3A_200 : i1
        %convert_element_type3A_202 = arith.extui %and3A_201 : i1 to i32
        %cond3A_203 = arith.constant 0 : i32
        %cond3A_204 = arith.cmpi ne, %convert_element_type3A_202, %cond3A_203 : i32
        scf.if %cond3A_204 {
          %dma_wait3A = arith.constant 0 : i32
          %dma_wait3A_475 = arith.constant 0 : i32
          %dma_wait3A_476 = arith.constant 0 : i32
          %dma_wait3A_477 = tpu.memref_slice %arg8[%dma_wait3A, %dma_wait3A_475, %dma_wait3A_476] : memref<10000x9x32xbf16, #tpu.memory_space<vmem_shared>> -> memref<10000x9x32xbf16, #tpu.memory_space<vmem_shared>>
          tpu.wait_indirect_dma semaphore(%arg29 : memref<!tpu.dma_semaphore, #tpu.memory_space<semaphore_mem>>) src(%arg23 : memref<32x9x32xbf16, #tpu.memory_space<vmem>>) dst(%dma_wait3A_477 : memref<10000x9x32xbf16, #tpu.memory_space<vmem_shared>>)
        } else {
        }
        %mul3A_205 = arith.constant 16 : i32
        %mul3A_206 = arith.muli %mul3A_205, %add3A_143 : i32
        %add3A_207 = arith.addi %arg1, %mul3A_206 : i32
        %lt3A_208 = arith.constant 1250 : i32
        %lt3A_209 = arith.cmpi slt, %add3A_207, %lt3A_208 : i32
        %convert_element_type3A_210 = arith.extui %lt3A_209 : i1 to i32
        %cond3A_211 = arith.constant 0 : i32
        %cond3A_212 = arith.cmpi ne, %convert_element_type3A_210, %cond3A_211 : i32
        scf.if %cond3A_212 {
          %get3A = arith.constant 96 : index
          %get3A_475 = tpu.vector_load %arg10[%get3A] {strides = array<i32>} : memref<128xi32, #tpu.memory_space<vmem>>, vector<16xi32>,
          %swap3A = arith.constant 0 : index
          %swap3A_476 = tpu.vector_load %arg21[%swap3A] {strides = array<i32>} : memref<32xi32, #tpu.memory_space<vmem>>, vector<16xi32>,
          tpu.vector_store %arg21[%swap3A], %get3A_475 {strides = array<i32>} : memref<32xi32, #tpu.memory_space<vmem>>, vector<16xi32>,
          %get3A_477 = arith.constant 112 : index
          %get3A_478 = tpu.vector_load %arg10[%get3A_477] {strides = array<i32>} : memref<128xi32, #tpu.memory_space<vmem>>, vector<16xi32>,
          %swap3A_479 = arith.constant 16 : index
          %swap3A_480 = tpu.vector_load %arg21[%swap3A_479] {strides = array<i32>} : memref<32xi32, #tpu.memory_space<vmem>>, vector<16xi32>,
          tpu.vector_store %arg21[%swap3A_479], %get3A_478 {strides = array<i32>} : memref<32xi32, #tpu.memory_space<vmem>>, vector<16xi32>,
          %parallel_loop3A = arith.constant 32 : i32
          %parallel_loop3A_481 = arith.constant 64 : i32
          %parallel_loop3A_482 = arith.constant 1 : i32
          scf.for %parallel_loop3A_486 = %parallel_loop3A to %parallel_loop3A_481 step %parallel_loop3A_482  : i32 {
            %parallel_loop3A_487 = arith.index_cast %parallel_loop3A_486 : i32 to index
            %parallel_loop3A_488 = arith.constant 0 : index
            %parallel_loop3A_489 = tpu.vector_load %arg18[%parallel_loop3A_487, %parallel_loop3A_488] {strides = array<i32>} : memref<64x32xbf16, #tpu.memory_space<vmem>>, vector<32xbf16>,
            %parallel_loop3A_490 = tpu.unpack_subelements %parallel_loop3A_489, 0 {pack_format = #tpu.pack_format<interleaved>} : vector<32xbf16> -> vector<16xf32>
            %parallel_loop3A_491 = tpu.unpack_subelements %parallel_loop3A_489, 1 {pack_format = #tpu.pack_format<interleaved>} : vector<32xbf16> -> vector<16xf32>
            %parallel_loop3A_492 = arith.constant 9 : i32
            %parallel_loop3A_493 = arith.muli %parallel_loop3A_486, %parallel_loop3A_492 : i32
            %parallel_loop3A_494 = arith.index_cast %parallel_loop3A_493 : i32 to index
            %parallel_loop3A_495 = tpu.vector_load %arg12[%parallel_loop3A_494] {strides = array<i32>} : memref<592xf32, #tpu.memory_space<vmem>>, vector<16xf32>,
            %parallel_loop3A_496 = arith.index_cast %parallel_loop3A_486 : i32 to index
            %parallel_loop3A_497 = arith.constant 0 : index
            %parallel_loop3A_498 = tpu.vector_load %arg14[%parallel_loop3A_496, %parallel_loop3A_497] {strides = array<i32>} : memref<64x96xf32, #tpu.memory_space<vmem>>, vector<16xf32>,
            %parallel_loop3A_499 = arith.mulf %parallel_loop3A_498, %parallel_loop3A_490 : vector<16xf32>
            %parallel_loop3A_500 = arith.index_cast %parallel_loop3A_486 : i32 to index
            %parallel_loop3A_501 = arith.constant 16 : index
            %parallel_loop3A_502 = tpu.vector_load %arg14[%parallel_loop3A_500, %parallel_loop3A_501] {strides = array<i32>} : memref<64x96xf32, #tpu.memory_space<vmem>>, vector<16xf32>,
            %parallel_loop3A_503 = arith.mulf %parallel_loop3A_502, %parallel_loop3A_491 : vector<16xf32>
            %parallel_loop3A_504 = arith.index_cast %parallel_loop3A_486 : i32 to index
            %parallel_loop3A_505 = arith.constant 32 : index
            %parallel_loop3A_506 = tpu.vector_load %arg14[%parallel_loop3A_504, %parallel_loop3A_505] {strides = array<i32>} : memref<64x96xf32, #tpu.memory_space<vmem>>, vector<16xf32>,
            %parallel_loop3A_507 = arith.mulf %parallel_loop3A_506, %parallel_loop3A_490 : vector<16xf32>
            %parallel_loop3A_508 = arith.index_cast %parallel_loop3A_486 : i32 to index
            %parallel_loop3A_509 = arith.constant 48 : index
            %parallel_loop3A_510 = tpu.vector_load %arg14[%parallel_loop3A_508, %parallel_loop3A_509] {strides = array<i32>} : memref<64x96xf32, #tpu.memory_space<vmem>>, vector<16xf32>,
            %parallel_loop3A_511 = arith.mulf %parallel_loop3A_510, %parallel_loop3A_491 : vector<16xf32>
            %parallel_loop3A_512 = arith.index_cast %parallel_loop3A_486 : i32 to index
            %parallel_loop3A_513 = arith.constant 64 : index
            %parallel_loop3A_514 = tpu.vector_load %arg14[%parallel_loop3A_512, %parallel_loop3A_513] {strides = array<i32>} : memref<64x96xf32, #tpu.memory_space<vmem>>, vector<16xf32>,
            %parallel_loop3A_515 = arith.mulf %parallel_loop3A_514, %parallel_loop3A_490 : vector<16xf32>
            %parallel_loop3A_516 = arith.index_cast %parallel_loop3A_486 : i32 to index
            %parallel_loop3A_517 = arith.constant 80 : index
            %parallel_loop3A_518 = tpu.vector_load %arg14[%parallel_loop3A_516, %parallel_loop3A_517] {strides = array<i32>} : memref<64x96xf32, #tpu.memory_space<vmem>>, vector<16xf32>,
            %parallel_loop3A_519 = arith.mulf %parallel_loop3A_518, %parallel_loop3A_491 : vector<16xf32>
            %parallel_loop3A_520 = vector.extract_strided_slice %parallel_loop3A_495 {offsets = [0], sizes = [1], strides = [1]} : vector<16xf32> to vector<1xf32>
            %parallel_loop3A_521 = vector.extract %parallel_loop3A_520[0] : f32 from vector<1xf32>
            %parallel_loop3A_522 = vector.broadcast %parallel_loop3A_521 : f32 to vector<16xf32>
            %parallel_loop3A_523 = arith.mulf %parallel_loop3A_522, %parallel_loop3A_499 : vector<16xf32>
            %parallel_loop3A_524 = vector.extract_strided_slice %parallel_loop3A_495 {offsets = [0], sizes = [1], strides = [1]} : vector<16xf32> to vector<1xf32>
            %parallel_loop3A_525 = vector.extract %parallel_loop3A_524[0] : f32 from vector<1xf32>
            %parallel_loop3A_526 = vector.broadcast %parallel_loop3A_525 : f32 to vector<16xf32>
            %parallel_loop3A_527 = arith.mulf %parallel_loop3A_526, %parallel_loop3A_503 : vector<16xf32>
            %parallel_loop3A_528 = tpu.pack_subelements %parallel_loop3A_523, %parallel_loop3A_527 {pack_format = #tpu.pack_format<interleaved>, positions = array<i32: 0, 1>} : vector<16xf32>, vector<16xf32> -> vector<32xbf16>
            %parallel_loop3A_529 = arith.constant 32 : i32
            %parallel_loop3A_530 = arith.subi %parallel_loop3A_486, %parallel_loop3A_529 : i32
            %parallel_loop3A_531 = arith.constant 0 : i32
            %parallel_loop3A_532 = arith.index_cast %parallel_loop3A_530 : i32 to index
            %parallel_loop3A_533 = arith.index_cast %parallel_loop3A_531 : i32 to index
            %parallel_loop3A_534 = arith.constant 0 : index
            %parallel_loop3A_535 = tpu.vector_load %arg23[%parallel_loop3A_532, %parallel_loop3A_533, %parallel_loop3A_534] {strides = array<i32>} : memref<32x9x32xbf16, #tpu.memory_space<vmem>>, vector<32xbf16>,
            tpu.vector_store %arg23[%parallel_loop3A_532, %parallel_loop3A_533, %parallel_loop3A_534], %parallel_loop3A_528 {strides = array<i32>} : memref<32x9x32xbf16, #tpu.memory_space<vmem>>, vector<32xbf16>,
            %parallel_loop3A_536 = vector.extract_strided_slice %parallel_loop3A_495 {offsets = [1], sizes = [1], strides = [1]} : vector<16xf32> to vector<1xf32>
            %parallel_loop3A_537 = vector.extract %parallel_loop3A_536[0] : f32 from vector<1xf32>
            %parallel_loop3A_538 = vector.broadcast %parallel_loop3A_537 : f32 to vector<16xf32>
            %parallel_loop3A_539 = arith.mulf %parallel_loop3A_538, %parallel_loop3A_507 : vector<16xf32>
            %parallel_loop3A_540 = vector.extract_strided_slice %parallel_loop3A_495 {offsets = [1], sizes = [1], strides = [1]} : vector<16xf32> to vector<1xf32>
            %parallel_loop3A_541 = vector.extract %parallel_loop3A_540[0] : f32 from vector<1xf32>
            %parallel_loop3A_542 = vector.broadcast %parallel_loop3A_541 : f32 to vector<16xf32>
            %parallel_loop3A_543 = arith.mulf %parallel_loop3A_542, %parallel_loop3A_511 : vector<16xf32>
            %parallel_loop3A_544 = tpu.pack_subelements %parallel_loop3A_539, %parallel_loop3A_543 {pack_format = #tpu.pack_format<interleaved>, positions = array<i32: 0, 1>} : vector<16xf32>, vector<16xf32> -> vector<32xbf16>
            %parallel_loop3A_545 = arith.constant 32 : i32
            %parallel_loop3A_546 = arith.subi %parallel_loop3A_486, %parallel_loop3A_545 : i32
            %parallel_loop3A_547 = arith.constant 1 : i32
            %parallel_loop3A_548 = arith.index_cast %parallel_loop3A_546 : i32 to index
            %parallel_loop3A_549 = arith.index_cast %parallel_loop3A_547 : i32 to index
            %parallel_loop3A_550 = arith.constant 0 : index
            %parallel_loop3A_551 = tpu.vector_load %arg23[%parallel_loop3A_548, %parallel_loop3A_549, %parallel_loop3A_550] {strides = array<i32>} : memref<32x9x32xbf16, #tpu.memory_space<vmem>>, vector<32xbf16>,
            tpu.vector_store %arg23[%parallel_loop3A_548, %parallel_loop3A_549, %parallel_loop3A_550], %parallel_loop3A_544 {strides = array<i32>} : memref<32x9x32xbf16, #tpu.memory_space<vmem>>, vector<32xbf16>,
            %parallel_loop3A_552 = vector.extract_strided_slice %parallel_loop3A_495 {offsets = [2], sizes = [1], strides = [1]} : vector<16xf32> to vector<1xf32>
            %parallel_loop3A_553 = vector.extract %parallel_loop3A_552[0] : f32 from vector<1xf32>
            %parallel_loop3A_554 = vector.broadcast %parallel_loop3A_553 : f32 to vector<16xf32>
            %parallel_loop3A_555 = arith.mulf %parallel_loop3A_554, %parallel_loop3A_507 : vector<16xf32>
            %parallel_loop3A_556 = vector.extract_strided_slice %parallel_loop3A_495 {offsets = [2], sizes = [1], strides = [1]} : vector<16xf32> to vector<1xf32>
            %parallel_loop3A_557 = vector.extract %parallel_loop3A_556[0] : f32 from vector<1xf32>
            %parallel_loop3A_558 = vector.broadcast %parallel_loop3A_557 : f32 to vector<16xf32>
            %parallel_loop3A_559 = arith.mulf %parallel_loop3A_558, %parallel_loop3A_511 : vector<16xf32>
            %parallel_loop3A_560 = tpu.pack_subelements %parallel_loop3A_555, %parallel_loop3A_559 {pack_format = #tpu.pack_format<interleaved>, positions = array<i32: 0, 1>} : vector<16xf32>, vector<16xf32> -> vector<32xbf16>
            %parallel_loop3A_561 = arith.constant 32 : i32
            %parallel_loop3A_562 = arith.subi %parallel_loop3A_486, %parallel_loop3A_561 : i32
            %parallel_loop3A_563 = arith.constant 2 : i32
            %parallel_loop3A_564 = arith.index_cast %parallel_loop3A_562 : i32 to index
            %parallel_loop3A_565 = arith.index_cast %parallel_loop3A_563 : i32 to index
            %parallel_loop3A_566 = arith.constant 0 : index
            %parallel_loop3A_567 = tpu.vector_load %arg23[%parallel_loop3A_564, %parallel_loop3A_565, %parallel_loop3A_566] {strides = array<i32>} : memref<32x9x32xbf16, #tpu.memory_space<vmem>>, vector<32xbf16>,
            tpu.vector_store %arg23[%parallel_loop3A_564, %parallel_loop3A_565, %parallel_loop3A_566], %parallel_loop3A_560 {strides = array<i32>} : memref<32x9x32xbf16, #tpu.memory_space<vmem>>, vector<32xbf16>,
            %parallel_loop3A_568 = vector.extract_strided_slice %parallel_loop3A_495 {offsets = [3], sizes = [1], strides = [1]} : vector<16xf32> to vector<1xf32>
            %parallel_loop3A_569 = vector.extract %parallel_loop3A_568[0] : f32 from vector<1xf32>
            %parallel_loop3A_570 = vector.broadcast %parallel_loop3A_569 : f32 to vector<16xf32>
            %parallel_loop3A_571 = arith.mulf %parallel_loop3A_570, %parallel_loop3A_507 : vector<16xf32>
            %parallel_loop3A_572 = vector.extract_strided_slice %parallel_loop3A_495 {offsets = [3], sizes = [1], strides = [1]} : vector<16xf32> to vector<1xf32>
            %parallel_loop3A_573 = vector.extract %parallel_loop3A_572[0] : f32 from vector<1xf32>
            %parallel_loop3A_574 = vector.broadcast %parallel_loop3A_573 : f32 to vector<16xf32>
            %parallel_loop3A_575 = arith.mulf %parallel_loop3A_574, %parallel_loop3A_511 : vector<16xf32>
            %parallel_loop3A_576 = tpu.pack_subelements %parallel_loop3A_571, %parallel_loop3A_575 {pack_format = #tpu.pack_format<interleaved>, positions = array<i32: 0, 1>} : vector<16xf32>, vector<16xf32> -> vector<32xbf16>
            %parallel_loop3A_577 = arith.constant 32 : i32
            %parallel_loop3A_578 = arith.subi %parallel_loop3A_486, %parallel_loop3A_577 : i32
            %parallel_loop3A_579 = arith.constant 3 : i32
            %parallel_loop3A_580 = arith.index_cast %parallel_loop3A_578 : i32 to index
            %parallel_loop3A_581 = arith.index_cast %parallel_loop3A_579 : i32 to index
            %parallel_loop3A_582 = arith.constant 0 : index
            %parallel_loop3A_583 = tpu.vector_load %arg23[%parallel_loop3A_580, %parallel_loop3A_581, %parallel_loop3A_582] {strides = array<i32>} : memref<32x9x32xbf16, #tpu.memory_space<vmem>>, vector<32xbf16>,
            tpu.vector_store %arg23[%parallel_loop3A_580, %parallel_loop3A_581, %parallel_loop3A_582], %parallel_loop3A_576 {strides = array<i32>} : memref<32x9x32xbf16, #tpu.memory_space<vmem>>, vector<32xbf16>,
            %parallel_loop3A_584 = vector.extract_strided_slice %parallel_loop3A_495 {offsets = [4], sizes = [1], strides = [1]} : vector<16xf32> to vector<1xf32>
            %parallel_loop3A_585 = vector.extract %parallel_loop3A_584[0] : f32 from vector<1xf32>
            %parallel_loop3A_586 = vector.broadcast %parallel_loop3A_585 : f32 to vector<16xf32>
            %parallel_loop3A_587 = arith.mulf %parallel_loop3A_586, %parallel_loop3A_515 : vector<16xf32>
            %parallel_loop3A_588 = vector.extract_strided_slice %parallel_loop3A_495 {offsets = [4], sizes = [1], strides = [1]} : vector<16xf32> to vector<1xf32>
            %parallel_loop3A_589 = vector.extract %parallel_loop3A_588[0] : f32 from vector<1xf32>
            %parallel_loop3A_590 = vector.broadcast %parallel_loop3A_589 : f32 to vector<16xf32>
            %parallel_loop3A_591 = arith.mulf %parallel_loop3A_590, %parallel_loop3A_519 : vector<16xf32>
            %parallel_loop3A_592 = tpu.pack_subelements %parallel_loop3A_587, %parallel_loop3A_591 {pack_format = #tpu.pack_format<interleaved>, positions = array<i32: 0, 1>} : vector<16xf32>, vector<16xf32> -> vector<32xbf16>
            %parallel_loop3A_593 = arith.constant 32 : i32
            %parallel_loop3A_594 = arith.subi %parallel_loop3A_486, %parallel_loop3A_593 : i32
            %parallel_loop3A_595 = arith.constant 4 : i32
            %parallel_loop3A_596 = arith.index_cast %parallel_loop3A_594 : i32 to index
            %parallel_loop3A_597 = arith.index_cast %parallel_loop3A_595 : i32 to index
            %parallel_loop3A_598 = arith.constant 0 : index
            %parallel_loop3A_599 = tpu.vector_load %arg23[%parallel_loop3A_596, %parallel_loop3A_597, %parallel_loop3A_598] {strides = array<i32>} : memref<32x9x32xbf16, #tpu.memory_space<vmem>>, vector<32xbf16>,
            tpu.vector_store %arg23[%parallel_loop3A_596, %parallel_loop3A_597, %parallel_loop3A_598], %parallel_loop3A_592 {strides = array<i32>} : memref<32x9x32xbf16, #tpu.memory_space<vmem>>, vector<32xbf16>,
            %parallel_loop3A_600 = vector.extract_strided_slice %parallel_loop3A_495 {offsets = [5], sizes = [1], strides = [1]} : vector<16xf32> to vector<1xf32>
            %parallel_loop3A_601 = vector.extract %parallel_loop3A_600[0] : f32 from vector<1xf32>
            %parallel_loop3A_602 = vector.broadcast %parallel_loop3A_601 : f32 to vector<16xf32>
            %parallel_loop3A_603 = arith.mulf %parallel_loop3A_602, %parallel_loop3A_515 : vector<16xf32>
            %parallel_loop3A_604 = vector.extract_strided_slice %parallel_loop3A_495 {offsets = [5], sizes = [1], strides = [1]} : vector<16xf32> to vector<1xf32>
            %parallel_loop3A_605 = vector.extract %parallel_loop3A_604[0] : f32 from vector<1xf32>
            %parallel_loop3A_606 = vector.broadcast %parallel_loop3A_605 : f32 to vector<16xf32>
            %parallel_loop3A_607 = arith.mulf %parallel_loop3A_606, %parallel_loop3A_519 : vector<16xf32>
            %parallel_loop3A_608 = tpu.pack_subelements %parallel_loop3A_603, %parallel_loop3A_607 {pack_format = #tpu.pack_format<interleaved>, positions = array<i32: 0, 1>} : vector<16xf32>, vector<16xf32> -> vector<32xbf16>
            %parallel_loop3A_609 = arith.constant 32 : i32
            %parallel_loop3A_610 = arith.subi %parallel_loop3A_486, %parallel_loop3A_609 : i32
            %parallel_loop3A_611 = arith.constant 5 : i32
            %parallel_loop3A_612 = arith.index_cast %parallel_loop3A_610 : i32 to index
            %parallel_loop3A_613 = arith.index_cast %parallel_loop3A_611 : i32 to index
            %parallel_loop3A_614 = arith.constant 0 : index
            %parallel_loop3A_615 = tpu.vector_load %arg23[%parallel_loop3A_612, %parallel_loop3A_613, %parallel_loop3A_614] {strides = array<i32>} : memref<32x9x32xbf16, #tpu.memory_space<vmem>>, vector<32xbf16>,
            tpu.vector_store %arg23[%parallel_loop3A_612, %parallel_loop3A_613, %parallel_loop3A_614], %parallel_loop3A_608 {strides = array<i32>} : memref<32x9x32xbf16, #tpu.memory_space<vmem>>, vector<32xbf16>,
            %parallel_loop3A_616 = vector.extract_strided_slice %parallel_loop3A_495 {offsets = [6], sizes = [1], strides = [1]} : vector<16xf32> to vector<1xf32>
            %parallel_loop3A_617 = vector.extract %parallel_loop3A_616[0] : f32 from vector<1xf32>
            %parallel_loop3A_618 = vector.broadcast %parallel_loop3A_617 : f32 to vector<16xf32>
            %parallel_loop3A_619 = arith.mulf %parallel_loop3A_618, %parallel_loop3A_515 : vector<16xf32>
            %parallel_loop3A_620 = vector.extract_strided_slice %parallel_loop3A_495 {offsets = [6], sizes = [1], strides = [1]} : vector<16xf32> to vector<1xf32>
            %parallel_loop3A_621 = vector.extract %parallel_loop3A_620[0] : f32 from vector<1xf32>
            %parallel_loop3A_622 = vector.broadcast %parallel_loop3A_621 : f32 to vector<16xf32>
            %parallel_loop3A_623 = arith.mulf %parallel_loop3A_622, %parallel_loop3A_519 : vector<16xf32>
            %parallel_loop3A_624 = tpu.pack_subelements %parallel_loop3A_619, %parallel_loop3A_623 {pack_format = #tpu.pack_format<interleaved>, positions = array<i32: 0, 1>} : vector<16xf32>, vector<16xf32> -> vector<32xbf16>
            %parallel_loop3A_625 = arith.constant 32 : i32
            %parallel_loop3A_626 = arith.subi %parallel_loop3A_486, %parallel_loop3A_625 : i32
            %parallel_loop3A_627 = arith.constant 6 : i32
            %parallel_loop3A_628 = arith.index_cast %parallel_loop3A_626 : i32 to index
            %parallel_loop3A_629 = arith.index_cast %parallel_loop3A_627 : i32 to index
            %parallel_loop3A_630 = arith.constant 0 : index
            %parallel_loop3A_631 = tpu.vector_load %arg23[%parallel_loop3A_628, %parallel_loop3A_629, %parallel_loop3A_630] {strides = array<i32>} : memref<32x9x32xbf16, #tpu.memory_space<vmem>>, vector<32xbf16>,
            tpu.vector_store %arg23[%parallel_loop3A_628, %parallel_loop3A_629, %parallel_loop3A_630], %parallel_loop3A_624 {strides = array<i32>} : memref<32x9x32xbf16, #tpu.memory_space<vmem>>, vector<32xbf16>,
            %parallel_loop3A_632 = vector.extract_strided_slice %parallel_loop3A_495 {offsets = [7], sizes = [1], strides = [1]} : vector<16xf32> to vector<1xf32>
            %parallel_loop3A_633 = vector.extract %parallel_loop3A_632[0] : f32 from vector<1xf32>
            %parallel_loop3A_634 = vector.broadcast %parallel_loop3A_633 : f32 to vector<16xf32>
            %parallel_loop3A_635 = arith.mulf %parallel_loop3A_634, %parallel_loop3A_515 : vector<16xf32>
            %parallel_loop3A_636 = vector.extract_strided_slice %parallel_loop3A_495 {offsets = [7], sizes = [1], strides = [1]} : vector<16xf32> to vector<1xf32>
            %parallel_loop3A_637 = vector.extract %parallel_loop3A_636[0] : f32 from vector<1xf32>
            %parallel_loop3A_638 = vector.broadcast %parallel_loop3A_637 : f32 to vector<16xf32>
            %parallel_loop3A_639 = arith.mulf %parallel_loop3A_638, %parallel_loop3A_519 : vector<16xf32>
            %parallel_loop3A_640 = tpu.pack_subelements %parallel_loop3A_635, %parallel_loop3A_639 {pack_format = #tpu.pack_format<interleaved>, positions = array<i32: 0, 1>} : vector<16xf32>, vector<16xf32> -> vector<32xbf16>
            %parallel_loop3A_641 = arith.constant 32 : i32
            %parallel_loop3A_642 = arith.subi %parallel_loop3A_486, %parallel_loop3A_641 : i32
            %parallel_loop3A_643 = arith.constant 7 : i32
            %parallel_loop3A_644 = arith.index_cast %parallel_loop3A_642 : i32 to index
            %parallel_loop3A_645 = arith.index_cast %parallel_loop3A_643 : i32 to index
            %parallel_loop3A_646 = arith.constant 0 : index
            %parallel_loop3A_647 = tpu.vector_load %arg23[%parallel_loop3A_644, %parallel_loop3A_645, %parallel_loop3A_646] {strides = array<i32>} : memref<32x9x32xbf16, #tpu.memory_space<vmem>>, vector<32xbf16>,
            tpu.vector_store %arg23[%parallel_loop3A_644, %parallel_loop3A_645, %parallel_loop3A_646], %parallel_loop3A_640 {strides = array<i32>} : memref<32x9x32xbf16, #tpu.memory_space<vmem>>, vector<32xbf16>,
            %parallel_loop3A_648 = vector.extract_strided_slice %parallel_loop3A_495 {offsets = [8], sizes = [1], strides = [1]} : vector<16xf32> to vector<1xf32>
            %parallel_loop3A_649 = vector.extract %parallel_loop3A_648[0] : f32 from vector<1xf32>
            %parallel_loop3A_650 = vector.broadcast %parallel_loop3A_649 : f32 to vector<16xf32>
            %parallel_loop3A_651 = arith.mulf %parallel_loop3A_650, %parallel_loop3A_515 : vector<16xf32>
            %parallel_loop3A_652 = vector.extract_strided_slice %parallel_loop3A_495 {offsets = [8], sizes = [1], strides = [1]} : vector<16xf32> to vector<1xf32>
            %parallel_loop3A_653 = vector.extract %parallel_loop3A_652[0] : f32 from vector<1xf32>
            %parallel_loop3A_654 = vector.broadcast %parallel_loop3A_653 : f32 to vector<16xf32>
            %parallel_loop3A_655 = arith.mulf %parallel_loop3A_654, %parallel_loop3A_519 : vector<16xf32>
            %parallel_loop3A_656 = tpu.pack_subelements %parallel_loop3A_651, %parallel_loop3A_655 {pack_format = #tpu.pack_format<interleaved>, positions = array<i32: 0, 1>} : vector<16xf32>, vector<16xf32> -> vector<32xbf16>
            %parallel_loop3A_657 = arith.constant 32 : i32
            %parallel_loop3A_658 = arith.subi %parallel_loop3A_486, %parallel_loop3A_657 : i32
            %parallel_loop3A_659 = arith.constant 8 : i32
            %parallel_loop3A_660 = arith.index_cast %parallel_loop3A_658 : i32 to index
            %parallel_loop3A_661 = arith.index_cast %parallel_loop3A_659 : i32 to index
            %parallel_loop3A_662 = arith.constant 0 : index
            %parallel_loop3A_663 = tpu.vector_load %arg23[%parallel_loop3A_660, %parallel_loop3A_661, %parallel_loop3A_662] {strides = array<i32>} : memref<32x9x32xbf16, #tpu.memory_space<vmem>>, vector<32xbf16>,
            tpu.vector_store %arg23[%parallel_loop3A_660, %parallel_loop3A_661, %parallel_loop3A_662], %parallel_loop3A_656 {strides = array<i32>} : memref<32x9x32xbf16, #tpu.memory_space<vmem>>, vector<32xbf16>,
          } {sc.loop_unroll_factor = 2 : i64, sc.parallel_access}
          %dma_start3A = arith.constant 0 : i32
          %dma_start3A_483 = arith.constant 0 : i32
          %dma_start3A_484 = arith.constant 0 : i32
          %dma_start3A_485 = tpu.memref_slice %arg8[%dma_start3A, %dma_start3A_483, %dma_start3A_484] : memref<10000x9x32xbf16, #tpu.memory_space<vmem_shared>> -> memref<10000x9x32xbf16, #tpu.memory_space<vmem_shared>>
          tpu.enqueue_indirect_dma source(%arg23 : memref<32x9x32xbf16, #tpu.memory_space<vmem>>) target(%dma_start3A_485 : memref<10000x9x32xbf16, #tpu.memory_space<vmem_shared>>) offsets(%arg21 : memref<32xi32, #tpu.memory_space<vmem>>) semaphore(%arg29 : memref<!tpu.dma_semaphore, #tpu.memory_space<semaphore_mem>>) {add = true}
        } else {
        }
        %add3A_213 = arith.constant 2 : i32
        %add3A_214 = arith.addi %add3A_143, %add3A_213 : i32
        %mul3A_215 = arith.constant 16 : i32
        %mul3A_216 = arith.muli %mul3A_215, %add3A_214 : i32
        %add3A_217 = arith.addi %arg1, %mul3A_216 : i32
        %lt3A_218 = arith.constant 1250 : i32
        %lt3A_219 = arith.cmpi slt, %add3A_217, %lt3A_218 : i32
        %convert_element_type3A_220 = arith.extui %lt3A_219 : i1 to i32
        %cond3A_221 = arith.constant 0 : i32
        %cond3A_222 = arith.cmpi ne, %convert_element_type3A_220, %cond3A_221 : i32
        scf.if %cond3A_222 {
          %mul3A_475 = arith.constant 1250 : i32
          %mul3A_476 = arith.muli %arg0, %mul3A_475 : i32
          %add3A_477 = arith.addi %mul3A_476, %arg1 : i32
          %mul3A_478 = arith.constant 16 : i32
          %mul3A_479 = arith.muli %mul3A_478, %add3A_214 : i32
          %add3A_480 = arith.addi %add3A_477, %mul3A_479 : i32
          %mul3A_481 = arith.constant 64 : i32
          %mul3A_482 = arith.muli %add3A_480, %mul3A_481 : i32
          %mul3A_483 = arith.constant 1250 : i32
          %mul3A_484 = arith.muli %arg0, %mul3A_483 : i32
          %add3A_485 = arith.addi %mul3A_484, %arg1 : i32
          %mul3A_486 = arith.constant 16 : i32
          %mul3A_487 = arith.muli %mul3A_486, %add3A_214 : i32
          %add3A_488 = arith.addi %add3A_485, %mul3A_487 : i32
          %mul3A_489 = arith.constant 9 : i32
          %mul3A_490 = arith.muli %mul3A_482, %mul3A_489 : i32
          %dma_start3A = arith.constant 0 : i32
          %dma_start3A_491 = tpu.memref_slice %arg5[%add3A_488, %dma_start3A] : memref<2500x128xi32, #tpu.memory_space<hbm>> -> memref<1x128xi32, #tpu.memory_space<hbm>>
          %dma_start3A_492 = tpu.memref_squeeze %dma_start3A_491 : memref<1x128xi32, #tpu.memory_space<hbm>> -> memref<128xi32, #tpu.memory_space<hbm>>
          %dma_start3A_493 = arith.constant 0 : i32
          %dma_start3A_494 = tpu.memref_slice %arg5[%add3A_488, %dma_start3A_493] : memref<2500x128xi32, #tpu.memory_space<hbm>> -> memref<1x128xi32, #tpu.memory_space<hbm>>
          %dma_start3A_495 = tpu.memref_squeeze %dma_start3A_494 : memref<1x128xi32, #tpu.memory_space<hbm>> -> memref<128xi32, #tpu.memory_space<hbm>>
          tpu.enqueue_dma source(%dma_start3A_495 : memref<128xi32, #tpu.memory_space<hbm>>) target(%arg10 : memref<128xi32, #tpu.memory_space<vmem>>) target_semaphore(%arg24 : memref<!tpu.dma_semaphore, #tpu.memory_space<semaphore_mem>>)
          %dma_start3A_496 = arith.constant 0 : i32
          %dma_start3A_497 = tpu.memref_slice %arg12[%dma_start3A_496] : memref<592xf32, #tpu.memory_space<vmem>> -> memref<576xf32, #tpu.memory_space<vmem>>
          %dma_start3A_498 = tpu.memref_slice %arg4[%mul3A_490] : memref<1440000xf32, #tpu.memory_space<hbm>> -> memref<576xf32, #tpu.memory_space<hbm>>
          %dma_start3A_499 = arith.constant 0 : i32
          %dma_start3A_500 = tpu.memref_slice %arg12[%dma_start3A_499] : memref<592xf32, #tpu.memory_space<vmem>> -> memref<576xf32, #tpu.memory_space<vmem>>
          %dma_start3A_501 = tpu.memref_slice %arg4[%mul3A_490] : memref<1440000xf32, #tpu.memory_space<hbm>> -> memref<576xf32, #tpu.memory_space<hbm>>
          tpu.enqueue_dma source(%dma_start3A_501 : memref<576xf32, #tpu.memory_space<hbm>>) target(%dma_start3A_500 : memref<576xf32, #tpu.memory_space<vmem>>) target_semaphore(%arg24 : memref<!tpu.dma_semaphore, #tpu.memory_space<semaphore_mem>>)
          %dma_start3A_502 = arith.constant 0 : i32
          %dma_start3A_503 = tpu.memref_slice %arg3[%mul3A_482, %dma_start3A_502] : memref<160000x384xf32, #tpu.memory_space<hbm>> -> memref<64x96xf32, #tpu.memory_space<hbm>>
          %dma_start3A_504 = arith.constant 0 : i32
          %dma_start3A_505 = tpu.memref_slice %arg3[%mul3A_482, %dma_start3A_504] : memref<160000x384xf32, #tpu.memory_space<hbm>> -> memref<64x96xf32, #tpu.memory_space<hbm>>
          tpu.enqueue_dma source(%dma_start3A_505 : memref<64x96xf32, #tpu.memory_space<hbm>>) target(%arg14 : memref<64x96xf32, #tpu.memory_space<vmem>>) target_semaphore(%arg24 : memref<!tpu.dma_semaphore, #tpu.memory_space<semaphore_mem>>)
        } else {
        }
        %mul3A_223 = arith.constant 4 : i32
        %mul3A_224 = arith.muli %add3A_139, %mul3A_223 : i32
        %add3A_225 = arith.constant 1 : i32
        %add3A_226 = arith.addi %mul3A_224, %add3A_225 : i32
        %add3A_227 = arith.constant 1 : i32
        %add3A_228 = arith.addi %add3A_226, %add3A_227 : i32
        %mul3A_229 = arith.constant 16 : i32
        %mul3A_230 = arith.muli %mul3A_229, %add3A_228 : i32
        %add3A_231 = arith.addi %arg1, %mul3A_230 : i32
        %lt3A_232 = arith.constant 1250 : i32
        %lt3A_233 = arith.cmpi slt, %add3A_231, %lt3A_232 : i32
        %convert_element_type3A_234 = arith.extui %lt3A_233 : i1 to i32
        %cond3A_235 = arith.constant 0 : i32
        %cond3A_236 = arith.cmpi ne, %convert_element_type3A_234, %cond3A_235 : i32
        scf.if %cond3A_236 {
          %mul3A_475 = arith.constant 1250 : i32
          %mul3A_476 = arith.muli %arg0, %mul3A_475 : i32
          %add3A_477 = arith.addi %mul3A_476, %arg1 : i32
          %mul3A_478 = arith.constant 16 : i32
          %mul3A_479 = arith.muli %mul3A_478, %add3A_228 : i32
          %add3A_480 = arith.addi %add3A_477, %mul3A_479 : i32
          %mul3A_481 = arith.constant 64 : i32
          %mul3A_482 = arith.muli %add3A_480, %mul3A_481 : i32
          %mul3A_483 = arith.constant 1250 : i32
          %mul3A_484 = arith.muli %arg0, %mul3A_483 : i32
          %add3A_485 = arith.addi %mul3A_484, %arg1 : i32
          %mul3A_486 = arith.constant 16 : i32
          %mul3A_487 = arith.muli %mul3A_486, %add3A_228 : i32
          %add3A_488 = arith.addi %add3A_485, %mul3A_487 : i32
          %mul3A_489 = arith.constant 9 : i32
          %mul3A_490 = arith.muli %mul3A_482, %mul3A_489 : i32
          %dma_wait3A = arith.constant 0 : i32
          %dma_wait3A_491 = tpu.memref_slice %arg5[%add3A_488, %dma_wait3A] : memref<2500x128xi32, #tpu.memory_space<hbm>> -> memref<1x128xi32, #tpu.memory_space<hbm>>
          %dma_wait3A_492 = tpu.memref_squeeze %dma_wait3A_491 : memref<1x128xi32, #tpu.memory_space<hbm>> -> memref<128xi32, #tpu.memory_space<hbm>>
          %dma_wait3A_493 = arith.constant 0 : i32
          %dma_wait3A_494 = tpu.memref_slice %arg5[%add3A_488, %dma_wait3A_493] : memref<2500x128xi32, #tpu.memory_space<hbm>> -> memref<1x128xi32, #tpu.memory_space<hbm>>
          %dma_wait3A_495 = tpu.memref_squeeze %dma_wait3A_494 : memref<1x128xi32, #tpu.memory_space<hbm>> -> memref<128xi32, #tpu.memory_space<hbm>>
          tpu.wait_dma2 semaphore(%arg24 : memref<!tpu.dma_semaphore, #tpu.memory_space<semaphore_mem>>) src(%dma_wait3A_495 : memref<128xi32, #tpu.memory_space<hbm>>) dst(%arg10 : memref<128xi32, #tpu.memory_space<vmem>>)
          %dma_wait3A_496 = arith.constant 0 : i32
          %dma_wait3A_497 = tpu.memref_slice %arg12[%dma_wait3A_496] : memref<592xf32, #tpu.memory_space<vmem>> -> memref<576xf32, #tpu.memory_space<vmem>>
          %dma_wait3A_498 = tpu.memref_slice %arg4[%mul3A_490] : memref<1440000xf32, #tpu.memory_space<hbm>> -> memref<576xf32, #tpu.memory_space<hbm>>
          %dma_wait3A_499 = arith.constant 0 : i32
          %dma_wait3A_500 = tpu.memref_slice %arg12[%dma_wait3A_499] : memref<592xf32, #tpu.memory_space<vmem>> -> memref<576xf32, #tpu.memory_space<vmem>>
          %dma_wait3A_501 = tpu.memref_slice %arg4[%mul3A_490] : memref<1440000xf32, #tpu.memory_space<hbm>> -> memref<576xf32, #tpu.memory_space<hbm>>
          tpu.wait_dma2 semaphore(%arg24 : memref<!tpu.dma_semaphore, #tpu.memory_space<semaphore_mem>>) src(%dma_wait3A_501 : memref<576xf32, #tpu.memory_space<hbm>>) dst(%dma_wait3A_500 : memref<576xf32, #tpu.memory_space<vmem>>)
          %dma_wait3A_502 = arith.constant 0 : i32
          %dma_wait3A_503 = tpu.memref_slice %arg3[%mul3A_482, %dma_wait3A_502] : memref<160000x384xf32, #tpu.memory_space<hbm>> -> memref<64x96xf32, #tpu.memory_space<hbm>>
          %dma_wait3A_504 = arith.constant 0 : i32
          %dma_wait3A_505 = tpu.memref_slice %arg3[%mul3A_482, %dma_wait3A_504] : memref<160000x384xf32, #tpu.memory_space<hbm>> -> memref<64x96xf32, #tpu.memory_space<hbm>>
          tpu.wait_dma2 semaphore(%arg24 : memref<!tpu.dma_semaphore, #tpu.memory_space<semaphore_mem>>) src(%dma_wait3A_505 : memref<64x96xf32, #tpu.memory_space<hbm>>) dst(%arg14 : memref<64x96xf32, #tpu.memory_space<vmem>>)
        } else {
        }
        %add3A_237 = arith.constant 1 : i32
        %add3A_238 = arith.addi %add3A_226, %add3A_237 : i32
        %mul3A_239 = arith.constant 16 : i32
        %mul3A_240 = arith.muli %mul3A_239, %add3A_238 : i32
        %add3A_241 = arith.addi %arg1, %mul3A_240 : i32
        %lt3A_242 = arith.constant 1250 : i32
        %lt3A_243 = arith.cmpi slt, %add3A_241, %lt3A_242 : i32
        %convert_element_type3A_244 = arith.extui %lt3A_243 : i1 to i32
        %cond3A_245 = arith.constant 0 : i32
        %cond3A_246 = arith.cmpi ne, %convert_element_type3A_244, %cond3A_245 : i32
        scf.if %cond3A_246 {
          %get3A = arith.constant 0 : index
          %get3A_475 = tpu.vector_load %arg10[%get3A] {strides = array<i32>} : memref<128xi32, #tpu.memory_space<vmem>>, vector<16xi32>,
          %swap3A = arith.constant 0 : index
          %swap3A_476 = tpu.vector_load %arg16[%swap3A] {strides = array<i32>} : memref<64xi32, #tpu.memory_space<vmem>>, vector<16xi32>,
          tpu.vector_store %arg16[%swap3A], %get3A_475 {strides = array<i32>} : memref<64xi32, #tpu.memory_space<vmem>>, vector<16xi32>,
          %get3A_477 = arith.constant 16 : index
          %get3A_478 = tpu.vector_load %arg10[%get3A_477] {strides = array<i32>} : memref<128xi32, #tpu.memory_space<vmem>>, vector<16xi32>,
          %swap3A_479 = arith.constant 16 : index
          %swap3A_480 = tpu.vector_load %arg16[%swap3A_479] {strides = array<i32>} : memref<64xi32, #tpu.memory_space<vmem>>, vector<16xi32>,
          tpu.vector_store %arg16[%swap3A_479], %get3A_478 {strides = array<i32>} : memref<64xi32, #tpu.memory_space<vmem>>, vector<16xi32>,
          %get3A_481 = arith.constant 32 : index
          %get3A_482 = tpu.vector_load %arg10[%get3A_481] {strides = array<i32>} : memref<128xi32, #tpu.memory_space<vmem>>, vector<16xi32>,
          %swap3A_483 = arith.constant 32 : index
          %swap3A_484 = tpu.vector_load %arg16[%swap3A_483] {strides = array<i32>} : memref<64xi32, #tpu.memory_space<vmem>>, vector<16xi32>,
          tpu.vector_store %arg16[%swap3A_483], %get3A_482 {strides = array<i32>} : memref<64xi32, #tpu.memory_space<vmem>>, vector<16xi32>,
          %get3A_485 = arith.constant 48 : index
          %get3A_486 = tpu.vector_load %arg10[%get3A_485] {strides = array<i32>} : memref<128xi32, #tpu.memory_space<vmem>>, vector<16xi32>,
          %swap3A_487 = arith.constant 48 : index
          %swap3A_488 = tpu.vector_load %arg16[%swap3A_487] {strides = array<i32>} : memref<64xi32, #tpu.memory_space<vmem>>, vector<16xi32>,
          tpu.vector_store %arg16[%swap3A_487], %get3A_486 {strides = array<i32>} : memref<64xi32, #tpu.memory_space<vmem>>, vector<16xi32>,
          %dma_start3A = arith.constant 0 : i32
          %dma_start3A_489 = arith.constant 0 : i32
          %dma_start3A_490 = tpu.memref_slice %arg9[%dma_start3A, %dma_start3A_489] : memref<10000x32xbf16, #tpu.memory_space<vmem_shared>> -> memref<10000x32xbf16, #tpu.memory_space<vmem_shared>>
          tpu.enqueue_indirect_dma source(%dma_start3A_490 : memref<10000x32xbf16, #tpu.memory_space<vmem_shared>>) target(%arg18 : memref<64x32xbf16, #tpu.memory_space<vmem>>) offsets(%arg16 : memref<64xi32, #tpu.memory_space<vmem>>) semaphore(%arg26 : memref<!tpu.dma_semaphore, #tpu.memory_space<semaphore_mem>>)
        } else {
        }
        %mul3A_247 = arith.constant 16 : i32
        %mul3A_248 = arith.muli %mul3A_247, %add3A_226 : i32
        %add3A_249 = arith.addi %arg1, %mul3A_248 : i32
        %lt3A_250 = arith.constant 1250 : i32
        %lt3A_251 = arith.cmpi slt, %add3A_249, %lt3A_250 : i32
        %convert_element_type3A_252 = arith.extui %lt3A_251 : i1 to i32
        %cond3A_253 = arith.constant 0 : i32
        %cond3A_254 = arith.cmpi ne, %convert_element_type3A_252, %cond3A_253 : i32
        scf.if %cond3A_254 {
          %dma_wait3A = arith.constant 0 : i32
          %dma_wait3A_475 = arith.constant 0 : i32
          %dma_wait3A_476 = tpu.memref_slice %arg9[%dma_wait3A, %dma_wait3A_475] : memref<10000x32xbf16, #tpu.memory_space<vmem_shared>> -> memref<10000x32xbf16, #tpu.memory_space<vmem_shared>>
          tpu.wait_indirect_dma semaphore(%arg27 : memref<!tpu.dma_semaphore, #tpu.memory_space<semaphore_mem>>) src(%dma_wait3A_476 : memref<10000x32xbf16, #tpu.memory_space<vmem_shared>>) dst(%arg19 : memref<64x32xbf16, #tpu.memory_space<vmem>>)
        } else {
        }
        %sub3A_255 = arith.constant 1 : i32
        %sub3A_256 = arith.subi %add3A_226, %sub3A_255 : i32
        %mul3A_257 = arith.constant 16 : i32
        %mul3A_258 = arith.muli %mul3A_257, %sub3A_256 : i32
        %add3A_259 = arith.addi %arg1, %mul3A_258 : i32
        %lt3A_260 = arith.constant 1250 : i32
        %lt3A_261 = arith.cmpi slt, %add3A_259, %lt3A_260 : i32
        %ge3A_262 = arith.constant 0 : i32
        %ge3A_263 = arith.cmpi sge, %sub3A_256, %ge3A_262 : i32
        %and3A_264 = arith.andi %lt3A_261, %ge3A_263 : i1
        %convert_element_type3A_265 = arith.extui %and3A_264 : i1 to i32
        %cond3A_266 = arith.constant 0 : i32
        %cond3A_267 = arith.cmpi ne, %convert_element_type3A_265, %cond3A_266 : i32
        scf.if %cond3A_267 {
          %dma_wait3A = arith.constant 0 : i32
          %dma_wait3A_475 = arith.constant 0 : i32
          %dma_wait3A_476 = arith.constant 0 : i32
          %dma_wait3A_477 = tpu.memref_slice %arg8[%dma_wait3A, %dma_wait3A_475, %dma_wait3A_476] : memref<10000x9x32xbf16, #tpu.memory_space<vmem_shared>> -> memref<10000x9x32xbf16, #tpu.memory_space<vmem_shared>>
          tpu.wait_indirect_dma semaphore(%arg28 : memref<!tpu.dma_semaphore, #tpu.memory_space<semaphore_mem>>) src(%arg22 : memref<32x9x32xbf16, #tpu.memory_space<vmem>>) dst(%dma_wait3A_477 : memref<10000x9x32xbf16, #tpu.memory_space<vmem_shared>>)
        } else {
        }
        %mul3A_268 = arith.constant 16 : i32
        %mul3A_269 = arith.muli %mul3A_268, %add3A_226 : i32
        %add3A_270 = arith.addi %arg1, %mul3A_269 : i32
        %lt3A_271 = arith.constant 1250 : i32
        %lt3A_272 = arith.cmpi slt, %add3A_270, %lt3A_271 : i32
        %convert_element_type3A_273 = arith.extui %lt3A_272 : i1 to i32
        %cond3A_274 = arith.constant 0 : i32
        %cond3A_275 = arith.cmpi ne, %convert_element_type3A_273, %cond3A_274 : i32
        scf.if %cond3A_275 {
          %get3A = arith.constant 64 : index
          %get3A_475 = tpu.vector_load %arg11[%get3A] {strides = array<i32>} : memref<128xi32, #tpu.memory_space<vmem>>, vector<16xi32>,
          %swap3A = arith.constant 0 : index
          %swap3A_476 = tpu.vector_load %arg20[%swap3A] {strides = array<i32>} : memref<32xi32, #tpu.memory_space<vmem>>, vector<16xi32>,
          tpu.vector_store %arg20[%swap3A], %get3A_475 {strides = array<i32>} : memref<32xi32, #tpu.memory_space<vmem>>, vector<16xi32>,
          %get3A_477 = arith.constant 80 : index
          %get3A_478 = tpu.vector_load %arg11[%get3A_477] {strides = array<i32>} : memref<128xi32, #tpu.memory_space<vmem>>, vector<16xi32>,
          %swap3A_479 = arith.constant 16 : index
          %swap3A_480 = tpu.vector_load %arg20[%swap3A_479] {strides = array<i32>} : memref<32xi32, #tpu.memory_space<vmem>>, vector<16xi32>,
          tpu.vector_store %arg20[%swap3A_479], %get3A_478 {strides = array<i32>} : memref<32xi32, #tpu.memory_space<vmem>>, vector<16xi32>,
          %parallel_loop3A = arith.constant 0 : i32
          %parallel_loop3A_481 = arith.constant 32 : i32
          %parallel_loop3A_482 = arith.constant 1 : i32
          scf.for %parallel_loop3A_486 = %parallel_loop3A to %parallel_loop3A_481 step %parallel_loop3A_482  : i32 {
            %parallel_loop3A_487 = arith.index_cast %parallel_loop3A_486 : i32 to index
            %parallel_loop3A_488 = arith.constant 0 : index
            %parallel_loop3A_489 = tpu.vector_load %arg19[%parallel_loop3A_487, %parallel_loop3A_488] {strides = array<i32>} : memref<64x32xbf16, #tpu.memory_space<vmem>>, vector<32xbf16>,
            %parallel_loop3A_490 = tpu.unpack_subelements %parallel_loop3A_489, 0 {pack_format = #tpu.pack_format<interleaved>} : vector<32xbf16> -> vector<16xf32>
            %parallel_loop3A_491 = tpu.unpack_subelements %parallel_loop3A_489, 1 {pack_format = #tpu.pack_format<interleaved>} : vector<32xbf16> -> vector<16xf32>
            %parallel_loop3A_492 = arith.constant 9 : i32
            %parallel_loop3A_493 = arith.muli %parallel_loop3A_486, %parallel_loop3A_492 : i32
            %parallel_loop3A_494 = arith.index_cast %parallel_loop3A_493 : i32 to index
            %parallel_loop3A_495 = tpu.vector_load %arg13[%parallel_loop3A_494] {strides = array<i32>} : memref<592xf32, #tpu.memory_space<vmem>>, vector<16xf32>,
            %parallel_loop3A_496 = arith.index_cast %parallel_loop3A_486 : i32 to index
            %parallel_loop3A_497 = arith.constant 0 : index
            %parallel_loop3A_498 = tpu.vector_load %arg15[%parallel_loop3A_496, %parallel_loop3A_497] {strides = array<i32>} : memref<64x96xf32, #tpu.memory_space<vmem>>, vector<16xf32>,
            %parallel_loop3A_499 = arith.mulf %parallel_loop3A_498, %parallel_loop3A_490 : vector<16xf32>
            %parallel_loop3A_500 = arith.index_cast %parallel_loop3A_486 : i32 to index
            %parallel_loop3A_501 = arith.constant 16 : index
            %parallel_loop3A_502 = tpu.vector_load %arg15[%parallel_loop3A_500, %parallel_loop3A_501] {strides = array<i32>} : memref<64x96xf32, #tpu.memory_space<vmem>>, vector<16xf32>,
            %parallel_loop3A_503 = arith.mulf %parallel_loop3A_502, %parallel_loop3A_491 : vector<16xf32>
            %parallel_loop3A_504 = arith.index_cast %parallel_loop3A_486 : i32 to index
            %parallel_loop3A_505 = arith.constant 32 : index
            %parallel_loop3A_506 = tpu.vector_load %arg15[%parallel_loop3A_504, %parallel_loop3A_505] {strides = array<i32>} : memref<64x96xf32, #tpu.memory_space<vmem>>, vector<16xf32>,
            %parallel_loop3A_507 = arith.mulf %parallel_loop3A_506, %parallel_loop3A_490 : vector<16xf32>
            %parallel_loop3A_508 = arith.index_cast %parallel_loop3A_486 : i32 to index
            %parallel_loop3A_509 = arith.constant 48 : index
            %parallel_loop3A_510 = tpu.vector_load %arg15[%parallel_loop3A_508, %parallel_loop3A_509] {strides = array<i32>} : memref<64x96xf32, #tpu.memory_space<vmem>>, vector<16xf32>,
            %parallel_loop3A_511 = arith.mulf %parallel_loop3A_510, %parallel_loop3A_491 : vector<16xf32>
            %parallel_loop3A_512 = arith.index_cast %parallel_loop3A_486 : i32 to index
            %parallel_loop3A_513 = arith.constant 64 : index
            %parallel_loop3A_514 = tpu.vector_load %arg15[%parallel_loop3A_512, %parallel_loop3A_513] {strides = array<i32>} : memref<64x96xf32, #tpu.memory_space<vmem>>, vector<16xf32>,
            %parallel_loop3A_515 = arith.mulf %parallel_loop3A_514, %parallel_loop3A_490 : vector<16xf32>
            %parallel_loop3A_516 = arith.index_cast %parallel_loop3A_486 : i32 to index
            %parallel_loop3A_517 = arith.constant 80 : index
            %parallel_loop3A_518 = tpu.vector_load %arg15[%parallel_loop3A_516, %parallel_loop3A_517] {strides = array<i32>} : memref<64x96xf32, #tpu.memory_space<vmem>>, vector<16xf32>,
            %parallel_loop3A_519 = arith.mulf %parallel_loop3A_518, %parallel_loop3A_491 : vector<16xf32>
            %parallel_loop3A_520 = vector.extract_strided_slice %parallel_loop3A_495 {offsets = [0], sizes = [1], strides = [1]} : vector<16xf32> to vector<1xf32>
            %parallel_loop3A_521 = vector.extract %parallel_loop3A_520[0] : f32 from vector<1xf32>
            %parallel_loop3A_522 = vector.broadcast %parallel_loop3A_521 : f32 to vector<16xf32>
            %parallel_loop3A_523 = arith.mulf %parallel_loop3A_522, %parallel_loop3A_499 : vector<16xf32>
            %parallel_loop3A_524 = vector.extract_strided_slice %parallel_loop3A_495 {offsets = [0], sizes = [1], strides = [1]} : vector<16xf32> to vector<1xf32>
            %parallel_loop3A_525 = vector.extract %parallel_loop3A_524[0] : f32 from vector<1xf32>
            %parallel_loop3A_526 = vector.broadcast %parallel_loop3A_525 : f32 to vector<16xf32>
            %parallel_loop3A_527 = arith.mulf %parallel_loop3A_526, %parallel_loop3A_503 : vector<16xf32>
            %parallel_loop3A_528 = tpu.pack_subelements %parallel_loop3A_523, %parallel_loop3A_527 {pack_format = #tpu.pack_format<interleaved>, positions = array<i32: 0, 1>} : vector<16xf32>, vector<16xf32> -> vector<32xbf16>
            %parallel_loop3A_529 = arith.constant 0 : i32
            %parallel_loop3A_530 = arith.subi %parallel_loop3A_486, %parallel_loop3A_529 : i32
            %parallel_loop3A_531 = arith.constant 0 : i32
            %parallel_loop3A_532 = arith.index_cast %parallel_loop3A_530 : i32 to index
            %parallel_loop3A_533 = arith.index_cast %parallel_loop3A_531 : i32 to index
            %parallel_loop3A_534 = arith.constant 0 : index
            %parallel_loop3A_535 = tpu.vector_load %arg22[%parallel_loop3A_532, %parallel_loop3A_533, %parallel_loop3A_534] {strides = array<i32>} : memref<32x9x32xbf16, #tpu.memory_space<vmem>>, vector<32xbf16>,
            tpu.vector_store %arg22[%parallel_loop3A_532, %parallel_loop3A_533, %parallel_loop3A_534], %parallel_loop3A_528 {strides = array<i32>} : memref<32x9x32xbf16, #tpu.memory_space<vmem>>, vector<32xbf16>,
            %parallel_loop3A_536 = vector.extract_strided_slice %parallel_loop3A_495 {offsets = [1], sizes = [1], strides = [1]} : vector<16xf32> to vector<1xf32>
            %parallel_loop3A_537 = vector.extract %parallel_loop3A_536[0] : f32 from vector<1xf32>
            %parallel_loop3A_538 = vector.broadcast %parallel_loop3A_537 : f32 to vector<16xf32>
            %parallel_loop3A_539 = arith.mulf %parallel_loop3A_538, %parallel_loop3A_507 : vector<16xf32>
            %parallel_loop3A_540 = vector.extract_strided_slice %parallel_loop3A_495 {offsets = [1], sizes = [1], strides = [1]} : vector<16xf32> to vector<1xf32>
            %parallel_loop3A_541 = vector.extract %parallel_loop3A_540[0] : f32 from vector<1xf32>
            %parallel_loop3A_542 = vector.broadcast %parallel_loop3A_541 : f32 to vector<16xf32>
            %parallel_loop3A_543 = arith.mulf %parallel_loop3A_542, %parallel_loop3A_511 : vector<16xf32>
            %parallel_loop3A_544 = tpu.pack_subelements %parallel_loop3A_539, %parallel_loop3A_543 {pack_format = #tpu.pack_format<interleaved>, positions = array<i32: 0, 1>} : vector<16xf32>, vector<16xf32> -> vector<32xbf16>
            %parallel_loop3A_545 = arith.constant 0 : i32
            %parallel_loop3A_546 = arith.subi %parallel_loop3A_486, %parallel_loop3A_545 : i32
            %parallel_loop3A_547 = arith.constant 1 : i32
            %parallel_loop3A_548 = arith.index_cast %parallel_loop3A_546 : i32 to index
            %parallel_loop3A_549 = arith.index_cast %parallel_loop3A_547 : i32 to index
            %parallel_loop3A_550 = arith.constant 0 : index
            %parallel_loop3A_551 = tpu.vector_load %arg22[%parallel_loop3A_548, %parallel_loop3A_549, %parallel_loop3A_550] {strides = array<i32>} : memref<32x9x32xbf16, #tpu.memory_space<vmem>>, vector<32xbf16>,
            tpu.vector_store %arg22[%parallel_loop3A_548, %parallel_loop3A_549, %parallel_loop3A_550], %parallel_loop3A_544 {strides = array<i32>} : memref<32x9x32xbf16, #tpu.memory_space<vmem>>, vector<32xbf16>,
            %parallel_loop3A_552 = vector.extract_strided_slice %parallel_loop3A_495 {offsets = [2], sizes = [1], strides = [1]} : vector<16xf32> to vector<1xf32>
            %parallel_loop3A_553 = vector.extract %parallel_loop3A_552[0] : f32 from vector<1xf32>
            %parallel_loop3A_554 = vector.broadcast %parallel_loop3A_553 : f32 to vector<16xf32>
            %parallel_loop3A_555 = arith.mulf %parallel_loop3A_554, %parallel_loop3A_507 : vector<16xf32>
            %parallel_loop3A_556 = vector.extract_strided_slice %parallel_loop3A_495 {offsets = [2], sizes = [1], strides = [1]} : vector<16xf32> to vector<1xf32>
            %parallel_loop3A_557 = vector.extract %parallel_loop3A_556[0] : f32 from vector<1xf32>
            %parallel_loop3A_558 = vector.broadcast %parallel_loop3A_557 : f32 to vector<16xf32>
            %parallel_loop3A_559 = arith.mulf %parallel_loop3A_558, %parallel_loop3A_511 : vector<16xf32>
            %parallel_loop3A_560 = tpu.pack_subelements %parallel_loop3A_555, %parallel_loop3A_559 {pack_format = #tpu.pack_format<interleaved>, positions = array<i32: 0, 1>} : vector<16xf32>, vector<16xf32> -> vector<32xbf16>
            %parallel_loop3A_561 = arith.constant 0 : i32
            %parallel_loop3A_562 = arith.subi %parallel_loop3A_486, %parallel_loop3A_561 : i32
            %parallel_loop3A_563 = arith.constant 2 : i32
            %parallel_loop3A_564 = arith.index_cast %parallel_loop3A_562 : i32 to index
            %parallel_loop3A_565 = arith.index_cast %parallel_loop3A_563 : i32 to index
            %parallel_loop3A_566 = arith.constant 0 : index
            %parallel_loop3A_567 = tpu.vector_load %arg22[%parallel_loop3A_564, %parallel_loop3A_565, %parallel_loop3A_566] {strides = array<i32>} : memref<32x9x32xbf16, #tpu.memory_space<vmem>>, vector<32xbf16>,
            tpu.vector_store %arg22[%parallel_loop3A_564, %parallel_loop3A_565, %parallel_loop3A_566], %parallel_loop3A_560 {strides = array<i32>} : memref<32x9x32xbf16, #tpu.memory_space<vmem>>, vector<32xbf16>,
            %parallel_loop3A_568 = vector.extract_strided_slice %parallel_loop3A_495 {offsets = [3], sizes = [1], strides = [1]} : vector<16xf32> to vector<1xf32>
            %parallel_loop3A_569 = vector.extract %parallel_loop3A_568[0] : f32 from vector<1xf32>
            %parallel_loop3A_570 = vector.broadcast %parallel_loop3A_569 : f32 to vector<16xf32>
            %parallel_loop3A_571 = arith.mulf %parallel_loop3A_570, %parallel_loop3A_507 : vector<16xf32>
            %parallel_loop3A_572 = vector.extract_strided_slice %parallel_loop3A_495 {offsets = [3], sizes = [1], strides = [1]} : vector<16xf32> to vector<1xf32>
            %parallel_loop3A_573 = vector.extract %parallel_loop3A_572[0] : f32 from vector<1xf32>
            %parallel_loop3A_574 = vector.broadcast %parallel_loop3A_573 : f32 to vector<16xf32>
            %parallel_loop3A_575 = arith.mulf %parallel_loop3A_574, %parallel_loop3A_511 : vector<16xf32>
            %parallel_loop3A_576 = tpu.pack_subelements %parallel_loop3A_571, %parallel_loop3A_575 {pack_format = #tpu.pack_format<interleaved>, positions = array<i32: 0, 1>} : vector<16xf32>, vector<16xf32> -> vector<32xbf16>
            %parallel_loop3A_577 = arith.constant 0 : i32
            %parallel_loop3A_578 = arith.subi %parallel_loop3A_486, %parallel_loop3A_577 : i32
            %parallel_loop3A_579 = arith.constant 3 : i32
            %parallel_loop3A_580 = arith.index_cast %parallel_loop3A_578 : i32 to index
            %parallel_loop3A_581 = arith.index_cast %parallel_loop3A_579 : i32 to index
            %parallel_loop3A_582 = arith.constant 0 : index
            %parallel_loop3A_583 = tpu.vector_load %arg22[%parallel_loop3A_580, %parallel_loop3A_581, %parallel_loop3A_582] {strides = array<i32>} : memref<32x9x32xbf16, #tpu.memory_space<vmem>>, vector<32xbf16>,
            tpu.vector_store %arg22[%parallel_loop3A_580, %parallel_loop3A_581, %parallel_loop3A_582], %parallel_loop3A_576 {strides = array<i32>} : memref<32x9x32xbf16, #tpu.memory_space<vmem>>, vector<32xbf16>,
            %parallel_loop3A_584 = vector.extract_strided_slice %parallel_loop3A_495 {offsets = [4], sizes = [1], strides = [1]} : vector<16xf32> to vector<1xf32>
            %parallel_loop3A_585 = vector.extract %parallel_loop3A_584[0] : f32 from vector<1xf32>
            %parallel_loop3A_586 = vector.broadcast %parallel_loop3A_585 : f32 to vector<16xf32>
            %parallel_loop3A_587 = arith.mulf %parallel_loop3A_586, %parallel_loop3A_515 : vector<16xf32>
            %parallel_loop3A_588 = vector.extract_strided_slice %parallel_loop3A_495 {offsets = [4], sizes = [1], strides = [1]} : vector<16xf32> to vector<1xf32>
            %parallel_loop3A_589 = vector.extract %parallel_loop3A_588[0] : f32 from vector<1xf32>
            %parallel_loop3A_590 = vector.broadcast %parallel_loop3A_589 : f32 to vector<16xf32>
            %parallel_loop3A_591 = arith.mulf %parallel_loop3A_590, %parallel_loop3A_519 : vector<16xf32>
            %parallel_loop3A_592 = tpu.pack_subelements %parallel_loop3A_587, %parallel_loop3A_591 {pack_format = #tpu.pack_format<interleaved>, positions = array<i32: 0, 1>} : vector<16xf32>, vector<16xf32> -> vector<32xbf16>
            %parallel_loop3A_593 = arith.constant 0 : i32
            %parallel_loop3A_594 = arith.subi %parallel_loop3A_486, %parallel_loop3A_593 : i32
            %parallel_loop3A_595 = arith.constant 4 : i32
            %parallel_loop3A_596 = arith.index_cast %parallel_loop3A_594 : i32 to index
            %parallel_loop3A_597 = arith.index_cast %parallel_loop3A_595 : i32 to index
            %parallel_loop3A_598 = arith.constant 0 : index
            %parallel_loop3A_599 = tpu.vector_load %arg22[%parallel_loop3A_596, %parallel_loop3A_597, %parallel_loop3A_598] {strides = array<i32>} : memref<32x9x32xbf16, #tpu.memory_space<vmem>>, vector<32xbf16>,
            tpu.vector_store %arg22[%parallel_loop3A_596, %parallel_loop3A_597, %parallel_loop3A_598], %parallel_loop3A_592 {strides = array<i32>} : memref<32x9x32xbf16, #tpu.memory_space<vmem>>, vector<32xbf16>,
            %parallel_loop3A_600 = vector.extract_strided_slice %parallel_loop3A_495 {offsets = [5], sizes = [1], strides = [1]} : vector<16xf32> to vector<1xf32>
            %parallel_loop3A_601 = vector.extract %parallel_loop3A_600[0] : f32 from vector<1xf32>
            %parallel_loop3A_602 = vector.broadcast %parallel_loop3A_601 : f32 to vector<16xf32>
            %parallel_loop3A_603 = arith.mulf %parallel_loop3A_602, %parallel_loop3A_515 : vector<16xf32>
            %parallel_loop3A_604 = vector.extract_strided_slice %parallel_loop3A_495 {offsets = [5], sizes = [1], strides = [1]} : vector<16xf32> to vector<1xf32>
            %parallel_loop3A_605 = vector.extract %parallel_loop3A_604[0] : f32 from vector<1xf32>
            %parallel_loop3A_606 = vector.broadcast %parallel_loop3A_605 : f32 to vector<16xf32>
            %parallel_loop3A_607 = arith.mulf %parallel_loop3A_606, %parallel_loop3A_519 : vector<16xf32>
            %parallel_loop3A_608 = tpu.pack_subelements %parallel_loop3A_603, %parallel_loop3A_607 {pack_format = #tpu.pack_format<interleaved>, positions = array<i32: 0, 1>} : vector<16xf32>, vector<16xf32> -> vector<32xbf16>
            %parallel_loop3A_609 = arith.constant 0 : i32
            %parallel_loop3A_610 = arith.subi %parallel_loop3A_486, %parallel_loop3A_609 : i32
            %parallel_loop3A_611 = arith.constant 5 : i32
            %parallel_loop3A_612 = arith.index_cast %parallel_loop3A_610 : i32 to index
            %parallel_loop3A_613 = arith.index_cast %parallel_loop3A_611 : i32 to index
            %parallel_loop3A_614 = arith.constant 0 : index
            %parallel_loop3A_615 = tpu.vector_load %arg22[%parallel_loop3A_612, %parallel_loop3A_613, %parallel_loop3A_614] {strides = array<i32>} : memref<32x9x32xbf16, #tpu.memory_space<vmem>>, vector<32xbf16>,
            tpu.vector_store %arg22[%parallel_loop3A_612, %parallel_loop3A_613, %parallel_loop3A_614], %parallel_loop3A_608 {strides = array<i32>} : memref<32x9x32xbf16, #tpu.memory_space<vmem>>, vector<32xbf16>,
            %parallel_loop3A_616 = vector.extract_strided_slice %parallel_loop3A_495 {offsets = [6], sizes = [1], strides = [1]} : vector<16xf32> to vector<1xf32>
            %parallel_loop3A_617 = vector.extract %parallel_loop3A_616[0] : f32 from vector<1xf32>
            %parallel_loop3A_618 = vector.broadcast %parallel_loop3A_617 : f32 to vector<16xf32>
            %parallel_loop3A_619 = arith.mulf %parallel_loop3A_618, %parallel_loop3A_515 : vector<16xf32>
            %parallel_loop3A_620 = vector.extract_strided_slice %parallel_loop3A_495 {offsets = [6], sizes = [1], strides = [1]} : vector<16xf32> to vector<1xf32>
            %parallel_loop3A_621 = vector.extract %parallel_loop3A_620[0] : f32 from vector<1xf32>
            %parallel_loop3A_622 = vector.broadcast %parallel_loop3A_621 : f32 to vector<16xf32>
            %parallel_loop3A_623 = arith.mulf %parallel_loop3A_622, %parallel_loop3A_519 : vector<16xf32>
            %parallel_loop3A_624 = tpu.pack_subelements %parallel_loop3A_619, %parallel_loop3A_623 {pack_format = #tpu.pack_format<interleaved>, positions = array<i32: 0, 1>} : vector<16xf32>, vector<16xf32> -> vector<32xbf16>
            %parallel_loop3A_625 = arith.constant 0 : i32
            %parallel_loop3A_626 = arith.subi %parallel_loop3A_486, %parallel_loop3A_625 : i32
            %parallel_loop3A_627 = arith.constant 6 : i32
            %parallel_loop3A_628 = arith.index_cast %parallel_loop3A_626 : i32 to index
            %parallel_loop3A_629 = arith.index_cast %parallel_loop3A_627 : i32 to index
            %parallel_loop3A_630 = arith.constant 0 : index
            %parallel_loop3A_631 = tpu.vector_load %arg22[%parallel_loop3A_628, %parallel_loop3A_629, %parallel_loop3A_630] {strides = array<i32>} : memref<32x9x32xbf16, #tpu.memory_space<vmem>>, vector<32xbf16>,
            tpu.vector_store %arg22[%parallel_loop3A_628, %parallel_loop3A_629, %parallel_loop3A_630], %parallel_loop3A_624 {strides = array<i32>} : memref<32x9x32xbf16, #tpu.memory_space<vmem>>, vector<32xbf16>,
            %parallel_loop3A_632 = vector.extract_strided_slice %parallel_loop3A_495 {offsets = [7], sizes = [1], strides = [1]} : vector<16xf32> to vector<1xf32>
            %parallel_loop3A_633 = vector.extract %parallel_loop3A_632[0] : f32 from vector<1xf32>
            %parallel_loop3A_634 = vector.broadcast %parallel_loop3A_633 : f32 to vector<16xf32>
            %parallel_loop3A_635 = arith.mulf %parallel_loop3A_634, %parallel_loop3A_515 : vector<16xf32>
            %parallel_loop3A_636 = vector.extract_strided_slice %parallel_loop3A_495 {offsets = [7], sizes = [1], strides = [1]} : vector<16xf32> to vector<1xf32>
            %parallel_loop3A_637 = vector.extract %parallel_loop3A_636[0] : f32 from vector<1xf32>
            %parallel_loop3A_638 = vector.broadcast %parallel_loop3A_637 : f32 to vector<16xf32>
            %parallel_loop3A_639 = arith.mulf %parallel_loop3A_638, %parallel_loop3A_519 : vector<16xf32>
            %parallel_loop3A_640 = tpu.pack_subelements %parallel_loop3A_635, %parallel_loop3A_639 {pack_format = #tpu.pack_format<interleaved>, positions = array<i32: 0, 1>} : vector<16xf32>, vector<16xf32> -> vector<32xbf16>
            %parallel_loop3A_641 = arith.constant 0 : i32
            %parallel_loop3A_642 = arith.subi %parallel_loop3A_486, %parallel_loop3A_641 : i32
            %parallel_loop3A_643 = arith.constant 7 : i32
            %parallel_loop3A_644 = arith.index_cast %parallel_loop3A_642 : i32 to index
            %parallel_loop3A_645 = arith.index_cast %parallel_loop3A_643 : i32 to index
            %parallel_loop3A_646 = arith.constant 0 : index
            %parallel_loop3A_647 = tpu.vector_load %arg22[%parallel_loop3A_644, %parallel_loop3A_645, %parallel_loop3A_646] {strides = array<i32>} : memref<32x9x32xbf16, #tpu.memory_space<vmem>>, vector<32xbf16>,
            tpu.vector_store %arg22[%parallel_loop3A_644, %parallel_loop3A_645, %parallel_loop3A_646], %parallel_loop3A_640 {strides = array<i32>} : memref<32x9x32xbf16, #tpu.memory_space<vmem>>, vector<32xbf16>,
            %parallel_loop3A_648 = vector.extract_strided_slice %parallel_loop3A_495 {offsets = [8], sizes = [1], strides = [1]} : vector<16xf32> to vector<1xf32>
            %parallel_loop3A_649 = vector.extract %parallel_loop3A_648[0] : f32 from vector<1xf32>
            %parallel_loop3A_650 = vector.broadcast %parallel_loop3A_649 : f32 to vector<16xf32>
            %parallel_loop3A_651 = arith.mulf %parallel_loop3A_650, %parallel_loop3A_515 : vector<16xf32>
            %parallel_loop3A_652 = vector.extract_strided_slice %parallel_loop3A_495 {offsets = [8], sizes = [1], strides = [1]} : vector<16xf32> to vector<1xf32>
            %parallel_loop3A_653 = vector.extract %parallel_loop3A_652[0] : f32 from vector<1xf32>
            %parallel_loop3A_654 = vector.broadcast %parallel_loop3A_653 : f32 to vector<16xf32>
            %parallel_loop3A_655 = arith.mulf %parallel_loop3A_654, %parallel_loop3A_519 : vector<16xf32>
            %parallel_loop3A_656 = tpu.pack_subelements %parallel_loop3A_651, %parallel_loop3A_655 {pack_format = #tpu.pack_format<interleaved>, positions = array<i32: 0, 1>} : vector<16xf32>, vector<16xf32> -> vector<32xbf16>
            %parallel_loop3A_657 = arith.constant 0 : i32
            %parallel_loop3A_658 = arith.subi %parallel_loop3A_486, %parallel_loop3A_657 : i32
            %parallel_loop3A_659 = arith.constant 8 : i32
            %parallel_loop3A_660 = arith.index_cast %parallel_loop3A_658 : i32 to index
            %parallel_loop3A_661 = arith.index_cast %parallel_loop3A_659 : i32 to index
            %parallel_loop3A_662 = arith.constant 0 : index
            %parallel_loop3A_663 = tpu.vector_load %arg22[%parallel_loop3A_660, %parallel_loop3A_661, %parallel_loop3A_662] {strides = array<i32>} : memref<32x9x32xbf16, #tpu.memory_space<vmem>>, vector<32xbf16>,
            tpu.vector_store %arg22[%parallel_loop3A_660, %parallel_loop3A_661, %parallel_loop3A_662], %parallel_loop3A_656 {strides = array<i32>} : memref<32x9x32xbf16, #tpu.memory_space<vmem>>, vector<32xbf16>,
          } {sc.loop_unroll_factor = 2 : i64, sc.parallel_access}
          %dma_start3A = arith.constant 0 : i32
          %dma_start3A_483 = arith.constant 0 : i32
          %dma_start3A_484 = arith.constant 0 : i32
          %dma_start3A_485 = tpu.memref_slice %arg8[%dma_start3A, %dma_start3A_483, %dma_start3A_484] : memref<10000x9x32xbf16, #tpu.memory_space<vmem_shared>> -> memref<10000x9x32xbf16, #tpu.memory_space<vmem_shared>>
          tpu.enqueue_indirect_dma source(%arg22 : memref<32x9x32xbf16, #tpu.memory_space<vmem>>) target(%dma_start3A_485 : memref<10000x9x32xbf16, #tpu.memory_space<vmem_shared>>) offsets(%arg20 : memref<32xi32, #tpu.memory_space<vmem>>) semaphore(%arg28 : memref<!tpu.dma_semaphore, #tpu.memory_space<semaphore_mem>>) {add = true}
        } else {
        }
        %sub3A_276 = arith.constant 1 : i32
        %sub3A_277 = arith.subi %add3A_226, %sub3A_276 : i32
        %mul3A_278 = arith.constant 16 : i32
        %mul3A_279 = arith.muli %mul3A_278, %sub3A_277 : i32
        %add3A_280 = arith.addi %arg1, %mul3A_279 : i32
        %lt3A_281 = arith.constant 1250 : i32
        %lt3A_282 = arith.cmpi slt, %add3A_280, %lt3A_281 : i32
        %ge3A_283 = arith.constant 0 : i32
        %ge3A_284 = arith.cmpi sge, %sub3A_277, %ge3A_283 : i32
        %and3A_285 = arith.andi %lt3A_282, %ge3A_284 : i1
        %convert_element_type3A_286 = arith.extui %and3A_285 : i1 to i32
        %cond3A_287 = arith.constant 0 : i32
        %cond3A_288 = arith.cmpi ne, %convert_element_type3A_286, %cond3A_287 : i32
        scf.if %cond3A_288 {
          %dma_wait3A = arith.constant 0 : i32
          %dma_wait3A_475 = arith.constant 0 : i32
          %dma_wait3A_476 = arith.constant 0 : i32
          %dma_wait3A_477 = tpu.memref_slice %arg8[%dma_wait3A, %dma_wait3A_475, %dma_wait3A_476] : memref<10000x9x32xbf16, #tpu.memory_space<vmem_shared>> -> memref<10000x9x32xbf16, #tpu.memory_space<vmem_shared>>
          tpu.wait_indirect_dma semaphore(%arg29 : memref<!tpu.dma_semaphore, #tpu.memory_space<semaphore_mem>>) src(%arg23 : memref<32x9x32xbf16, #tpu.memory_space<vmem>>) dst(%dma_wait3A_477 : memref<10000x9x32xbf16, #tpu.memory_space<vmem_shared>>)
        } else {
        }
        %mul3A_289 = arith.constant 16 : i32
        %mul3A_290 = arith.muli %mul3A_289, %add3A_226 : i32
        %add3A_291 = arith.addi %arg1, %mul3A_290 : i32
        %lt3A_292 = arith.constant 1250 : i32
        %lt3A_293 = arith.cmpi slt, %add3A_291, %lt3A_292 : i32
        %convert_element_type3A_294 = arith.extui %lt3A_293 : i1 to i32
        %cond3A_295 = arith.constant 0 : i32
        %cond3A_296 = arith.cmpi ne, %convert_element_type3A_294, %cond3A_295 : i32
        scf.if %cond3A_296 {
          %get3A = arith.constant 96 : index
          %get3A_475 = tpu.vector_load %arg11[%get3A] {strides = array<i32>} : memref<128xi32, #tpu.memory_space<vmem>>, vector<16xi32>,
          %swap3A = arith.constant 0 : index
          %swap3A_476 = tpu.vector_load %arg21[%swap3A] {strides = array<i32>} : memref<32xi32, #tpu.memory_space<vmem>>, vector<16xi32>,
          tpu.vector_store %arg21[%swap3A], %get3A_475 {strides = array<i32>} : memref<32xi32, #tpu.memory_space<vmem>>, vector<16xi32>,
          %get3A_477 = arith.constant 112 : index
          %get3A_478 = tpu.vector_load %arg11[%get3A_477] {strides = array<i32>} : memref<128xi32, #tpu.memory_space<vmem>>, vector<16xi32>,
          %swap3A_479 = arith.constant 16 : index
          %swap3A_480 = tpu.vector_load %arg21[%swap3A_479] {strides = array<i32>} : memref<32xi32, #tpu.memory_space<vmem>>, vector<16xi32>,
          tpu.vector_store %arg21[%swap3A_479], %get3A_478 {strides = array<i32>} : memref<32xi32, #tpu.memory_space<vmem>>, vector<16xi32>,
          %parallel_loop3A = arith.constant 32 : i32
          %parallel_loop3A_481 = arith.constant 64 : i32
          %parallel_loop3A_482 = arith.constant 1 : i32
          scf.for %parallel_loop3A_486 = %parallel_loop3A to %parallel_loop3A_481 step %parallel_loop3A_482  : i32 {
            %parallel_loop3A_487 = arith.index_cast %parallel_loop3A_486 : i32 to index
            %parallel_loop3A_488 = arith.constant 0 : index
            %parallel_loop3A_489 = tpu.vector_load %arg19[%parallel_loop3A_487, %parallel_loop3A_488] {strides = array<i32>} : memref<64x32xbf16, #tpu.memory_space<vmem>>, vector<32xbf16>,
            %parallel_loop3A_490 = tpu.unpack_subelements %parallel_loop3A_489, 0 {pack_format = #tpu.pack_format<interleaved>} : vector<32xbf16> -> vector<16xf32>
            %parallel_loop3A_491 = tpu.unpack_subelements %parallel_loop3A_489, 1 {pack_format = #tpu.pack_format<interleaved>} : vector<32xbf16> -> vector<16xf32>
            %parallel_loop3A_492 = arith.constant 9 : i32
            %parallel_loop3A_493 = arith.muli %parallel_loop3A_486, %parallel_loop3A_492 : i32
            %parallel_loop3A_494 = arith.index_cast %parallel_loop3A_493 : i32 to index
            %parallel_loop3A_495 = tpu.vector_load %arg13[%parallel_loop3A_494] {strides = array<i32>} : memref<592xf32, #tpu.memory_space<vmem>>, vector<16xf32>,
            %parallel_loop3A_496 = arith.index_cast %parallel_loop3A_486 : i32 to index
            %parallel_loop3A_497 = arith.constant 0 : index
            %parallel_loop3A_498 = tpu.vector_load %arg15[%parallel_loop3A_496, %parallel_loop3A_497] {strides = array<i32>} : memref<64x96xf32, #tpu.memory_space<vmem>>, vector<16xf32>,
            %parallel_loop3A_499 = arith.mulf %parallel_loop3A_498, %parallel_loop3A_490 : vector<16xf32>
            %parallel_loop3A_500 = arith.index_cast %parallel_loop3A_486 : i32 to index
            %parallel_loop3A_501 = arith.constant 16 : index
            %parallel_loop3A_502 = tpu.vector_load %arg15[%parallel_loop3A_500, %parallel_loop3A_501] {strides = array<i32>} : memref<64x96xf32, #tpu.memory_space<vmem>>, vector<16xf32>,
            %parallel_loop3A_503 = arith.mulf %parallel_loop3A_502, %parallel_loop3A_491 : vector<16xf32>
            %parallel_loop3A_504 = arith.index_cast %parallel_loop3A_486 : i32 to index
            %parallel_loop3A_505 = arith.constant 32 : index
            %parallel_loop3A_506 = tpu.vector_load %arg15[%parallel_loop3A_504, %parallel_loop3A_505] {strides = array<i32>} : memref<64x96xf32, #tpu.memory_space<vmem>>, vector<16xf32>,
            %parallel_loop3A_507 = arith.mulf %parallel_loop3A_506, %parallel_loop3A_490 : vector<16xf32>
            %parallel_loop3A_508 = arith.index_cast %parallel_loop3A_486 : i32 to index
            %parallel_loop3A_509 = arith.constant 48 : index
            %parallel_loop3A_510 = tpu.vector_load %arg15[%parallel_loop3A_508, %parallel_loop3A_509] {strides = array<i32>} : memref<64x96xf32, #tpu.memory_space<vmem>>, vector<16xf32>,
            %parallel_loop3A_511 = arith.mulf %parallel_loop3A_510, %parallel_loop3A_491 : vector<16xf32>
            %parallel_loop3A_512 = arith.index_cast %parallel_loop3A_486 : i32 to index
            %parallel_loop3A_513 = arith.constant 64 : index
            %parallel_loop3A_514 = tpu.vector_load %arg15[%parallel_loop3A_512, %parallel_loop3A_513] {strides = array<i32>} : memref<64x96xf32, #tpu.memory_space<vmem>>, vector<16xf32>,
            %parallel_loop3A_515 = arith.mulf %parallel_loop3A_514, %parallel_loop3A_490 : vector<16xf32>
            %parallel_loop3A_516 = arith.index_cast %parallel_loop3A_486 : i32 to index
            %parallel_loop3A_517 = arith.constant 80 : index
            %parallel_loop3A_518 = tpu.vector_load %arg15[%parallel_loop3A_516, %parallel_loop3A_517] {strides = array<i32>} : memref<64x96xf32, #tpu.memory_space<vmem>>, vector<16xf32>,
            %parallel_loop3A_519 = arith.mulf %parallel_loop3A_518, %parallel_loop3A_491 : vector<16xf32>
            %parallel_loop3A_520 = vector.extract_strided_slice %parallel_loop3A_495 {offsets = [0], sizes = [1], strides = [1]} : vector<16xf32> to vector<1xf32>
            %parallel_loop3A_521 = vector.extract %parallel_loop3A_520[0] : f32 from vector<1xf32>
            %parallel_loop3A_522 = vector.broadcast %parallel_loop3A_521 : f32 to vector<16xf32>
            %parallel_loop3A_523 = arith.mulf %parallel_loop3A_522, %parallel_loop3A_499 : vector<16xf32>
            %parallel_loop3A_524 = vector.extract_strided_slice %parallel_loop3A_495 {offsets = [0], sizes = [1], strides = [1]} : vector<16xf32> to vector<1xf32>
            %parallel_loop3A_525 = vector.extract %parallel_loop3A_524[0] : f32 from vector<1xf32>
            %parallel_loop3A_526 = vector.broadcast %parallel_loop3A_525 : f32 to vector<16xf32>
            %parallel_loop3A_527 = arith.mulf %parallel_loop3A_526, %parallel_loop3A_503 : vector<16xf32>
            %parallel_loop3A_528 = tpu.pack_subelements %parallel_loop3A_523, %parallel_loop3A_527 {pack_format = #tpu.pack_format<interleaved>, positions = array<i32: 0, 1>} : vector<16xf32>, vector<16xf32> -> vector<32xbf16>
            %parallel_loop3A_529 = arith.constant 32 : i32
            %parallel_loop3A_530 = arith.subi %parallel_loop3A_486, %parallel_loop3A_529 : i32
            %parallel_loop3A_531 = arith.constant 0 : i32
            %parallel_loop3A_532 = arith.index_cast %parallel_loop3A_530 : i32 to index
            %parallel_loop3A_533 = arith.index_cast %parallel_loop3A_531 : i32 to index
            %parallel_loop3A_534 = arith.constant 0 : index
            %parallel_loop3A_535 = tpu.vector_load %arg23[%parallel_loop3A_532, %parallel_loop3A_533, %parallel_loop3A_534] {strides = array<i32>} : memref<32x9x32xbf16, #tpu.memory_space<vmem>>, vector<32xbf16>,
            tpu.vector_store %arg23[%parallel_loop3A_532, %parallel_loop3A_533, %parallel_loop3A_534], %parallel_loop3A_528 {strides = array<i32>} : memref<32x9x32xbf16, #tpu.memory_space<vmem>>, vector<32xbf16>,
            %parallel_loop3A_536 = vector.extract_strided_slice %parallel_loop3A_495 {offsets = [1], sizes = [1], strides = [1]} : vector<16xf32> to vector<1xf32>
            %parallel_loop3A_537 = vector.extract %parallel_loop3A_536[0] : f32 from vector<1xf32>
            %parallel_loop3A_538 = vector.broadcast %parallel_loop3A_537 : f32 to vector<16xf32>
            %parallel_loop3A_539 = arith.mulf %parallel_loop3A_538, %parallel_loop3A_507 : vector<16xf32>
            %parallel_loop3A_540 = vector.extract_strided_slice %parallel_loop3A_495 {offsets = [1], sizes = [1], strides = [1]} : vector<16xf32> to vector<1xf32>
            %parallel_loop3A_541 = vector.extract %parallel_loop3A_540[0] : f32 from vector<1xf32>
            %parallel_loop3A_542 = vector.broadcast %parallel_loop3A_541 : f32 to vector<16xf32>
            %parallel_loop3A_543 = arith.mulf %parallel_loop3A_542, %parallel_loop3A_511 : vector<16xf32>
            %parallel_loop3A_544 = tpu.pack_subelements %parallel_loop3A_539, %parallel_loop3A_543 {pack_format = #tpu.pack_format<interleaved>, positions = array<i32: 0, 1>} : vector<16xf32>, vector<16xf32> -> vector<32xbf16>
            %parallel_loop3A_545 = arith.constant 32 : i32
            %parallel_loop3A_546 = arith.subi %parallel_loop3A_486, %parallel_loop3A_545 : i32
            %parallel_loop3A_547 = arith.constant 1 : i32
            %parallel_loop3A_548 = arith.index_cast %parallel_loop3A_546 : i32 to index
            %parallel_loop3A_549 = arith.index_cast %parallel_loop3A_547 : i32 to index
            %parallel_loop3A_550 = arith.constant 0 : index
            %parallel_loop3A_551 = tpu.vector_load %arg23[%parallel_loop3A_548, %parallel_loop3A_549, %parallel_loop3A_550] {strides = array<i32>} : memref<32x9x32xbf16, #tpu.memory_space<vmem>>, vector<32xbf16>,
            tpu.vector_store %arg23[%parallel_loop3A_548, %parallel_loop3A_549, %parallel_loop3A_550], %parallel_loop3A_544 {strides = array<i32>} : memref<32x9x32xbf16, #tpu.memory_space<vmem>>, vector<32xbf16>,
            %parallel_loop3A_552 = vector.extract_strided_slice %parallel_loop3A_495 {offsets = [2], sizes = [1], strides = [1]} : vector<16xf32> to vector<1xf32>
            %parallel_loop3A_553 = vector.extract %parallel_loop3A_552[0] : f32 from vector<1xf32>
            %parallel_loop3A_554 = vector.broadcast %parallel_loop3A_553 : f32 to vector<16xf32>
            %parallel_loop3A_555 = arith.mulf %parallel_loop3A_554, %parallel_loop3A_507 : vector<16xf32>
            %parallel_loop3A_556 = vector.extract_strided_slice %parallel_loop3A_495 {offsets = [2], sizes = [1], strides = [1]} : vector<16xf32> to vector<1xf32>
            %parallel_loop3A_557 = vector.extract %parallel_loop3A_556[0] : f32 from vector<1xf32>
            %parallel_loop3A_558 = vector.broadcast %parallel_loop3A_557 : f32 to vector<16xf32>
            %parallel_loop3A_559 = arith.mulf %parallel_loop3A_558, %parallel_loop3A_511 : vector<16xf32>
            %parallel_loop3A_560 = tpu.pack_subelements %parallel_loop3A_555, %parallel_loop3A_559 {pack_format = #tpu.pack_format<interleaved>, positions = array<i32: 0, 1>} : vector<16xf32>, vector<16xf32> -> vector<32xbf16>
            %parallel_loop3A_561 = arith.constant 32 : i32
            %parallel_loop3A_562 = arith.subi %parallel_loop3A_486, %parallel_loop3A_561 : i32
            %parallel_loop3A_563 = arith.constant 2 : i32
            %parallel_loop3A_564 = arith.index_cast %parallel_loop3A_562 : i32 to index
            %parallel_loop3A_565 = arith.index_cast %parallel_loop3A_563 : i32 to index
            %parallel_loop3A_566 = arith.constant 0 : index
            %parallel_loop3A_567 = tpu.vector_load %arg23[%parallel_loop3A_564, %parallel_loop3A_565, %parallel_loop3A_566] {strides = array<i32>} : memref<32x9x32xbf16, #tpu.memory_space<vmem>>, vector<32xbf16>,
            tpu.vector_store %arg23[%parallel_loop3A_564, %parallel_loop3A_565, %parallel_loop3A_566], %parallel_loop3A_560 {strides = array<i32>} : memref<32x9x32xbf16, #tpu.memory_space<vmem>>, vector<32xbf16>,
            %parallel_loop3A_568 = vector.extract_strided_slice %parallel_loop3A_495 {offsets = [3], sizes = [1], strides = [1]} : vector<16xf32> to vector<1xf32>
            %parallel_loop3A_569 = vector.extract %parallel_loop3A_568[0] : f32 from vector<1xf32>
            %parallel_loop3A_570 = vector.broadcast %parallel_loop3A_569 : f32 to vector<16xf32>
            %parallel_loop3A_571 = arith.mulf %parallel_loop3A_570, %parallel_loop3A_507 : vector<16xf32>
            %parallel_loop3A_572 = vector.extract_strided_slice %parallel_loop3A_495 {offsets = [3], sizes = [1], strides = [1]} : vector<16xf32> to vector<1xf32>
            %parallel_loop3A_573 = vector.extract %parallel_loop3A_572[0] : f32 from vector<1xf32>
            %parallel_loop3A_574 = vector.broadcast %parallel_loop3A_573 : f32 to vector<16xf32>
            %parallel_loop3A_575 = arith.mulf %parallel_loop3A_574, %parallel_loop3A_511 : vector<16xf32>
            %parallel_loop3A_576 = tpu.pack_subelements %parallel_loop3A_571, %parallel_loop3A_575 {pack_format = #tpu.pack_format<interleaved>, positions = array<i32: 0, 1>} : vector<16xf32>, vector<16xf32> -> vector<32xbf16>
            %parallel_loop3A_577 = arith.constant 32 : i32
            %parallel_loop3A_578 = arith.subi %parallel_loop3A_486, %parallel_loop3A_577 : i32
            %parallel_loop3A_579 = arith.constant 3 : i32
            %parallel_loop3A_580 = arith.index_cast %parallel_loop3A_578 : i32 to index
            %parallel_loop3A_581 = arith.index_cast %parallel_loop3A_579 : i32 to index
            %parallel_loop3A_582 = arith.constant 0 : index
            %parallel_loop3A_583 = tpu.vector_load %arg23[%parallel_loop3A_580, %parallel_loop3A_581, %parallel_loop3A_582] {strides = array<i32>} : memref<32x9x32xbf16, #tpu.memory_space<vmem>>, vector<32xbf16>,
            tpu.vector_store %arg23[%parallel_loop3A_580, %parallel_loop3A_581, %parallel_loop3A_582], %parallel_loop3A_576 {strides = array<i32>} : memref<32x9x32xbf16, #tpu.memory_space<vmem>>, vector<32xbf16>,
            %parallel_loop3A_584 = vector.extract_strided_slice %parallel_loop3A_495 {offsets = [4], sizes = [1], strides = [1]} : vector<16xf32> to vector<1xf32>
            %parallel_loop3A_585 = vector.extract %parallel_loop3A_584[0] : f32 from vector<1xf32>
            %parallel_loop3A_586 = vector.broadcast %parallel_loop3A_585 : f32 to vector<16xf32>
            %parallel_loop3A_587 = arith.mulf %parallel_loop3A_586, %parallel_loop3A_515 : vector<16xf32>
            %parallel_loop3A_588 = vector.extract_strided_slice %parallel_loop3A_495 {offsets = [4], sizes = [1], strides = [1]} : vector<16xf32> to vector<1xf32>
            %parallel_loop3A_589 = vector.extract %parallel_loop3A_588[0] : f32 from vector<1xf32>
            %parallel_loop3A_590 = vector.broadcast %parallel_loop3A_589 : f32 to vector<16xf32>
            %parallel_loop3A_591 = arith.mulf %parallel_loop3A_590, %parallel_loop3A_519 : vector<16xf32>
            %parallel_loop3A_592 = tpu.pack_subelements %parallel_loop3A_587, %parallel_loop3A_591 {pack_format = #tpu.pack_format<interleaved>, positions = array<i32: 0, 1>} : vector<16xf32>, vector<16xf32> -> vector<32xbf16>
            %parallel_loop3A_593 = arith.constant 32 : i32
            %parallel_loop3A_594 = arith.subi %parallel_loop3A_486, %parallel_loop3A_593 : i32
            %parallel_loop3A_595 = arith.constant 4 : i32
            %parallel_loop3A_596 = arith.index_cast %parallel_loop3A_594 : i32 to index
            %parallel_loop3A_597 = arith.index_cast %parallel_loop3A_595 : i32 to index
            %parallel_loop3A_598 = arith.constant 0 : index
            %parallel_loop3A_599 = tpu.vector_load %arg23[%parallel_loop3A_596, %parallel_loop3A_597, %parallel_loop3A_598] {strides = array<i32>} : memref<32x9x32xbf16, #tpu.memory_space<vmem>>, vector<32xbf16>,
            tpu.vector_store %arg23[%parallel_loop3A_596, %parallel_loop3A_597, %parallel_loop3A_598], %parallel_loop3A_592 {strides = array<i32>} : memref<32x9x32xbf16, #tpu.memory_space<vmem>>, vector<32xbf16>,
            %parallel_loop3A_600 = vector.extract_strided_slice %parallel_loop3A_495 {offsets = [5], sizes = [1], strides = [1]} : vector<16xf32> to vector<1xf32>
            %parallel_loop3A_601 = vector.extract %parallel_loop3A_600[0] : f32 from vector<1xf32>
            %parallel_loop3A_602 = vector.broadcast %parallel_loop3A_601 : f32 to vector<16xf32>
            %parallel_loop3A_603 = arith.mulf %parallel_loop3A_602, %parallel_loop3A_515 : vector<16xf32>
            %parallel_loop3A_604 = vector.extract_strided_slice %parallel_loop3A_495 {offsets = [5], sizes = [1], strides = [1]} : vector<16xf32> to vector<1xf32>
            %parallel_loop3A_605 = vector.extract %parallel_loop3A_604[0] : f32 from vector<1xf32>
            %parallel_loop3A_606 = vector.broadcast %parallel_loop3A_605 : f32 to vector<16xf32>
            %parallel_loop3A_607 = arith.mulf %parallel_loop3A_606, %parallel_loop3A_519 : vector<16xf32>
            %parallel_loop3A_608 = tpu.pack_subelements %parallel_loop3A_603, %parallel_loop3A_607 {pack_format = #tpu.pack_format<interleaved>, positions = array<i32: 0, 1>} : vector<16xf32>, vector<16xf32> -> vector<32xbf16>
            %parallel_loop3A_609 = arith.constant 32 : i32
            %parallel_loop3A_610 = arith.subi %parallel_loop3A_486, %parallel_loop3A_609 : i32
            %parallel_loop3A_611 = arith.constant 5 : i32
            %parallel_loop3A_612 = arith.index_cast %parallel_loop3A_610 : i32 to index
            %parallel_loop3A_613 = arith.index_cast %parallel_loop3A_611 : i32 to index
            %parallel_loop3A_614 = arith.constant 0 : index
            %parallel_loop3A_615 = tpu.vector_load %arg23[%parallel_loop3A_612, %parallel_loop3A_613, %parallel_loop3A_614] {strides = array<i32>} : memref<32x9x32xbf16, #tpu.memory_space<vmem>>, vector<32xbf16>,
            tpu.vector_store %arg23[%parallel_loop3A_612, %parallel_loop3A_613, %parallel_loop3A_614], %parallel_loop3A_608 {strides = array<i32>} : memref<32x9x32xbf16, #tpu.memory_space<vmem>>, vector<32xbf16>,
            %parallel_loop3A_616 = vector.extract_strided_slice %parallel_loop3A_495 {offsets = [6], sizes = [1], strides = [1]} : vector<16xf32> to vector<1xf32>
            %parallel_loop3A_617 = vector.extract %parallel_loop3A_616[0] : f32 from vector<1xf32>
            %parallel_loop3A_618 = vector.broadcast %parallel_loop3A_617 : f32 to vector<16xf32>
            %parallel_loop3A_619 = arith.mulf %parallel_loop3A_618, %parallel_loop3A_515 : vector<16xf32>
            %parallel_loop3A_620 = vector.extract_strided_slice %parallel_loop3A_495 {offsets = [6], sizes = [1], strides = [1]} : vector<16xf32> to vector<1xf32>
            %parallel_loop3A_621 = vector.extract %parallel_loop3A_620[0] : f32 from vector<1xf32>
            %parallel_loop3A_622 = vector.broadcast %parallel_loop3A_621 : f32 to vector<16xf32>
            %parallel_loop3A_623 = arith.mulf %parallel_loop3A_622, %parallel_loop3A_519 : vector<16xf32>
            %parallel_loop3A_624 = tpu.pack_subelements %parallel_loop3A_619, %parallel_loop3A_623 {pack_format = #tpu.pack_format<interleaved>, positions = array<i32: 0, 1>} : vector<16xf32>, vector<16xf32> -> vector<32xbf16>
            %parallel_loop3A_625 = arith.constant 32 : i32
            %parallel_loop3A_626 = arith.subi %parallel_loop3A_486, %parallel_loop3A_625 : i32
            %parallel_loop3A_627 = arith.constant 6 : i32
            %parallel_loop3A_628 = arith.index_cast %parallel_loop3A_626 : i32 to index
            %parallel_loop3A_629 = arith.index_cast %parallel_loop3A_627 : i32 to index
            %parallel_loop3A_630 = arith.constant 0 : index
            %parallel_loop3A_631 = tpu.vector_load %arg23[%parallel_loop3A_628, %parallel_loop3A_629, %parallel_loop3A_630] {strides = array<i32>} : memref<32x9x32xbf16, #tpu.memory_space<vmem>>, vector<32xbf16>,
            tpu.vector_store %arg23[%parallel_loop3A_628, %parallel_loop3A_629, %parallel_loop3A_630], %parallel_loop3A_624 {strides = array<i32>} : memref<32x9x32xbf16, #tpu.memory_space<vmem>>, vector<32xbf16>,
            %parallel_loop3A_632 = vector.extract_strided_slice %parallel_loop3A_495 {offsets = [7], sizes = [1], strides = [1]} : vector<16xf32> to vector<1xf32>
            %parallel_loop3A_633 = vector.extract %parallel_loop3A_632[0] : f32 from vector<1xf32>
            %parallel_loop3A_634 = vector.broadcast %parallel_loop3A_633 : f32 to vector<16xf32>
            %parallel_loop3A_635 = arith.mulf %parallel_loop3A_634, %parallel_loop3A_515 : vector<16xf32>
            %parallel_loop3A_636 = vector.extract_strided_slice %parallel_loop3A_495 {offsets = [7], sizes = [1], strides = [1]} : vector<16xf32> to vector<1xf32>
            %parallel_loop3A_637 = vector.extract %parallel_loop3A_636[0] : f32 from vector<1xf32>
            %parallel_loop3A_638 = vector.broadcast %parallel_loop3A_637 : f32 to vector<16xf32>
            %parallel_loop3A_639 = arith.mulf %parallel_loop3A_638, %parallel_loop3A_519 : vector<16xf32>
            %parallel_loop3A_640 = tpu.pack_subelements %parallel_loop3A_635, %parallel_loop3A_639 {pack_format = #tpu.pack_format<interleaved>, positions = array<i32: 0, 1>} : vector<16xf32>, vector<16xf32> -> vector<32xbf16>
            %parallel_loop3A_641 = arith.constant 32 : i32
            %parallel_loop3A_642 = arith.subi %parallel_loop3A_486, %parallel_loop3A_641 : i32
            %parallel_loop3A_643 = arith.constant 7 : i32
            %parallel_loop3A_644 = arith.index_cast %parallel_loop3A_642 : i32 to index
            %parallel_loop3A_645 = arith.index_cast %parallel_loop3A_643 : i32 to index
            %parallel_loop3A_646 = arith.constant 0 : index
            %parallel_loop3A_647 = tpu.vector_load %arg23[%parallel_loop3A_644, %parallel_loop3A_645, %parallel_loop3A_646] {strides = array<i32>} : memref<32x9x32xbf16, #tpu.memory_space<vmem>>, vector<32xbf16>,
            tpu.vector_store %arg23[%parallel_loop3A_644, %parallel_loop3A_645, %parallel_loop3A_646], %parallel_loop3A_640 {strides = array<i32>} : memref<32x9x32xbf16, #tpu.memory_space<vmem>>, vector<32xbf16>,
            %parallel_loop3A_648 = vector.extract_strided_slice %parallel_loop3A_495 {offsets = [8], sizes = [1], strides = [1]} : vector<16xf32> to vector<1xf32>
            %parallel_loop3A_649 = vector.extract %parallel_loop3A_648[0] : f32 from vector<1xf32>
            %parallel_loop3A_650 = vector.broadcast %parallel_loop3A_649 : f32 to vector<16xf32>
            %parallel_loop3A_651 = arith.mulf %parallel_loop3A_650, %parallel_loop3A_515 : vector<16xf32>
            %parallel_loop3A_652 = vector.extract_strided_slice %parallel_loop3A_495 {offsets = [8], sizes = [1], strides = [1]} : vector<16xf32> to vector<1xf32>
            %parallel_loop3A_653 = vector.extract %parallel_loop3A_652[0] : f32 from vector<1xf32>
            %parallel_loop3A_654 = vector.broadcast %parallel_loop3A_653 : f32 to vector<16xf32>
            %parallel_loop3A_655 = arith.mulf %parallel_loop3A_654, %parallel_loop3A_519 : vector<16xf32>
            %parallel_loop3A_656 = tpu.pack_subelements %parallel_loop3A_651, %parallel_loop3A_655 {pack_format = #tpu.pack_format<interleaved>, positions = array<i32: 0, 1>} : vector<16xf32>, vector<16xf32> -> vector<32xbf16>
            %parallel_loop3A_657 = arith.constant 32 : i32
            %parallel_loop3A_658 = arith.subi %parallel_loop3A_486, %parallel_loop3A_657 : i32
            %parallel_loop3A_659 = arith.constant 8 : i32
            %parallel_loop3A_660 = arith.index_cast %parallel_loop3A_658 : i32 to index
            %parallel_loop3A_661 = arith.index_cast %parallel_loop3A_659 : i32 to index
            %parallel_loop3A_662 = arith.constant 0 : index
            %parallel_loop3A_663 = tpu.vector_load %arg23[%parallel_loop3A_660, %parallel_loop3A_661, %parallel_loop3A_662] {strides = array<i32>} : memref<32x9x32xbf16, #tpu.memory_space<vmem>>, vector<32xbf16>,
            tpu.vector_store %arg23[%parallel_loop3A_660, %parallel_loop3A_661, %parallel_loop3A_662], %parallel_loop3A_656 {strides = array<i32>} : memref<32x9x32xbf16, #tpu.memory_space<vmem>>, vector<32xbf16>,
          } {sc.loop_unroll_factor = 2 : i64, sc.parallel_access}
          %dma_start3A = arith.constant 0 : i32
          %dma_start3A_483 = arith.constant 0 : i32
          %dma_start3A_484 = arith.constant 0 : i32
          %dma_start3A_485 = tpu.memref_slice %arg8[%dma_start3A, %dma_start3A_483, %dma_start3A_484] : memref<10000x9x32xbf16, #tpu.memory_space<vmem_shared>> -> memref<10000x9x32xbf16, #tpu.memory_space<vmem_shared>>
          tpu.enqueue_indirect_dma source(%arg23 : memref<32x9x32xbf16, #tpu.memory_space<vmem>>) target(%dma_start3A_485 : memref<10000x9x32xbf16, #tpu.memory_space<vmem_shared>>) offsets(%arg21 : memref<32xi32, #tpu.memory_space<vmem>>) semaphore(%arg29 : memref<!tpu.dma_semaphore, #tpu.memory_space<semaphore_mem>>) {add = true}
        } else {
        }
        %add3A_297 = arith.constant 2 : i32
        %add3A_298 = arith.addi %add3A_226, %add3A_297 : i32
        %mul3A_299 = arith.constant 16 : i32
        %mul3A_300 = arith.muli %mul3A_299, %add3A_298 : i32
        %add3A_301 = arith.addi %arg1, %mul3A_300 : i32
        %lt3A_302 = arith.constant 1250 : i32
        %lt3A_303 = arith.cmpi slt, %add3A_301, %lt3A_302 : i32
        %convert_element_type3A_304 = arith.extui %lt3A_303 : i1 to i32
        %cond3A_305 = arith.constant 0 : i32
        %cond3A_306 = arith.cmpi ne, %convert_element_type3A_304, %cond3A_305 : i32
        scf.if %cond3A_306 {
          %mul3A_475 = arith.constant 1250 : i32
          %mul3A_476 = arith.muli %arg0, %mul3A_475 : i32
          %add3A_477 = arith.addi %mul3A_476, %arg1 : i32
          %mul3A_478 = arith.constant 16 : i32
          %mul3A_479 = arith.muli %mul3A_478, %add3A_298 : i32
          %add3A_480 = arith.addi %add3A_477, %mul3A_479 : i32
          %mul3A_481 = arith.constant 64 : i32
          %mul3A_482 = arith.muli %add3A_480, %mul3A_481 : i32
          %mul3A_483 = arith.constant 1250 : i32
          %mul3A_484 = arith.muli %arg0, %mul3A_483 : i32
          %add3A_485 = arith.addi %mul3A_484, %arg1 : i32
          %mul3A_486 = arith.constant 16 : i32
          %mul3A_487 = arith.muli %mul3A_486, %add3A_298 : i32
          %add3A_488 = arith.addi %add3A_485, %mul3A_487 : i32
          %mul3A_489 = arith.constant 9 : i32
          %mul3A_490 = arith.muli %mul3A_482, %mul3A_489 : i32
          %dma_start3A = arith.constant 0 : i32
          %dma_start3A_491 = tpu.memref_slice %arg5[%add3A_488, %dma_start3A] : memref<2500x128xi32, #tpu.memory_space<hbm>> -> memref<1x128xi32, #tpu.memory_space<hbm>>
          %dma_start3A_492 = tpu.memref_squeeze %dma_start3A_491 : memref<1x128xi32, #tpu.memory_space<hbm>> -> memref<128xi32, #tpu.memory_space<hbm>>
          %dma_start3A_493 = arith.constant 0 : i32
          %dma_start3A_494 = tpu.memref_slice %arg5[%add3A_488, %dma_start3A_493] : memref<2500x128xi32, #tpu.memory_space<hbm>> -> memref<1x128xi32, #tpu.memory_space<hbm>>
          %dma_start3A_495 = tpu.memref_squeeze %dma_start3A_494 : memref<1x128xi32, #tpu.memory_space<hbm>> -> memref<128xi32, #tpu.memory_space<hbm>>
          tpu.enqueue_dma source(%dma_start3A_495 : memref<128xi32, #tpu.memory_space<hbm>>) target(%arg11 : memref<128xi32, #tpu.memory_space<vmem>>) target_semaphore(%arg25 : memref<!tpu.dma_semaphore, #tpu.memory_space<semaphore_mem>>)
          %dma_start3A_496 = arith.constant 0 : i32
          %dma_start3A_497 = tpu.memref_slice %arg13[%dma_start3A_496] : memref<592xf32, #tpu.memory_space<vmem>> -> memref<576xf32, #tpu.memory_space<vmem>>
          %dma_start3A_498 = tpu.memref_slice %arg4[%mul3A_490] : memref<1440000xf32, #tpu.memory_space<hbm>> -> memref<576xf32, #tpu.memory_space<hbm>>
          %dma_start3A_499 = arith.constant 0 : i32
          %dma_start3A_500 = tpu.memref_slice %arg13[%dma_start3A_499] : memref<592xf32, #tpu.memory_space<vmem>> -> memref<576xf32, #tpu.memory_space<vmem>>
          %dma_start3A_501 = tpu.memref_slice %arg4[%mul3A_490] : memref<1440000xf32, #tpu.memory_space<hbm>> -> memref<576xf32, #tpu.memory_space<hbm>>
          tpu.enqueue_dma source(%dma_start3A_501 : memref<576xf32, #tpu.memory_space<hbm>>) target(%dma_start3A_500 : memref<576xf32, #tpu.memory_space<vmem>>) target_semaphore(%arg25 : memref<!tpu.dma_semaphore, #tpu.memory_space<semaphore_mem>>)
          %dma_start3A_502 = arith.constant 0 : i32
          %dma_start3A_503 = tpu.memref_slice %arg3[%mul3A_482, %dma_start3A_502] : memref<160000x384xf32, #tpu.memory_space<hbm>> -> memref<64x96xf32, #tpu.memory_space<hbm>>
          %dma_start3A_504 = arith.constant 0 : i32
          %dma_start3A_505 = tpu.memref_slice %arg3[%mul3A_482, %dma_start3A_504] : memref<160000x384xf32, #tpu.memory_space<hbm>> -> memref<64x96xf32, #tpu.memory_space<hbm>>
          tpu.enqueue_dma source(%dma_start3A_505 : memref<64x96xf32, #tpu.memory_space<hbm>>) target(%arg15 : memref<64x96xf32, #tpu.memory_space<vmem>>) target_semaphore(%arg25 : memref<!tpu.dma_semaphore, #tpu.memory_space<semaphore_mem>>)
        } else {
        }
        %mul3A_307 = arith.constant 4 : i32
        %mul3A_308 = arith.muli %add3A_139, %mul3A_307 : i32
        %add3A_309 = arith.constant 2 : i32
        %add3A_310 = arith.addi %mul3A_308, %add3A_309 : i32
        %add3A_311 = arith.constant 1 : i32
        %add3A_312 = arith.addi %add3A_310, %add3A_311 : i32
        %mul3A_313 = arith.constant 16 : i32
        %mul3A_314 = arith.muli %mul3A_313, %add3A_312 : i32
        %add3A_315 = arith.addi %arg1, %mul3A_314 : i32
        %lt3A_316 = arith.constant 1250 : i32
        %lt3A_317 = arith.cmpi slt, %add3A_315, %lt3A_316 : i32
        %convert_element_type3A_318 = arith.extui %lt3A_317 : i1 to i32
        %cond3A_319 = arith.constant 0 : i32
        %cond3A_320 = arith.cmpi ne, %convert_element_type3A_318, %cond3A_319 : i32
        scf.if %cond3A_320 {
          %mul3A_475 = arith.constant 1250 : i32
          %mul3A_476 = arith.muli %arg0, %mul3A_475 : i32
          %add3A_477 = arith.addi %mul3A_476, %arg1 : i32
          %mul3A_478 = arith.constant 16 : i32
          %mul3A_479 = arith.muli %mul3A_478, %add3A_312 : i32
          %add3A_480 = arith.addi %add3A_477, %mul3A_479 : i32
          %mul3A_481 = arith.constant 64 : i32
          %mul3A_482 = arith.muli %add3A_480, %mul3A_481 : i32
          %mul3A_483 = arith.constant 1250 : i32
          %mul3A_484 = arith.muli %arg0, %mul3A_483 : i32
          %add3A_485 = arith.addi %mul3A_484, %arg1 : i32
          %mul3A_486 = arith.constant 16 : i32
          %mul3A_487 = arith.muli %mul3A_486, %add3A_312 : i32
          %add3A_488 = arith.addi %add3A_485, %mul3A_487 : i32
          %mul3A_489 = arith.constant 9 : i32
          %mul3A_490 = arith.muli %mul3A_482, %mul3A_489 : i32
          %dma_wait3A = arith.constant 0 : i32
          %dma_wait3A_491 = tpu.memref_slice %arg5[%add3A_488, %dma_wait3A] : memref<2500x128xi32, #tpu.memory_space<hbm>> -> memref<1x128xi32, #tpu.memory_space<hbm>>
          %dma_wait3A_492 = tpu.memref_squeeze %dma_wait3A_491 : memref<1x128xi32, #tpu.memory_space<hbm>> -> memref<128xi32, #tpu.memory_space<hbm>>
          %dma_wait3A_493 = arith.constant 0 : i32
          %dma_wait3A_494 = tpu.memref_slice %arg5[%add3A_488, %dma_wait3A_493] : memref<2500x128xi32, #tpu.memory_space<hbm>> -> memref<1x128xi32, #tpu.memory_space<hbm>>
          %dma_wait3A_495 = tpu.memref_squeeze %dma_wait3A_494 : memref<1x128xi32, #tpu.memory_space<hbm>> -> memref<128xi32, #tpu.memory_space<hbm>>
          tpu.wait_dma2 semaphore(%arg25 : memref<!tpu.dma_semaphore, #tpu.memory_space<semaphore_mem>>) src(%dma_wait3A_495 : memref<128xi32, #tpu.memory_space<hbm>>) dst(%arg11 : memref<128xi32, #tpu.memory_space<vmem>>)
          %dma_wait3A_496 = arith.constant 0 : i32
          %dma_wait3A_497 = tpu.memref_slice %arg13[%dma_wait3A_496] : memref<592xf32, #tpu.memory_space<vmem>> -> memref<576xf32, #tpu.memory_space<vmem>>
          %dma_wait3A_498 = tpu.memref_slice %arg4[%mul3A_490] : memref<1440000xf32, #tpu.memory_space<hbm>> -> memref<576xf32, #tpu.memory_space<hbm>>
          %dma_wait3A_499 = arith.constant 0 : i32
          %dma_wait3A_500 = tpu.memref_slice %arg13[%dma_wait3A_499] : memref<592xf32, #tpu.memory_space<vmem>> -> memref<576xf32, #tpu.memory_space<vmem>>
          %dma_wait3A_501 = tpu.memref_slice %arg4[%mul3A_490] : memref<1440000xf32, #tpu.memory_space<hbm>> -> memref<576xf32, #tpu.memory_space<hbm>>
          tpu.wait_dma2 semaphore(%arg25 : memref<!tpu.dma_semaphore, #tpu.memory_space<semaphore_mem>>) src(%dma_wait3A_501 : memref<576xf32, #tpu.memory_space<hbm>>) dst(%dma_wait3A_500 : memref<576xf32, #tpu.memory_space<vmem>>)
          %dma_wait3A_502 = arith.constant 0 : i32
          %dma_wait3A_503 = tpu.memref_slice %arg3[%mul3A_482, %dma_wait3A_502] : memref<160000x384xf32, #tpu.memory_space<hbm>> -> memref<64x96xf32, #tpu.memory_space<hbm>>
          %dma_wait3A_504 = arith.constant 0 : i32
          %dma_wait3A_505 = tpu.memref_slice %arg3[%mul3A_482, %dma_wait3A_504] : memref<160000x384xf32, #tpu.memory_space<hbm>> -> memref<64x96xf32, #tpu.memory_space<hbm>>
          tpu.wait_dma2 semaphore(%arg25 : memref<!tpu.dma_semaphore, #tpu.memory_space<semaphore_mem>>) src(%dma_wait3A_505 : memref<64x96xf32, #tpu.memory_space<hbm>>) dst(%arg15 : memref<64x96xf32, #tpu.memory_space<vmem>>)
        } else {
        }
        %add3A_321 = arith.constant 1 : i32
        %add3A_322 = arith.addi %add3A_310, %add3A_321 : i32
        %mul3A_323 = arith.constant 16 : i32
        %mul3A_324 = arith.muli %mul3A_323, %add3A_322 : i32
        %add3A_325 = arith.addi %arg1, %mul3A_324 : i32
        %lt3A_326 = arith.constant 1250 : i32
        %lt3A_327 = arith.cmpi slt, %add3A_325, %lt3A_326 : i32
        %convert_element_type3A_328 = arith.extui %lt3A_327 : i1 to i32
        %cond3A_329 = arith.constant 0 : i32
        %cond3A_330 = arith.cmpi ne, %convert_element_type3A_328, %cond3A_329 : i32
        scf.if %cond3A_330 {
          %get3A = arith.constant 0 : index
          %get3A_475 = tpu.vector_load %arg11[%get3A] {strides = array<i32>} : memref<128xi32, #tpu.memory_space<vmem>>, vector<16xi32>,
          %swap3A = arith.constant 0 : index
          %swap3A_476 = tpu.vector_load %arg17[%swap3A] {strides = array<i32>} : memref<64xi32, #tpu.memory_space<vmem>>, vector<16xi32>,
          tpu.vector_store %arg17[%swap3A], %get3A_475 {strides = array<i32>} : memref<64xi32, #tpu.memory_space<vmem>>, vector<16xi32>,
          %get3A_477 = arith.constant 16 : index
          %get3A_478 = tpu.vector_load %arg11[%get3A_477] {strides = array<i32>} : memref<128xi32, #tpu.memory_space<vmem>>, vector<16xi32>,
          %swap3A_479 = arith.constant 16 : index
          %swap3A_480 = tpu.vector_load %arg17[%swap3A_479] {strides = array<i32>} : memref<64xi32, #tpu.memory_space<vmem>>, vector<16xi32>,
          tpu.vector_store %arg17[%swap3A_479], %get3A_478 {strides = array<i32>} : memref<64xi32, #tpu.memory_space<vmem>>, vector<16xi32>,
          %get3A_481 = arith.constant 32 : index
          %get3A_482 = tpu.vector_load %arg11[%get3A_481] {strides = array<i32>} : memref<128xi32, #tpu.memory_space<vmem>>, vector<16xi32>,
          %swap3A_483 = arith.constant 32 : index
          %swap3A_484 = tpu.vector_load %arg17[%swap3A_483] {strides = array<i32>} : memref<64xi32, #tpu.memory_space<vmem>>, vector<16xi32>,
          tpu.vector_store %arg17[%swap3A_483], %get3A_482 {strides = array<i32>} : memref<64xi32, #tpu.memory_space<vmem>>, vector<16xi32>,
          %get3A_485 = arith.constant 48 : index
          %get3A_486 = tpu.vector_load %arg11[%get3A_485] {strides = array<i32>} : memref<128xi32, #tpu.memory_space<vmem>>, vector<16xi32>,
          %swap3A_487 = arith.constant 48 : index
          %swap3A_488 = tpu.vector_load %arg17[%swap3A_487] {strides = array<i32>} : memref<64xi32, #tpu.memory_space<vmem>>, vector<16xi32>,
          tpu.vector_store %arg17[%swap3A_487], %get3A_486 {strides = array<i32>} : memref<64xi32, #tpu.memory_space<vmem>>, vector<16xi32>,
          %dma_start3A = arith.constant 0 : i32
          %dma_start3A_489 = arith.constant 0 : i32
          %dma_start3A_490 = tpu.memref_slice %arg9[%dma_start3A, %dma_start3A_489] : memref<10000x32xbf16, #tpu.memory_space<vmem_shared>> -> memref<10000x32xbf16, #tpu.memory_space<vmem_shared>>
          tpu.enqueue_indirect_dma source(%dma_start3A_490 : memref<10000x32xbf16, #tpu.memory_space<vmem_shared>>) target(%arg19 : memref<64x32xbf16, #tpu.memory_space<vmem>>) offsets(%arg17 : memref<64xi32, #tpu.memory_space<vmem>>) semaphore(%arg27 : memref<!tpu.dma_semaphore, #tpu.memory_space<semaphore_mem>>)
        } else {
        }
        %mul3A_331 = arith.constant 16 : i32
        %mul3A_332 = arith.muli %mul3A_331, %add3A_310 : i32
        %add3A_333 = arith.addi %arg1, %mul3A_332 : i32
        %lt3A_334 = arith.constant 1250 : i32
        %lt3A_335 = arith.cmpi slt, %add3A_333, %lt3A_334 : i32
        %convert_element_type3A_336 = arith.extui %lt3A_335 : i1 to i32
        %cond3A_337 = arith.constant 0 : i32
        %cond3A_338 = arith.cmpi ne, %convert_element_type3A_336, %cond3A_337 : i32
        scf.if %cond3A_338 {
          %dma_wait3A = arith.constant 0 : i32
          %dma_wait3A_475 = arith.constant 0 : i32
          %dma_wait3A_476 = tpu.memref_slice %arg9[%dma_wait3A, %dma_wait3A_475] : memref<10000x32xbf16, #tpu.memory_space<vmem_shared>> -> memref<10000x32xbf16, #tpu.memory_space<vmem_shared>>
          tpu.wait_indirect_dma semaphore(%arg26 : memref<!tpu.dma_semaphore, #tpu.memory_space<semaphore_mem>>) src(%dma_wait3A_476 : memref<10000x32xbf16, #tpu.memory_space<vmem_shared>>) dst(%arg18 : memref<64x32xbf16, #tpu.memory_space<vmem>>)
        } else {
        }
        %sub3A_339 = arith.constant 1 : i32
        %sub3A_340 = arith.subi %add3A_310, %sub3A_339 : i32
        %mul3A_341 = arith.constant 16 : i32
        %mul3A_342 = arith.muli %mul3A_341, %sub3A_340 : i32
        %add3A_343 = arith.addi %arg1, %mul3A_342 : i32
        %lt3A_344 = arith.constant 1250 : i32
        %lt3A_345 = arith.cmpi slt, %add3A_343, %lt3A_344 : i32
        %ge3A_346 = arith.constant 0 : i32
        %ge3A_347 = arith.cmpi sge, %sub3A_340, %ge3A_346 : i32
        %and3A_348 = arith.andi %lt3A_345, %ge3A_347 : i1
        %convert_element_type3A_349 = arith.extui %and3A_348 : i1 to i32
        %cond3A_350 = arith.constant 0 : i32
        %cond3A_351 = arith.cmpi ne, %convert_element_type3A_349, %cond3A_350 : i32
        scf.if %cond3A_351 {
          %dma_wait3A = arith.constant 0 : i32
          %dma_wait3A_475 = arith.constant 0 : i32
          %dma_wait3A_476 = arith.constant 0 : i32
          %dma_wait3A_477 = tpu.memref_slice %arg8[%dma_wait3A, %dma_wait3A_475, %dma_wait3A_476] : memref<10000x9x32xbf16, #tpu.memory_space<vmem_shared>> -> memref<10000x9x32xbf16, #tpu.memory_space<vmem_shared>>
          tpu.wait_indirect_dma semaphore(%arg28 : memref<!tpu.dma_semaphore, #tpu.memory_space<semaphore_mem>>) src(%arg22 : memref<32x9x32xbf16, #tpu.memory_space<vmem>>) dst(%dma_wait3A_477 : memref<10000x9x32xbf16, #tpu.memory_space<vmem_shared>>)
        } else {
        }
        %mul3A_352 = arith.constant 16 : i32
        %mul3A_353 = arith.muli %mul3A_352, %add3A_310 : i32
        %add3A_354 = arith.addi %arg1, %mul3A_353 : i32
        %lt3A_355 = arith.constant 1250 : i32
        %lt3A_356 = arith.cmpi slt, %add3A_354, %lt3A_355 : i32
        %convert_element_type3A_357 = arith.extui %lt3A_356 : i1 to i32
        %cond3A_358 = arith.constant 0 : i32
        %cond3A_359 = arith.cmpi ne, %convert_element_type3A_357, %cond3A_358 : i32
        scf.if %cond3A_359 {
          %get3A = arith.constant 64 : index
          %get3A_475 = tpu.vector_load %arg10[%get3A] {strides = array<i32>} : memref<128xi32, #tpu.memory_space<vmem>>, vector<16xi32>,
          %swap3A = arith.constant 0 : index
          %swap3A_476 = tpu.vector_load %arg20[%swap3A] {strides = array<i32>} : memref<32xi32, #tpu.memory_space<vmem>>, vector<16xi32>,
          tpu.vector_store %arg20[%swap3A], %get3A_475 {strides = array<i32>} : memref<32xi32, #tpu.memory_space<vmem>>, vector<16xi32>,
          %get3A_477 = arith.constant 80 : index
          %get3A_478 = tpu.vector_load %arg10[%get3A_477] {strides = array<i32>} : memref<128xi32, #tpu.memory_space<vmem>>, vector<16xi32>,
          %swap3A_479 = arith.constant 16 : index
          %swap3A_480 = tpu.vector_load %arg20[%swap3A_479] {strides = array<i32>} : memref<32xi32, #tpu.memory_space<vmem>>, vector<16xi32>,
          tpu.vector_store %arg20[%swap3A_479], %get3A_478 {strides = array<i32>} : memref<32xi32, #tpu.memory_space<vmem>>, vector<16xi32>,
          %parallel_loop3A = arith.constant 0 : i32
          %parallel_loop3A_481 = arith.constant 32 : i32
          %parallel_loop3A_482 = arith.constant 1 : i32
          scf.for %parallel_loop3A_486 = %parallel_loop3A to %parallel_loop3A_481 step %parallel_loop3A_482  : i32 {
            %parallel_loop3A_487 = arith.index_cast %parallel_loop3A_486 : i32 to index
            %parallel_loop3A_488 = arith.constant 0 : index
            %parallel_loop3A_489 = tpu.vector_load %arg18[%parallel_loop3A_487, %parallel_loop3A_488] {strides = array<i32>} : memref<64x32xbf16, #tpu.memory_space<vmem>>, vector<32xbf16>,
            %parallel_loop3A_490 = tpu.unpack_subelements %parallel_loop3A_489, 0 {pack_format = #tpu.pack_format<interleaved>} : vector<32xbf16> -> vector<16xf32>
            %parallel_loop3A_491 = tpu.unpack_subelements %parallel_loop3A_489, 1 {pack_format = #tpu.pack_format<interleaved>} : vector<32xbf16> -> vector<16xf32>
            %parallel_loop3A_492 = arith.constant 9 : i32
            %parallel_loop3A_493 = arith.muli %parallel_loop3A_486, %parallel_loop3A_492 : i32
            %parallel_loop3A_494 = arith.index_cast %parallel_loop3A_493 : i32 to index
            %parallel_loop3A_495 = tpu.vector_load %arg12[%parallel_loop3A_494] {strides = array<i32>} : memref<592xf32, #tpu.memory_space<vmem>>, vector<16xf32>,
            %parallel_loop3A_496 = arith.index_cast %parallel_loop3A_486 : i32 to index
            %parallel_loop3A_497 = arith.constant 0 : index
            %parallel_loop3A_498 = tpu.vector_load %arg14[%parallel_loop3A_496, %parallel_loop3A_497] {strides = array<i32>} : memref<64x96xf32, #tpu.memory_space<vmem>>, vector<16xf32>,
            %parallel_loop3A_499 = arith.mulf %parallel_loop3A_498, %parallel_loop3A_490 : vector<16xf32>
            %parallel_loop3A_500 = arith.index_cast %parallel_loop3A_486 : i32 to index
            %parallel_loop3A_501 = arith.constant 16 : index
            %parallel_loop3A_502 = tpu.vector_load %arg14[%parallel_loop3A_500, %parallel_loop3A_501] {strides = array<i32>} : memref<64x96xf32, #tpu.memory_space<vmem>>, vector<16xf32>,
            %parallel_loop3A_503 = arith.mulf %parallel_loop3A_502, %parallel_loop3A_491 : vector<16xf32>
            %parallel_loop3A_504 = arith.index_cast %parallel_loop3A_486 : i32 to index
            %parallel_loop3A_505 = arith.constant 32 : index
            %parallel_loop3A_506 = tpu.vector_load %arg14[%parallel_loop3A_504, %parallel_loop3A_505] {strides = array<i32>} : memref<64x96xf32, #tpu.memory_space<vmem>>, vector<16xf32>,
            %parallel_loop3A_507 = arith.mulf %parallel_loop3A_506, %parallel_loop3A_490 : vector<16xf32>
            %parallel_loop3A_508 = arith.index_cast %parallel_loop3A_486 : i32 to index
            %parallel_loop3A_509 = arith.constant 48 : index
            %parallel_loop3A_510 = tpu.vector_load %arg14[%parallel_loop3A_508, %parallel_loop3A_509] {strides = array<i32>} : memref<64x96xf32, #tpu.memory_space<vmem>>, vector<16xf32>,
            %parallel_loop3A_511 = arith.mulf %parallel_loop3A_510, %parallel_loop3A_491 : vector<16xf32>
            %parallel_loop3A_512 = arith.index_cast %parallel_loop3A_486 : i32 to index
            %parallel_loop3A_513 = arith.constant 64 : index
            %parallel_loop3A_514 = tpu.vector_load %arg14[%parallel_loop3A_512, %parallel_loop3A_513] {strides = array<i32>} : memref<64x96xf32, #tpu.memory_space<vmem>>, vector<16xf32>,
            %parallel_loop3A_515 = arith.mulf %parallel_loop3A_514, %parallel_loop3A_490 : vector<16xf32>
            %parallel_loop3A_516 = arith.index_cast %parallel_loop3A_486 : i32 to index
            %parallel_loop3A_517 = arith.constant 80 : index
            %parallel_loop3A_518 = tpu.vector_load %arg14[%parallel_loop3A_516, %parallel_loop3A_517] {strides = array<i32>} : memref<64x96xf32, #tpu.memory_space<vmem>>, vector<16xf32>,
            %parallel_loop3A_519 = arith.mulf %parallel_loop3A_518, %parallel_loop3A_491 : vector<16xf32>
            %parallel_loop3A_520 = vector.extract_strided_slice %parallel_loop3A_495 {offsets = [0], sizes = [1], strides = [1]} : vector<16xf32> to vector<1xf32>
            %parallel_loop3A_521 = vector.extract %parallel_loop3A_520[0] : f32 from vector<1xf32>
            %parallel_loop3A_522 = vector.broadcast %parallel_loop3A_521 : f32 to vector<16xf32>
            %parallel_loop3A_523 = arith.mulf %parallel_loop3A_522, %parallel_loop3A_499 : vector<16xf32>
            %parallel_loop3A_524 = vector.extract_strided_slice %parallel_loop3A_495 {offsets = [0], sizes = [1], strides = [1]} : vector<16xf32> to vector<1xf32>
            %parallel_loop3A_525 = vector.extract %parallel_loop3A_524[0] : f32 from vector<1xf32>
            %parallel_loop3A_526 = vector.broadcast %parallel_loop3A_525 : f32 to vector<16xf32>
            %parallel_loop3A_527 = arith.mulf %parallel_loop3A_526, %parallel_loop3A_503 : vector<16xf32>
            %parallel_loop3A_528 = tpu.pack_subelements %parallel_loop3A_523, %parallel_loop3A_527 {pack_format = #tpu.pack_format<interleaved>, positions = array<i32: 0, 1>} : vector<16xf32>, vector<16xf32> -> vector<32xbf16>
            %parallel_loop3A_529 = arith.constant 0 : i32
            %parallel_loop3A_530 = arith.subi %parallel_loop3A_486, %parallel_loop3A_529 : i32
            %parallel_loop3A_531 = arith.constant 0 : i32
            %parallel_loop3A_532 = arith.index_cast %parallel_loop3A_530 : i32 to index
            %parallel_loop3A_533 = arith.index_cast %parallel_loop3A_531 : i32 to index
            %parallel_loop3A_534 = arith.constant 0 : index
            %parallel_loop3A_535 = tpu.vector_load %arg22[%parallel_loop3A_532, %parallel_loop3A_533, %parallel_loop3A_534] {strides = array<i32>} : memref<32x9x32xbf16, #tpu.memory_space<vmem>>, vector<32xbf16>,
            tpu.vector_store %arg22[%parallel_loop3A_532, %parallel_loop3A_533, %parallel_loop3A_534], %parallel_loop3A_528 {strides = array<i32>} : memref<32x9x32xbf16, #tpu.memory_space<vmem>>, vector<32xbf16>,
            %parallel_loop3A_536 = vector.extract_strided_slice %parallel_loop3A_495 {offsets = [1], sizes = [1], strides = [1]} : vector<16xf32> to vector<1xf32>
            %parallel_loop3A_537 = vector.extract %parallel_loop3A_536[0] : f32 from vector<1xf32>
            %parallel_loop3A_538 = vector.broadcast %parallel_loop3A_537 : f32 to vector<16xf32>
            %parallel_loop3A_539 = arith.mulf %parallel_loop3A_538, %parallel_loop3A_507 : vector<16xf32>
            %parallel_loop3A_540 = vector.extract_strided_slice %parallel_loop3A_495 {offsets = [1], sizes = [1], strides = [1]} : vector<16xf32> to vector<1xf32>
            %parallel_loop3A_541 = vector.extract %parallel_loop3A_540[0] : f32 from vector<1xf32>
            %parallel_loop3A_542 = vector.broadcast %parallel_loop3A_541 : f32 to vector<16xf32>
            %parallel_loop3A_543 = arith.mulf %parallel_loop3A_542, %parallel_loop3A_511 : vector<16xf32>
            %parallel_loop3A_544 = tpu.pack_subelements %parallel_loop3A_539, %parallel_loop3A_543 {pack_format = #tpu.pack_format<interleaved>, positions = array<i32: 0, 1>} : vector<16xf32>, vector<16xf32> -> vector<32xbf16>
            %parallel_loop3A_545 = arith.constant 0 : i32
            %parallel_loop3A_546 = arith.subi %parallel_loop3A_486, %parallel_loop3A_545 : i32
            %parallel_loop3A_547 = arith.constant 1 : i32
            %parallel_loop3A_548 = arith.index_cast %parallel_loop3A_546 : i32 to index
            %parallel_loop3A_549 = arith.index_cast %parallel_loop3A_547 : i32 to index
            %parallel_loop3A_550 = arith.constant 0 : index
            %parallel_loop3A_551 = tpu.vector_load %arg22[%parallel_loop3A_548, %parallel_loop3A_549, %parallel_loop3A_550] {strides = array<i32>} : memref<32x9x32xbf16, #tpu.memory_space<vmem>>, vector<32xbf16>,
            tpu.vector_store %arg22[%parallel_loop3A_548, %parallel_loop3A_549, %parallel_loop3A_550], %parallel_loop3A_544 {strides = array<i32>} : memref<32x9x32xbf16, #tpu.memory_space<vmem>>, vector<32xbf16>,
            %parallel_loop3A_552 = vector.extract_strided_slice %parallel_loop3A_495 {offsets = [2], sizes = [1], strides = [1]} : vector<16xf32> to vector<1xf32>
            %parallel_loop3A_553 = vector.extract %parallel_loop3A_552[0] : f32 from vector<1xf32>
            %parallel_loop3A_554 = vector.broadcast %parallel_loop3A_553 : f32 to vector<16xf32>
            %parallel_loop3A_555 = arith.mulf %parallel_loop3A_554, %parallel_loop3A_507 : vector<16xf32>
            %parallel_loop3A_556 = vector.extract_strided_slice %parallel_loop3A_495 {offsets = [2], sizes = [1], strides = [1]} : vector<16xf32> to vector<1xf32>
            %parallel_loop3A_557 = vector.extract %parallel_loop3A_556[0] : f32 from vector<1xf32>
            %parallel_loop3A_558 = vector.broadcast %parallel_loop3A_557 : f32 to vector<16xf32>
            %parallel_loop3A_559 = arith.mulf %parallel_loop3A_558, %parallel_loop3A_511 : vector<16xf32>
            %parallel_loop3A_560 = tpu.pack_subelements %parallel_loop3A_555, %parallel_loop3A_559 {pack_format = #tpu.pack_format<interleaved>, positions = array<i32: 0, 1>} : vector<16xf32>, vector<16xf32> -> vector<32xbf16>
            %parallel_loop3A_561 = arith.constant 0 : i32
            %parallel_loop3A_562 = arith.subi %parallel_loop3A_486, %parallel_loop3A_561 : i32
            %parallel_loop3A_563 = arith.constant 2 : i32
            %parallel_loop3A_564 = arith.index_cast %parallel_loop3A_562 : i32 to index
            %parallel_loop3A_565 = arith.index_cast %parallel_loop3A_563 : i32 to index
            %parallel_loop3A_566 = arith.constant 0 : index
            %parallel_loop3A_567 = tpu.vector_load %arg22[%parallel_loop3A_564, %parallel_loop3A_565, %parallel_loop3A_566] {strides = array<i32>} : memref<32x9x32xbf16, #tpu.memory_space<vmem>>, vector<32xbf16>,
            tpu.vector_store %arg22[%parallel_loop3A_564, %parallel_loop3A_565, %parallel_loop3A_566], %parallel_loop3A_560 {strides = array<i32>} : memref<32x9x32xbf16, #tpu.memory_space<vmem>>, vector<32xbf16>,
            %parallel_loop3A_568 = vector.extract_strided_slice %parallel_loop3A_495 {offsets = [3], sizes = [1], strides = [1]} : vector<16xf32> to vector<1xf32>
            %parallel_loop3A_569 = vector.extract %parallel_loop3A_568[0] : f32 from vector<1xf32>
            %parallel_loop3A_570 = vector.broadcast %parallel_loop3A_569 : f32 to vector<16xf32>
            %parallel_loop3A_571 = arith.mulf %parallel_loop3A_570, %parallel_loop3A_507 : vector<16xf32>
            %parallel_loop3A_572 = vector.extract_strided_slice %parallel_loop3A_495 {offsets = [3], sizes = [1], strides = [1]} : vector<16xf32> to vector<1xf32>
            %parallel_loop3A_573 = vector.extract %parallel_loop3A_572[0] : f32 from vector<1xf32>
            %parallel_loop3A_574 = vector.broadcast %parallel_loop3A_573 : f32 to vector<16xf32>
            %parallel_loop3A_575 = arith.mulf %parallel_loop3A_574, %parallel_loop3A_511 : vector<16xf32>
            %parallel_loop3A_576 = tpu.pack_subelements %parallel_loop3A_571, %parallel_loop3A_575 {pack_format = #tpu.pack_format<interleaved>, positions = array<i32: 0, 1>} : vector<16xf32>, vector<16xf32> -> vector<32xbf16>
            %parallel_loop3A_577 = arith.constant 0 : i32
            %parallel_loop3A_578 = arith.subi %parallel_loop3A_486, %parallel_loop3A_577 : i32
            %parallel_loop3A_579 = arith.constant 3 : i32
            %parallel_loop3A_580 = arith.index_cast %parallel_loop3A_578 : i32 to index
            %parallel_loop3A_581 = arith.index_cast %parallel_loop3A_579 : i32 to index
            %parallel_loop3A_582 = arith.constant 0 : index
            %parallel_loop3A_583 = tpu.vector_load %arg22[%parallel_loop3A_580, %parallel_loop3A_581, %parallel_loop3A_582] {strides = array<i32>} : memref<32x9x32xbf16, #tpu.memory_space<vmem>>, vector<32xbf16>,
            tpu.vector_store %arg22[%parallel_loop3A_580, %parallel_loop3A_581, %parallel_loop3A_582], %parallel_loop3A_576 {strides = array<i32>} : memref<32x9x32xbf16, #tpu.memory_space<vmem>>, vector<32xbf16>,
            %parallel_loop3A_584 = vector.extract_strided_slice %parallel_loop3A_495 {offsets = [4], sizes = [1], strides = [1]} : vector<16xf32> to vector<1xf32>
            %parallel_loop3A_585 = vector.extract %parallel_loop3A_584[0] : f32 from vector<1xf32>
            %parallel_loop3A_586 = vector.broadcast %parallel_loop3A_585 : f32 to vector<16xf32>
            %parallel_loop3A_587 = arith.mulf %parallel_loop3A_586, %parallel_loop3A_515 : vector<16xf32>
            %parallel_loop3A_588 = vector.extract_strided_slice %parallel_loop3A_495 {offsets = [4], sizes = [1], strides = [1]} : vector<16xf32> to vector<1xf32>
            %parallel_loop3A_589 = vector.extract %parallel_loop3A_588[0] : f32 from vector<1xf32>
            %parallel_loop3A_590 = vector.broadcast %parallel_loop3A_589 : f32 to vector<16xf32>
            %parallel_loop3A_591 = arith.mulf %parallel_loop3A_590, %parallel_loop3A_519 : vector<16xf32>
            %parallel_loop3A_592 = tpu.pack_subelements %parallel_loop3A_587, %parallel_loop3A_591 {pack_format = #tpu.pack_format<interleaved>, positions = array<i32: 0, 1>} : vector<16xf32>, vector<16xf32> -> vector<32xbf16>
            %parallel_loop3A_593 = arith.constant 0 : i32
            %parallel_loop3A_594 = arith.subi %parallel_loop3A_486, %parallel_loop3A_593 : i32
            %parallel_loop3A_595 = arith.constant 4 : i32
            %parallel_loop3A_596 = arith.index_cast %parallel_loop3A_594 : i32 to index
            %parallel_loop3A_597 = arith.index_cast %parallel_loop3A_595 : i32 to index
            %parallel_loop3A_598 = arith.constant 0 : index
            %parallel_loop3A_599 = tpu.vector_load %arg22[%parallel_loop3A_596, %parallel_loop3A_597, %parallel_loop3A_598] {strides = array<i32>} : memref<32x9x32xbf16, #tpu.memory_space<vmem>>, vector<32xbf16>,
            tpu.vector_store %arg22[%parallel_loop3A_596, %parallel_loop3A_597, %parallel_loop3A_598], %parallel_loop3A_592 {strides = array<i32>} : memref<32x9x32xbf16, #tpu.memory_space<vmem>>, vector<32xbf16>,
            %parallel_loop3A_600 = vector.extract_strided_slice %parallel_loop3A_495 {offsets = [5], sizes = [1], strides = [1]} : vector<16xf32> to vector<1xf32>
            %parallel_loop3A_601 = vector.extract %parallel_loop3A_600[0] : f32 from vector<1xf32>
            %parallel_loop3A_602 = vector.broadcast %parallel_loop3A_601 : f32 to vector<16xf32>
            %parallel_loop3A_603 = arith.mulf %parallel_loop3A_602, %parallel_loop3A_515 : vector<16xf32>
            %parallel_loop3A_604 = vector.extract_strided_slice %parallel_loop3A_495 {offsets = [5], sizes = [1], strides = [1]} : vector<16xf32> to vector<1xf32>
            %parallel_loop3A_605 = vector.extract %parallel_loop3A_604[0] : f32 from vector<1xf32>
            %parallel_loop3A_606 = vector.broadcast %parallel_loop3A_605 : f32 to vector<16xf32>
            %parallel_loop3A_607 = arith.mulf %parallel_loop3A_606, %parallel_loop3A_519 : vector<16xf32>
            %parallel_loop3A_608 = tpu.pack_subelements %parallel_loop3A_603, %parallel_loop3A_607 {pack_format = #tpu.pack_format<interleaved>, positions = array<i32: 0, 1>} : vector<16xf32>, vector<16xf32> -> vector<32xbf16>
            %parallel_loop3A_609 = arith.constant 0 : i32
            %parallel_loop3A_610 = arith.subi %parallel_loop3A_486, %parallel_loop3A_609 : i32
            %parallel_loop3A_611 = arith.constant 5 : i32
            %parallel_loop3A_612 = arith.index_cast %parallel_loop3A_610 : i32 to index
            %parallel_loop3A_613 = arith.index_cast %parallel_loop3A_611 : i32 to index
            %parallel_loop3A_614 = arith.constant 0 : index
            %parallel_loop3A_615 = tpu.vector_load %arg22[%parallel_loop3A_612, %parallel_loop3A_613, %parallel_loop3A_614] {strides = array<i32>} : memref<32x9x32xbf16, #tpu.memory_space<vmem>>, vector<32xbf16>,
            tpu.vector_store %arg22[%parallel_loop3A_612, %parallel_loop3A_613, %parallel_loop3A_614], %parallel_loop3A_608 {strides = array<i32>} : memref<32x9x32xbf16, #tpu.memory_space<vmem>>, vector<32xbf16>,
            %parallel_loop3A_616 = vector.extract_strided_slice %parallel_loop3A_495 {offsets = [6], sizes = [1], strides = [1]} : vector<16xf32> to vector<1xf32>
            %parallel_loop3A_617 = vector.extract %parallel_loop3A_616[0] : f32 from vector<1xf32>
            %parallel_loop3A_618 = vector.broadcast %parallel_loop3A_617 : f32 to vector<16xf32>
            %parallel_loop3A_619 = arith.mulf %parallel_loop3A_618, %parallel_loop3A_515 : vector<16xf32>
            %parallel_loop3A_620 = vector.extract_strided_slice %parallel_loop3A_495 {offsets = [6], sizes = [1], strides = [1]} : vector<16xf32> to vector<1xf32>
            %parallel_loop3A_621 = vector.extract %parallel_loop3A_620[0] : f32 from vector<1xf32>
            %parallel_loop3A_622 = vector.broadcast %parallel_loop3A_621 : f32 to vector<16xf32>
            %parallel_loop3A_623 = arith.mulf %parallel_loop3A_622, %parallel_loop3A_519 : vector<16xf32>
            %parallel_loop3A_624 = tpu.pack_subelements %parallel_loop3A_619, %parallel_loop3A_623 {pack_format = #tpu.pack_format<interleaved>, positions = array<i32: 0, 1>} : vector<16xf32>, vector<16xf32> -> vector<32xbf16>
            %parallel_loop3A_625 = arith.constant 0 : i32
            %parallel_loop3A_626 = arith.subi %parallel_loop3A_486, %parallel_loop3A_625 : i32
            %parallel_loop3A_627 = arith.constant 6 : i32
            %parallel_loop3A_628 = arith.index_cast %parallel_loop3A_626 : i32 to index
            %parallel_loop3A_629 = arith.index_cast %parallel_loop3A_627 : i32 to index
            %parallel_loop3A_630 = arith.constant 0 : index
            %parallel_loop3A_631 = tpu.vector_load %arg22[%parallel_loop3A_628, %parallel_loop3A_629, %parallel_loop3A_630] {strides = array<i32>} : memref<32x9x32xbf16, #tpu.memory_space<vmem>>, vector<32xbf16>,
            tpu.vector_store %arg22[%parallel_loop3A_628, %parallel_loop3A_629, %parallel_loop3A_630], %parallel_loop3A_624 {strides = array<i32>} : memref<32x9x32xbf16, #tpu.memory_space<vmem>>, vector<32xbf16>,
            %parallel_loop3A_632 = vector.extract_strided_slice %parallel_loop3A_495 {offsets = [7], sizes = [1], strides = [1]} : vector<16xf32> to vector<1xf32>
            %parallel_loop3A_633 = vector.extract %parallel_loop3A_632[0] : f32 from vector<1xf32>
            %parallel_loop3A_634 = vector.broadcast %parallel_loop3A_633 : f32 to vector<16xf32>
            %parallel_loop3A_635 = arith.mulf %parallel_loop3A_634, %parallel_loop3A_515 : vector<16xf32>
            %parallel_loop3A_636 = vector.extract_strided_slice %parallel_loop3A_495 {offsets = [7], sizes = [1], strides = [1]} : vector<16xf32> to vector<1xf32>
            %parallel_loop3A_637 = vector.extract %parallel_loop3A_636[0] : f32 from vector<1xf32>
            %parallel_loop3A_638 = vector.broadcast %parallel_loop3A_637 : f32 to vector<16xf32>
            %parallel_loop3A_639 = arith.mulf %parallel_loop3A_638, %parallel_loop3A_519 : vector<16xf32>
            %parallel_loop3A_640 = tpu.pack_subelements %parallel_loop3A_635, %parallel_loop3A_639 {pack_format = #tpu.pack_format<interleaved>, positions = array<i32: 0, 1>} : vector<16xf32>, vector<16xf32> -> vector<32xbf16>
            %parallel_loop3A_641 = arith.constant 0 : i32
            %parallel_loop3A_642 = arith.subi %parallel_loop3A_486, %parallel_loop3A_641 : i32
            %parallel_loop3A_643 = arith.constant 7 : i32
            %parallel_loop3A_644 = arith.index_cast %parallel_loop3A_642 : i32 to index
            %parallel_loop3A_645 = arith.index_cast %parallel_loop3A_643 : i32 to index
            %parallel_loop3A_646 = arith.constant 0 : index
            %parallel_loop3A_647 = tpu.vector_load %arg22[%parallel_loop3A_644, %parallel_loop3A_645, %parallel_loop3A_646] {strides = array<i32>} : memref<32x9x32xbf16, #tpu.memory_space<vmem>>, vector<32xbf16>,
            tpu.vector_store %arg22[%parallel_loop3A_644, %parallel_loop3A_645, %parallel_loop3A_646], %parallel_loop3A_640 {strides = array<i32>} : memref<32x9x32xbf16, #tpu.memory_space<vmem>>, vector<32xbf16>,
            %parallel_loop3A_648 = vector.extract_strided_slice %parallel_loop3A_495 {offsets = [8], sizes = [1], strides = [1]} : vector<16xf32> to vector<1xf32>
            %parallel_loop3A_649 = vector.extract %parallel_loop3A_648[0] : f32 from vector<1xf32>
            %parallel_loop3A_650 = vector.broadcast %parallel_loop3A_649 : f32 to vector<16xf32>
            %parallel_loop3A_651 = arith.mulf %parallel_loop3A_650, %parallel_loop3A_515 : vector<16xf32>
            %parallel_loop3A_652 = vector.extract_strided_slice %parallel_loop3A_495 {offsets = [8], sizes = [1], strides = [1]} : vector<16xf32> to vector<1xf32>
            %parallel_loop3A_653 = vector.extract %parallel_loop3A_652[0] : f32 from vector<1xf32>
            %parallel_loop3A_654 = vector.broadcast %parallel_loop3A_653 : f32 to vector<16xf32>
            %parallel_loop3A_655 = arith.mulf %parallel_loop3A_654, %parallel_loop3A_519 : vector<16xf32>
            %parallel_loop3A_656 = tpu.pack_subelements %parallel_loop3A_651, %parallel_loop3A_655 {pack_format = #tpu.pack_format<interleaved>, positions = array<i32: 0, 1>} : vector<16xf32>, vector<16xf32> -> vector<32xbf16>
            %parallel_loop3A_657 = arith.constant 0 : i32
            %parallel_loop3A_658 = arith.subi %parallel_loop3A_486, %parallel_loop3A_657 : i32
            %parallel_loop3A_659 = arith.constant 8 : i32
            %parallel_loop3A_660 = arith.index_cast %parallel_loop3A_658 : i32 to index
            %parallel_loop3A_661 = arith.index_cast %parallel_loop3A_659 : i32 to index
            %parallel_loop3A_662 = arith.constant 0 : index
            %parallel_loop3A_663 = tpu.vector_load %arg22[%parallel_loop3A_660, %parallel_loop3A_661, %parallel_loop3A_662] {strides = array<i32>} : memref<32x9x32xbf16, #tpu.memory_space<vmem>>, vector<32xbf16>,
            tpu.vector_store %arg22[%parallel_loop3A_660, %parallel_loop3A_661, %parallel_loop3A_662], %parallel_loop3A_656 {strides = array<i32>} : memref<32x9x32xbf16, #tpu.memory_space<vmem>>, vector<32xbf16>,
          } {sc.loop_unroll_factor = 2 : i64, sc.parallel_access}
          %dma_start3A = arith.constant 0 : i32
          %dma_start3A_483 = arith.constant 0 : i32
          %dma_start3A_484 = arith.constant 0 : i32
          %dma_start3A_485 = tpu.memref_slice %arg8[%dma_start3A, %dma_start3A_483, %dma_start3A_484] : memref<10000x9x32xbf16, #tpu.memory_space<vmem_shared>> -> memref<10000x9x32xbf16, #tpu.memory_space<vmem_shared>>
          tpu.enqueue_indirect_dma source(%arg22 : memref<32x9x32xbf16, #tpu.memory_space<vmem>>) target(%dma_start3A_485 : memref<10000x9x32xbf16, #tpu.memory_space<vmem_shared>>) offsets(%arg20 : memref<32xi32, #tpu.memory_space<vmem>>) semaphore(%arg28 : memref<!tpu.dma_semaphore, #tpu.memory_space<semaphore_mem>>) {add = true}
        } else {
        }
        %sub3A_360 = arith.constant 1 : i32
        %sub3A_361 = arith.subi %add3A_310, %sub3A_360 : i32
        %mul3A_362 = arith.constant 16 : i32
        %mul3A_363 = arith.muli %mul3A_362, %sub3A_361 : i32
        %add3A_364 = arith.addi %arg1, %mul3A_363 : i32
        %lt3A_365 = arith.constant 1250 : i32
        %lt3A_366 = arith.cmpi slt, %add3A_364, %lt3A_365 : i32
        %ge3A_367 = arith.constant 0 : i32
        %ge3A_368 = arith.cmpi sge, %sub3A_361, %ge3A_367 : i32
        %and3A_369 = arith.andi %lt3A_366, %ge3A_368 : i1
        %convert_element_type3A_370 = arith.extui %and3A_369 : i1 to i32
        %cond3A_371 = arith.constant 0 : i32
        %cond3A_372 = arith.cmpi ne, %convert_element_type3A_370, %cond3A_371 : i32
        scf.if %cond3A_372 {
          %dma_wait3A = arith.constant 0 : i32
          %dma_wait3A_475 = arith.constant 0 : i32
          %dma_wait3A_476 = arith.constant 0 : i32
          %dma_wait3A_477 = tpu.memref_slice %arg8[%dma_wait3A, %dma_wait3A_475, %dma_wait3A_476] : memref<10000x9x32xbf16, #tpu.memory_space<vmem_shared>> -> memref<10000x9x32xbf16, #tpu.memory_space<vmem_shared>>
          tpu.wait_indirect_dma semaphore(%arg29 : memref<!tpu.dma_semaphore, #tpu.memory_space<semaphore_mem>>) src(%arg23 : memref<32x9x32xbf16, #tpu.memory_space<vmem>>) dst(%dma_wait3A_477 : memref<10000x9x32xbf16, #tpu.memory_space<vmem_shared>>)
        } else {
        }
        %mul3A_373 = arith.constant 16 : i32
        %mul3A_374 = arith.muli %mul3A_373, %add3A_310 : i32
        %add3A_375 = arith.addi %arg1, %mul3A_374 : i32
        %lt3A_376 = arith.constant 1250 : i32
        %lt3A_377 = arith.cmpi slt, %add3A_375, %lt3A_376 : i32
        %convert_element_type3A_378 = arith.extui %lt3A_377 : i1 to i32
        %cond3A_379 = arith.constant 0 : i32
        %cond3A_380 = arith.cmpi ne, %convert_element_type3A_378, %cond3A_379 : i32
        scf.if %cond3A_380 {
          %get3A = arith.constant 96 : index
          %get3A_475 = tpu.vector_load %arg10[%get3A] {strides = array<i32>} : memref<128xi32, #tpu.memory_space<vmem>>, vector<16xi32>,
          %swap3A = arith.constant 0 : index
          %swap3A_476 = tpu.vector_load %arg21[%swap3A] {strides = array<i32>} : memref<32xi32, #tpu.memory_space<vmem>>, vector<16xi32>,
          tpu.vector_store %arg21[%swap3A], %get3A_475 {strides = array<i32>} : memref<32xi32, #tpu.memory_space<vmem>>, vector<16xi32>,
          %get3A_477 = arith.constant 112 : index
          %get3A_478 = tpu.vector_load %arg10[%get3A_477] {strides = array<i32>} : memref<128xi32, #tpu.memory_space<vmem>>, vector<16xi32>,
          %swap3A_479 = arith.constant 16 : index
          %swap3A_480 = tpu.vector_load %arg21[%swap3A_479] {strides = array<i32>} : memref<32xi32, #tpu.memory_space<vmem>>, vector<16xi32>,
          tpu.vector_store %arg21[%swap3A_479], %get3A_478 {strides = array<i32>} : memref<32xi32, #tpu.memory_space<vmem>>, vector<16xi32>,
          %parallel_loop3A = arith.constant 32 : i32
          %parallel_loop3A_481 = arith.constant 64 : i32
          %parallel_loop3A_482 = arith.constant 1 : i32
          scf.for %parallel_loop3A_486 = %parallel_loop3A to %parallel_loop3A_481 step %parallel_loop3A_482  : i32 {
            %parallel_loop3A_487 = arith.index_cast %parallel_loop3A_486 : i32 to index
            %parallel_loop3A_488 = arith.constant 0 : index
            %parallel_loop3A_489 = tpu.vector_load %arg18[%parallel_loop3A_487, %parallel_loop3A_488] {strides = array<i32>} : memref<64x32xbf16, #tpu.memory_space<vmem>>, vector<32xbf16>,
            %parallel_loop3A_490 = tpu.unpack_subelements %parallel_loop3A_489, 0 {pack_format = #tpu.pack_format<interleaved>} : vector<32xbf16> -> vector<16xf32>
            %parallel_loop3A_491 = tpu.unpack_subelements %parallel_loop3A_489, 1 {pack_format = #tpu.pack_format<interleaved>} : vector<32xbf16> -> vector<16xf32>
            %parallel_loop3A_492 = arith.constant 9 : i32
            %parallel_loop3A_493 = arith.muli %parallel_loop3A_486, %parallel_loop3A_492 : i32
            %parallel_loop3A_494 = arith.index_cast %parallel_loop3A_493 : i32 to index
            %parallel_loop3A_495 = tpu.vector_load %arg12[%parallel_loop3A_494] {strides = array<i32>} : memref<592xf32, #tpu.memory_space<vmem>>, vector<16xf32>,
            %parallel_loop3A_496 = arith.index_cast %parallel_loop3A_486 : i32 to index
            %parallel_loop3A_497 = arith.constant 0 : index
            %parallel_loop3A_498 = tpu.vector_load %arg14[%parallel_loop3A_496, %parallel_loop3A_497] {strides = array<i32>} : memref<64x96xf32, #tpu.memory_space<vmem>>, vector<16xf32>,
            %parallel_loop3A_499 = arith.mulf %parallel_loop3A_498, %parallel_loop3A_490 : vector<16xf32>
            %parallel_loop3A_500 = arith.index_cast %parallel_loop3A_486 : i32 to index
            %parallel_loop3A_501 = arith.constant 16 : index
            %parallel_loop3A_502 = tpu.vector_load %arg14[%parallel_loop3A_500, %parallel_loop3A_501] {strides = array<i32>} : memref<64x96xf32, #tpu.memory_space<vmem>>, vector<16xf32>,
            %parallel_loop3A_503 = arith.mulf %parallel_loop3A_502, %parallel_loop3A_491 : vector<16xf32>
            %parallel_loop3A_504 = arith.index_cast %parallel_loop3A_486 : i32 to index
            %parallel_loop3A_505 = arith.constant 32 : index
            %parallel_loop3A_506 = tpu.vector_load %arg14[%parallel_loop3A_504, %parallel_loop3A_505] {strides = array<i32>} : memref<64x96xf32, #tpu.memory_space<vmem>>, vector<16xf32>,
            %parallel_loop3A_507 = arith.mulf %parallel_loop3A_506, %parallel_loop3A_490 : vector<16xf32>
            %parallel_loop3A_508 = arith.index_cast %parallel_loop3A_486 : i32 to index
            %parallel_loop3A_509 = arith.constant 48 : index
            %parallel_loop3A_510 = tpu.vector_load %arg14[%parallel_loop3A_508, %parallel_loop3A_509] {strides = array<i32>} : memref<64x96xf32, #tpu.memory_space<vmem>>, vector<16xf32>,
            %parallel_loop3A_511 = arith.mulf %parallel_loop3A_510, %parallel_loop3A_491 : vector<16xf32>
            %parallel_loop3A_512 = arith.index_cast %parallel_loop3A_486 : i32 to index
            %parallel_loop3A_513 = arith.constant 64 : index
            %parallel_loop3A_514 = tpu.vector_load %arg14[%parallel_loop3A_512, %parallel_loop3A_513] {strides = array<i32>} : memref<64x96xf32, #tpu.memory_space<vmem>>, vector<16xf32>,
            %parallel_loop3A_515 = arith.mulf %parallel_loop3A_514, %parallel_loop3A_490 : vector<16xf32>
            %parallel_loop3A_516 = arith.index_cast %parallel_loop3A_486 : i32 to index
            %parallel_loop3A_517 = arith.constant 80 : index
            %parallel_loop3A_518 = tpu.vector_load %arg14[%parallel_loop3A_516, %parallel_loop3A_517] {strides = array<i32>} : memref<64x96xf32, #tpu.memory_space<vmem>>, vector<16xf32>,
            %parallel_loop3A_519 = arith.mulf %parallel_loop3A_518, %parallel_loop3A_491 : vector<16xf32>
            %parallel_loop3A_520 = vector.extract_strided_slice %parallel_loop3A_495 {offsets = [0], sizes = [1], strides = [1]} : vector<16xf32> to vector<1xf32>
            %parallel_loop3A_521 = vector.extract %parallel_loop3A_520[0] : f32 from vector<1xf32>
            %parallel_loop3A_522 = vector.broadcast %parallel_loop3A_521 : f32 to vector<16xf32>
            %parallel_loop3A_523 = arith.mulf %parallel_loop3A_522, %parallel_loop3A_499 : vector<16xf32>
            %parallel_loop3A_524 = vector.extract_strided_slice %parallel_loop3A_495 {offsets = [0], sizes = [1], strides = [1]} : vector<16xf32> to vector<1xf32>
            %parallel_loop3A_525 = vector.extract %parallel_loop3A_524[0] : f32 from vector<1xf32>
            %parallel_loop3A_526 = vector.broadcast %parallel_loop3A_525 : f32 to vector<16xf32>
            %parallel_loop3A_527 = arith.mulf %parallel_loop3A_526, %parallel_loop3A_503 : vector<16xf32>
            %parallel_loop3A_528 = tpu.pack_subelements %parallel_loop3A_523, %parallel_loop3A_527 {pack_format = #tpu.pack_format<interleaved>, positions = array<i32: 0, 1>} : vector<16xf32>, vector<16xf32> -> vector<32xbf16>
            %parallel_loop3A_529 = arith.constant 32 : i32
            %parallel_loop3A_530 = arith.subi %parallel_loop3A_486, %parallel_loop3A_529 : i32
            %parallel_loop3A_531 = arith.constant 0 : i32
            %parallel_loop3A_532 = arith.index_cast %parallel_loop3A_530 : i32 to index
            %parallel_loop3A_533 = arith.index_cast %parallel_loop3A_531 : i32 to index
            %parallel_loop3A_534 = arith.constant 0 : index
            %parallel_loop3A_535 = tpu.vector_load %arg23[%parallel_loop3A_532, %parallel_loop3A_533, %parallel_loop3A_534] {strides = array<i32>} : memref<32x9x32xbf16, #tpu.memory_space<vmem>>, vector<32xbf16>,
            tpu.vector_store %arg23[%parallel_loop3A_532, %parallel_loop3A_533, %parallel_loop3A_534], %parallel_loop3A_528 {strides = array<i32>} : memref<32x9x32xbf16, #tpu.memory_space<vmem>>, vector<32xbf16>,
            %parallel_loop3A_536 = vector.extract_strided_slice %parallel_loop3A_495 {offsets = [1], sizes = [1], strides = [1]} : vector<16xf32> to vector<1xf32>
            %parallel_loop3A_537 = vector.extract %parallel_loop3A_536[0] : f32 from vector<1xf32>
            %parallel_loop3A_538 = vector.broadcast %parallel_loop3A_537 : f32 to vector<16xf32>
            %parallel_loop3A_539 = arith.mulf %parallel_loop3A_538, %parallel_loop3A_507 : vector<16xf32>
            %parallel_loop3A_540 = vector.extract_strided_slice %parallel_loop3A_495 {offsets = [1], sizes = [1], strides = [1]} : vector<16xf32> to vector<1xf32>
            %parallel_loop3A_541 = vector.extract %parallel_loop3A_540[0] : f32 from vector<1xf32>
            %parallel_loop3A_542 = vector.broadcast %parallel_loop3A_541 : f32 to vector<16xf32>
            %parallel_loop3A_543 = arith.mulf %parallel_loop3A_542, %parallel_loop3A_511 : vector<16xf32>
            %parallel_loop3A_544 = tpu.pack_subelements %parallel_loop3A_539, %parallel_loop3A_543 {pack_format = #tpu.pack_format<interleaved>, positions = array<i32: 0, 1>} : vector<16xf32>, vector<16xf32> -> vector<32xbf16>
            %parallel_loop3A_545 = arith.constant 32 : i32
            %parallel_loop3A_546 = arith.subi %parallel_loop3A_486, %parallel_loop3A_545 : i32
            %parallel_loop3A_547 = arith.constant 1 : i32
            %parallel_loop3A_548 = arith.index_cast %parallel_loop3A_546 : i32 to index
            %parallel_loop3A_549 = arith.index_cast %parallel_loop3A_547 : i32 to index
            %parallel_loop3A_550 = arith.constant 0 : index
            %parallel_loop3A_551 = tpu.vector_load %arg23[%parallel_loop3A_548, %parallel_loop3A_549, %parallel_loop3A_550] {strides = array<i32>} : memref<32x9x32xbf16, #tpu.memory_space<vmem>>, vector<32xbf16>,
            tpu.vector_store %arg23[%parallel_loop3A_548, %parallel_loop3A_549, %parallel_loop3A_550], %parallel_loop3A_544 {strides = array<i32>} : memref<32x9x32xbf16, #tpu.memory_space<vmem>>, vector<32xbf16>,
            %parallel_loop3A_552 = vector.extract_strided_slice %parallel_loop3A_495 {offsets = [2], sizes = [1], strides = [1]} : vector<16xf32> to vector<1xf32>
            %parallel_loop3A_553 = vector.extract %parallel_loop3A_552[0] : f32 from vector<1xf32>
            %parallel_loop3A_554 = vector.broadcast %parallel_loop3A_553 : f32 to vector<16xf32>
            %parallel_loop3A_555 = arith.mulf %parallel_loop3A_554, %parallel_loop3A_507 : vector<16xf32>
            %parallel_loop3A_556 = vector.extract_strided_slice %parallel_loop3A_495 {offsets = [2], sizes = [1], strides = [1]} : vector<16xf32> to vector<1xf32>
            %parallel_loop3A_557 = vector.extract %parallel_loop3A_556[0] : f32 from vector<1xf32>
            %parallel_loop3A_558 = vector.broadcast %parallel_loop3A_557 : f32 to vector<16xf32>
            %parallel_loop3A_559 = arith.mulf %parallel_loop3A_558, %parallel_loop3A_511 : vector<16xf32>
            %parallel_loop3A_560 = tpu.pack_subelements %parallel_loop3A_555, %parallel_loop3A_559 {pack_format = #tpu.pack_format<interleaved>, positions = array<i32: 0, 1>} : vector<16xf32>, vector<16xf32> -> vector<32xbf16>
            %parallel_loop3A_561 = arith.constant 32 : i32
            %parallel_loop3A_562 = arith.subi %parallel_loop3A_486, %parallel_loop3A_561 : i32
            %parallel_loop3A_563 = arith.constant 2 : i32
            %parallel_loop3A_564 = arith.index_cast %parallel_loop3A_562 : i32 to index
            %parallel_loop3A_565 = arith.index_cast %parallel_loop3A_563 : i32 to index
            %parallel_loop3A_566 = arith.constant 0 : index
            %parallel_loop3A_567 = tpu.vector_load %arg23[%parallel_loop3A_564, %parallel_loop3A_565, %parallel_loop3A_566] {strides = array<i32>} : memref<32x9x32xbf16, #tpu.memory_space<vmem>>, vector<32xbf16>,
            tpu.vector_store %arg23[%parallel_loop3A_564, %parallel_loop3A_565, %parallel_loop3A_566], %parallel_loop3A_560 {strides = array<i32>} : memref<32x9x32xbf16, #tpu.memory_space<vmem>>, vector<32xbf16>,
            %parallel_loop3A_568 = vector.extract_strided_slice %parallel_loop3A_495 {offsets = [3], sizes = [1], strides = [1]} : vector<16xf32> to vector<1xf32>
            %parallel_loop3A_569 = vector.extract %parallel_loop3A_568[0] : f32 from vector<1xf32>
            %parallel_loop3A_570 = vector.broadcast %parallel_loop3A_569 : f32 to vector<16xf32>
            %parallel_loop3A_571 = arith.mulf %parallel_loop3A_570, %parallel_loop3A_507 : vector<16xf32>
            %parallel_loop3A_572 = vector.extract_strided_slice %parallel_loop3A_495 {offsets = [3], sizes = [1], strides = [1]} : vector<16xf32> to vector<1xf32>
            %parallel_loop3A_573 = vector.extract %parallel_loop3A_572[0] : f32 from vector<1xf32>
            %parallel_loop3A_574 = vector.broadcast %parallel_loop3A_573 : f32 to vector<16xf32>
            %parallel_loop3A_575 = arith.mulf %parallel_loop3A_574, %parallel_loop3A_511 : vector<16xf32>
            %parallel_loop3A_576 = tpu.pack_subelements %parallel_loop3A_571, %parallel_loop3A_575 {pack_format = #tpu.pack_format<interleaved>, positions = array<i32: 0, 1>} : vector<16xf32>, vector<16xf32> -> vector<32xbf16>
            %parallel_loop3A_577 = arith.constant 32 : i32
            %parallel_loop3A_578 = arith.subi %parallel_loop3A_486, %parallel_loop3A_577 : i32
            %parallel_loop3A_579 = arith.constant 3 : i32
            %parallel_loop3A_580 = arith.index_cast %parallel_loop3A_578 : i32 to index
            %parallel_loop3A_581 = arith.index_cast %parallel_loop3A_579 : i32 to index
            %parallel_loop3A_582 = arith.constant 0 : index
            %parallel_loop3A_583 = tpu.vector_load %arg23[%parallel_loop3A_580, %parallel_loop3A_581, %parallel_loop3A_582] {strides = array<i32>} : memref<32x9x32xbf16, #tpu.memory_space<vmem>>, vector<32xbf16>,
            tpu.vector_store %arg23[%parallel_loop3A_580, %parallel_loop3A_581, %parallel_loop3A_582], %parallel_loop3A_576 {strides = array<i32>} : memref<32x9x32xbf16, #tpu.memory_space<vmem>>, vector<32xbf16>,
            %parallel_loop3A_584 = vector.extract_strided_slice %parallel_loop3A_495 {offsets = [4], sizes = [1], strides = [1]} : vector<16xf32> to vector<1xf32>
            %parallel_loop3A_585 = vector.extract %parallel_loop3A_584[0] : f32 from vector<1xf32>
            %parallel_loop3A_586 = vector.broadcast %parallel_loop3A_585 : f32 to vector<16xf32>
            %parallel_loop3A_587 = arith.mulf %parallel_loop3A_586, %parallel_loop3A_515 : vector<16xf32>
            %parallel_loop3A_588 = vector.extract_strided_slice %parallel_loop3A_495 {offsets = [4], sizes = [1], strides = [1]} : vector<16xf32> to vector<1xf32>
            %parallel_loop3A_589 = vector.extract %parallel_loop3A_588[0] : f32 from vector<1xf32>
            %parallel_loop3A_590 = vector.broadcast %parallel_loop3A_589 : f32 to vector<16xf32>
            %parallel_loop3A_591 = arith.mulf %parallel_loop3A_590, %parallel_loop3A_519 : vector<16xf32>
            %parallel_loop3A_592 = tpu.pack_subelements %parallel_loop3A_587, %parallel_loop3A_591 {pack_format = #tpu.pack_format<interleaved>, positions = array<i32: 0, 1>} : vector<16xf32>, vector<16xf32> -> vector<32xbf16>
            %parallel_loop3A_593 = arith.constant 32 : i32
            %parallel_loop3A_594 = arith.subi %parallel_loop3A_486, %parallel_loop3A_593 : i32
            %parallel_loop3A_595 = arith.constant 4 : i32
            %parallel_loop3A_596 = arith.index_cast %parallel_loop3A_594 : i32 to index
            %parallel_loop3A_597 = arith.index_cast %parallel_loop3A_595 : i32 to index
            %parallel_loop3A_598 = arith.constant 0 : index
            %parallel_loop3A_599 = tpu.vector_load %arg23[%parallel_loop3A_596, %parallel_loop3A_597, %parallel_loop3A_598] {strides = array<i32>} : memref<32x9x32xbf16, #tpu.memory_space<vmem>>, vector<32xbf16>,
            tpu.vector_store %arg23[%parallel_loop3A_596, %parallel_loop3A_597, %parallel_loop3A_598], %parallel_loop3A_592 {strides = array<i32>} : memref<32x9x32xbf16, #tpu.memory_space<vmem>>, vector<32xbf16>,
            %parallel_loop3A_600 = vector.extract_strided_slice %parallel_loop3A_495 {offsets = [5], sizes = [1], strides = [1]} : vector<16xf32> to vector<1xf32>
            %parallel_loop3A_601 = vector.extract %parallel_loop3A_600[0] : f32 from vector<1xf32>
            %parallel_loop3A_602 = vector.broadcast %parallel_loop3A_601 : f32 to vector<16xf32>
            %parallel_loop3A_603 = arith.mulf %parallel_loop3A_602, %parallel_loop3A_515 : vector<16xf32>
            %parallel_loop3A_604 = vector.extract_strided_slice %parallel_loop3A_495 {offsets = [5], sizes = [1], strides = [1]} : vector<16xf32> to vector<1xf32>
            %parallel_loop3A_605 = vector.extract %parallel_loop3A_604[0] : f32 from vector<1xf32>
            %parallel_loop3A_606 = vector.broadcast %parallel_loop3A_605 : f32 to vector<16xf32>
            %parallel_loop3A_607 = arith.mulf %parallel_loop3A_606, %parallel_loop3A_519 : vector<16xf32>
            %parallel_loop3A_608 = tpu.pack_subelements %parallel_loop3A_603, %parallel_loop3A_607 {pack_format = #tpu.pack_format<interleaved>, positions = array<i32: 0, 1>} : vector<16xf32>, vector<16xf32> -> vector<32xbf16>
            %parallel_loop3A_609 = arith.constant 32 : i32
            %parallel_loop3A_610 = arith.subi %parallel_loop3A_486, %parallel_loop3A_609 : i32
            %parallel_loop3A_611 = arith.constant 5 : i32
            %parallel_loop3A_612 = arith.index_cast %parallel_loop3A_610 : i32 to index
            %parallel_loop3A_613 = arith.index_cast %parallel_loop3A_611 : i32 to index
            %parallel_loop3A_614 = arith.constant 0 : index
            %parallel_loop3A_615 = tpu.vector_load %arg23[%parallel_loop3A_612, %parallel_loop3A_613, %parallel_loop3A_614] {strides = array<i32>} : memref<32x9x32xbf16, #tpu.memory_space<vmem>>, vector<32xbf16>,
            tpu.vector_store %arg23[%parallel_loop3A_612, %parallel_loop3A_613, %parallel_loop3A_614], %parallel_loop3A_608 {strides = array<i32>} : memref<32x9x32xbf16, #tpu.memory_space<vmem>>, vector<32xbf16>,
            %parallel_loop3A_616 = vector.extract_strided_slice %parallel_loop3A_495 {offsets = [6], sizes = [1], strides = [1]} : vector<16xf32> to vector<1xf32>
            %parallel_loop3A_617 = vector.extract %parallel_loop3A_616[0] : f32 from vector<1xf32>
            %parallel_loop3A_618 = vector.broadcast %parallel_loop3A_617 : f32 to vector<16xf32>
            %parallel_loop3A_619 = arith.mulf %parallel_loop3A_618, %parallel_loop3A_515 : vector<16xf32>
            %parallel_loop3A_620 = vector.extract_strided_slice %parallel_loop3A_495 {offsets = [6], sizes = [1], strides = [1]} : vector<16xf32> to vector<1xf32>
            %parallel_loop3A_621 = vector.extract %parallel_loop3A_620[0] : f32 from vector<1xf32>
            %parallel_loop3A_622 = vector.broadcast %parallel_loop3A_621 : f32 to vector<16xf32>
            %parallel_loop3A_623 = arith.mulf %parallel_loop3A_622, %parallel_loop3A_519 : vector<16xf32>
            %parallel_loop3A_624 = tpu.pack_subelements %parallel_loop3A_619, %parallel_loop3A_623 {pack_format = #tpu.pack_format<interleaved>, positions = array<i32: 0, 1>} : vector<16xf32>, vector<16xf32> -> vector<32xbf16>
            %parallel_loop3A_625 = arith.constant 32 : i32
            %parallel_loop3A_626 = arith.subi %parallel_loop3A_486, %parallel_loop3A_625 : i32
            %parallel_loop3A_627 = arith.constant 6 : i32
            %parallel_loop3A_628 = arith.index_cast %parallel_loop3A_626 : i32 to index
            %parallel_loop3A_629 = arith.index_cast %parallel_loop3A_627 : i32 to index
            %parallel_loop3A_630 = arith.constant 0 : index
            %parallel_loop3A_631 = tpu.vector_load %arg23[%parallel_loop3A_628, %parallel_loop3A_629, %parallel_loop3A_630] {strides = array<i32>} : memref<32x9x32xbf16, #tpu.memory_space<vmem>>, vector<32xbf16>,
            tpu.vector_store %arg23[%parallel_loop3A_628, %parallel_loop3A_629, %parallel_loop3A_630], %parallel_loop3A_624 {strides = array<i32>} : memref<32x9x32xbf16, #tpu.memory_space<vmem>>, vector<32xbf16>,
            %parallel_loop3A_632 = vector.extract_strided_slice %parallel_loop3A_495 {offsets = [7], sizes = [1], strides = [1]} : vector<16xf32> to vector<1xf32>
            %parallel_loop3A_633 = vector.extract %parallel_loop3A_632[0] : f32 from vector<1xf32>
            %parallel_loop3A_634 = vector.broadcast %parallel_loop3A_633 : f32 to vector<16xf32>
            %parallel_loop3A_635 = arith.mulf %parallel_loop3A_634, %parallel_loop3A_515 : vector<16xf32>
            %parallel_loop3A_636 = vector.extract_strided_slice %parallel_loop3A_495 {offsets = [7], sizes = [1], strides = [1]} : vector<16xf32> to vector<1xf32>
            %parallel_loop3A_637 = vector.extract %parallel_loop3A_636[0] : f32 from vector<1xf32>
            %parallel_loop3A_638 = vector.broadcast %parallel_loop3A_637 : f32 to vector<16xf32>
            %parallel_loop3A_639 = arith.mulf %parallel_loop3A_638, %parallel_loop3A_519 : vector<16xf32>
            %parallel_loop3A_640 = tpu.pack_subelements %parallel_loop3A_635, %parallel_loop3A_639 {pack_format = #tpu.pack_format<interleaved>, positions = array<i32: 0, 1>} : vector<16xf32>, vector<16xf32> -> vector<32xbf16>
            %parallel_loop3A_641 = arith.constant 32 : i32
            %parallel_loop3A_642 = arith.subi %parallel_loop3A_486, %parallel_loop3A_641 : i32
            %parallel_loop3A_643 = arith.constant 7 : i32
            %parallel_loop3A_644 = arith.index_cast %parallel_loop3A_642 : i32 to index
            %parallel_loop3A_645 = arith.index_cast %parallel_loop3A_643 : i32 to index
            %parallel_loop3A_646 = arith.constant 0 : index
            %parallel_loop3A_647 = tpu.vector_load %arg23[%parallel_loop3A_644, %parallel_loop3A_645, %parallel_loop3A_646] {strides = array<i32>} : memref<32x9x32xbf16, #tpu.memory_space<vmem>>, vector<32xbf16>,
            tpu.vector_store %arg23[%parallel_loop3A_644, %parallel_loop3A_645, %parallel_loop3A_646], %parallel_loop3A_640 {strides = array<i32>} : memref<32x9x32xbf16, #tpu.memory_space<vmem>>, vector<32xbf16>,
            %parallel_loop3A_648 = vector.extract_strided_slice %parallel_loop3A_495 {offsets = [8], sizes = [1], strides = [1]} : vector<16xf32> to vector<1xf32>
            %parallel_loop3A_649 = vector.extract %parallel_loop3A_648[0] : f32 from vector<1xf32>
            %parallel_loop3A_650 = vector.broadcast %parallel_loop3A_649 : f32 to vector<16xf32>
            %parallel_loop3A_651 = arith.mulf %parallel_loop3A_650, %parallel_loop3A_515 : vector<16xf32>
            %parallel_loop3A_652 = vector.extract_strided_slice %parallel_loop3A_495 {offsets = [8], sizes = [1], strides = [1]} : vector<16xf32> to vector<1xf32>
            %parallel_loop3A_653 = vector.extract %parallel_loop3A_652[0] : f32 from vector<1xf32>
            %parallel_loop3A_654 = vector.broadcast %parallel_loop3A_653 : f32 to vector<16xf32>
            %parallel_loop3A_655 = arith.mulf %parallel_loop3A_654, %parallel_loop3A_519 : vector<16xf32>
            %parallel_loop3A_656 = tpu.pack_subelements %parallel_loop3A_651, %parallel_loop3A_655 {pack_format = #tpu.pack_format<interleaved>, positions = array<i32: 0, 1>} : vector<16xf32>, vector<16xf32> -> vector<32xbf16>
            %parallel_loop3A_657 = arith.constant 32 : i32
            %parallel_loop3A_658 = arith.subi %parallel_loop3A_486, %parallel_loop3A_657 : i32
            %parallel_loop3A_659 = arith.constant 8 : i32
            %parallel_loop3A_660 = arith.index_cast %parallel_loop3A_658 : i32 to index
            %parallel_loop3A_661 = arith.index_cast %parallel_loop3A_659 : i32 to index
            %parallel_loop3A_662 = arith.constant 0 : index
            %parallel_loop3A_663 = tpu.vector_load %arg23[%parallel_loop3A_660, %parallel_loop3A_661, %parallel_loop3A_662] {strides = array<i32>} : memref<32x9x32xbf16, #tpu.memory_space<vmem>>, vector<32xbf16>,
            tpu.vector_store %arg23[%parallel_loop3A_660, %parallel_loop3A_661, %parallel_loop3A_662], %parallel_loop3A_656 {strides = array<i32>} : memref<32x9x32xbf16, #tpu.memory_space<vmem>>, vector<32xbf16>,
          } {sc.loop_unroll_factor = 2 : i64, sc.parallel_access}
          %dma_start3A = arith.constant 0 : i32
          %dma_start3A_483 = arith.constant 0 : i32
          %dma_start3A_484 = arith.constant 0 : i32
          %dma_start3A_485 = tpu.memref_slice %arg8[%dma_start3A, %dma_start3A_483, %dma_start3A_484] : memref<10000x9x32xbf16, #tpu.memory_space<vmem_shared>> -> memref<10000x9x32xbf16, #tpu.memory_space<vmem_shared>>
          tpu.enqueue_indirect_dma source(%arg23 : memref<32x9x32xbf16, #tpu.memory_space<vmem>>) target(%dma_start3A_485 : memref<10000x9x32xbf16, #tpu.memory_space<vmem_shared>>) offsets(%arg21 : memref<32xi32, #tpu.memory_space<vmem>>) semaphore(%arg29 : memref<!tpu.dma_semaphore, #tpu.memory_space<semaphore_mem>>) {add = true}
        } else {
        }
        %add3A_381 = arith.constant 2 : i32
        %add3A_382 = arith.addi %add3A_310, %add3A_381 : i32
        %mul3A_383 = arith.constant 16 : i32
        %mul3A_384 = arith.muli %mul3A_383, %add3A_382 : i32
        %add3A_385 = arith.addi %arg1, %mul3A_384 : i32
        %lt3A_386 = arith.constant 1250 : i32
        %lt3A_387 = arith.cmpi slt, %add3A_385, %lt3A_386 : i32
        %convert_element_type3A_388 = arith.extui %lt3A_387 : i1 to i32
        %cond3A_389 = arith.constant 0 : i32
        %cond3A_390 = arith.cmpi ne, %convert_element_type3A_388, %cond3A_389 : i32
        scf.if %cond3A_390 {
          %mul3A_475 = arith.constant 1250 : i32
          %mul3A_476 = arith.muli %arg0, %mul3A_475 : i32
          %add3A_477 = arith.addi %mul3A_476, %arg1 : i32
          %mul3A_478 = arith.constant 16 : i32
          %mul3A_479 = arith.muli %mul3A_478, %add3A_382 : i32
          %add3A_480 = arith.addi %add3A_477, %mul3A_479 : i32
          %mul3A_481 = arith.constant 64 : i32
          %mul3A_482 = arith.muli %add3A_480, %mul3A_481 : i32
          %mul3A_483 = arith.constant 1250 : i32
          %mul3A_484 = arith.muli %arg0, %mul3A_483 : i32
          %add3A_485 = arith.addi %mul3A_484, %arg1 : i32
          %mul3A_486 = arith.constant 16 : i32
          %mul3A_487 = arith.muli %mul3A_486, %add3A_382 : i32
          %add3A_488 = arith.addi %add3A_485, %mul3A_487 : i32
          %mul3A_489 = arith.constant 9 : i32
          %mul3A_490 = arith.muli %mul3A_482, %mul3A_489 : i32
          %dma_start3A = arith.constant 0 : i32
          %dma_start3A_491 = tpu.memref_slice %arg5[%add3A_488, %dma_start3A] : memref<2500x128xi32, #tpu.memory_space<hbm>> -> memref<1x128xi32, #tpu.memory_space<hbm>>
          %dma_start3A_492 = tpu.memref_squeeze %dma_start3A_491 : memref<1x128xi32, #tpu.memory_space<hbm>> -> memref<128xi32, #tpu.memory_space<hbm>>
          %dma_start3A_493 = arith.constant 0 : i32
          %dma_start3A_494 = tpu.memref_slice %arg5[%add3A_488, %dma_start3A_493] : memref<2500x128xi32, #tpu.memory_space<hbm>> -> memref<1x128xi32, #tpu.memory_space<hbm>>
          %dma_start3A_495 = tpu.memref_squeeze %dma_start3A_494 : memref<1x128xi32, #tpu.memory_space<hbm>> -> memref<128xi32, #tpu.memory_space<hbm>>
          tpu.enqueue_dma source(%dma_start3A_495 : memref<128xi32, #tpu.memory_space<hbm>>) target(%arg10 : memref<128xi32, #tpu.memory_space<vmem>>) target_semaphore(%arg24 : memref<!tpu.dma_semaphore, #tpu.memory_space<semaphore_mem>>)
          %dma_start3A_496 = arith.constant 0 : i32
          %dma_start3A_497 = tpu.memref_slice %arg12[%dma_start3A_496] : memref<592xf32, #tpu.memory_space<vmem>> -> memref<576xf32, #tpu.memory_space<vmem>>
          %dma_start3A_498 = tpu.memref_slice %arg4[%mul3A_490] : memref<1440000xf32, #tpu.memory_space<hbm>> -> memref<576xf32, #tpu.memory_space<hbm>>
          %dma_start3A_499 = arith.constant 0 : i32
          %dma_start3A_500 = tpu.memref_slice %arg12[%dma_start3A_499] : memref<592xf32, #tpu.memory_space<vmem>> -> memref<576xf32, #tpu.memory_space<vmem>>
          %dma_start3A_501 = tpu.memref_slice %arg4[%mul3A_490] : memref<1440000xf32, #tpu.memory_space<hbm>> -> memref<576xf32, #tpu.memory_space<hbm>>
          tpu.enqueue_dma source(%dma_start3A_501 : memref<576xf32, #tpu.memory_space<hbm>>) target(%dma_start3A_500 : memref<576xf32, #tpu.memory_space<vmem>>) target_semaphore(%arg24 : memref<!tpu.dma_semaphore, #tpu.memory_space<semaphore_mem>>)
          %dma_start3A_502 = arith.constant 0 : i32
          %dma_start3A_503 = tpu.memref_slice %arg3[%mul3A_482, %dma_start3A_502] : memref<160000x384xf32, #tpu.memory_space<hbm>> -> memref<64x96xf32, #tpu.memory_space<hbm>>
          %dma_start3A_504 = arith.constant 0 : i32
          %dma_start3A_505 = tpu.memref_slice %arg3[%mul3A_482, %dma_start3A_504] : memref<160000x384xf32, #tpu.memory_space<hbm>> -> memref<64x96xf32, #tpu.memory_space<hbm>>
          tpu.enqueue_dma source(%dma_start3A_505 : memref<64x96xf32, #tpu.memory_space<hbm>>) target(%arg14 : memref<64x96xf32, #tpu.memory_space<vmem>>) target_semaphore(%arg24 : memref<!tpu.dma_semaphore, #tpu.memory_space<semaphore_mem>>)
        } else {
        }
        %mul3A_391 = arith.constant 4 : i32
        %mul3A_392 = arith.muli %add3A_139, %mul3A_391 : i32
        %add3A_393 = arith.constant 3 : i32
        %add3A_394 = arith.addi %mul3A_392, %add3A_393 : i32
        %add3A_395 = arith.constant 1 : i32
        %add3A_396 = arith.addi %add3A_394, %add3A_395 : i32
        %mul3A_397 = arith.constant 16 : i32
        %mul3A_398 = arith.muli %mul3A_397, %add3A_396 : i32
        %add3A_399 = arith.addi %arg1, %mul3A_398 : i32
        %lt3A_400 = arith.constant 1250 : i32
        %lt3A_401 = arith.cmpi slt, %add3A_399, %lt3A_400 : i32
        %convert_element_type3A_402 = arith.extui %lt3A_401 : i1 to i32
        %cond3A_403 = arith.constant 0 : i32
        %cond3A_404 = arith.cmpi ne, %convert_element_type3A_402, %cond3A_403 : i32
        scf.if %cond3A_404 {
          %mul3A_475 = arith.constant 1250 : i32
          %mul3A_476 = arith.muli %arg0, %mul3A_475 : i32
          %add3A_477 = arith.addi %mul3A_476, %arg1 : i32
          %mul3A_478 = arith.constant 16 : i32
          %mul3A_479 = arith.muli %mul3A_478, %add3A_396 : i32
          %add3A_480 = arith.addi %add3A_477, %mul3A_479 : i32
          %mul3A_481 = arith.constant 64 : i32
          %mul3A_482 = arith.muli %add3A_480, %mul3A_481 : i32
          %mul3A_483 = arith.constant 1250 : i32
          %mul3A_484 = arith.muli %arg0, %mul3A_483 : i32
          %add3A_485 = arith.addi %mul3A_484, %arg1 : i32
          %mul3A_486 = arith.constant 16 : i32
          %mul3A_487 = arith.muli %mul3A_486, %add3A_396 : i32
          %add3A_488 = arith.addi %add3A_485, %mul3A_487 : i32
          %mul3A_489 = arith.constant 9 : i32
          %mul3A_490 = arith.muli %mul3A_482, %mul3A_489 : i32
          %dma_wait3A = arith.constant 0 : i32
          %dma_wait3A_491 = tpu.memref_slice %arg5[%add3A_488, %dma_wait3A] : memref<2500x128xi32, #tpu.memory_space<hbm>> -> memref<1x128xi32, #tpu.memory_space<hbm>>
          %dma_wait3A_492 = tpu.memref_squeeze %dma_wait3A_491 : memref<1x128xi32, #tpu.memory_space<hbm>> -> memref<128xi32, #tpu.memory_space<hbm>>
          %dma_wait3A_493 = arith.constant 0 : i32
          %dma_wait3A_494 = tpu.memref_slice %arg5[%add3A_488, %dma_wait3A_493] : memref<2500x128xi32, #tpu.memory_space<hbm>> -> memref<1x128xi32, #tpu.memory_space<hbm>>
          %dma_wait3A_495 = tpu.memref_squeeze %dma_wait3A_494 : memref<1x128xi32, #tpu.memory_space<hbm>> -> memref<128xi32, #tpu.memory_space<hbm>>
          tpu.wait_dma2 semaphore(%arg24 : memref<!tpu.dma_semaphore, #tpu.memory_space<semaphore_mem>>) src(%dma_wait3A_495 : memref<128xi32, #tpu.memory_space<hbm>>) dst(%arg10 : memref<128xi32, #tpu.memory_space<vmem>>)
          %dma_wait3A_496 = arith.constant 0 : i32
          %dma_wait3A_497 = tpu.memref_slice %arg12[%dma_wait3A_496] : memref<592xf32, #tpu.memory_space<vmem>> -> memref<576xf32, #tpu.memory_space<vmem>>
          %dma_wait3A_498 = tpu.memref_slice %arg4[%mul3A_490] : memref<1440000xf32, #tpu.memory_space<hbm>> -> memref<576xf32, #tpu.memory_space<hbm>>
          %dma_wait3A_499 = arith.constant 0 : i32
          %dma_wait3A_500 = tpu.memref_slice %arg12[%dma_wait3A_499] : memref<592xf32, #tpu.memory_space<vmem>> -> memref<576xf32, #tpu.memory_space<vmem>>
          %dma_wait3A_501 = tpu.memref_slice %arg4[%mul3A_490] : memref<1440000xf32, #tpu.memory_space<hbm>> -> memref<576xf32, #tpu.memory_space<hbm>>
          tpu.wait_dma2 semaphore(%arg24 : memref<!tpu.dma_semaphore, #tpu.memory_space<semaphore_mem>>) src(%dma_wait3A_501 : memref<576xf32, #tpu.memory_space<hbm>>) dst(%dma_wait3A_500 : memref<576xf32, #tpu.memory_space<vmem>>)
          %dma_wait3A_502 = arith.constant 0 : i32
          %dma_wait3A_503 = tpu.memref_slice %arg3[%mul3A_482, %dma_wait3A_502] : memref<160000x384xf32, #tpu.memory_space<hbm>> -> memref<64x96xf32, #tpu.memory_space<hbm>>
          %dma_wait3A_504 = arith.constant 0 : i32
          %dma_wait3A_505 = tpu.memref_slice %arg3[%mul3A_482, %dma_wait3A_504] : memref<160000x384xf32, #tpu.memory_space<hbm>> -> memref<64x96xf32, #tpu.memory_space<hbm>>
          tpu.wait_dma2 semaphore(%arg24 : memref<!tpu.dma_semaphore, #tpu.memory_space<semaphore_mem>>) src(%dma_wait3A_505 : memref<64x96xf32, #tpu.memory_space<hbm>>) dst(%arg14 : memref<64x96xf32, #tpu.memory_space<vmem>>)
        } else {
        }
        %add3A_405 = arith.constant 1 : i32
        %add3A_406 = arith.addi %add3A_394, %add3A_405 : i32
        %mul3A_407 = arith.constant 16 : i32
        %mul3A_408 = arith.muli %mul3A_407, %add3A_406 : i32
        %add3A_409 = arith.addi %arg1, %mul3A_408 : i32
        %lt3A_410 = arith.constant 1250 : i32
        %lt3A_411 = arith.cmpi slt, %add3A_409, %lt3A_410 : i32
        %convert_element_type3A_412 = arith.extui %lt3A_411 : i1 to i32
        %cond3A_413 = arith.constant 0 : i32
        %cond3A_414 = arith.cmpi ne, %convert_element_type3A_412, %cond3A_413 : i32
        scf.if %cond3A_414 {
          %get3A = arith.constant 0 : index
          %get3A_475 = tpu.vector_load %arg10[%get3A] {strides = array<i32>} : memref<128xi32, #tpu.memory_space<vmem>>, vector<16xi32>,
          %swap3A = arith.constant 0 : index
          %swap3A_476 = tpu.vector_load %arg16[%swap3A] {strides = array<i32>} : memref<64xi32, #tpu.memory_space<vmem>>, vector<16xi32>,
          tpu.vector_store %arg16[%swap3A], %get3A_475 {strides = array<i32>} : memref<64xi32, #tpu.memory_space<vmem>>, vector<16xi32>,
          %get3A_477 = arith.constant 16 : index
          %get3A_478 = tpu.vector_load %arg10[%get3A_477] {strides = array<i32>} : memref<128xi32, #tpu.memory_space<vmem>>, vector<16xi32>,
          %swap3A_479 = arith.constant 16 : index
          %swap3A_480 = tpu.vector_load %arg16[%swap3A_479] {strides = array<i32>} : memref<64xi32, #tpu.memory_space<vmem>>, vector<16xi32>,
          tpu.vector_store %arg16[%swap3A_479], %get3A_478 {strides = array<i32>} : memref<64xi32, #tpu.memory_space<vmem>>, vector<16xi32>,
          %get3A_481 = arith.constant 32 : index
          %get3A_482 = tpu.vector_load %arg10[%get3A_481] {strides = array<i32>} : memref<128xi32, #tpu.memory_space<vmem>>, vector<16xi32>,
          %swap3A_483 = arith.constant 32 : index
          %swap3A_484 = tpu.vector_load %arg16[%swap3A_483] {strides = array<i32>} : memref<64xi32, #tpu.memory_space<vmem>>, vector<16xi32>,
          tpu.vector_store %arg16[%swap3A_483], %get3A_482 {strides = array<i32>} : memref<64xi32, #tpu.memory_space<vmem>>, vector<16xi32>,
          %get3A_485 = arith.constant 48 : index
          %get3A_486 = tpu.vector_load %arg10[%get3A_485] {strides = array<i32>} : memref<128xi32, #tpu.memory_space<vmem>>, vector<16xi32>,
          %swap3A_487 = arith.constant 48 : index
          %swap3A_488 = tpu.vector_load %arg16[%swap3A_487] {strides = array<i32>} : memref<64xi32, #tpu.memory_space<vmem>>, vector<16xi32>,
          tpu.vector_store %arg16[%swap3A_487], %get3A_486 {strides = array<i32>} : memref<64xi32, #tpu.memory_space<vmem>>, vector<16xi32>,
          %dma_start3A = arith.constant 0 : i32
          %dma_start3A_489 = arith.constant 0 : i32
          %dma_start3A_490 = tpu.memref_slice %arg9[%dma_start3A, %dma_start3A_489] : memref<10000x32xbf16, #tpu.memory_space<vmem_shared>> -> memref<10000x32xbf16, #tpu.memory_space<vmem_shared>>
          tpu.enqueue_indirect_dma source(%dma_start3A_490 : memref<10000x32xbf16, #tpu.memory_space<vmem_shared>>) target(%arg18 : memref<64x32xbf16, #tpu.memory_space<vmem>>) offsets(%arg16 : memref<64xi32, #tpu.memory_space<vmem>>) semaphore(%arg26 : memref<!tpu.dma_semaphore, #tpu.memory_space<semaphore_mem>>)
        } else {
        }
        %mul3A_415 = arith.constant 16 : i32
        %mul3A_416 = arith.muli %mul3A_415, %add3A_394 : i32
        %add3A_417 = arith.addi %arg1, %mul3A_416 : i32
        %lt3A_418 = arith.constant 1250 : i32
        %lt3A_419 = arith.cmpi slt, %add3A_417, %lt3A_418 : i32
        %convert_element_type3A_420 = arith.extui %lt3A_419 : i1 to i32
        %cond3A_421 = arith.constant 0 : i32
        %cond3A_422 = arith.cmpi ne, %convert_element_type3A_420, %cond3A_421 : i32
        scf.if %cond3A_422 {
          %dma_wait3A = arith.constant 0 : i32
          %dma_wait3A_475 = arith.constant 0 : i32
          %dma_wait3A_476 = tpu.memref_slice %arg9[%dma_wait3A, %dma_wait3A_475] : memref<10000x32xbf16, #tpu.memory_space<vmem_shared>> -> memref<10000x32xbf16, #tpu.memory_space<vmem_shared>>
          tpu.wait_indirect_dma semaphore(%arg27 : memref<!tpu.dma_semaphore, #tpu.memory_space<semaphore_mem>>) src(%dma_wait3A_476 : memref<10000x32xbf16, #tpu.memory_space<vmem_shared>>) dst(%arg19 : memref<64x32xbf16, #tpu.memory_space<vmem>>)
        } else {
        }
        %sub3A_423 = arith.constant 1 : i32
        %sub3A_424 = arith.subi %add3A_394, %sub3A_423 : i32
        %mul3A_425 = arith.constant 16 : i32
        %mul3A_426 = arith.muli %mul3A_425, %sub3A_424 : i32
        %add3A_427 = arith.addi %arg1, %mul3A_426 : i32
        %lt3A_428 = arith.constant 1250 : i32
        %lt3A_429 = arith.cmpi slt, %add3A_427, %lt3A_428 : i32
        %ge3A_430 = arith.constant 0 : i32
        %ge3A_431 = arith.cmpi sge, %sub3A_424, %ge3A_430 : i32
        %and3A_432 = arith.andi %lt3A_429, %ge3A_431 : i1
        %convert_element_type3A_433 = arith.extui %and3A_432 : i1 to i32
        %cond3A_434 = arith.constant 0 : i32
        %cond3A_435 = arith.cmpi ne, %convert_element_type3A_433, %cond3A_434 : i32
        scf.if %cond3A_435 {
          %dma_wait3A = arith.constant 0 : i32
          %dma_wait3A_475 = arith.constant 0 : i32
          %dma_wait3A_476 = arith.constant 0 : i32
          %dma_wait3A_477 = tpu.memref_slice %arg8[%dma_wait3A, %dma_wait3A_475, %dma_wait3A_476] : memref<10000x9x32xbf16, #tpu.memory_space<vmem_shared>> -> memref<10000x9x32xbf16, #tpu.memory_space<vmem_shared>>
          tpu.wait_indirect_dma semaphore(%arg28 : memref<!tpu.dma_semaphore, #tpu.memory_space<semaphore_mem>>) src(%arg22 : memref<32x9x32xbf16, #tpu.memory_space<vmem>>) dst(%dma_wait3A_477 : memref<10000x9x32xbf16, #tpu.memory_space<vmem_shared>>)
        } else {
        }
        %mul3A_436 = arith.constant 16 : i32
        %mul3A_437 = arith.muli %mul3A_436, %add3A_394 : i32
        %add3A_438 = arith.addi %arg1, %mul3A_437 : i32
        %lt3A_439 = arith.constant 1250 : i32
        %lt3A_440 = arith.cmpi slt, %add3A_438, %lt3A_439 : i32
        %convert_element_type3A_441 = arith.extui %lt3A_440 : i1 to i32
        %cond3A_442 = arith.constant 0 : i32
        %cond3A_443 = arith.cmpi ne, %convert_element_type3A_441, %cond3A_442 : i32
        scf.if %cond3A_443 {
          %get3A = arith.constant 64 : index
          %get3A_475 = tpu.vector_load %arg11[%get3A] {strides = array<i32>} : memref<128xi32, #tpu.memory_space<vmem>>, vector<16xi32>,
          %swap3A = arith.constant 0 : index
          %swap3A_476 = tpu.vector_load %arg20[%swap3A] {strides = array<i32>} : memref<32xi32, #tpu.memory_space<vmem>>, vector<16xi32>,
          tpu.vector_store %arg20[%swap3A], %get3A_475 {strides = array<i32>} : memref<32xi32, #tpu.memory_space<vmem>>, vector<16xi32>,
          %get3A_477 = arith.constant 80 : index
          %get3A_478 = tpu.vector_load %arg11[%get3A_477] {strides = array<i32>} : memref<128xi32, #tpu.memory_space<vmem>>, vector<16xi32>,
          %swap3A_479 = arith.constant 16 : index
          %swap3A_480 = tpu.vector_load %arg20[%swap3A_479] {strides = array<i32>} : memref<32xi32, #tpu.memory_space<vmem>>, vector<16xi32>,
          tpu.vector_store %arg20[%swap3A_479], %get3A_478 {strides = array<i32>} : memref<32xi32, #tpu.memory_space<vmem>>, vector<16xi32>,
          %parallel_loop3A = arith.constant 0 : i32
          %parallel_loop3A_481 = arith.constant 32 : i32
          %parallel_loop3A_482 = arith.constant 1 : i32
          scf.for %parallel_loop3A_486 = %parallel_loop3A to %parallel_loop3A_481 step %parallel_loop3A_482  : i32 {
            %parallel_loop3A_487 = arith.index_cast %parallel_loop3A_486 : i32 to index
            %parallel_loop3A_488 = arith.constant 0 : index
            %parallel_loop3A_489 = tpu.vector_load %arg19[%parallel_loop3A_487, %parallel_loop3A_488] {strides = array<i32>} : memref<64x32xbf16, #tpu.memory_space<vmem>>, vector<32xbf16>,
            %parallel_loop3A_490 = tpu.unpack_subelements %parallel_loop3A_489, 0 {pack_format = #tpu.pack_format<interleaved>} : vector<32xbf16> -> vector<16xf32>
            %parallel_loop3A_491 = tpu.unpack_subelements %parallel_loop3A_489, 1 {pack_format = #tpu.pack_format<interleaved>} : vector<32xbf16> -> vector<16xf32>
            %parallel_loop3A_492 = arith.constant 9 : i32
            %parallel_loop3A_493 = arith.muli %parallel_loop3A_486, %parallel_loop3A_492 : i32
            %parallel_loop3A_494 = arith.index_cast %parallel_loop3A_493 : i32 to index
            %parallel_loop3A_495 = tpu.vector_load %arg13[%parallel_loop3A_494] {strides = array<i32>} : memref<592xf32, #tpu.memory_space<vmem>>, vector<16xf32>,
            %parallel_loop3A_496 = arith.index_cast %parallel_loop3A_486 : i32 to index
            %parallel_loop3A_497 = arith.constant 0 : index
            %parallel_loop3A_498 = tpu.vector_load %arg15[%parallel_loop3A_496, %parallel_loop3A_497] {strides = array<i32>} : memref<64x96xf32, #tpu.memory_space<vmem>>, vector<16xf32>,
            %parallel_loop3A_499 = arith.mulf %parallel_loop3A_498, %parallel_loop3A_490 : vector<16xf32>
            %parallel_loop3A_500 = arith.index_cast %parallel_loop3A_486 : i32 to index
            %parallel_loop3A_501 = arith.constant 16 : index
            %parallel_loop3A_502 = tpu.vector_load %arg15[%parallel_loop3A_500, %parallel_loop3A_501] {strides = array<i32>} : memref<64x96xf32, #tpu.memory_space<vmem>>, vector<16xf32>,
            %parallel_loop3A_503 = arith.mulf %parallel_loop3A_502, %parallel_loop3A_491 : vector<16xf32>
            %parallel_loop3A_504 = arith.index_cast %parallel_loop3A_486 : i32 to index
            %parallel_loop3A_505 = arith.constant 32 : index
            %parallel_loop3A_506 = tpu.vector_load %arg15[%parallel_loop3A_504, %parallel_loop3A_505] {strides = array<i32>} : memref<64x96xf32, #tpu.memory_space<vmem>>, vector<16xf32>,
            %parallel_loop3A_507 = arith.mulf %parallel_loop3A_506, %parallel_loop3A_490 : vector<16xf32>
            %parallel_loop3A_508 = arith.index_cast %parallel_loop3A_486 : i32 to index
            %parallel_loop3A_509 = arith.constant 48 : index
            %parallel_loop3A_510 = tpu.vector_load %arg15[%parallel_loop3A_508, %parallel_loop3A_509] {strides = array<i32>} : memref<64x96xf32, #tpu.memory_space<vmem>>, vector<16xf32>,
            %parallel_loop3A_511 = arith.mulf %parallel_loop3A_510, %parallel_loop3A_491 : vector<16xf32>
            %parallel_loop3A_512 = arith.index_cast %parallel_loop3A_486 : i32 to index
            %parallel_loop3A_513 = arith.constant 64 : index
            %parallel_loop3A_514 = tpu.vector_load %arg15[%parallel_loop3A_512, %parallel_loop3A_513] {strides = array<i32>} : memref<64x96xf32, #tpu.memory_space<vmem>>, vector<16xf32>,
            %parallel_loop3A_515 = arith.mulf %parallel_loop3A_514, %parallel_loop3A_490 : vector<16xf32>
            %parallel_loop3A_516 = arith.index_cast %parallel_loop3A_486 : i32 to index
            %parallel_loop3A_517 = arith.constant 80 : index
            %parallel_loop3A_518 = tpu.vector_load %arg15[%parallel_loop3A_516, %parallel_loop3A_517] {strides = array<i32>} : memref<64x96xf32, #tpu.memory_space<vmem>>, vector<16xf32>,
            %parallel_loop3A_519 = arith.mulf %parallel_loop3A_518, %parallel_loop3A_491 : vector<16xf32>
            %parallel_loop3A_520 = vector.extract_strided_slice %parallel_loop3A_495 {offsets = [0], sizes = [1], strides = [1]} : vector<16xf32> to vector<1xf32>
            %parallel_loop3A_521 = vector.extract %parallel_loop3A_520[0] : f32 from vector<1xf32>
            %parallel_loop3A_522 = vector.broadcast %parallel_loop3A_521 : f32 to vector<16xf32>
            %parallel_loop3A_523 = arith.mulf %parallel_loop3A_522, %parallel_loop3A_499 : vector<16xf32>
            %parallel_loop3A_524 = vector.extract_strided_slice %parallel_loop3A_495 {offsets = [0], sizes = [1], strides = [1]} : vector<16xf32> to vector<1xf32>
            %parallel_loop3A_525 = vector.extract %parallel_loop3A_524[0] : f32 from vector<1xf32>
            %parallel_loop3A_526 = vector.broadcast %parallel_loop3A_525 : f32 to vector<16xf32>
            %parallel_loop3A_527 = arith.mulf %parallel_loop3A_526, %parallel_loop3A_503 : vector<16xf32>
            %parallel_loop3A_528 = tpu.pack_subelements %parallel_loop3A_523, %parallel_loop3A_527 {pack_format = #tpu.pack_format<interleaved>, positions = array<i32: 0, 1>} : vector<16xf32>, vector<16xf32> -> vector<32xbf16>
            %parallel_loop3A_529 = arith.constant 0 : i32
            %parallel_loop3A_530 = arith.subi %parallel_loop3A_486, %parallel_loop3A_529 : i32
            %parallel_loop3A_531 = arith.constant 0 : i32
            %parallel_loop3A_532 = arith.index_cast %parallel_loop3A_530 : i32 to index
            %parallel_loop3A_533 = arith.index_cast %parallel_loop3A_531 : i32 to index
            %parallel_loop3A_534 = arith.constant 0 : index
            %parallel_loop3A_535 = tpu.vector_load %arg22[%parallel_loop3A_532, %parallel_loop3A_533, %parallel_loop3A_534] {strides = array<i32>} : memref<32x9x32xbf16, #tpu.memory_space<vmem>>, vector<32xbf16>,
            tpu.vector_store %arg22[%parallel_loop3A_532, %parallel_loop3A_533, %parallel_loop3A_534], %parallel_loop3A_528 {strides = array<i32>} : memref<32x9x32xbf16, #tpu.memory_space<vmem>>, vector<32xbf16>,
            %parallel_loop3A_536 = vector.extract_strided_slice %parallel_loop3A_495 {offsets = [1], sizes = [1], strides = [1]} : vector<16xf32> to vector<1xf32>
            %parallel_loop3A_537 = vector.extract %parallel_loop3A_536[0] : f32 from vector<1xf32>
            %parallel_loop3A_538 = vector.broadcast %parallel_loop3A_537 : f32 to vector<16xf32>
            %parallel_loop3A_539 = arith.mulf %parallel_loop3A_538, %parallel_loop3A_507 : vector<16xf32>
            %parallel_loop3A_540 = vector.extract_strided_slice %parallel_loop3A_495 {offsets = [1], sizes = [1], strides = [1]} : vector<16xf32> to vector<1xf32>
            %parallel_loop3A_541 = vector.extract %parallel_loop3A_540[0] : f32 from vector<1xf32>
            %parallel_loop3A_542 = vector.broadcast %parallel_loop3A_541 : f32 to vector<16xf32>
            %parallel_loop3A_543 = arith.mulf %parallel_loop3A_542, %parallel_loop3A_511 : vector<16xf32>
            %parallel_loop3A_544 = tpu.pack_subelements %parallel_loop3A_539, %parallel_loop3A_543 {pack_format = #tpu.pack_format<interleaved>, positions = array<i32: 0, 1>} : vector<16xf32>, vector<16xf32> -> vector<32xbf16>
            %parallel_loop3A_545 = arith.constant 0 : i32
            %parallel_loop3A_546 = arith.subi %parallel_loop3A_486, %parallel_loop3A_545 : i32
            %parallel_loop3A_547 = arith.constant 1 : i32
            %parallel_loop3A_548 = arith.index_cast %parallel_loop3A_546 : i32 to index
            %parallel_loop3A_549 = arith.index_cast %parallel_loop3A_547 : i32 to index
            %parallel_loop3A_550 = arith.constant 0 : index
            %parallel_loop3A_551 = tpu.vector_load %arg22[%parallel_loop3A_548, %parallel_loop3A_549, %parallel_loop3A_550] {strides = array<i32>} : memref<32x9x32xbf16, #tpu.memory_space<vmem>>, vector<32xbf16>,
            tpu.vector_store %arg22[%parallel_loop3A_548, %parallel_loop3A_549, %parallel_loop3A_550], %parallel_loop3A_544 {strides = array<i32>} : memref<32x9x32xbf16, #tpu.memory_space<vmem>>, vector<32xbf16>,
            %parallel_loop3A_552 = vector.extract_strided_slice %parallel_loop3A_495 {offsets = [2], sizes = [1], strides = [1]} : vector<16xf32> to vector<1xf32>
            %parallel_loop3A_553 = vector.extract %parallel_loop3A_552[0] : f32 from vector<1xf32>
            %parallel_loop3A_554 = vector.broadcast %parallel_loop3A_553 : f32 to vector<16xf32>
            %parallel_loop3A_555 = arith.mulf %parallel_loop3A_554, %parallel_loop3A_507 : vector<16xf32>
            %parallel_loop3A_556 = vector.extract_strided_slice %parallel_loop3A_495 {offsets = [2], sizes = [1], strides = [1]} : vector<16xf32> to vector<1xf32>
            %parallel_loop3A_557 = vector.extract %parallel_loop3A_556[0] : f32 from vector<1xf32>
            %parallel_loop3A_558 = vector.broadcast %parallel_loop3A_557 : f32 to vector<16xf32>
            %parallel_loop3A_559 = arith.mulf %parallel_loop3A_558, %parallel_loop3A_511 : vector<16xf32>
            %parallel_loop3A_560 = tpu.pack_subelements %parallel_loop3A_555, %parallel_loop3A_559 {pack_format = #tpu.pack_format<interleaved>, positions = array<i32: 0, 1>} : vector<16xf32>, vector<16xf32> -> vector<32xbf16>
            %parallel_loop3A_561 = arith.constant 0 : i32
            %parallel_loop3A_562 = arith.subi %parallel_loop3A_486, %parallel_loop3A_561 : i32
            %parallel_loop3A_563 = arith.constant 2 : i32
            %parallel_loop3A_564 = arith.index_cast %parallel_loop3A_562 : i32 to index
            %parallel_loop3A_565 = arith.index_cast %parallel_loop3A_563 : i32 to index
            %parallel_loop3A_566 = arith.constant 0 : index
            %parallel_loop3A_567 = tpu.vector_load %arg22[%parallel_loop3A_564, %parallel_loop3A_565, %parallel_loop3A_566] {strides = array<i32>} : memref<32x9x32xbf16, #tpu.memory_space<vmem>>, vector<32xbf16>,
            tpu.vector_store %arg22[%parallel_loop3A_564, %parallel_loop3A_565, %parallel_loop3A_566], %parallel_loop3A_560 {strides = array<i32>} : memref<32x9x32xbf16, #tpu.memory_space<vmem>>, vector<32xbf16>,
            %parallel_loop3A_568 = vector.extract_strided_slice %parallel_loop3A_495 {offsets = [3], sizes = [1], strides = [1]} : vector<16xf32> to vector<1xf32>
            %parallel_loop3A_569 = vector.extract %parallel_loop3A_568[0] : f32 from vector<1xf32>
            %parallel_loop3A_570 = vector.broadcast %parallel_loop3A_569 : f32 to vector<16xf32>
            %parallel_loop3A_571 = arith.mulf %parallel_loop3A_570, %parallel_loop3A_507 : vector<16xf32>
            %parallel_loop3A_572 = vector.extract_strided_slice %parallel_loop3A_495 {offsets = [3], sizes = [1], strides = [1]} : vector<16xf32> to vector<1xf32>
            %parallel_loop3A_573 = vector.extract %parallel_loop3A_572[0] : f32 from vector<1xf32>
            %parallel_loop3A_574 = vector.broadcast %parallel_loop3A_573 : f32 to vector<16xf32>
            %parallel_loop3A_575 = arith.mulf %parallel_loop3A_574, %parallel_loop3A_511 : vector<16xf32>
            %parallel_loop3A_576 = tpu.pack_subelements %parallel_loop3A_571, %parallel_loop3A_575 {pack_format = #tpu.pack_format<interleaved>, positions = array<i32: 0, 1>} : vector<16xf32>, vector<16xf32> -> vector<32xbf16>
            %parallel_loop3A_577 = arith.constant 0 : i32
            %parallel_loop3A_578 = arith.subi %parallel_loop3A_486, %parallel_loop3A_577 : i32
            %parallel_loop3A_579 = arith.constant 3 : i32
            %parallel_loop3A_580 = arith.index_cast %parallel_loop3A_578 : i32 to index
            %parallel_loop3A_581 = arith.index_cast %parallel_loop3A_579 : i32 to index
            %parallel_loop3A_582 = arith.constant 0 : index
            %parallel_loop3A_583 = tpu.vector_load %arg22[%parallel_loop3A_580, %parallel_loop3A_581, %parallel_loop3A_582] {strides = array<i32>} : memref<32x9x32xbf16, #tpu.memory_space<vmem>>, vector<32xbf16>,
            tpu.vector_store %arg22[%parallel_loop3A_580, %parallel_loop3A_581, %parallel_loop3A_582], %parallel_loop3A_576 {strides = array<i32>} : memref<32x9x32xbf16, #tpu.memory_space<vmem>>, vector<32xbf16>,
            %parallel_loop3A_584 = vector.extract_strided_slice %parallel_loop3A_495 {offsets = [4], sizes = [1], strides = [1]} : vector<16xf32> to vector<1xf32>
            %parallel_loop3A_585 = vector.extract %parallel_loop3A_584[0] : f32 from vector<1xf32>
            %parallel_loop3A_586 = vector.broadcast %parallel_loop3A_585 : f32 to vector<16xf32>
            %parallel_loop3A_587 = arith.mulf %parallel_loop3A_586, %parallel_loop3A_515 : vector<16xf32>
            %parallel_loop3A_588 = vector.extract_strided_slice %parallel_loop3A_495 {offsets = [4], sizes = [1], strides = [1]} : vector<16xf32> to vector<1xf32>
            %parallel_loop3A_589 = vector.extract %parallel_loop3A_588[0] : f32 from vector<1xf32>
            %parallel_loop3A_590 = vector.broadcast %parallel_loop3A_589 : f32 to vector<16xf32>
            %parallel_loop3A_591 = arith.mulf %parallel_loop3A_590, %parallel_loop3A_519 : vector<16xf32>
            %parallel_loop3A_592 = tpu.pack_subelements %parallel_loop3A_587, %parallel_loop3A_591 {pack_format = #tpu.pack_format<interleaved>, positions = array<i32: 0, 1>} : vector<16xf32>, vector<16xf32> -> vector<32xbf16>
            %parallel_loop3A_593 = arith.constant 0 : i32
            %parallel_loop3A_594 = arith.subi %parallel_loop3A_486, %parallel_loop3A_593 : i32
            %parallel_loop3A_595 = arith.constant 4 : i32
            %parallel_loop3A_596 = arith.index_cast %parallel_loop3A_594 : i32 to index
            %parallel_loop3A_597 = arith.index_cast %parallel_loop3A_595 : i32 to index
            %parallel_loop3A_598 = arith.constant 0 : index
            %parallel_loop3A_599 = tpu.vector_load %arg22[%parallel_loop3A_596, %parallel_loop3A_597, %parallel_loop3A_598] {strides = array<i32>} : memref<32x9x32xbf16, #tpu.memory_space<vmem>>, vector<32xbf16>,
            tpu.vector_store %arg22[%parallel_loop3A_596, %parallel_loop3A_597, %parallel_loop3A_598], %parallel_loop3A_592 {strides = array<i32>} : memref<32x9x32xbf16, #tpu.memory_space<vmem>>, vector<32xbf16>,
            %parallel_loop3A_600 = vector.extract_strided_slice %parallel_loop3A_495 {offsets = [5], sizes = [1], strides = [1]} : vector<16xf32> to vector<1xf32>
            %parallel_loop3A_601 = vector.extract %parallel_loop3A_600[0] : f32 from vector<1xf32>
            %parallel_loop3A_602 = vector.broadcast %parallel_loop3A_601 : f32 to vector<16xf32>
            %parallel_loop3A_603 = arith.mulf %parallel_loop3A_602, %parallel_loop3A_515 : vector<16xf32>
            %parallel_loop3A_604 = vector.extract_strided_slice %parallel_loop3A_495 {offsets = [5], sizes = [1], strides = [1]} : vector<16xf32> to vector<1xf32>
            %parallel_loop3A_605 = vector.extract %parallel_loop3A_604[0] : f32 from vector<1xf32>
            %parallel_loop3A_606 = vector.broadcast %parallel_loop3A_605 : f32 to vector<16xf32>
            %parallel_loop3A_607 = arith.mulf %parallel_loop3A_606, %parallel_loop3A_519 : vector<16xf32>
            %parallel_loop3A_608 = tpu.pack_subelements %parallel_loop3A_603, %parallel_loop3A_607 {pack_format = #tpu.pack_format<interleaved>, positions = array<i32: 0, 1>} : vector<16xf32>, vector<16xf32> -> vector<32xbf16>
            %parallel_loop3A_609 = arith.constant 0 : i32
            %parallel_loop3A_610 = arith.subi %parallel_loop3A_486, %parallel_loop3A_609 : i32
            %parallel_loop3A_611 = arith.constant 5 : i32
            %parallel_loop3A_612 = arith.index_cast %parallel_loop3A_610 : i32 to index
            %parallel_loop3A_613 = arith.index_cast %parallel_loop3A_611 : i32 to index
            %parallel_loop3A_614 = arith.constant 0 : index
            %parallel_loop3A_615 = tpu.vector_load %arg22[%parallel_loop3A_612, %parallel_loop3A_613, %parallel_loop3A_614] {strides = array<i32>} : memref<32x9x32xbf16, #tpu.memory_space<vmem>>, vector<32xbf16>,
            tpu.vector_store %arg22[%parallel_loop3A_612, %parallel_loop3A_613, %parallel_loop3A_614], %parallel_loop3A_608 {strides = array<i32>} : memref<32x9x32xbf16, #tpu.memory_space<vmem>>, vector<32xbf16>,
            %parallel_loop3A_616 = vector.extract_strided_slice %parallel_loop3A_495 {offsets = [6], sizes = [1], strides = [1]} : vector<16xf32> to vector<1xf32>
            %parallel_loop3A_617 = vector.extract %parallel_loop3A_616[0] : f32 from vector<1xf32>
            %parallel_loop3A_618 = vector.broadcast %parallel_loop3A_617 : f32 to vector<16xf32>
            %parallel_loop3A_619 = arith.mulf %parallel_loop3A_618, %parallel_loop3A_515 : vector<16xf32>
            %parallel_loop3A_620 = vector.extract_strided_slice %parallel_loop3A_495 {offsets = [6], sizes = [1], strides = [1]} : vector<16xf32> to vector<1xf32>
            %parallel_loop3A_621 = vector.extract %parallel_loop3A_620[0] : f32 from vector<1xf32>
            %parallel_loop3A_622 = vector.broadcast %parallel_loop3A_621 : f32 to vector<16xf32>
            %parallel_loop3A_623 = arith.mulf %parallel_loop3A_622, %parallel_loop3A_519 : vector<16xf32>
            %parallel_loop3A_624 = tpu.pack_subelements %parallel_loop3A_619, %parallel_loop3A_623 {pack_format = #tpu.pack_format<interleaved>, positions = array<i32: 0, 1>} : vector<16xf32>, vector<16xf32> -> vector<32xbf16>
            %parallel_loop3A_625 = arith.constant 0 : i32
            %parallel_loop3A_626 = arith.subi %parallel_loop3A_486, %parallel_loop3A_625 : i32
            %parallel_loop3A_627 = arith.constant 6 : i32
            %parallel_loop3A_628 = arith.index_cast %parallel_loop3A_626 : i32 to index
            %parallel_loop3A_629 = arith.index_cast %parallel_loop3A_627 : i32 to index
            %parallel_loop3A_630 = arith.constant 0 : index
            %parallel_loop3A_631 = tpu.vector_load %arg22[%parallel_loop3A_628, %parallel_loop3A_629, %parallel_loop3A_630] {strides = array<i32>} : memref<32x9x32xbf16, #tpu.memory_space<vmem>>, vector<32xbf16>,
            tpu.vector_store %arg22[%parallel_loop3A_628, %parallel_loop3A_629, %parallel_loop3A_630], %parallel_loop3A_624 {strides = array<i32>} : memref<32x9x32xbf16, #tpu.memory_space<vmem>>, vector<32xbf16>,
            %parallel_loop3A_632 = vector.extract_strided_slice %parallel_loop3A_495 {offsets = [7], sizes = [1], strides = [1]} : vector<16xf32> to vector<1xf32>
            %parallel_loop3A_633 = vector.extract %parallel_loop3A_632[0] : f32 from vector<1xf32>
            %parallel_loop3A_634 = vector.broadcast %parallel_loop3A_633 : f32 to vector<16xf32>
            %parallel_loop3A_635 = arith.mulf %parallel_loop3A_634, %parallel_loop3A_515 : vector<16xf32>
            %parallel_loop3A_636 = vector.extract_strided_slice %parallel_loop3A_495 {offsets = [7], sizes = [1], strides = [1]} : vector<16xf32> to vector<1xf32>
            %parallel_loop3A_637 = vector.extract %parallel_loop3A_636[0] : f32 from vector<1xf32>
            %parallel_loop3A_638 = vector.broadcast %parallel_loop3A_637 : f32 to vector<16xf32>
            %parallel_loop3A_639 = arith.mulf %parallel_loop3A_638, %parallel_loop3A_519 : vector<16xf32>
            %parallel_loop3A_640 = tpu.pack_subelements %parallel_loop3A_635, %parallel_loop3A_639 {pack_format = #tpu.pack_format<interleaved>, positions = array<i32: 0, 1>} : vector<16xf32>, vector<16xf32> -> vector<32xbf16>
            %parallel_loop3A_641 = arith.constant 0 : i32
            %parallel_loop3A_642 = arith.subi %parallel_loop3A_486, %parallel_loop3A_641 : i32
            %parallel_loop3A_643 = arith.constant 7 : i32
            %parallel_loop3A_644 = arith.index_cast %parallel_loop3A_642 : i32 to index
            %parallel_loop3A_645 = arith.index_cast %parallel_loop3A_643 : i32 to index
            %parallel_loop3A_646 = arith.constant 0 : index
            %parallel_loop3A_647 = tpu.vector_load %arg22[%parallel_loop3A_644, %parallel_loop3A_645, %parallel_loop3A_646] {strides = array<i32>} : memref<32x9x32xbf16, #tpu.memory_space<vmem>>, vector<32xbf16>,
            tpu.vector_store %arg22[%parallel_loop3A_644, %parallel_loop3A_645, %parallel_loop3A_646], %parallel_loop3A_640 {strides = array<i32>} : memref<32x9x32xbf16, #tpu.memory_space<vmem>>, vector<32xbf16>,
            %parallel_loop3A_648 = vector.extract_strided_slice %parallel_loop3A_495 {offsets = [8], sizes = [1], strides = [1]} : vector<16xf32> to vector<1xf32>
            %parallel_loop3A_649 = vector.extract %parallel_loop3A_648[0] : f32 from vector<1xf32>
            %parallel_loop3A_650 = vector.broadcast %parallel_loop3A_649 : f32 to vector<16xf32>
            %parallel_loop3A_651 = arith.mulf %parallel_loop3A_650, %parallel_loop3A_515 : vector<16xf32>
            %parallel_loop3A_652 = vector.extract_strided_slice %parallel_loop3A_495 {offsets = [8], sizes = [1], strides = [1]} : vector<16xf32> to vector<1xf32>
            %parallel_loop3A_653 = vector.extract %parallel_loop3A_652[0] : f32 from vector<1xf32>
            %parallel_loop3A_654 = vector.broadcast %parallel_loop3A_653 : f32 to vector<16xf32>
            %parallel_loop3A_655 = arith.mulf %parallel_loop3A_654, %parallel_loop3A_519 : vector<16xf32>
            %parallel_loop3A_656 = tpu.pack_subelements %parallel_loop3A_651, %parallel_loop3A_655 {pack_format = #tpu.pack_format<interleaved>, positions = array<i32: 0, 1>} : vector<16xf32>, vector<16xf32> -> vector<32xbf16>
            %parallel_loop3A_657 = arith.constant 0 : i32
            %parallel_loop3A_658 = arith.subi %parallel_loop3A_486, %parallel_loop3A_657 : i32
            %parallel_loop3A_659 = arith.constant 8 : i32
            %parallel_loop3A_660 = arith.index_cast %parallel_loop3A_658 : i32 to index
            %parallel_loop3A_661 = arith.index_cast %parallel_loop3A_659 : i32 to index
            %parallel_loop3A_662 = arith.constant 0 : index
            %parallel_loop3A_663 = tpu.vector_load %arg22[%parallel_loop3A_660, %parallel_loop3A_661, %parallel_loop3A_662] {strides = array<i32>} : memref<32x9x32xbf16, #tpu.memory_space<vmem>>, vector<32xbf16>,
            tpu.vector_store %arg22[%parallel_loop3A_660, %parallel_loop3A_661, %parallel_loop3A_662], %parallel_loop3A_656 {strides = array<i32>} : memref<32x9x32xbf16, #tpu.memory_space<vmem>>, vector<32xbf16>,
          } {sc.loop_unroll_factor = 2 : i64, sc.parallel_access}
          %dma_start3A = arith.constant 0 : i32
          %dma_start3A_483 = arith.constant 0 : i32
          %dma_start3A_484 = arith.constant 0 : i32
          %dma_start3A_485 = tpu.memref_slice %arg8[%dma_start3A, %dma_start3A_483, %dma_start3A_484] : memref<10000x9x32xbf16, #tpu.memory_space<vmem_shared>> -> memref<10000x9x32xbf16, #tpu.memory_space<vmem_shared>>
          tpu.enqueue_indirect_dma source(%arg22 : memref<32x9x32xbf16, #tpu.memory_space<vmem>>) target(%dma_start3A_485 : memref<10000x9x32xbf16, #tpu.memory_space<vmem_shared>>) offsets(%arg20 : memref<32xi32, #tpu.memory_space<vmem>>) semaphore(%arg28 : memref<!tpu.dma_semaphore, #tpu.memory_space<semaphore_mem>>) {add = true}
        } else {
        }
        %sub3A_444 = arith.constant 1 : i32
        %sub3A_445 = arith.subi %add3A_394, %sub3A_444 : i32
        %mul3A_446 = arith.constant 16 : i32
        %mul3A_447 = arith.muli %mul3A_446, %sub3A_445 : i32
        %add3A_448 = arith.addi %arg1, %mul3A_447 : i32
        %lt3A_449 = arith.constant 1250 : i32
        %lt3A_450 = arith.cmpi slt, %add3A_448, %lt3A_449 : i32
        %ge3A_451 = arith.constant 0 : i32
        %ge3A_452 = arith.cmpi sge, %sub3A_445, %ge3A_451 : i32
        %and3A_453 = arith.andi %lt3A_450, %ge3A_452 : i1
        %convert_element_type3A_454 = arith.extui %and3A_453 : i1 to i32
        %cond3A_455 = arith.constant 0 : i32
        %cond3A_456 = arith.cmpi ne, %convert_element_type3A_454, %cond3A_455 : i32
        scf.if %cond3A_456 {
          %dma_wait3A = arith.constant 0 : i32
          %dma_wait3A_475 = arith.constant 0 : i32
          %dma_wait3A_476 = arith.constant 0 : i32
          %dma_wait3A_477 = tpu.memref_slice %arg8[%dma_wait3A, %dma_wait3A_475, %dma_wait3A_476] : memref<10000x9x32xbf16, #tpu.memory_space<vmem_shared>> -> memref<10000x9x32xbf16, #tpu.memory_space<vmem_shared>>
          tpu.wait_indirect_dma semaphore(%arg29 : memref<!tpu.dma_semaphore, #tpu.memory_space<semaphore_mem>>) src(%arg23 : memref<32x9x32xbf16, #tpu.memory_space<vmem>>) dst(%dma_wait3A_477 : memref<10000x9x32xbf16, #tpu.memory_space<vmem_shared>>)
        } else {
        }
        %mul3A_457 = arith.constant 16 : i32
        %mul3A_458 = arith.muli %mul3A_457, %add3A_394 : i32
        %add3A_459 = arith.addi %arg1, %mul3A_458 : i32
        %lt3A_460 = arith.constant 1250 : i32
        %lt3A_461 = arith.cmpi slt, %add3A_459, %lt3A_460 : i32
        %convert_element_type3A_462 = arith.extui %lt3A_461 : i1 to i32
        %cond3A_463 = arith.constant 0 : i32
        %cond3A_464 = arith.cmpi ne, %convert_element_type3A_462, %cond3A_463 : i32
        scf.if %cond3A_464 {
          %get3A = arith.constant 96 : index
          %get3A_475 = tpu.vector_load %arg11[%get3A] {strides = array<i32>} : memref<128xi32, #tpu.memory_space<vmem>>, vector<16xi32>,
          %swap3A = arith.constant 0 : index
          %swap3A_476 = tpu.vector_load %arg21[%swap3A] {strides = array<i32>} : memref<32xi32, #tpu.memory_space<vmem>>, vector<16xi32>,
          tpu.vector_store %arg21[%swap3A], %get3A_475 {strides = array<i32>} : memref<32xi32, #tpu.memory_space<vmem>>, vector<16xi32>,
          %get3A_477 = arith.constant 112 : index
          %get3A_478 = tpu.vector_load %arg11[%get3A_477] {strides = array<i32>} : memref<128xi32, #tpu.memory_space<vmem>>, vector<16xi32>,
          %swap3A_479 = arith.constant 16 : index
          %swap3A_480 = tpu.vector_load %arg21[%swap3A_479] {strides = array<i32>} : memref<32xi32, #tpu.memory_space<vmem>>, vector<16xi32>,
          tpu.vector_store %arg21[%swap3A_479], %get3A_478 {strides = array<i32>} : memref<32xi32, #tpu.memory_space<vmem>>, vector<16xi32>,
          %parallel_loop3A = arith.constant 32 : i32
          %parallel_loop3A_481 = arith.constant 64 : i32
          %parallel_loop3A_482 = arith.constant 1 : i32
          scf.for %parallel_loop3A_486 = %parallel_loop3A to %parallel_loop3A_481 step %parallel_loop3A_482  : i32 {
            %parallel_loop3A_487 = arith.index_cast %parallel_loop3A_486 : i32 to index
            %parallel_loop3A_488 = arith.constant 0 : index
            %parallel_loop3A_489 = tpu.vector_load %arg19[%parallel_loop3A_487, %parallel_loop3A_488] {strides = array<i32>} : memref<64x32xbf16, #tpu.memory_space<vmem>>, vector<32xbf16>,
            %parallel_loop3A_490 = tpu.unpack_subelements %parallel_loop3A_489, 0 {pack_format = #tpu.pack_format<interleaved>} : vector<32xbf16> -> vector<16xf32>
            %parallel_loop3A_491 = tpu.unpack_subelements %parallel_loop3A_489, 1 {pack_format = #tpu.pack_format<interleaved>} : vector<32xbf16> -> vector<16xf32>
            %parallel_loop3A_492 = arith.constant 9 : i32
            %parallel_loop3A_493 = arith.muli %parallel_loop3A_486, %parallel_loop3A_492 : i32
            %parallel_loop3A_494 = arith.index_cast %parallel_loop3A_493 : i32 to index
            %parallel_loop3A_495 = tpu.vector_load %arg13[%parallel_loop3A_494] {strides = array<i32>} : memref<592xf32, #tpu.memory_space<vmem>>, vector<16xf32>,
            %parallel_loop3A_496 = arith.index_cast %parallel_loop3A_486 : i32 to index
            %parallel_loop3A_497 = arith.constant 0 : index
            %parallel_loop3A_498 = tpu.vector_load %arg15[%parallel_loop3A_496, %parallel_loop3A_497] {strides = array<i32>} : memref<64x96xf32, #tpu.memory_space<vmem>>, vector<16xf32>,
            %parallel_loop3A_499 = arith.mulf %parallel_loop3A_498, %parallel_loop3A_490 : vector<16xf32>
            %parallel_loop3A_500 = arith.index_cast %parallel_loop3A_486 : i32 to index
            %parallel_loop3A_501 = arith.constant 16 : index
            %parallel_loop3A_502 = tpu.vector_load %arg15[%parallel_loop3A_500, %parallel_loop3A_501] {strides = array<i32>} : memref<64x96xf32, #tpu.memory_space<vmem>>, vector<16xf32>,
            %parallel_loop3A_503 = arith.mulf %parallel_loop3A_502, %parallel_loop3A_491 : vector<16xf32>
            %parallel_loop3A_504 = arith.index_cast %parallel_loop3A_486 : i32 to index
            %parallel_loop3A_505 = arith.constant 32 : index
            %parallel_loop3A_506 = tpu.vector_load %arg15[%parallel_loop3A_504, %parallel_loop3A_505] {strides = array<i32>} : memref<64x96xf32, #tpu.memory_space<vmem>>, vector<16xf32>,
            %parallel_loop3A_507 = arith.mulf %parallel_loop3A_506, %parallel_loop3A_490 : vector<16xf32>
            %parallel_loop3A_508 = arith.index_cast %parallel_loop3A_486 : i32 to index
            %parallel_loop3A_509 = arith.constant 48 : index
            %parallel_loop3A_510 = tpu.vector_load %arg15[%parallel_loop3A_508, %parallel_loop3A_509] {strides = array<i32>} : memref<64x96xf32, #tpu.memory_space<vmem>>, vector<16xf32>,
            %parallel_loop3A_511 = arith.mulf %parallel_loop3A_510, %parallel_loop3A_491 : vector<16xf32>
            %parallel_loop3A_512 = arith.index_cast %parallel_loop3A_486 : i32 to index
            %parallel_loop3A_513 = arith.constant 64 : index
            %parallel_loop3A_514 = tpu.vector_load %arg15[%parallel_loop3A_512, %parallel_loop3A_513] {strides = array<i32>} : memref<64x96xf32, #tpu.memory_space<vmem>>, vector<16xf32>,
            %parallel_loop3A_515 = arith.mulf %parallel_loop3A_514, %parallel_loop3A_490 : vector<16xf32>
            %parallel_loop3A_516 = arith.index_cast %parallel_loop3A_486 : i32 to index
            %parallel_loop3A_517 = arith.constant 80 : index
            %parallel_loop3A_518 = tpu.vector_load %arg15[%parallel_loop3A_516, %parallel_loop3A_517] {strides = array<i32>} : memref<64x96xf32, #tpu.memory_space<vmem>>, vector<16xf32>,
            %parallel_loop3A_519 = arith.mulf %parallel_loop3A_518, %parallel_loop3A_491 : vector<16xf32>
            %parallel_loop3A_520 = vector.extract_strided_slice %parallel_loop3A_495 {offsets = [0], sizes = [1], strides = [1]} : vector<16xf32> to vector<1xf32>
            %parallel_loop3A_521 = vector.extract %parallel_loop3A_520[0] : f32 from vector<1xf32>
            %parallel_loop3A_522 = vector.broadcast %parallel_loop3A_521 : f32 to vector<16xf32>
            %parallel_loop3A_523 = arith.mulf %parallel_loop3A_522, %parallel_loop3A_499 : vector<16xf32>
            %parallel_loop3A_524 = vector.extract_strided_slice %parallel_loop3A_495 {offsets = [0], sizes = [1], strides = [1]} : vector<16xf32> to vector<1xf32>
            %parallel_loop3A_525 = vector.extract %parallel_loop3A_524[0] : f32 from vector<1xf32>
            %parallel_loop3A_526 = vector.broadcast %parallel_loop3A_525 : f32 to vector<16xf32>
            %parallel_loop3A_527 = arith.mulf %parallel_loop3A_526, %parallel_loop3A_503 : vector<16xf32>
            %parallel_loop3A_528 = tpu.pack_subelements %parallel_loop3A_523, %parallel_loop3A_527 {pack_format = #tpu.pack_format<interleaved>, positions = array<i32: 0, 1>} : vector<16xf32>, vector<16xf32> -> vector<32xbf16>
            %parallel_loop3A_529 = arith.constant 32 : i32
            %parallel_loop3A_530 = arith.subi %parallel_loop3A_486, %parallel_loop3A_529 : i32
            %parallel_loop3A_531 = arith.constant 0 : i32
            %parallel_loop3A_532 = arith.index_cast %parallel_loop3A_530 : i32 to index
            %parallel_loop3A_533 = arith.index_cast %parallel_loop3A_531 : i32 to index
            %parallel_loop3A_534 = arith.constant 0 : index
            %parallel_loop3A_535 = tpu.vector_load %arg23[%parallel_loop3A_532, %parallel_loop3A_533, %parallel_loop3A_534] {strides = array<i32>} : memref<32x9x32xbf16, #tpu.memory_space<vmem>>, vector<32xbf16>,
            tpu.vector_store %arg23[%parallel_loop3A_532, %parallel_loop3A_533, %parallel_loop3A_534], %parallel_loop3A_528 {strides = array<i32>} : memref<32x9x32xbf16, #tpu.memory_space<vmem>>, vector<32xbf16>,
            %parallel_loop3A_536 = vector.extract_strided_slice %parallel_loop3A_495 {offsets = [1], sizes = [1], strides = [1]} : vector<16xf32> to vector<1xf32>
            %parallel_loop3A_537 = vector.extract %parallel_loop3A_536[0] : f32 from vector<1xf32>
            %parallel_loop3A_538 = vector.broadcast %parallel_loop3A_537 : f32 to vector<16xf32>
            %parallel_loop3A_539 = arith.mulf %parallel_loop3A_538, %parallel_loop3A_507 : vector<16xf32>
            %parallel_loop3A_540 = vector.extract_strided_slice %parallel_loop3A_495 {offsets = [1], sizes = [1], strides = [1]} : vector<16xf32> to vector<1xf32>
            %parallel_loop3A_541 = vector.extract %parallel_loop3A_540[0] : f32 from vector<1xf32>
            %parallel_loop3A_542 = vector.broadcast %parallel_loop3A_541 : f32 to vector<16xf32>
            %parallel_loop3A_543 = arith.mulf %parallel_loop3A_542, %parallel_loop3A_511 : vector<16xf32>
            %parallel_loop3A_544 = tpu.pack_subelements %parallel_loop3A_539, %parallel_loop3A_543 {pack_format = #tpu.pack_format<interleaved>, positions = array<i32: 0, 1>} : vector<16xf32>, vector<16xf32> -> vector<32xbf16>
            %parallel_loop3A_545 = arith.constant 32 : i32
            %parallel_loop3A_546 = arith.subi %parallel_loop3A_486, %parallel_loop3A_545 : i32
            %parallel_loop3A_547 = arith.constant 1 : i32
            %parallel_loop3A_548 = arith.index_cast %parallel_loop3A_546 : i32 to index
            %parallel_loop3A_549 = arith.index_cast %parallel_loop3A_547 : i32 to index
            %parallel_loop3A_550 = arith.constant 0 : index
            %parallel_loop3A_551 = tpu.vector_load %arg23[%parallel_loop3A_548, %parallel_loop3A_549, %parallel_loop3A_550] {strides = array<i32>} : memref<32x9x32xbf16, #tpu.memory_space<vmem>>, vector<32xbf16>,
            tpu.vector_store %arg23[%parallel_loop3A_548, %parallel_loop3A_549, %parallel_loop3A_550], %parallel_loop3A_544 {strides = array<i32>} : memref<32x9x32xbf16, #tpu.memory_space<vmem>>, vector<32xbf16>,
            %parallel_loop3A_552 = vector.extract_strided_slice %parallel_loop3A_495 {offsets = [2], sizes = [1], strides = [1]} : vector<16xf32> to vector<1xf32>
            %parallel_loop3A_553 = vector.extract %parallel_loop3A_552[0] : f32 from vector<1xf32>
            %parallel_loop3A_554 = vector.broadcast %parallel_loop3A_553 : f32 to vector<16xf32>
            %parallel_loop3A_555 = arith.mulf %parallel_loop3A_554, %parallel_loop3A_507 : vector<16xf32>
            %parallel_loop3A_556 = vector.extract_strided_slice %parallel_loop3A_495 {offsets = [2], sizes = [1], strides = [1]} : vector<16xf32> to vector<1xf32>
            %parallel_loop3A_557 = vector.extract %parallel_loop3A_556[0] : f32 from vector<1xf32>
            %parallel_loop3A_558 = vector.broadcast %parallel_loop3A_557 : f32 to vector<16xf32>
            %parallel_loop3A_559 = arith.mulf %parallel_loop3A_558, %parallel_loop3A_511 : vector<16xf32>
            %parallel_loop3A_560 = tpu.pack_subelements %parallel_loop3A_555, %parallel_loop3A_559 {pack_format = #tpu.pack_format<interleaved>, positions = array<i32: 0, 1>} : vector<16xf32>, vector<16xf32> -> vector<32xbf16>
            %parallel_loop3A_561 = arith.constant 32 : i32
            %parallel_loop3A_562 = arith.subi %parallel_loop3A_486, %parallel_loop3A_561 : i32
            %parallel_loop3A_563 = arith.constant 2 : i32
            %parallel_loop3A_564 = arith.index_cast %parallel_loop3A_562 : i32 to index
            %parallel_loop3A_565 = arith.index_cast %parallel_loop3A_563 : i32 to index
            %parallel_loop3A_566 = arith.constant 0 : index
            %parallel_loop3A_567 = tpu.vector_load %arg23[%parallel_loop3A_564, %parallel_loop3A_565, %parallel_loop3A_566] {strides = array<i32>} : memref<32x9x32xbf16, #tpu.memory_space<vmem>>, vector<32xbf16>,
            tpu.vector_store %arg23[%parallel_loop3A_564, %parallel_loop3A_565, %parallel_loop3A_566], %parallel_loop3A_560 {strides = array<i32>} : memref<32x9x32xbf16, #tpu.memory_space<vmem>>, vector<32xbf16>,
            %parallel_loop3A_568 = vector.extract_strided_slice %parallel_loop3A_495 {offsets = [3], sizes = [1], strides = [1]} : vector<16xf32> to vector<1xf32>
            %parallel_loop3A_569 = vector.extract %parallel_loop3A_568[0] : f32 from vector<1xf32>
            %parallel_loop3A_570 = vector.broadcast %parallel_loop3A_569 : f32 to vector<16xf32>
            %parallel_loop3A_571 = arith.mulf %parallel_loop3A_570, %parallel_loop3A_507 : vector<16xf32>
            %parallel_loop3A_572 = vector.extract_strided_slice %parallel_loop3A_495 {offsets = [3], sizes = [1], strides = [1]} : vector<16xf32> to vector<1xf32>
            %parallel_loop3A_573 = vector.extract %parallel_loop3A_572[0] : f32 from vector<1xf32>
            %parallel_loop3A_574 = vector.broadcast %parallel_loop3A_573 : f32 to vector<16xf32>
            %parallel_loop3A_575 = arith.mulf %parallel_loop3A_574, %parallel_loop3A_511 : vector<16xf32>
            %parallel_loop3A_576 = tpu.pack_subelements %parallel_loop3A_571, %parallel_loop3A_575 {pack_format = #tpu.pack_format<interleaved>, positions = array<i32: 0, 1>} : vector<16xf32>, vector<16xf32> -> vector<32xbf16>
            %parallel_loop3A_577 = arith.constant 32 : i32
            %parallel_loop3A_578 = arith.subi %parallel_loop3A_486, %parallel_loop3A_577 : i32
            %parallel_loop3A_579 = arith.constant 3 : i32
            %parallel_loop3A_580 = arith.index_cast %parallel_loop3A_578 : i32 to index
            %parallel_loop3A_581 = arith.index_cast %parallel_loop3A_579 : i32 to index
            %parallel_loop3A_582 = arith.constant 0 : index
            %parallel_loop3A_583 = tpu.vector_load %arg23[%parallel_loop3A_580, %parallel_loop3A_581, %parallel_loop3A_582] {strides = array<i32>} : memref<32x9x32xbf16, #tpu.memory_space<vmem>>, vector<32xbf16>,
            tpu.vector_store %arg23[%parallel_loop3A_580, %parallel_loop3A_581, %parallel_loop3A_582], %parallel_loop3A_576 {strides = array<i32>} : memref<32x9x32xbf16, #tpu.memory_space<vmem>>, vector<32xbf16>,
            %parallel_loop3A_584 = vector.extract_strided_slice %parallel_loop3A_495 {offsets = [4], sizes = [1], strides = [1]} : vector<16xf32> to vector<1xf32>
            %parallel_loop3A_585 = vector.extract %parallel_loop3A_584[0] : f32 from vector<1xf32>
            %parallel_loop3A_586 = vector.broadcast %parallel_loop3A_585 : f32 to vector<16xf32>
            %parallel_loop3A_587 = arith.mulf %parallel_loop3A_586, %parallel_loop3A_515 : vector<16xf32>
            %parallel_loop3A_588 = vector.extract_strided_slice %parallel_loop3A_495 {offsets = [4], sizes = [1], strides = [1]} : vector<16xf32> to vector<1xf32>
            %parallel_loop3A_589 = vector.extract %parallel_loop3A_588[0] : f32 from vector<1xf32>
            %parallel_loop3A_590 = vector.broadcast %parallel_loop3A_589 : f32 to vector<16xf32>
            %parallel_loop3A_591 = arith.mulf %parallel_loop3A_590, %parallel_loop3A_519 : vector<16xf32>
            %parallel_loop3A_592 = tpu.pack_subelements %parallel_loop3A_587, %parallel_loop3A_591 {pack_format = #tpu.pack_format<interleaved>, positions = array<i32: 0, 1>} : vector<16xf32>, vector<16xf32> -> vector<32xbf16>
            %parallel_loop3A_593 = arith.constant 32 : i32
            %parallel_loop3A_594 = arith.subi %parallel_loop3A_486, %parallel_loop3A_593 : i32
            %parallel_loop3A_595 = arith.constant 4 : i32
            %parallel_loop3A_596 = arith.index_cast %parallel_loop3A_594 : i32 to index
            %parallel_loop3A_597 = arith.index_cast %parallel_loop3A_595 : i32 to index
            %parallel_loop3A_598 = arith.constant 0 : index
            %parallel_loop3A_599 = tpu.vector_load %arg23[%parallel_loop3A_596, %parallel_loop3A_597, %parallel_loop3A_598] {strides = array<i32>} : memref<32x9x32xbf16, #tpu.memory_space<vmem>>, vector<32xbf16>,
            tpu.vector_store %arg23[%parallel_loop3A_596, %parallel_loop3A_597, %parallel_loop3A_598], %parallel_loop3A_592 {strides = array<i32>} : memref<32x9x32xbf16, #tpu.memory_space<vmem>>, vector<32xbf16>,
            %parallel_loop3A_600 = vector.extract_strided_slice %parallel_loop3A_495 {offsets = [5], sizes = [1], strides = [1]} : vector<16xf32> to vector<1xf32>
            %parallel_loop3A_601 = vector.extract %parallel_loop3A_600[0] : f32 from vector<1xf32>
            %parallel_loop3A_602 = vector.broadcast %parallel_loop3A_601 : f32 to vector<16xf32>
            %parallel_loop3A_603 = arith.mulf %parallel_loop3A_602, %parallel_loop3A_515 : vector<16xf32>
            %parallel_loop3A_604 = vector.extract_strided_slice %parallel_loop3A_495 {offsets = [5], sizes = [1], strides = [1]} : vector<16xf32> to vector<1xf32>
            %parallel_loop3A_605 = vector.extract %parallel_loop3A_604[0] : f32 from vector<1xf32>
            %parallel_loop3A_606 = vector.broadcast %parallel_loop3A_605 : f32 to vector<16xf32>
            %parallel_loop3A_607 = arith.mulf %parallel_loop3A_606, %parallel_loop3A_519 : vector<16xf32>
            %parallel_loop3A_608 = tpu.pack_subelements %parallel_loop3A_603, %parallel_loop3A_607 {pack_format = #tpu.pack_format<interleaved>, positions = array<i32: 0, 1>} : vector<16xf32>, vector<16xf32> -> vector<32xbf16>
            %parallel_loop3A_609 = arith.constant 32 : i32
            %parallel_loop3A_610 = arith.subi %parallel_loop3A_486, %parallel_loop3A_609 : i32
            %parallel_loop3A_611 = arith.constant 5 : i32
            %parallel_loop3A_612 = arith.index_cast %parallel_loop3A_610 : i32 to index
            %parallel_loop3A_613 = arith.index_cast %parallel_loop3A_611 : i32 to index
            %parallel_loop3A_614 = arith.constant 0 : index
            %parallel_loop3A_615 = tpu.vector_load %arg23[%parallel_loop3A_612, %parallel_loop3A_613, %parallel_loop3A_614] {strides = array<i32>} : memref<32x9x32xbf16, #tpu.memory_space<vmem>>, vector<32xbf16>,
            tpu.vector_store %arg23[%parallel_loop3A_612, %parallel_loop3A_613, %parallel_loop3A_614], %parallel_loop3A_608 {strides = array<i32>} : memref<32x9x32xbf16, #tpu.memory_space<vmem>>, vector<32xbf16>,
            %parallel_loop3A_616 = vector.extract_strided_slice %parallel_loop3A_495 {offsets = [6], sizes = [1], strides = [1]} : vector<16xf32> to vector<1xf32>
            %parallel_loop3A_617 = vector.extract %parallel_loop3A_616[0] : f32 from vector<1xf32>
            %parallel_loop3A_618 = vector.broadcast %parallel_loop3A_617 : f32 to vector<16xf32>
            %parallel_loop3A_619 = arith.mulf %parallel_loop3A_618, %parallel_loop3A_515 : vector<16xf32>
            %parallel_loop3A_620 = vector.extract_strided_slice %parallel_loop3A_495 {offsets = [6], sizes = [1], strides = [1]} : vector<16xf32> to vector<1xf32>
            %parallel_loop3A_621 = vector.extract %parallel_loop3A_620[0] : f32 from vector<1xf32>
            %parallel_loop3A_622 = vector.broadcast %parallel_loop3A_621 : f32 to vector<16xf32>
            %parallel_loop3A_623 = arith.mulf %parallel_loop3A_622, %parallel_loop3A_519 : vector<16xf32>
            %parallel_loop3A_624 = tpu.pack_subelements %parallel_loop3A_619, %parallel_loop3A_623 {pack_format = #tpu.pack_format<interleaved>, positions = array<i32: 0, 1>} : vector<16xf32>, vector<16xf32> -> vector<32xbf16>
            %parallel_loop3A_625 = arith.constant 32 : i32
            %parallel_loop3A_626 = arith.subi %parallel_loop3A_486, %parallel_loop3A_625 : i32
            %parallel_loop3A_627 = arith.constant 6 : i32
            %parallel_loop3A_628 = arith.index_cast %parallel_loop3A_626 : i32 to index
            %parallel_loop3A_629 = arith.index_cast %parallel_loop3A_627 : i32 to index
            %parallel_loop3A_630 = arith.constant 0 : index
            %parallel_loop3A_631 = tpu.vector_load %arg23[%parallel_loop3A_628, %parallel_loop3A_629, %parallel_loop3A_630] {strides = array<i32>} : memref<32x9x32xbf16, #tpu.memory_space<vmem>>, vector<32xbf16>,
            tpu.vector_store %arg23[%parallel_loop3A_628, %parallel_loop3A_629, %parallel_loop3A_630], %parallel_loop3A_624 {strides = array<i32>} : memref<32x9x32xbf16, #tpu.memory_space<vmem>>, vector<32xbf16>,
            %parallel_loop3A_632 = vector.extract_strided_slice %parallel_loop3A_495 {offsets = [7], sizes = [1], strides = [1]} : vector<16xf32> to vector<1xf32>
            %parallel_loop3A_633 = vector.extract %parallel_loop3A_632[0] : f32 from vector<1xf32>
            %parallel_loop3A_634 = vector.broadcast %parallel_loop3A_633 : f32 to vector<16xf32>
            %parallel_loop3A_635 = arith.mulf %parallel_loop3A_634, %parallel_loop3A_515 : vector<16xf32>
            %parallel_loop3A_636 = vector.extract_strided_slice %parallel_loop3A_495 {offsets = [7], sizes = [1], strides = [1]} : vector<16xf32> to vector<1xf32>
            %parallel_loop3A_637 = vector.extract %parallel_loop3A_636[0] : f32 from vector<1xf32>
            %parallel_loop3A_638 = vector.broadcast %parallel_loop3A_637 : f32 to vector<16xf32>
            %parallel_loop3A_639 = arith.mulf %parallel_loop3A_638, %parallel_loop3A_519 : vector<16xf32>
            %parallel_loop3A_640 = tpu.pack_subelements %parallel_loop3A_635, %parallel_loop3A_639 {pack_format = #tpu.pack_format<interleaved>, positions = array<i32: 0, 1>} : vector<16xf32>, vector<16xf32> -> vector<32xbf16>
            %parallel_loop3A_641 = arith.constant 32 : i32
            %parallel_loop3A_642 = arith.subi %parallel_loop3A_486, %parallel_loop3A_641 : i32
            %parallel_loop3A_643 = arith.constant 7 : i32
            %parallel_loop3A_644 = arith.index_cast %parallel_loop3A_642 : i32 to index
            %parallel_loop3A_645 = arith.index_cast %parallel_loop3A_643 : i32 to index
            %parallel_loop3A_646 = arith.constant 0 : index
            %parallel_loop3A_647 = tpu.vector_load %arg23[%parallel_loop3A_644, %parallel_loop3A_645, %parallel_loop3A_646] {strides = array<i32>} : memref<32x9x32xbf16, #tpu.memory_space<vmem>>, vector<32xbf16>,
            tpu.vector_store %arg23[%parallel_loop3A_644, %parallel_loop3A_645, %parallel_loop3A_646], %parallel_loop3A_640 {strides = array<i32>} : memref<32x9x32xbf16, #tpu.memory_space<vmem>>, vector<32xbf16>,
            %parallel_loop3A_648 = vector.extract_strided_slice %parallel_loop3A_495 {offsets = [8], sizes = [1], strides = [1]} : vector<16xf32> to vector<1xf32>
            %parallel_loop3A_649 = vector.extract %parallel_loop3A_648[0] : f32 from vector<1xf32>
            %parallel_loop3A_650 = vector.broadcast %parallel_loop3A_649 : f32 to vector<16xf32>
            %parallel_loop3A_651 = arith.mulf %parallel_loop3A_650, %parallel_loop3A_515 : vector<16xf32>
            %parallel_loop3A_652 = vector.extract_strided_slice %parallel_loop3A_495 {offsets = [8], sizes = [1], strides = [1]} : vector<16xf32> to vector<1xf32>
            %parallel_loop3A_653 = vector.extract %parallel_loop3A_652[0] : f32 from vector<1xf32>
            %parallel_loop3A_654 = vector.broadcast %parallel_loop3A_653 : f32 to vector<16xf32>
            %parallel_loop3A_655 = arith.mulf %parallel_loop3A_654, %parallel_loop3A_519 : vector<16xf32>
            %parallel_loop3A_656 = tpu.pack_subelements %parallel_loop3A_651, %parallel_loop3A_655 {pack_format = #tpu.pack_format<interleaved>, positions = array<i32: 0, 1>} : vector<16xf32>, vector<16xf32> -> vector<32xbf16>
            %parallel_loop3A_657 = arith.constant 32 : i32
            %parallel_loop3A_658 = arith.subi %parallel_loop3A_486, %parallel_loop3A_657 : i32
            %parallel_loop3A_659 = arith.constant 8 : i32
            %parallel_loop3A_660 = arith.index_cast %parallel_loop3A_658 : i32 to index
            %parallel_loop3A_661 = arith.index_cast %parallel_loop3A_659 : i32 to index
            %parallel_loop3A_662 = arith.constant 0 : index
            %parallel_loop3A_663 = tpu.vector_load %arg23[%parallel_loop3A_660, %parallel_loop3A_661, %parallel_loop3A_662] {strides = array<i32>} : memref<32x9x32xbf16, #tpu.memory_space<vmem>>, vector<32xbf16>,
            tpu.vector_store %arg23[%parallel_loop3A_660, %parallel_loop3A_661, %parallel_loop3A_662], %parallel_loop3A_656 {strides = array<i32>} : memref<32x9x32xbf16, #tpu.memory_space<vmem>>, vector<32xbf16>,
          } {sc.loop_unroll_factor = 2 : i64, sc.parallel_access}
          %dma_start3A = arith.constant 0 : i32
          %dma_start3A_483 = arith.constant 0 : i32
          %dma_start3A_484 = arith.constant 0 : i32
          %dma_start3A_485 = tpu.memref_slice %arg8[%dma_start3A, %dma_start3A_483, %dma_start3A_484] : memref<10000x9x32xbf16, #tpu.memory_space<vmem_shared>> -> memref<10000x9x32xbf16, #tpu.memory_space<vmem_shared>>
          tpu.enqueue_indirect_dma source(%arg23 : memref<32x9x32xbf16, #tpu.memory_space<vmem>>) target(%dma_start3A_485 : memref<10000x9x32xbf16, #tpu.memory_space<vmem_shared>>) offsets(%arg21 : memref<32xi32, #tpu.memory_space<vmem>>) semaphore(%arg29 : memref<!tpu.dma_semaphore, #tpu.memory_space<semaphore_mem>>) {add = true}
        } else {
        }
        %add3A_465 = arith.constant 2 : i32
        %add3A_466 = arith.addi %add3A_394, %add3A_465 : i32
        %mul3A_467 = arith.constant 16 : i32
        %mul3A_468 = arith.muli %mul3A_467, %add3A_466 : i32
        %add3A_469 = arith.addi %arg1, %mul3A_468 : i32
        %lt3A_470 = arith.constant 1250 : i32
        %lt3A_471 = arith.cmpi slt, %add3A_469, %lt3A_470 : i32
        %convert_element_type3A_472 = arith.extui %lt3A_471 : i1 to i32
        %cond3A_473 = arith.constant 0 : i32
        %cond3A_474 = arith.cmpi ne, %convert_element_type3A_472, %cond3A_473 : i32
        scf.if %cond3A_474 {
          %mul3A_475 = arith.constant 1250 : i32
          %mul3A_476 = arith.muli %arg0, %mul3A_475 : i32
          %add3A_477 = arith.addi %mul3A_476, %arg1 : i32
          %mul3A_478 = arith.constant 16 : i32
          %mul3A_479 = arith.muli %mul3A_478, %add3A_466 : i32
          %add3A_480 = arith.addi %add3A_477, %mul3A_479 : i32
          %mul3A_481 = arith.constant 64 : i32
          %mul3A_482 = arith.muli %add3A_480, %mul3A_481 : i32
          %mul3A_483 = arith.constant 1250 : i32
          %mul3A_484 = arith.muli %arg0, %mul3A_483 : i32
          %add3A_485 = arith.addi %mul3A_484, %arg1 : i32
          %mul3A_486 = arith.constant 16 : i32
          %mul3A_487 = arith.muli %mul3A_486, %add3A_466 : i32
          %add3A_488 = arith.addi %add3A_485, %mul3A_487 : i32
          %mul3A_489 = arith.constant 9 : i32
          %mul3A_490 = arith.muli %mul3A_482, %mul3A_489 : i32
          %dma_start3A = arith.constant 0 : i32
          %dma_start3A_491 = tpu.memref_slice %arg5[%add3A_488, %dma_start3A] : memref<2500x128xi32, #tpu.memory_space<hbm>> -> memref<1x128xi32, #tpu.memory_space<hbm>>
          %dma_start3A_492 = tpu.memref_squeeze %dma_start3A_491 : memref<1x128xi32, #tpu.memory_space<hbm>> -> memref<128xi32, #tpu.memory_space<hbm>>
          %dma_start3A_493 = arith.constant 0 : i32
          %dma_start3A_494 = tpu.memref_slice %arg5[%add3A_488, %dma_start3A_493] : memref<2500x128xi32, #tpu.memory_space<hbm>> -> memref<1x128xi32, #tpu.memory_space<hbm>>
          %dma_start3A_495 = tpu.memref_squeeze %dma_start3A_494 : memref<1x128xi32, #tpu.memory_space<hbm>> -> memref<128xi32, #tpu.memory_space<hbm>>
          tpu.enqueue_dma source(%dma_start3A_495 : memref<128xi32, #tpu.memory_space<hbm>>) target(%arg11 : memref<128xi32, #tpu.memory_space<vmem>>) target_semaphore(%arg25 : memref<!tpu.dma_semaphore, #tpu.memory_space<semaphore_mem>>)
          %dma_start3A_496 = arith.constant 0 : i32
          %dma_start3A_497 = tpu.memref_slice %arg13[%dma_start3A_496] : memref<592xf32, #tpu.memory_space<vmem>> -> memref<576xf32, #tpu.memory_space<vmem>>
          %dma_start3A_498 = tpu.memref_slice %arg4[%mul3A_490] : memref<1440000xf32, #tpu.memory_space<hbm>> -> memref<576xf32, #tpu.memory_space<hbm>>
          %dma_start3A_499 = arith.constant 0 : i32
          %dma_start3A_500 = tpu.memref_slice %arg13[%dma_start3A_499] : memref<592xf32, #tpu.memory_space<vmem>> -> memref<576xf32, #tpu.memory_space<vmem>>
          %dma_start3A_501 = tpu.memref_slice %arg4[%mul3A_490] : memref<1440000xf32, #tpu.memory_space<hbm>> -> memref<576xf32, #tpu.memory_space<hbm>>
          tpu.enqueue_dma source(%dma_start3A_501 : memref<576xf32, #tpu.memory_space<hbm>>) target(%dma_start3A_500 : memref<576xf32, #tpu.memory_space<vmem>>) target_semaphore(%arg25 : memref<!tpu.dma_semaphore, #tpu.memory_space<semaphore_mem>>)
          %dma_start3A_502 = arith.constant 0 : i32
          %dma_start3A_503 = tpu.memref_slice %arg3[%mul3A_482, %dma_start3A_502] : memref<160000x384xf32, #tpu.memory_space<hbm>> -> memref<64x96xf32, #tpu.memory_space<hbm>>
          %dma_start3A_504 = arith.constant 0 : i32
          %dma_start3A_505 = tpu.memref_slice %arg3[%mul3A_482, %dma_start3A_504] : memref<160000x384xf32, #tpu.memory_space<hbm>> -> memref<64x96xf32, #tpu.memory_space<hbm>>
          tpu.enqueue_dma source(%dma_start3A_505 : memref<64x96xf32, #tpu.memory_space<hbm>>) target(%arg15 : memref<64x96xf32, #tpu.memory_space<vmem>>) target_semaphore(%arg25 : memref<!tpu.dma_semaphore, #tpu.memory_space<semaphore_mem>>)
        } else {
        }
      }
      %scan3A_81 = arith.constant 20 : i32
      %add3A_82 = arith.constant 1264 : i32
      %add3A_83 = arith.addi %arg1, %add3A_82 : i32
      %lt3A_84 = arith.constant 1250 : i32
      %lt3A_85 = arith.cmpi slt, %add3A_83, %lt3A_84 : i32
      %and3A = arith.constant true
      %and3A_86 = arith.andi %lt3A_85, %and3A : i1
      %convert_element_type3A_87 = arith.extui %and3A_86 : i1 to i32
      %cond3A_88 = arith.constant 0 : i32
      %cond3A_89 = arith.cmpi ne, %convert_element_type3A_87, %cond3A_88 : i32
      scf.if %cond3A_89 {
        %dma_wait3A = arith.constant 0 : i32
        %dma_wait3A_135 = arith.constant 0 : i32
        %dma_wait3A_136 = arith.constant 0 : i32
        %dma_wait3A_137 = tpu.memref_slice %arg8[%dma_wait3A, %dma_wait3A_135, %dma_wait3A_136] : memref<10000x9x32xbf16, #tpu.memory_space<vmem_shared>> -> memref<10000x9x32xbf16, #tpu.memory_space<vmem_shared>>
        tpu.wait_indirect_dma semaphore(%arg28 : memref<!tpu.dma_semaphore, #tpu.memory_space<semaphore_mem>>) src(%arg22 : memref<32x9x32xbf16, #tpu.memory_space<vmem>>) dst(%dma_wait3A_137 : memref<10000x9x32xbf16, #tpu.memory_space<vmem_shared>>)
      } else {
      }
      %add3A_90 = arith.constant 1264 : i32
      %add3A_91 = arith.addi %arg1, %add3A_90 : i32
      %lt3A_92 = arith.constant 1250 : i32
      %lt3A_93 = arith.cmpi slt, %add3A_91, %lt3A_92 : i32
      %and3A_94 = arith.constant true
      %and3A_95 = arith.andi %lt3A_93, %and3A_94 : i1
      %convert_element_type3A_96 = arith.extui %and3A_95 : i1 to i32
      %cond3A_97 = arith.constant 0 : i32
      %cond3A_98 = arith.cmpi ne, %convert_element_type3A_96, %cond3A_97 : i32
      scf.if %cond3A_98 {
        %dma_wait3A = arith.constant 0 : i32
        %dma_wait3A_135 = arith.constant 0 : i32
        %dma_wait3A_136 = arith.constant 0 : i32
        %dma_wait3A_137 = tpu.memref_slice %arg8[%dma_wait3A, %dma_wait3A_135, %dma_wait3A_136] : memref<10000x9x32xbf16, #tpu.memory_space<vmem_shared>> -> memref<10000x9x32xbf16, #tpu.memory_space<vmem_shared>>
        tpu.wait_indirect_dma semaphore(%arg29 : memref<!tpu.dma_semaphore, #tpu.memory_space<semaphore_mem>>) src(%arg23 : memref<32x9x32xbf16, #tpu.memory_space<vmem>>) dst(%dma_wait3A_137 : memref<10000x9x32xbf16, #tpu.memory_space<vmem_shared>>)
      } else {
      }
      %barrier3A_99 = arith.constant 0 : index
      tpu.barrier barrier_id(%barrier3A_99)
      %mul3A_100 = arith.constant 32 : i32
      %mul3A_101 = arith.muli %add3A_8, %mul3A_100 : i32
      %run_scoped3A = arith.constant 0 : i32
      %run_scoped3A_102 = arith.constant 0 : i32
      "tpu.region"() ({
        %run_scoped3A_135 = tpu.sem_alloc : memref<!tpu.dma_semaphore, #tpu.memory_space<semaphore_mem>>
        %dma_start3A = tpu.memref_slice %arg7[%arg0, %run_scoped3A_102, %mul3A_0, %mul3A_101] : memref<2x9x10000x128xbf16, #tpu.memory_space<hbm>> -> memref<1x1x625x32xbf16, #tpu.memory_space<hbm>>
        %dma_start3A_136 = tpu.memref_squeeze %dma_start3A : memref<1x1x625x32xbf16, #tpu.memory_space<hbm>> -> memref<625x32xbf16, #tpu.memory_space<hbm>>
        %dma_start3A_137 = arith.constant 0 : i32
        %dma_start3A_138 = tpu.memref_slice %arg8[%mul3A_0, %run_scoped3A, %dma_start3A_137] : memref<10000x9x32xbf16, #tpu.memory_space<vmem_shared>> -> memref<625x1x32xbf16, #tpu.memory_space<vmem_shared>>
        %dma_start3A_139 = tpu.memref_squeeze %dma_start3A_138 : memref<625x1x32xbf16, #tpu.memory_space<vmem_shared>> -> memref<625x32xbf16, #tpu.memory_space<vmem_shared>>
        tpu.enqueue_dma source(%dma_start3A_139 : memref<625x32xbf16, #tpu.memory_space<vmem_shared>>) target(%dma_start3A_136 : memref<625x32xbf16, #tpu.memory_space<hbm>>) target_semaphore(%run_scoped3A_135 : memref<!tpu.dma_semaphore, #tpu.memory_space<semaphore_mem>>)
        %dma_wait3A = tpu.memref_slice %arg7[%arg0, %run_scoped3A_102, %mul3A_0, %mul3A_101] : memref<2x9x10000x128xbf16, #tpu.memory_space<hbm>> -> memref<1x1x625x32xbf16, #tpu.memory_space<hbm>>
        %dma_wait3A_140 = tpu.memref_squeeze %dma_wait3A : memref<1x1x625x32xbf16, #tpu.memory_space<hbm>> -> memref<625x32xbf16, #tpu.memory_space<hbm>>
        %dma_wait3A_141 = arith.constant 0 : i32
        %dma_wait3A_142 = tpu.memref_slice %arg8[%mul3A_0, %run_scoped3A, %dma_wait3A_141] : memref<10000x9x32xbf16, #tpu.memory_space<vmem_shared>> -> memref<625x1x32xbf16, #tpu.memory_space<vmem_shared>>
        %dma_wait3A_143 = tpu.memref_squeeze %dma_wait3A_142 : memref<625x1x32xbf16, #tpu.memory_space<vmem_shared>> -> memref<625x32xbf16, #tpu.memory_space<vmem_shared>>
        tpu.wait_dma2 semaphore(%run_scoped3A_135 : memref<!tpu.dma_semaphore, #tpu.memory_space<semaphore_mem>>) src(%dma_wait3A_143 : memref<625x32xbf16, #tpu.memory_space<vmem_shared>>) dst(%dma_wait3A_140 : memref<625x32xbf16, #tpu.memory_space<hbm>>)
        tpu.yield
      }) : () -> ()
      %mul3A_103 = arith.constant 32 : i32
      %mul3A_104 = arith.muli %add3A_8, %mul3A_103 : i32
      %run_scoped3A_105 = arith.constant 1 : i32
      %run_scoped3A_106 = arith.constant 1 : i32
      "tpu.region"() ({
        %run_scoped3A_135 = tpu.sem_alloc : memref<!tpu.dma_semaphore, #tpu.memory_space<semaphore_mem>>
        %dma_start3A = tpu.memref_slice %arg7[%arg0, %run_scoped3A_106, %mul3A_0, %mul3A_104] : memref<2x9x10000x128xbf16, #tpu.memory_space<hbm>> -> memref<1x1x625x32xbf16, #tpu.memory_space<hbm>>
        %dma_start3A_136 = tpu.memref_squeeze %dma_start3A : memref<1x1x625x32xbf16, #tpu.memory_space<hbm>> -> memref<625x32xbf16, #tpu.memory_space<hbm>>
        %dma_start3A_137 = arith.constant 0 : i32
        %dma_start3A_138 = tpu.memref_slice %arg8[%mul3A_0, %run_scoped3A_105, %dma_start3A_137] : memref<10000x9x32xbf16, #tpu.memory_space<vmem_shared>> -> memref<625x1x32xbf16, #tpu.memory_space<vmem_shared>>
        %dma_start3A_139 = tpu.memref_squeeze %dma_start3A_138 : memref<625x1x32xbf16, #tpu.memory_space<vmem_shared>> -> memref<625x32xbf16, #tpu.memory_space<vmem_shared>>
        tpu.enqueue_dma source(%dma_start3A_139 : memref<625x32xbf16, #tpu.memory_space<vmem_shared>>) target(%dma_start3A_136 : memref<625x32xbf16, #tpu.memory_space<hbm>>) target_semaphore(%run_scoped3A_135 : memref<!tpu.dma_semaphore, #tpu.memory_space<semaphore_mem>>)
        %dma_wait3A = tpu.memref_slice %arg7[%arg0, %run_scoped3A_106, %mul3A_0, %mul3A_104] : memref<2x9x10000x128xbf16, #tpu.memory_space<hbm>> -> memref<1x1x625x32xbf16, #tpu.memory_space<hbm>>
        %dma_wait3A_140 = tpu.memref_squeeze %dma_wait3A : memref<1x1x625x32xbf16, #tpu.memory_space<hbm>> -> memref<625x32xbf16, #tpu.memory_space<hbm>>
        %dma_wait3A_141 = arith.constant 0 : i32
        %dma_wait3A_142 = tpu.memref_slice %arg8[%mul3A_0, %run_scoped3A_105, %dma_wait3A_141] : memref<10000x9x32xbf16, #tpu.memory_space<vmem_shared>> -> memref<625x1x32xbf16, #tpu.memory_space<vmem_shared>>
        %dma_wait3A_143 = tpu.memref_squeeze %dma_wait3A_142 : memref<625x1x32xbf16, #tpu.memory_space<vmem_shared>> -> memref<625x32xbf16, #tpu.memory_space<vmem_shared>>
        tpu.wait_dma2 semaphore(%run_scoped3A_135 : memref<!tpu.dma_semaphore, #tpu.memory_space<semaphore_mem>>) src(%dma_wait3A_143 : memref<625x32xbf16, #tpu.memory_space<vmem_shared>>) dst(%dma_wait3A_140 : memref<625x32xbf16, #tpu.memory_space<hbm>>)
        tpu.yield
      }) : () -> ()
      %mul3A_107 = arith.constant 32 : i32
      %mul3A_108 = arith.muli %add3A_8, %mul3A_107 : i32
      %run_scoped3A_109 = arith.constant 2 : i32
      %run_scoped3A_110 = arith.constant 2 : i32
      "tpu.region"() ({
        %run_scoped3A_135 = tpu.sem_alloc : memref<!tpu.dma_semaphore, #tpu.memory_space<semaphore_mem>>
        %dma_start3A = tpu.memref_slice %arg7[%arg0, %run_scoped3A_110, %mul3A_0, %mul3A_108] : memref<2x9x10000x128xbf16, #tpu.memory_space<hbm>> -> memref<1x1x625x32xbf16, #tpu.memory_space<hbm>>
        %dma_start3A_136 = tpu.memref_squeeze %dma_start3A : memref<1x1x625x32xbf16, #tpu.memory_space<hbm>> -> memref<625x32xbf16, #tpu.memory_space<hbm>>
        %dma_start3A_137 = arith.constant 0 : i32
        %dma_start3A_138 = tpu.memref_slice %arg8[%mul3A_0, %run_scoped3A_109, %dma_start3A_137] : memref<10000x9x32xbf16, #tpu.memory_space<vmem_shared>> -> memref<625x1x32xbf16, #tpu.memory_space<vmem_shared>>
        %dma_start3A_139 = tpu.memref_squeeze %dma_start3A_138 : memref<625x1x32xbf16, #tpu.memory_space<vmem_shared>> -> memref<625x32xbf16, #tpu.memory_space<vmem_shared>>
        tpu.enqueue_dma source(%dma_start3A_139 : memref<625x32xbf16, #tpu.memory_space<vmem_shared>>) target(%dma_start3A_136 : memref<625x32xbf16, #tpu.memory_space<hbm>>) target_semaphore(%run_scoped3A_135 : memref<!tpu.dma_semaphore, #tpu.memory_space<semaphore_mem>>)
        %dma_wait3A = tpu.memref_slice %arg7[%arg0, %run_scoped3A_110, %mul3A_0, %mul3A_108] : memref<2x9x10000x128xbf16, #tpu.memory_space<hbm>> -> memref<1x1x625x32xbf16, #tpu.memory_space<hbm>>
        %dma_wait3A_140 = tpu.memref_squeeze %dma_wait3A : memref<1x1x625x32xbf16, #tpu.memory_space<hbm>> -> memref<625x32xbf16, #tpu.memory_space<hbm>>
        %dma_wait3A_141 = arith.constant 0 : i32
        %dma_wait3A_142 = tpu.memref_slice %arg8[%mul3A_0, %run_scoped3A_109, %dma_wait3A_141] : memref<10000x9x32xbf16, #tpu.memory_space<vmem_shared>> -> memref<625x1x32xbf16, #tpu.memory_space<vmem_shared>>
        %dma_wait3A_143 = tpu.memref_squeeze %dma_wait3A_142 : memref<625x1x32xbf16, #tpu.memory_space<vmem_shared>> -> memref<625x32xbf16, #tpu.memory_space<vmem_shared>>
        tpu.wait_dma2 semaphore(%run_scoped3A_135 : memref<!tpu.dma_semaphore, #tpu.memory_space<semaphore_mem>>) src(%dma_wait3A_143 : memref<625x32xbf16, #tpu.memory_space<vmem_shared>>) dst(%dma_wait3A_140 : memref<625x32xbf16, #tpu.memory_space<hbm>>)
        tpu.yield
      }) : () -> ()
      %mul3A_111 = arith.constant 32 : i32
      %mul3A_112 = arith.muli %add3A_8, %mul3A_111 : i32
      %run_scoped3A_113 = arith.constant 3 : i32
      %run_scoped3A_114 = arith.constant 3 : i32
      "tpu.region"() ({
        %run_scoped3A_135 = tpu.sem_alloc : memref<!tpu.dma_semaphore, #tpu.memory_space<semaphore_mem>>
        %dma_start3A = tpu.memref_slice %arg7[%arg0, %run_scoped3A_114, %mul3A_0, %mul3A_112] : memref<2x9x10000x128xbf16, #tpu.memory_space<hbm>> -> memref<1x1x625x32xbf16, #tpu.memory_space<hbm>>
        %dma_start3A_136 = tpu.memref_squeeze %dma_start3A : memref<1x1x625x32xbf16, #tpu.memory_space<hbm>> -> memref<625x32xbf16, #tpu.memory_space<hbm>>
        %dma_start3A_137 = arith.constant 0 : i32
        %dma_start3A_138 = tpu.memref_slice %arg8[%mul3A_0, %run_scoped3A_113, %dma_start3A_137] : memref<10000x9x32xbf16, #tpu.memory_space<vmem_shared>> -> memref<625x1x32xbf16, #tpu.memory_space<vmem_shared>>
        %dma_start3A_139 = tpu.memref_squeeze %dma_start3A_138 : memref<625x1x32xbf16, #tpu.memory_space<vmem_shared>> -> memref<625x32xbf16, #tpu.memory_space<vmem_shared>>
        tpu.enqueue_dma source(%dma_start3A_139 : memref<625x32xbf16, #tpu.memory_space<vmem_shared>>) target(%dma_start3A_136 : memref<625x32xbf16, #tpu.memory_space<hbm>>) target_semaphore(%run_scoped3A_135 : memref<!tpu.dma_semaphore, #tpu.memory_space<semaphore_mem>>)
        %dma_wait3A = tpu.memref_slice %arg7[%arg0, %run_scoped3A_114, %mul3A_0, %mul3A_112] : memref<2x9x10000x128xbf16, #tpu.memory_space<hbm>> -> memref<1x1x625x32xbf16, #tpu.memory_space<hbm>>
        %dma_wait3A_140 = tpu.memref_squeeze %dma_wait3A : memref<1x1x625x32xbf16, #tpu.memory_space<hbm>> -> memref<625x32xbf16, #tpu.memory_space<hbm>>
        %dma_wait3A_141 = arith.constant 0 : i32
        %dma_wait3A_142 = tpu.memref_slice %arg8[%mul3A_0, %run_scoped3A_113, %dma_wait3A_141] : memref<10000x9x32xbf16, #tpu.memory_space<vmem_shared>> -> memref<625x1x32xbf16, #tpu.memory_space<vmem_shared>>
        %dma_wait3A_143 = tpu.memref_squeeze %dma_wait3A_142 : memref<625x1x32xbf16, #tpu.memory_space<vmem_shared>> -> memref<625x32xbf16, #tpu.memory_space<vmem_shared>>
        tpu.wait_dma2 semaphore(%run_scoped3A_135 : memref<!tpu.dma_semaphore, #tpu.memory_space<semaphore_mem>>) src(%dma_wait3A_143 : memref<625x32xbf16, #tpu.memory_space<vmem_shared>>) dst(%dma_wait3A_140 : memref<625x32xbf16, #tpu.memory_space<hbm>>)
        tpu.yield
      }) : () -> ()
      %mul3A_115 = arith.constant 32 : i32
      %mul3A_116 = arith.muli %add3A_8, %mul3A_115 : i32
      %run_scoped3A_117 = arith.constant 4 : i32
      %run_scoped3A_118 = arith.constant 4 : i32
      "tpu.region"() ({
        %run_scoped3A_135 = tpu.sem_alloc : memref<!tpu.dma_semaphore, #tpu.memory_space<semaphore_mem>>
        %dma_start3A = tpu.memref_slice %arg7[%arg0, %run_scoped3A_118, %mul3A_0, %mul3A_116] : memref<2x9x10000x128xbf16, #tpu.memory_space<hbm>> -> memref<1x1x625x32xbf16, #tpu.memory_space<hbm>>
        %dma_start3A_136 = tpu.memref_squeeze %dma_start3A : memref<1x1x625x32xbf16, #tpu.memory_space<hbm>> -> memref<625x32xbf16, #tpu.memory_space<hbm>>
        %dma_start3A_137 = arith.constant 0 : i32
        %dma_start3A_138 = tpu.memref_slice %arg8[%mul3A_0, %run_scoped3A_117, %dma_start3A_137] : memref<10000x9x32xbf16, #tpu.memory_space<vmem_shared>> -> memref<625x1x32xbf16, #tpu.memory_space<vmem_shared>>
        %dma_start3A_139 = tpu.memref_squeeze %dma_start3A_138 : memref<625x1x32xbf16, #tpu.memory_space<vmem_shared>> -> memref<625x32xbf16, #tpu.memory_space<vmem_shared>>
        tpu.enqueue_dma source(%dma_start3A_139 : memref<625x32xbf16, #tpu.memory_space<vmem_shared>>) target(%dma_start3A_136 : memref<625x32xbf16, #tpu.memory_space<hbm>>) target_semaphore(%run_scoped3A_135 : memref<!tpu.dma_semaphore, #tpu.memory_space<semaphore_mem>>)
        %dma_wait3A = tpu.memref_slice %arg7[%arg0, %run_scoped3A_118, %mul3A_0, %mul3A_116] : memref<2x9x10000x128xbf16, #tpu.memory_space<hbm>> -> memref<1x1x625x32xbf16, #tpu.memory_space<hbm>>
        %dma_wait3A_140 = tpu.memref_squeeze %dma_wait3A : memref<1x1x625x32xbf16, #tpu.memory_space<hbm>> -> memref<625x32xbf16, #tpu.memory_space<hbm>>
        %dma_wait3A_141 = arith.constant 0 : i32
        %dma_wait3A_142 = tpu.memref_slice %arg8[%mul3A_0, %run_scoped3A_117, %dma_wait3A_141] : memref<10000x9x32xbf16, #tpu.memory_space<vmem_shared>> -> memref<625x1x32xbf16, #tpu.memory_space<vmem_shared>>
        %dma_wait3A_143 = tpu.memref_squeeze %dma_wait3A_142 : memref<625x1x32xbf16, #tpu.memory_space<vmem_shared>> -> memref<625x32xbf16, #tpu.memory_space<vmem_shared>>
        tpu.wait_dma2 semaphore(%run_scoped3A_135 : memref<!tpu.dma_semaphore, #tpu.memory_space<semaphore_mem>>) src(%dma_wait3A_143 : memref<625x32xbf16, #tpu.memory_space<vmem_shared>>) dst(%dma_wait3A_140 : memref<625x32xbf16, #tpu.memory_space<hbm>>)
        tpu.yield
      }) : () -> ()
      %mul3A_119 = arith.constant 32 : i32
      %mul3A_120 = arith.muli %add3A_8, %mul3A_119 : i32
      %run_scoped3A_121 = arith.constant 5 : i32
      %run_scoped3A_122 = arith.constant 5 : i32
      "tpu.region"() ({
        %run_scoped3A_135 = tpu.sem_alloc : memref<!tpu.dma_semaphore, #tpu.memory_space<semaphore_mem>>
        %dma_start3A = tpu.memref_slice %arg7[%arg0, %run_scoped3A_122, %mul3A_0, %mul3A_120] : memref<2x9x10000x128xbf16, #tpu.memory_space<hbm>> -> memref<1x1x625x32xbf16, #tpu.memory_space<hbm>>
        %dma_start3A_136 = tpu.memref_squeeze %dma_start3A : memref<1x1x625x32xbf16, #tpu.memory_space<hbm>> -> memref<625x32xbf16, #tpu.memory_space<hbm>>
        %dma_start3A_137 = arith.constant 0 : i32
        %dma_start3A_138 = tpu.memref_slice %arg8[%mul3A_0, %run_scoped3A_121, %dma_start3A_137] : memref<10000x9x32xbf16, #tpu.memory_space<vmem_shared>> -> memref<625x1x32xbf16, #tpu.memory_space<vmem_shared>>
        %dma_start3A_139 = tpu.memref_squeeze %dma_start3A_138 : memref<625x1x32xbf16, #tpu.memory_space<vmem_shared>> -> memref<625x32xbf16, #tpu.memory_space<vmem_shared>>
        tpu.enqueue_dma source(%dma_start3A_139 : memref<625x32xbf16, #tpu.memory_space<vmem_shared>>) target(%dma_start3A_136 : memref<625x32xbf16, #tpu.memory_space<hbm>>) target_semaphore(%run_scoped3A_135 : memref<!tpu.dma_semaphore, #tpu.memory_space<semaphore_mem>>)
        %dma_wait3A = tpu.memref_slice %arg7[%arg0, %run_scoped3A_122, %mul3A_0, %mul3A_120] : memref<2x9x10000x128xbf16, #tpu.memory_space<hbm>> -> memref<1x1x625x32xbf16, #tpu.memory_space<hbm>>
        %dma_wait3A_140 = tpu.memref_squeeze %dma_wait3A : memref<1x1x625x32xbf16, #tpu.memory_space<hbm>> -> memref<625x32xbf16, #tpu.memory_space<hbm>>
        %dma_wait3A_141 = arith.constant 0 : i32
        %dma_wait3A_142 = tpu.memref_slice %arg8[%mul3A_0, %run_scoped3A_121, %dma_wait3A_141] : memref<10000x9x32xbf16, #tpu.memory_space<vmem_shared>> -> memref<625x1x32xbf16, #tpu.memory_space<vmem_shared>>
        %dma_wait3A_143 = tpu.memref_squeeze %dma_wait3A_142 : memref<625x1x32xbf16, #tpu.memory_space<vmem_shared>> -> memref<625x32xbf16, #tpu.memory_space<vmem_shared>>
        tpu.wait_dma2 semaphore(%run_scoped3A_135 : memref<!tpu.dma_semaphore, #tpu.memory_space<semaphore_mem>>) src(%dma_wait3A_143 : memref<625x32xbf16, #tpu.memory_space<vmem_shared>>) dst(%dma_wait3A_140 : memref<625x32xbf16, #tpu.memory_space<hbm>>)
        tpu.yield
      }) : () -> ()
      %mul3A_123 = arith.constant 32 : i32
      %mul3A_124 = arith.muli %add3A_8, %mul3A_123 : i32
      %run_scoped3A_125 = arith.constant 6 : i32
      %run_scoped3A_126 = arith.constant 6 : i32
      "tpu.region"() ({
        %run_scoped3A_135 = tpu.sem_alloc : memref<!tpu.dma_semaphore, #tpu.memory_space<semaphore_mem>>
        %dma_start3A = tpu.memref_slice %arg7[%arg0, %run_scoped3A_126, %mul3A_0, %mul3A_124] : memref<2x9x10000x128xbf16, #tpu.memory_space<hbm>> -> memref<1x1x625x32xbf16, #tpu.memory_space<hbm>>
        %dma_start3A_136 = tpu.memref_squeeze %dma_start3A : memref<1x1x625x32xbf16, #tpu.memory_space<hbm>> -> memref<625x32xbf16, #tpu.memory_space<hbm>>
        %dma_start3A_137 = arith.constant 0 : i32
        %dma_start3A_138 = tpu.memref_slice %arg8[%mul3A_0, %run_scoped3A_125, %dma_start3A_137] : memref<10000x9x32xbf16, #tpu.memory_space<vmem_shared>> -> memref<625x1x32xbf16, #tpu.memory_space<vmem_shared>>
        %dma_start3A_139 = tpu.memref_squeeze %dma_start3A_138 : memref<625x1x32xbf16, #tpu.memory_space<vmem_shared>> -> memref<625x32xbf16, #tpu.memory_space<vmem_shared>>
        tpu.enqueue_dma source(%dma_start3A_139 : memref<625x32xbf16, #tpu.memory_space<vmem_shared>>) target(%dma_start3A_136 : memref<625x32xbf16, #tpu.memory_space<hbm>>) target_semaphore(%run_scoped3A_135 : memref<!tpu.dma_semaphore, #tpu.memory_space<semaphore_mem>>)
        %dma_wait3A = tpu.memref_slice %arg7[%arg0, %run_scoped3A_126, %mul3A_0, %mul3A_124] : memref<2x9x10000x128xbf16, #tpu.memory_space<hbm>> -> memref<1x1x625x32xbf16, #tpu.memory_space<hbm>>
        %dma_wait3A_140 = tpu.memref_squeeze %dma_wait3A : memref<1x1x625x32xbf16, #tpu.memory_space<hbm>> -> memref<625x32xbf16, #tpu.memory_space<hbm>>
        %dma_wait3A_141 = arith.constant 0 : i32
        %dma_wait3A_142 = tpu.memref_slice %arg8[%mul3A_0, %run_scoped3A_125, %dma_wait3A_141] : memref<10000x9x32xbf16, #tpu.memory_space<vmem_shared>> -> memref<625x1x32xbf16, #tpu.memory_space<vmem_shared>>
        %dma_wait3A_143 = tpu.memref_squeeze %dma_wait3A_142 : memref<625x1x32xbf16, #tpu.memory_space<vmem_shared>> -> memref<625x32xbf16, #tpu.memory_space<vmem_shared>>
        tpu.wait_dma2 semaphore(%run_scoped3A_135 : memref<!tpu.dma_semaphore, #tpu.memory_space<semaphore_mem>>) src(%dma_wait3A_143 : memref<625x32xbf16, #tpu.memory_space<vmem_shared>>) dst(%dma_wait3A_140 : memref<625x32xbf16, #tpu.memory_space<hbm>>)
        tpu.yield
      }) : () -> ()
      %mul3A_127 = arith.constant 32 : i32
      %mul3A_128 = arith.muli %add3A_8, %mul3A_127 : i32
      %run_scoped3A_129 = arith.constant 7 : i32
      %run_scoped3A_130 = arith.constant 7 : i32
      "tpu.region"() ({
        %run_scoped3A_135 = tpu.sem_alloc : memref<!tpu.dma_semaphore, #tpu.memory_space<semaphore_mem>>
        %dma_start3A = tpu.memref_slice %arg7[%arg0, %run_scoped3A_130, %mul3A_0, %mul3A_128] : memref<2x9x10000x128xbf16, #tpu.memory_space<hbm>> -> memref<1x1x625x32xbf16, #tpu.memory_space<hbm>>
        %dma_start3A_136 = tpu.memref_squeeze %dma_start3A : memref<1x1x625x32xbf16, #tpu.memory_space<hbm>> -> memref<625x32xbf16, #tpu.memory_space<hbm>>
        %dma_start3A_137 = arith.constant 0 : i32
        %dma_start3A_138 = tpu.memref_slice %arg8[%mul3A_0, %run_scoped3A_129, %dma_start3A_137] : memref<10000x9x32xbf16, #tpu.memory_space<vmem_shared>> -> memref<625x1x32xbf16, #tpu.memory_space<vmem_shared>>
        %dma_start3A_139 = tpu.memref_squeeze %dma_start3A_138 : memref<625x1x32xbf16, #tpu.memory_space<vmem_shared>> -> memref<625x32xbf16, #tpu.memory_space<vmem_shared>>
        tpu.enqueue_dma source(%dma_start3A_139 : memref<625x32xbf16, #tpu.memory_space<vmem_shared>>) target(%dma_start3A_136 : memref<625x32xbf16, #tpu.memory_space<hbm>>) target_semaphore(%run_scoped3A_135 : memref<!tpu.dma_semaphore, #tpu.memory_space<semaphore_mem>>)
        %dma_wait3A = tpu.memref_slice %arg7[%arg0, %run_scoped3A_130, %mul3A_0, %mul3A_128] : memref<2x9x10000x128xbf16, #tpu.memory_space<hbm>> -> memref<1x1x625x32xbf16, #tpu.memory_space<hbm>>
        %dma_wait3A_140 = tpu.memref_squeeze %dma_wait3A : memref<1x1x625x32xbf16, #tpu.memory_space<hbm>> -> memref<625x32xbf16, #tpu.memory_space<hbm>>
        %dma_wait3A_141 = arith.constant 0 : i32
        %dma_wait3A_142 = tpu.memref_slice %arg8[%mul3A_0, %run_scoped3A_129, %dma_wait3A_141] : memref<10000x9x32xbf16, #tpu.memory_space<vmem_shared>> -> memref<625x1x32xbf16, #tpu.memory_space<vmem_shared>>
        %dma_wait3A_143 = tpu.memref_squeeze %dma_wait3A_142 : memref<625x1x32xbf16, #tpu.memory_space<vmem_shared>> -> memref<625x32xbf16, #tpu.memory_space<vmem_shared>>
        tpu.wait_dma2 semaphore(%run_scoped3A_135 : memref<!tpu.dma_semaphore, #tpu.memory_space<semaphore_mem>>) src(%dma_wait3A_143 : memref<625x32xbf16, #tpu.memory_space<vmem_shared>>) dst(%dma_wait3A_140 : memref<625x32xbf16, #tpu.memory_space<hbm>>)
        tpu.yield
      }) : () -> ()
      %mul3A_131 = arith.constant 32 : i32
      %mul3A_132 = arith.muli %add3A_8, %mul3A_131 : i32
      %run_scoped3A_133 = arith.constant 8 : i32
      %run_scoped3A_134 = arith.constant 8 : i32
      "tpu.region"() ({
        %run_scoped3A_135 = tpu.sem_alloc : memref<!tpu.dma_semaphore, #tpu.memory_space<semaphore_mem>>
        %dma_start3A = tpu.memref_slice %arg7[%arg0, %run_scoped3A_134, %mul3A_0, %mul3A_132] : memref<2x9x10000x128xbf16, #tpu.memory_space<hbm>> -> memref<1x1x625x32xbf16, #tpu.memory_space<hbm>>
        %dma_start3A_136 = tpu.memref_squeeze %dma_start3A : memref<1x1x625x32xbf16, #tpu.memory_space<hbm>> -> memref<625x32xbf16, #tpu.memory_space<hbm>>
        %dma_start3A_137 = arith.constant 0 : i32
        %dma_start3A_138 = tpu.memref_slice %arg8[%mul3A_0, %run_scoped3A_133, %dma_start3A_137] : memref<10000x9x32xbf16, #tpu.memory_space<vmem_shared>> -> memref<625x1x32xbf16, #tpu.memory_space<vmem_shared>>
        %dma_start3A_139 = tpu.memref_squeeze %dma_start3A_138 : memref<625x1x32xbf16, #tpu.memory_space<vmem_shared>> -> memref<625x32xbf16, #tpu.memory_space<vmem_shared>>
        tpu.enqueue_dma source(%dma_start3A_139 : memref<625x32xbf16, #tpu.memory_space<vmem_shared>>) target(%dma_start3A_136 : memref<625x32xbf16, #tpu.memory_space<hbm>>) target_semaphore(%run_scoped3A_135 : memref<!tpu.dma_semaphore, #tpu.memory_space<semaphore_mem>>)
        %dma_wait3A = tpu.memref_slice %arg7[%arg0, %run_scoped3A_134, %mul3A_0, %mul3A_132] : memref<2x9x10000x128xbf16, #tpu.memory_space<hbm>> -> memref<1x1x625x32xbf16, #tpu.memory_space<hbm>>
        %dma_wait3A_140 = tpu.memref_squeeze %dma_wait3A : memref<1x1x625x32xbf16, #tpu.memory_space<hbm>> -> memref<625x32xbf16, #tpu.memory_space<hbm>>
        %dma_wait3A_141 = arith.constant 0 : i32
        %dma_wait3A_142 = tpu.memref_slice %arg8[%mul3A_0, %run_scoped3A_133, %dma_wait3A_141] : memref<10000x9x32xbf16, #tpu.memory_space<vmem_shared>> -> memref<625x1x32xbf16, #tpu.memory_space<vmem_shared>>
        %dma_wait3A_143 = tpu.memref_squeeze %dma_wait3A_142 : memref<625x1x32xbf16, #tpu.memory_space<vmem_shared>> -> memref<625x32xbf16, #tpu.memory_space<vmem_shared>>
        tpu.wait_dma2 semaphore(%run_scoped3A_135 : memref<!tpu.dma_semaphore, #tpu.memory_space<semaphore_mem>>) src(%dma_wait3A_143 : memref<625x32xbf16, #tpu.memory_space<vmem_shared>>) dst(%dma_wait3A_140 : memref<625x32xbf16, #tpu.memory_space<hbm>>)
        tpu.yield
      }) : () -> ()
    }
    %scan3A_4 = arith.constant 4 : i32
    return
  }
}

module attributes {stable_mosaic.version = 14 : i64} {
  func.func @body(%arg0: i32, %arg1: memref<1000x128xf32, #tpu.memory_space<vmem>>, %arg2: memref<1000x10xf32, #tpu.memory_space<vmem>>, %arg3: memref<128x128xf32, #tpu.memory_space<vmem>>, %arg4: memref<128x1280xf32, #tpu.memory_space<vmem>>, %arg5: memref<1000x128xf32, #tpu.memory_space<vmem>>, %arg6: memref<1000x128xf32, #tpu.memory_space<vmem>>) attributes {dimension_semantics = [#tpu.dimension_semantics<arbitrary>], iteration_bounds = array<i64: 10>, scalar_prefetch = 0 : i64, scratch_operands = 0 : i64, tpu.core_type = #tpu.core_type<tc>, window_params = [{transform_indices = @transform_0, window_bounds = array<i64: 1000, 128>}, {transform_indices = @transform_1, window_bounds = array<i64: 1000, 10>}, {pipeline_mode = #tpu.pipeline_mode<synchronous>, transform_indices = @transform_2, window_bounds = array<i64: 128, 128>}, {pipeline_mode = #tpu.pipeline_mode<synchronous>, transform_indices = @transform_3, window_bounds = array<i64: 128, 1280>}, {transform_indices = @transform_4, window_bounds = array<i64: 1000, 128>}, {transform_indices = @transform_5, window_bounds = array<i64: 1000, 128>}]} {
    %get3A = arith.constant 0 : index
    %get3A_0 = arith.constant 0 : index
    %get3A_1 = vector.load %arg1[%get3A, %get3A_0] : memref<1000x128xf32, #tpu.memory_space<vmem>>, vector<1000x128xf32>
    %get3A_2 = arith.constant 0 : index
    %get3A_3 = arith.constant 0 : index
    %get3A_4 = vector.load %arg3[%get3A_2, %get3A_3] : memref<128x128xf32, #tpu.memory_space<vmem>>, vector<128x128xf32>
    %dot_general3A = arith.constant dense<0.000000e+00> : vector<1000x128xf32>
    %dot_general3A_5 = tpu.matmul %get3A_1, %get3A_4, %dot_general3A {dimension_numbers = #tpu.dot_dimension_numbers<[1], [0], [0], [1], [0, 0, 1, 1], [], []>, transpose_lhs_hint = false} : vector<1000x128xf32>, vector<128x128xf32>, vector<1000x128xf32> -> vector<1000x128xf32>
    %swap3A = arith.constant 0 : index
    %swap3A_6 = arith.constant 0 : index
    %swap3A_7 = vector.load %arg5[%swap3A, %swap3A_6] : memref<1000x128xf32, #tpu.memory_space<vmem>>, vector<1000x128xf32>
    tpu.vector_store %arg5[%swap3A, %swap3A_6], %dot_general3A_5 {strides = array<i32>} : memref<1000x128xf32, #tpu.memory_space<vmem>>, vector<1000x128xf32>,
    %get3A_8 = arith.constant 0 : index
    %get3A_9 = arith.constant 0 : index
    %get3A_10 = vector.load %arg4[%get3A_8, %get3A_9] : memref<128x1280xf32, #tpu.memory_space<vmem>>, vector<128x1280xf32>
    %dot_general3A_11 = arith.constant dense<0.000000e+00> : vector<1000x1280xf32>
    %dot_general3A_12 = tpu.matmul %get3A_1, %get3A_10, %dot_general3A_11 {dimension_numbers = #tpu.dot_dimension_numbers<[1], [0], [0], [1], [0, 0, 1, 1], [], []>, transpose_lhs_hint = false} : vector<1000x128xf32>, vector<128x1280xf32>, vector<1000x1280xf32> -> vector<1000x1280xf32>
    %get3A_13 = arith.constant 0 : index
    %get3A_14 = arith.constant 0 : index
    %get3A_15 = vector.load %arg2[%get3A_13, %get3A_14] : memref<1000x10xf32, #tpu.memory_space<vmem>>, vector<1000x10xf32>
    %reshape3A = vector.shape_cast %dot_general3A_12 : vector<1000x1280xf32> to vector<1000x10x128xf32>
    %broadcast_in_dim3A = vector.shape_cast %get3A_15 : vector<1000x10xf32> to vector<1000x10x1xf32>
    %mul3A = vector.broadcast %broadcast_in_dim3A : vector<1000x10x1xf32> to vector<1000x10x128xf32>
    %mul3A_16 = arith.mulf %reshape3A, %mul3A : vector<1000x10x128xf32>
    %reduce_sum3A = arith.constant dense<0.000000e+00> : vector<1000x128xf32>
    %reduce_sum3A_17 = vector.multi_reduction <add>, %mul3A_16, %reduce_sum3A [1] : vector<1000x10x128xf32> to vector<1000x128xf32>
    %swap3A_18 = arith.constant 0 : index
    %swap3A_19 = arith.constant 0 : index
    %swap3A_20 = vector.load %arg6[%swap3A_18, %swap3A_19] : memref<1000x128xf32, #tpu.memory_space<vmem>>, vector<1000x128xf32>
    tpu.vector_store %arg6[%swap3A_18, %swap3A_19], %reduce_sum3A_17 {strides = array<i32>} : memref<1000x128xf32, #tpu.memory_space<vmem>>, vector<1000x128xf32>,
    return
  }
  func.func @transform_0(%arg0: i32) -> (i32, i32) {
    %c0_i32 = arith.constant 0 : i32
    %c0_i32_0 = arith.constant 0 : i32
    return %arg0, %c0_i32 : i32, i32
  }
  func.func @transform_1(%arg0: i32) -> (i32, i32) {
    %c0_i32 = arith.constant 0 : i32
    %c0_i32_0 = arith.constant 0 : i32
    return %arg0, %c0_i32 : i32, i32
  }
  func.func @transform_2(%arg0: i32) -> (i32, i32) {
    %c0_i32 = arith.constant 0 : i32
    %c0_i32_0 = arith.constant 0 : i32
    %c0_i32_1 = arith.constant 0 : i32
    return %c0_i32, %c0_i32_0 : i32, i32
  }
  func.func @transform_3(%arg0: i32) -> (i32, i32) {
    %c0_i32 = arith.constant 0 : i32
    %c0_i32_0 = arith.constant 0 : i32
    %c0_i32_1 = arith.constant 0 : i32
    return %c0_i32, %c0_i32_0 : i32, i32
  }
  func.func @transform_4(%arg0: i32) -> (i32, i32) {
    %c0_i32 = arith.constant 0 : i32
    %c0_i32_0 = arith.constant 0 : i32
    return %arg0, %c0_i32 : i32, i32
  }
  func.func @transform_5(%arg0: i32) -> (i32, i32) {
    %c0_i32 = arith.constant 0 : i32
    %c0_i32_0 = arith.constant 0 : i32
    return %arg0, %c0_i32 : i32, i32
  }
}

module attributes {stable_mosaic.version = 14 : i64} {
  func.func @body(%arg0: i32, %arg1: memref<2x9x1000x128xbf16, #tpu.memory_space<vmem>>, %arg2: memref<9x128x128xf32, #tpu.memory_space<vmem>>, %arg3: memref<1000x9x128xf32, #tpu.memory_space<vmem>>) attributes {dimension_semantics = [#tpu.dimension_semantics<arbitrary>], iteration_bounds = array<i64: 10>, scalar_prefetch = 0 : i64, scratch_operands = 0 : i64, tpu.core_type = #tpu.core_type<tc>, window_params = [{transform_indices = @transform_0, window_bounds = array<i64: 2, 9, 1000, 128>}, {pipeline_mode = #tpu.pipeline_mode<synchronous>, transform_indices = @transform_1, window_bounds = array<i64: 9, 128, 128>}, {transform_indices = @transform_2, window_bounds = array<i64: 1000, 9, 128>}]} {
    %get3A = arith.constant 0 : index
    %get3A_0 = arith.constant 0 : index
    %get3A_1 = arith.constant 0 : index
    %get3A_2 = arith.constant 0 : index
    %get3A_3 = vector.load %arg1[%get3A, %get3A_0, %get3A_1, %get3A_2] : memref<2x9x1000x128xbf16, #tpu.memory_space<vmem>>, vector<1x9x1000x128xbf16>
    %get3A_4 = vector.shape_cast %get3A_3 : vector<1x9x1000x128xbf16> to vector<9x1000x128xbf16>
    %convert_element_type3A = arith.extf %get3A_4 : vector<9x1000x128xbf16> to vector<9x1000x128xf32>
    %get3A_5 = arith.constant 1 : index
    %get3A_6 = arith.constant 0 : index
    %get3A_7 = arith.constant 0 : index
    %get3A_8 = arith.constant 0 : index
    %get3A_9 = vector.load %arg1[%get3A_5, %get3A_6, %get3A_7, %get3A_8] : memref<2x9x1000x128xbf16, #tpu.memory_space<vmem>>, vector<1x9x1000x128xbf16>
    %get3A_10 = vector.shape_cast %get3A_9 : vector<1x9x1000x128xbf16> to vector<9x1000x128xbf16>
    %convert_element_type3A_11 = arith.extf %get3A_10 : vector<9x1000x128xbf16> to vector<9x1000x128xf32>
    %add3A = arith.addf %convert_element_type3A, %convert_element_type3A_11 : vector<9x1000x128xf32>
    %slice3A = vector.extract_strided_slice %add3A {offsets = [0, 0, 0], sizes = [1, 1000, 128], strides = [1, 1, 1]} : vector<9x1000x128xf32> to vector<1x1000x128xf32>
    %squeeze3A = vector.shape_cast %slice3A : vector<1x1000x128xf32> to vector<1000x128xf32>
    %get3A_12 = arith.constant 0 : index
    %get3A_13 = arith.constant 0 : index
    %get3A_14 = arith.constant 0 : index
    %get3A_15 = vector.load %arg2[%get3A_12, %get3A_13, %get3A_14] : memref<9x128x128xf32, #tpu.memory_space<vmem>>, vector<1x128x128xf32>
    %get3A_16 = vector.shape_cast %get3A_15 : vector<1x128x128xf32> to vector<128x128xf32>
    %dot_general3A = arith.constant dense<0.000000e+00> : vector<1000x128xf32>
    %dot_general3A_17 = tpu.matmul %squeeze3A, %get3A_16, %dot_general3A {dimension_numbers = #tpu.dot_dimension_numbers<[1], [0], [0], [1], [0, 0, 1, 1], [], []>, transpose_lhs_hint = false} : vector<1000x128xf32>, vector<128x128xf32>, vector<1000x128xf32> -> vector<1000x128xf32>
    %swap3A = arith.constant 0 : index
    %swap3A_18 = arith.constant 0 : index
    %swap3A_19 = arith.constant 0 : index
    %swap3A_20 = vector.load %arg3[%swap3A, %swap3A_18, %swap3A_19] : memref<1000x9x128xf32, #tpu.memory_space<vmem>>, vector<1000x1x128xf32>
    %swap3A_21 = vector.shape_cast %swap3A_20 : vector<1000x1x128xf32> to vector<1000x128xf32>
    %swap3A_22 = vector.shape_cast %dot_general3A_17 : vector<1000x128xf32> to vector<1000x1x128xf32>
    tpu.vector_store %arg3[%swap3A, %swap3A_18, %swap3A_19], %swap3A_22 {strides = array<i32>} : memref<1000x9x128xf32, #tpu.memory_space<vmem>>, vector<1000x1x128xf32>,
    %slice3A_23 = vector.extract_strided_slice %add3A {offsets = [1, 0, 0], sizes = [1, 1000, 128], strides = [1, 1, 1]} : vector<9x1000x128xf32> to vector<1x1000x128xf32>
    %squeeze3A_24 = vector.shape_cast %slice3A_23 : vector<1x1000x128xf32> to vector<1000x128xf32>
    %get3A_25 = arith.constant 1 : index
    %get3A_26 = arith.constant 0 : index
    %get3A_27 = arith.constant 0 : index
    %get3A_28 = vector.load %arg2[%get3A_25, %get3A_26, %get3A_27] : memref<9x128x128xf32, #tpu.memory_space<vmem>>, vector<1x128x128xf32>
    %get3A_29 = vector.shape_cast %get3A_28 : vector<1x128x128xf32> to vector<128x128xf32>
    %dot_general3A_30 = arith.constant dense<0.000000e+00> : vector<1000x128xf32>
    %dot_general3A_31 = tpu.matmul %squeeze3A_24, %get3A_29, %dot_general3A_30 {dimension_numbers = #tpu.dot_dimension_numbers<[1], [0], [0], [1], [0, 0, 1, 1], [], []>, transpose_lhs_hint = false} : vector<1000x128xf32>, vector<128x128xf32>, vector<1000x128xf32> -> vector<1000x128xf32>
    %swap3A_32 = arith.constant 0 : index
    %swap3A_33 = arith.constant 1 : index
    %swap3A_34 = arith.constant 0 : index
    %swap3A_35 = vector.load %arg3[%swap3A_32, %swap3A_33, %swap3A_34] : memref<1000x9x128xf32, #tpu.memory_space<vmem>>, vector<1000x1x128xf32>
    %swap3A_36 = vector.shape_cast %swap3A_35 : vector<1000x1x128xf32> to vector<1000x128xf32>
    %swap3A_37 = vector.shape_cast %dot_general3A_31 : vector<1000x128xf32> to vector<1000x1x128xf32>
    tpu.vector_store %arg3[%swap3A_32, %swap3A_33, %swap3A_34], %swap3A_37 {strides = array<i32>} : memref<1000x9x128xf32, #tpu.memory_space<vmem>>, vector<1000x1x128xf32>,
    %slice3A_38 = vector.extract_strided_slice %add3A {offsets = [2, 0, 0], sizes = [1, 1000, 128], strides = [1, 1, 1]} : vector<9x1000x128xf32> to vector<1x1000x128xf32>
    %squeeze3A_39 = vector.shape_cast %slice3A_38 : vector<1x1000x128xf32> to vector<1000x128xf32>
    %get3A_40 = arith.constant 2 : index
    %get3A_41 = arith.constant 0 : index
    %get3A_42 = arith.constant 0 : index
    %get3A_43 = vector.load %arg2[%get3A_40, %get3A_41, %get3A_42] : memref<9x128x128xf32, #tpu.memory_space<vmem>>, vector<1x128x128xf32>
    %get3A_44 = vector.shape_cast %get3A_43 : vector<1x128x128xf32> to vector<128x128xf32>
    %dot_general3A_45 = arith.constant dense<0.000000e+00> : vector<1000x128xf32>
    %dot_general3A_46 = tpu.matmul %squeeze3A_39, %get3A_44, %dot_general3A_45 {dimension_numbers = #tpu.dot_dimension_numbers<[1], [0], [0], [1], [0, 0, 1, 1], [], []>, transpose_lhs_hint = false} : vector<1000x128xf32>, vector<128x128xf32>, vector<1000x128xf32> -> vector<1000x128xf32>
    %swap3A_47 = arith.constant 0 : index
    %swap3A_48 = arith.constant 2 : index
    %swap3A_49 = arith.constant 0 : index
    %swap3A_50 = vector.load %arg3[%swap3A_47, %swap3A_48, %swap3A_49] : memref<1000x9x128xf32, #tpu.memory_space<vmem>>, vector<1000x1x128xf32>
    %swap3A_51 = vector.shape_cast %swap3A_50 : vector<1000x1x128xf32> to vector<1000x128xf32>
    %swap3A_52 = vector.shape_cast %dot_general3A_46 : vector<1000x128xf32> to vector<1000x1x128xf32>
    tpu.vector_store %arg3[%swap3A_47, %swap3A_48, %swap3A_49], %swap3A_52 {strides = array<i32>} : memref<1000x9x128xf32, #tpu.memory_space<vmem>>, vector<1000x1x128xf32>,
    %slice3A_53 = vector.extract_strided_slice %add3A {offsets = [3, 0, 0], sizes = [1, 1000, 128], strides = [1, 1, 1]} : vector<9x1000x128xf32> to vector<1x1000x128xf32>
    %squeeze3A_54 = vector.shape_cast %slice3A_53 : vector<1x1000x128xf32> to vector<1000x128xf32>
    %get3A_55 = arith.constant 3 : index
    %get3A_56 = arith.constant 0 : index
    %get3A_57 = arith.constant 0 : index
    %get3A_58 = vector.load %arg2[%get3A_55, %get3A_56, %get3A_57] : memref<9x128x128xf32, #tpu.memory_space<vmem>>, vector<1x128x128xf32>
    %get3A_59 = vector.shape_cast %get3A_58 : vector<1x128x128xf32> to vector<128x128xf32>
    %dot_general3A_60 = arith.constant dense<0.000000e+00> : vector<1000x128xf32>
    %dot_general3A_61 = tpu.matmul %squeeze3A_54, %get3A_59, %dot_general3A_60 {dimension_numbers = #tpu.dot_dimension_numbers<[1], [0], [0], [1], [0, 0, 1, 1], [], []>, transpose_lhs_hint = false} : vector<1000x128xf32>, vector<128x128xf32>, vector<1000x128xf32> -> vector<1000x128xf32>
    %swap3A_62 = arith.constant 0 : index
    %swap3A_63 = arith.constant 3 : index
    %swap3A_64 = arith.constant 0 : index
    %swap3A_65 = vector.load %arg3[%swap3A_62, %swap3A_63, %swap3A_64] : memref<1000x9x128xf32, #tpu.memory_space<vmem>>, vector<1000x1x128xf32>
    %swap3A_66 = vector.shape_cast %swap3A_65 : vector<1000x1x128xf32> to vector<1000x128xf32>
    %swap3A_67 = vector.shape_cast %dot_general3A_61 : vector<1000x128xf32> to vector<1000x1x128xf32>
    tpu.vector_store %arg3[%swap3A_62, %swap3A_63, %swap3A_64], %swap3A_67 {strides = array<i32>} : memref<1000x9x128xf32, #tpu.memory_space<vmem>>, vector<1000x1x128xf32>,
    %slice3A_68 = vector.extract_strided_slice %add3A {offsets = [4, 0, 0], sizes = [1, 1000, 128], strides = [1, 1, 1]} : vector<9x1000x128xf32> to vector<1x1000x128xf32>
    %squeeze3A_69 = vector.shape_cast %slice3A_68 : vector<1x1000x128xf32> to vector<1000x128xf32>
    %get3A_70 = arith.constant 4 : index
    %get3A_71 = arith.constant 0 : index
    %get3A_72 = arith.constant 0 : index
    %get3A_73 = vector.load %arg2[%get3A_70, %get3A_71, %get3A_72] : memref<9x128x128xf32, #tpu.memory_space<vmem>>, vector<1x128x128xf32>
    %get3A_74 = vector.shape_cast %get3A_73 : vector<1x128x128xf32> to vector<128x128xf32>
    %dot_general3A_75 = arith.constant dense<0.000000e+00> : vector<1000x128xf32>
    %dot_general3A_76 = tpu.matmul %squeeze3A_69, %get3A_74, %dot_general3A_75 {dimension_numbers = #tpu.dot_dimension_numbers<[1], [0], [0], [1], [0, 0, 1, 1], [], []>, transpose_lhs_hint = false} : vector<1000x128xf32>, vector<128x128xf32>, vector<1000x128xf32> -> vector<1000x128xf32>
    %swap3A_77 = arith.constant 0 : index
    %swap3A_78 = arith.constant 4 : index
    %swap3A_79 = arith.constant 0 : index
    %swap3A_80 = vector.load %arg3[%swap3A_77, %swap3A_78, %swap3A_79] : memref<1000x9x128xf32, #tpu.memory_space<vmem>>, vector<1000x1x128xf32>
    %swap3A_81 = vector.shape_cast %swap3A_80 : vector<1000x1x128xf32> to vector<1000x128xf32>
    %swap3A_82 = vector.shape_cast %dot_general3A_76 : vector<1000x128xf32> to vector<1000x1x128xf32>
    tpu.vector_store %arg3[%swap3A_77, %swap3A_78, %swap3A_79], %swap3A_82 {strides = array<i32>} : memref<1000x9x128xf32, #tpu.memory_space<vmem>>, vector<1000x1x128xf32>,
    %slice3A_83 = vector.extract_strided_slice %add3A {offsets = [5, 0, 0], sizes = [1, 1000, 128], strides = [1, 1, 1]} : vector<9x1000x128xf32> to vector<1x1000x128xf32>
    %squeeze3A_84 = vector.shape_cast %slice3A_83 : vector<1x1000x128xf32> to vector<1000x128xf32>
    %get3A_85 = arith.constant 5 : index
    %get3A_86 = arith.constant 0 : index
    %get3A_87 = arith.constant 0 : index
    %get3A_88 = vector.load %arg2[%get3A_85, %get3A_86, %get3A_87] : memref<9x128x128xf32, #tpu.memory_space<vmem>>, vector<1x128x128xf32>
    %get3A_89 = vector.shape_cast %get3A_88 : vector<1x128x128xf32> to vector<128x128xf32>
    %dot_general3A_90 = arith.constant dense<0.000000e+00> : vector<1000x128xf32>
    %dot_general3A_91 = tpu.matmul %squeeze3A_84, %get3A_89, %dot_general3A_90 {dimension_numbers = #tpu.dot_dimension_numbers<[1], [0], [0], [1], [0, 0, 1, 1], [], []>, transpose_lhs_hint = false} : vector<1000x128xf32>, vector<128x128xf32>, vector<1000x128xf32> -> vector<1000x128xf32>
    %swap3A_92 = arith.constant 0 : index
    %swap3A_93 = arith.constant 5 : index
    %swap3A_94 = arith.constant 0 : index
    %swap3A_95 = vector.load %arg3[%swap3A_92, %swap3A_93, %swap3A_94] : memref<1000x9x128xf32, #tpu.memory_space<vmem>>, vector<1000x1x128xf32>
    %swap3A_96 = vector.shape_cast %swap3A_95 : vector<1000x1x128xf32> to vector<1000x128xf32>
    %swap3A_97 = vector.shape_cast %dot_general3A_91 : vector<1000x128xf32> to vector<1000x1x128xf32>
    tpu.vector_store %arg3[%swap3A_92, %swap3A_93, %swap3A_94], %swap3A_97 {strides = array<i32>} : memref<1000x9x128xf32, #tpu.memory_space<vmem>>, vector<1000x1x128xf32>,
    %slice3A_98 = vector.extract_strided_slice %add3A {offsets = [6, 0, 0], sizes = [1, 1000, 128], strides = [1, 1, 1]} : vector<9x1000x128xf32> to vector<1x1000x128xf32>
    %squeeze3A_99 = vector.shape_cast %slice3A_98 : vector<1x1000x128xf32> to vector<1000x128xf32>
    %get3A_100 = arith.constant 6 : index
    %get3A_101 = arith.constant 0 : index
    %get3A_102 = arith.constant 0 : index
    %get3A_103 = vector.load %arg2[%get3A_100, %get3A_101, %get3A_102] : memref<9x128x128xf32, #tpu.memory_space<vmem>>, vector<1x128x128xf32>
    %get3A_104 = vector.shape_cast %get3A_103 : vector<1x128x128xf32> to vector<128x128xf32>
    %dot_general3A_105 = arith.constant dense<0.000000e+00> : vector<1000x128xf32>
    %dot_general3A_106 = tpu.matmul %squeeze3A_99, %get3A_104, %dot_general3A_105 {dimension_numbers = #tpu.dot_dimension_numbers<[1], [0], [0], [1], [0, 0, 1, 1], [], []>, transpose_lhs_hint = false} : vector<1000x128xf32>, vector<128x128xf32>, vector<1000x128xf32> -> vector<1000x128xf32>
    %swap3A_107 = arith.constant 0 : index
    %swap3A_108 = arith.constant 6 : index
    %swap3A_109 = arith.constant 0 : index
    %swap3A_110 = vector.load %arg3[%swap3A_107, %swap3A_108, %swap3A_109] : memref<1000x9x128xf32, #tpu.memory_space<vmem>>, vector<1000x1x128xf32>
    %swap3A_111 = vector.shape_cast %swap3A_110 : vector<1000x1x128xf32> to vector<1000x128xf32>
    %swap3A_112 = vector.shape_cast %dot_general3A_106 : vector<1000x128xf32> to vector<1000x1x128xf32>
    tpu.vector_store %arg3[%swap3A_107, %swap3A_108, %swap3A_109], %swap3A_112 {strides = array<i32>} : memref<1000x9x128xf32, #tpu.memory_space<vmem>>, vector<1000x1x128xf32>,
    %slice3A_113 = vector.extract_strided_slice %add3A {offsets = [7, 0, 0], sizes = [1, 1000, 128], strides = [1, 1, 1]} : vector<9x1000x128xf32> to vector<1x1000x128xf32>
    %squeeze3A_114 = vector.shape_cast %slice3A_113 : vector<1x1000x128xf32> to vector<1000x128xf32>
    %get3A_115 = arith.constant 7 : index
    %get3A_116 = arith.constant 0 : index
    %get3A_117 = arith.constant 0 : index
    %get3A_118 = vector.load %arg2[%get3A_115, %get3A_116, %get3A_117] : memref<9x128x128xf32, #tpu.memory_space<vmem>>, vector<1x128x128xf32>
    %get3A_119 = vector.shape_cast %get3A_118 : vector<1x128x128xf32> to vector<128x128xf32>
    %dot_general3A_120 = arith.constant dense<0.000000e+00> : vector<1000x128xf32>
    %dot_general3A_121 = tpu.matmul %squeeze3A_114, %get3A_119, %dot_general3A_120 {dimension_numbers = #tpu.dot_dimension_numbers<[1], [0], [0], [1], [0, 0, 1, 1], [], []>, transpose_lhs_hint = false} : vector<1000x128xf32>, vector<128x128xf32>, vector<1000x128xf32> -> vector<1000x128xf32>
    %swap3A_122 = arith.constant 0 : index
    %swap3A_123 = arith.constant 7 : index
    %swap3A_124 = arith.constant 0 : index
    %swap3A_125 = vector.load %arg3[%swap3A_122, %swap3A_123, %swap3A_124] : memref<1000x9x128xf32, #tpu.memory_space<vmem>>, vector<1000x1x128xf32>
    %swap3A_126 = vector.shape_cast %swap3A_125 : vector<1000x1x128xf32> to vector<1000x128xf32>
    %swap3A_127 = vector.shape_cast %dot_general3A_121 : vector<1000x128xf32> to vector<1000x1x128xf32>
    tpu.vector_store %arg3[%swap3A_122, %swap3A_123, %swap3A_124], %swap3A_127 {strides = array<i32>} : memref<1000x9x128xf32, #tpu.memory_space<vmem>>, vector<1000x1x128xf32>,
    %slice3A_128 = vector.extract_strided_slice %add3A {offsets = [8, 0, 0], sizes = [1, 1000, 128], strides = [1, 1, 1]} : vector<9x1000x128xf32> to vector<1x1000x128xf32>
    %squeeze3A_129 = vector.shape_cast %slice3A_128 : vector<1x1000x128xf32> to vector<1000x128xf32>
    %get3A_130 = arith.constant 8 : index
    %get3A_131 = arith.constant 0 : index
    %get3A_132 = arith.constant 0 : index
    %get3A_133 = vector.load %arg2[%get3A_130, %get3A_131, %get3A_132] : memref<9x128x128xf32, #tpu.memory_space<vmem>>, vector<1x128x128xf32>
    %get3A_134 = vector.shape_cast %get3A_133 : vector<1x128x128xf32> to vector<128x128xf32>
    %dot_general3A_135 = arith.constant dense<0.000000e+00> : vector<1000x128xf32>
    %dot_general3A_136 = tpu.matmul %squeeze3A_129, %get3A_134, %dot_general3A_135 {dimension_numbers = #tpu.dot_dimension_numbers<[1], [0], [0], [1], [0, 0, 1, 1], [], []>, transpose_lhs_hint = false} : vector<1000x128xf32>, vector<128x128xf32>, vector<1000x128xf32> -> vector<1000x128xf32>
    %swap3A_137 = arith.constant 0 : index
    %swap3A_138 = arith.constant 8 : index
    %swap3A_139 = arith.constant 0 : index
    %swap3A_140 = vector.load %arg3[%swap3A_137, %swap3A_138, %swap3A_139] : memref<1000x9x128xf32, #tpu.memory_space<vmem>>, vector<1000x1x128xf32>
    %swap3A_141 = vector.shape_cast %swap3A_140 : vector<1000x1x128xf32> to vector<1000x128xf32>
    %swap3A_142 = vector.shape_cast %dot_general3A_136 : vector<1000x128xf32> to vector<1000x1x128xf32>
    tpu.vector_store %arg3[%swap3A_137, %swap3A_138, %swap3A_139], %swap3A_142 {strides = array<i32>} : memref<1000x9x128xf32, #tpu.memory_space<vmem>>, vector<1000x1x128xf32>,
    return
  }
  func.func @transform_0(%arg0: i32) -> (i32, i32, i32, i32) {
    %c0_i32 = arith.constant 0 : i32
    %c0_i32_0 = arith.constant 0 : i32
    %c0_i32_1 = arith.constant 0 : i32
    %c0_i32_2 = arith.constant 0 : i32
    return %c0_i32, %c0_i32_0, %arg0, %c0_i32_1 : i32, i32, i32, i32
  }
  func.func @transform_1(%arg0: i32) -> (i32, i32, i32) {
    %c0_i32 = arith.constant 0 : i32
    %c0_i32_0 = arith.constant 0 : i32
    %c0_i32_1 = arith.constant 0 : i32
    %c0_i32_2 = arith.constant 0 : i32
    return %c0_i32, %c0_i32_0, %c0_i32_1 : i32, i32, i32
  }
  func.func @transform_2(%arg0: i32) -> (i32, i32, i32) {
    %c0_i32 = arith.constant 0 : i32
    %c0_i32_0 = arith.constant 0 : i32
    %c0_i32_1 = arith.constant 0 : i32
    return %arg0, %c0_i32, %c0_i32_0 : i32, i32, i32
  }
}

</mosaic_0001>

<sc_bundles>
// kernel: kernel.5.cloned.1.call-start
scs
__scs_entry_jumppad:
0x0: {  	(pc) =	sbr.rel $0x88, $3  }
0x1: {  	(tag) =	ssettag $0x0;
	lr =	simm.s32 $0x1  }
0x2: {  	[smem:$0x3F99] =	sst lr;
	_ =	strace $0xD0000000  }
0x3: {  	_ = 	snop  }
0x4: {  	_ = 	snop  }
0x5: {  	_ = 	snop  }
0x6: {  	_ = 	snop  }
0x7: {  	_ = 	snop  }
__scs_overlays_trampoline_lowered:
0x8: {  	[smem:$0x3FA8] =	sst s0  }
0x9: {  	[smem:$0x3FA9] =	sst s1  }
0xa: {  	[smem:$0x3FAA] =	sst s2  }
0xb: {  	[smem:$0x3FAB] =	sst s3  }
0xc: {  	[smem:$0x3FAC] =	sst s4  }
0xd: {  	[smem:$0x3FAD] =	sst s5  }
0xe: {  	[smem:$0x3FAE] =	sst s6  }
0xf: {  	[smem:$0x3FAF] =	sst s7  }
0x10: {  	[smem:$0x3FB0] =	sst s8  }
0x11: {  	[smem:$0x3FB1] =	sst s9;
	s0 =	simm.s32 @!p0 $0x0  }
0x12: {  	s1 =	sld [smem:$0x3F97];
	s0 =	simm.s32 @p0 $0x1  }
0x13: {  	[smem:$0x3FB2] =	sst s0;
	s0 =	simm.s32 @!p1 $0x0  }
0x14: {  	s2 =	sld [smem:$0x3F96];
	s0 =	simm.s32 @p1 $0x1  }
0x15: {  	[smem:$0x3FB3] =	sst s0;
	s0 =	simm.s32 @!p2 $0x0  }
0x16: {  	s3 =	sld [smem:$0x3FDB];
	s0 =	simm.s32 @p2 $0x1  }
0x17: {  	s4 =	simm.s32 $0x1BF5;
	[smem:$0x3FB5] =	sst s0  }
0x18: {  	s0 =	sld [smem:$0x3F98];
	_ =	swait.ge [sflag:s4], $0x0  }
0x19: {  	s7 =	sld [smem:$0x3F99]  }
0x1a: {  	s8 =	sadd.s32 $0xFFFFE003, lr  }
0x1b: {  	s9 =	sadd.s32 $0xFFFFFEF7, lr;
	s5 =	simm.s32 $0xFFFFFFFF;
	p2 =	slt.u32 s8, $0xFFFFF086  }
0x1c: {  	p1 =	slt.u32 s9, $0xF7A;
	s5 =	simm.s32 @!p2 $0x0  }
0x1d: {  	s5 =	simm.s32 @p1 $0x1;
	p0 =	seq.s32 s7, s2  }
0x1e: {  	s7 =	smul.u32 @!p0 $0xF7A, s2;
	p2 =	seq.s32 @!p0 s5, $0x0  }
0x1f: {  	s9 =	smul.u32 $0xF7A, s1;
	s8 =	simm.s32 @!p0 $0x1BF5;
	p2 =	por !p2, p0  }
0x20: {  	[sflag:s8] =	ssyncset.s32 @!p0 $0xFFFFF086;
	s6 =	sadd.s32 @!p0 s3, s7;
	s7 =	simm.s32 @!p0 $0x108  }
0x21: {  	s3 =	sadd.s32 s3, s9;
	s6 =	sadd.s32 @!p0 $0x88, s6;
	s7 =	simm.s32 @p2 $0x1082  }
0x22: {  	[simem:s7], [sflag:s8] =	dma.local @!p0 [hbm:s6], $0xF7A  }
0x23: {  	s9 =	sor.u32 $0xD0000000, s2;
	s6 =	simm.s32 $0x108;
	_ =	swait.ge @!p0 [sflag:s8], $0x0  }
0x24: {  	s3 =	sadd.s32 $0x88, s3;
	s6 =	simm.s32 @!p1 $0x1082;
	[sflag:s4] =	ssyncset.s32 $0xFFFFF086  }
0x25: {  	[simem:s6], [sflag:s4] =	dma.local [hbm:s3], $0xF7A  }
0x26: {  	[smem:$0x3F99] =	sst s1;
	(tag) =	ssettag s2;
	_ =	strace s9  }
0x27: {  	s1 =	sld [smem:$0x3FA9]  }
0x28: {  	s2 =	sld [smem:$0x3FAA]  }
0x29: {  	s4 =	sld [smem:$0x3FAC]  }
0x2a: {  	p0 =	seq.s32 s5, $0x0;
	s5 =	sld [smem:$0x3FAD]  }
0x2b: {  	s6 =	sld [smem:$0x3FAE]  }
0x2c: {  	s7 =	sld [smem:$0x3FAF]  }
0x2d: {  	s3 =	simm.s32 $0x108;
	s8 =	sld [smem:$0x3FB0]  }
0x2e: {  	s3 =	simm.s32 @!p0 $0x1082;
	s9 =	sld [smem:$0x3FB1]  }
0x2f: {  	lr =	sadd.s32 s0, s3;
	s0 =	sld [smem:$0x3FA8]  }
0x30: {  	s3 =	sld [smem:$0x3FAB]  }
0x31: {  	[smem:$0x3FB4] =	sst s10  }
0x32: {  	s10 =	sld [smem:$0x3FB2];
	_ =	sdelay $0x3  }
0x33: {  	p0 =	seq.s32 s10, $0x1;
	s10 =	sld [smem:$0x3FB4];
	_ =	sdelay $0x3  }
0x34: {  	[smem:$0x3FB4] =	sst s10  }
0x35: {  	s10 =	sld [smem:$0x3FB3];
	_ =	sdelay $0x3  }
0x36: {  	p1 =	seq.s32 s10, $0x1;
	s10 =	sld [smem:$0x3FB4];
	_ =	sdelay $0x3  }
0x37: {  	[smem:$0x3FB4] =	sst s10  }
0x38: {  	s10 =	sld [smem:$0x3FB5]  }
0x39: {  	_ = 	snop;
	(pc) =	sbr.ind lr, $3  }
0x3a: {  	_ = 	snop  }
0x3b: {  	_ = 	snop  }
0x3c: {  	p2 =	seq.s32 s10, $0x1;
	s10 =	sld [smem:$0x3FB4]  }
0x3d: {  	_ =	shalt  }
0x3e: {  	_ =	shalt  }
0x3f: {  	_ =	shalt  }
0x40: {  	_ =	shalt  }
0x41: {  	_ =	shalt  }
0x42: {  	_ =	shalt  }
0x43: {  	_ =	shalt  }
0x44: {  	_ =	shalt  }
0x45: {  	_ =	shalt  }
0x46: {  	_ =	shalt  }
0x47: {  	_ =	shalt  }
0x48: {  	_ =	shalt  }
0x49: {  	_ =	shalt  }
0x4a: {  	_ =	shalt  }
0x4b: {  	_ =	shalt  }
0x4c: {  	_ =	shalt  }
0x4d: {  	_ =	shalt  }
0x4e: {  	_ =	shalt  }
0x4f: {  	_ =	shalt  }
0x50: {  	_ =	shalt  }
0x51: {  	_ =	shalt  }
0x52: {  	_ =	shalt  }
0x53: {  	_ =	shalt  }
0x54: {  	_ =	shalt  }
0x55: {  	_ =	shalt  }
0x56: {  	_ =	shalt  }
0x57: {  	_ =	shalt  }
0x58: {  	_ =	shalt  }
0x59: {  	_ =	shalt  }
0x5a: {  	_ =	shalt  }
0x5b: {  	_ =	shalt  }
0x5c: {  	_ =	shalt  }
0x5d: {  	_ =	shalt  }
0x5e: {  	_ =	shalt  }
0x5f: {  	_ =	shalt  }
0x60: {  	_ =	shalt  }
0x61: {  	_ =	shalt  }
0x62: {  	_ =	shalt  }
0x63: {  	_ =	shalt  }
0x64: {  	_ =	shalt  }
0x65: {  	_ =	shalt  }
0x66: {  	_ =	shalt  }
0x67: {  	_ =	shalt  }
0x68: {  	_ =	shalt  }
0x69: {  	_ =	shalt  }
0x6a: {  	_ =	shalt  }
0x6b: {  	_ =	shalt  }
0x6c: {  	_ =	shalt  }
0x6d: {  	_ =	shalt  }
0x6e: {  	_ =	shalt  }
0x6f: {  	_ =	shalt  }
0x70: {  	_ =	shalt  }
0x71: {  	_ =	shalt  }
0x72: {  	_ =	shalt  }
0x73: {  	_ =	shalt  }
0x74: {  	_ =	shalt  }
0x75: {  	_ =	shalt  }
0x76: {  	_ =	shalt  }
0x77: {  	_ =	shalt  }
0x78: {  	_ =	shalt  }
0x79: {  	_ =	shalt  }
0x7a: {  	_ =	shalt  }
0x7b: {  	_ =	shalt  }
0x7c: {  	_ =	shalt  }
0x7d: {  	_ =	shalt  }
0x7e: {  	_ =	shalt  }
0x7f: {  	_ =	shalt  }
0x80: {  	_ =	shalt  }
0x81: {  	_ =	shalt  }
0x82: {  	_ =	shalt  }
0x83: {  	_ =	shalt  }
0x84: {  	_ =	shalt  }
0x85: {  	_ =	shalt  }
0x86: {  	_ =	shalt  }
0x87: {  	_ =	shalt  }
.Lfunc_end0:
.L_simem_size_0:
called_computation_lowered:
.L_overlay_start_0:
0x88: {  	s2 =	sld [smem:$0x3FD9]  }
0x89: {  	s3 =	sld [smem:$0x3FFE];
	_ =	sdelay $0x1  }
0x8a: {  	s1 =	srdreg.scid  }
0x8b: {  	s0 =	sand.u32 $0x1, s1  }
0x8c: {  	s14 =	sshll.u32 s0, $0xA;
	s2 =	sadd.s32 s3, s2  }
0x8d: {  	s2 =	sadd.s32 s2, s14  }
0x8e: {  	[smem:$0x3FC0] =	sst s2  }
0x8f: {  	_ = 	snop  }
0x90: {  	s2 =	sld [smem:$0x3FD0];
	_ =	sdelay $0x2  }
0x91: {  	s15 =	simm.s32 $0xA;
	s4 =	simm.s32 $0x10  }
0x92: {  	[smem:s4], [sflag:s15] =	dma.local [hbm:s2], $0x1  }
0x93: {  	_ =	swait.eq [sflag:s15], $0x1  }
0x94: {  	[sflag:s15] =	ssyncset.done $0x0  }
0x95: {  	[sflag:s15] =	ssyncadd.s32 $0xFFFFFFFF  }
0x96: {  	s16 =	sld [smem:$0x10];
	(tm) =	ssettm $0x1  }
0x97: {  	s17 =	sld [smem:$0x3FFB];
	_ =	sdelay $0x3  }
0x98: {  	_ =	strace s17  }
0x99: {  	s3 =	sld [smem:$0x3FFC];
	_ =	sdelay $0x3  }
0x9a: {  	_ =	strace s3  }
0x9b: {  	s3 =	sld [smem:$0x3FFD];
	_ =	sdelay $0x3  }
0x9c: {  	_ =	strace s3  }
0x9d: {  	_ =	strace $0x8FFFFFFF  }
0x9e: {  	s18 =	sld [smem:$0x3FDB];
	_ =	sdelay $0x1  }
0x9f: {  	s19 =	simm.s32 $_scs_section_size  }
0xa0: {  	s5 =	simm.s32 $_size__tile_overlayer_lowered;
	s6 =	simm.s32 $_tile_overlayer_lowered  }
0xa1: {  	s22 =	simm.s32 $0x1BFF;
	s21 =	sshll.u32 s6, $0x1;
	s3 =	sadd.s32 s19, s18  }
0xa2: {  	s7 =	simm.s32 $0x0;
	s20 =	sshll.u32 s5, $0x1;
	s5 =	sadd.s32 s21, s3  }
0xa3: {  	[timem:s7], [sflag:s22] =	dma.local [hbm:s5], s20  }
0xa4: {  	_ =	swait.ge [sflag:s22], s20  }
0xa5: {  	s4 =	ssub.s32 $0x0, s20;
	[sflag:s22] =	ssyncset.done $0x0  }
0xa6: {  	[sflag:s22] =	ssyncadd.s32 s4;
	_ =	sdelay $0x1  }
0xa7: {  	s23 =	simm.s32 $0x1B8B  }
0xa8: {  	_ =	swait.ge [sflag:s23], $0x1  }
0xa9: {  	[sflag:s23] =	ssyncset.done $0x0  }
0xaa: {  	s25 =	simm.s32 $0x1B8E;
	s24 =	sld [smem:$0x3FFE];
	[sflag:s23] =	ssyncadd.s32 $0xFFFFFFFF  }
0xab: {  	s26 =	simm.s32 $execute0_lowered;
	[smem:$0x3FD2] =	sst s25  }
0xac: {  	s5 =	sshll.u32 s26, $0x1;
	_ =	strace $0x80000046;
	[dreg:$0x1] =	wrdreg $0xFFFFFFFF  }
0xad: {  	s28 =	simm.s32 $_size_execute0_lowered;
	s3 =	sadd.s32 s3, s5;
	[dreg:$0x0] =	wrdreg $0x0  }
0xae: {  	s5 =	sshll.u32 s28, $0x1;
	[dreg:$0x2] =	wrdreg s3  }
0xaf: {  	[dreg:$0x3] =	wrdreg s5  }
0xb0: {  	[dreg:$0x4] =	wrdreg $0xC0  }
0xb1: {  	_ =	task [dreg:s7], $0x5FFFF  }
0xb2: {  	[dreg:$0x1] =	wrdreg $0xFFFFFFFF  }
0xb3: {  	[dreg:$0x0] =	wrdreg $0x60  }
0xb4: {  	[dreg:$0x2] =	wrdreg s24  }
0xb5: {  	[dreg:$0x3] =	wrdreg s16  }
0xb6: {  	[dreg:$0x4] =	wrdreg $0x15F900  }
0xb7: {  	[dreg:$0x5] =	wrdreg $0x0  }
0xb8: {  	[dreg:$0x6] =	wrdreg $0x9  }
0xb9: {  	_ =	task.clear_ibuf [dreg:s7], $0x7FFFF;
	_ =	strace $0x90000046  }
0xba: {  	s29 =	simm.s32 $0x9;
	_ =	strace $0x80000048  }
0xbb: {  	_ =	swait.ge [sflag:s29], $0x1  }
0xbc: {  	[sflag:s29] =	ssyncadd.s32 $0xFFFFFFFF  }
0xbd: {  	_ =	strace $0x90000048  }
0xbe: {  	_ =	sfence  }
0xbf: {  	s30 =	sld [smem:$0x0];
	_ =	sdelay $0x2  }
0xc0: {  	s31 =	sshll.u32 s1, $0xD;
	s1 =	sshrl.u32 s1, $0x2  }
0xc1: {  	s3 =	sand.u32 $0x4000, s31;
	s1 =	sadd.s32 s1, s30  }
0xc2: {  	s0 =	sor.u32 s3, s0;
	s1 =	sshll.u32 s1, $0x11  }
0xc3: {  	s0 =	sor.u32 s1, s0  }
0xc4: {  	s0 =	sadd.s32 $0x8F2B, s0  }
0xc5: {  	[sflag:s0] =	ssyncadd.remote.s32 $0x1  }
0xc6: {  	_ =	sfence.sel $0xFFFF  }
0xc7: {  	[dreg:$0x0] =	wrdreg $0xFFFFFFFF;
	(pc) =	sbr.abs _section_cstart, $3  }
0xc8: {  	[dreg:$0x1] =	wrdreg $0xFFFFFFFF  }
0xc9: {  	_ =	task.clear_ibuf [dreg:s7], $0x2FFFF;
	_ =	strace $0x9FFFFFFF  }
0xca: {  	(tm) =	ssettm $0x7FFFFFFF  }
0xcb: {  	_ =	shalt  }
tec
execute0_lowered:
.L_overlay_start_1:
0x0: {  	(tag) =	ssettag $0x1  }
0x1: {  	s0 =	rddreg [dreg:$0x0]  }
0x2: {  	s1 =	rddreg [dreg:$0x1]  }
0x3: {  	s2 =	rddreg [dreg:$0x2]  }
0x4: {  	s3 =	rddreg [dreg:$0x3];
	s18 =	simm.s32 $0x0;
	s11 =	srdreg.scid  }
0x5: {  	s14 =	stileid.u32;
	[smem:$0x7FF] =	sst s18  }
0x6: {  	s4 =	sadd.s32 $0x16200, s0;
	s7 =	sadd.s32 $0x29C00, s0;
	s9 =	sadd.s32 $0x2600, s0  }
0x7: {  	s5 =	sadd.s32 $0x2200, s0;
	s0 =	sadd.s32 $0x77CC00, s0;
	s6 =	smul.u32 $0x9C40, s14  }
0x8: {  	s10 =	smul.u32 $0x57E40, s14;
	_ =	strace $0x80000047;
	[dreg:$0x6] =	wrdreg s4  }
0x9: {  	s4 =	sand.u32 $0x1, s11;
	s11 =	smul.u32 $0x13880, s14;
	[dreg:$0x8] =	wrdreg s5  }
0xa: {  	[dreg:$0x9] =	wrdreg s0;
	s12 =	smul.u32 $0x4E2, s4;
	s13 =	ssub.s32 $0x2, s4  }
0xb: {  	s15 =	sshrl.u32 s6, $0x2;
	s17 =	sshrl.u32 s10, $0x2;
	s4 =	smul.u32 $0xAFC800, s4  }
0xc: {  	s8 =	sshrl.u32 s13, $0x1;
	s21 =	sadd.s32 s17, s3;
	[dreg:$0x7] =	wrdreg s11  }
0xd: {  	s5 =	sadd.s32 s15, s2;
	s4 =	sadd.s32 s11, s4;
	[dreg:$0xa] =	wrdreg s21  }
0xe: {  	s0 =	ssub.s32 s13, s8;
	s30 =	sshrl.u32 s5, $0x3;
	[dreg:$0xe] =	wrdreg s4  }
0xf: {  	s22 =	sadd.s32 $0x10, s21;
	s0 =	smax.u32 s0, $0x1;
	[dreg:$0x10] =	wrdreg s30  }
0x10: {  	s23 =	sadd.s32 $0x20, s21;
	s4 =	sshrl.u32 s22, $0x3;
	[dreg:$0xf] =	wrdreg s0  }
0x11: {  	s24 =	sadd.s32 $0x30, s21;
	s5 =	sshrl.u32 s23, $0x3;
	[dreg:$0x11] =	wrdreg s4  }
0x12: {  	s25 =	sadd.s32 $0x40, s21;
	s6 =	sshrl.u32 s24, $0x3;
	[dreg:$0x12] =	wrdreg s5  }
0x13: {  	s26 =	sadd.s32 $0x50, s21;
	s8 =	sshrl.u32 s25, $0x3;
	[dreg:$0x13] =	wrdreg s6  }
0x14: {  	s13 =	sadd.s32 $0x60, s21;
	s10 =	sshrl.u32 s26, $0x3;
	[dreg:$0x14] =	wrdreg s8  }
0x15: {  	s13 =	sshrl.u32 s13, $0x3;
	[dreg:$0x15] =	wrdreg s10  }
0x16: {  	s22 =	sadd.s32 $0x2400, s21;
	[dreg:$0x16] =	wrdreg s13  }
0x17: {  	s23 =	sadd.s32 $0x3600, s21;
	[dreg:$0x1a] =	wrdreg s22  }
0x18: {  	s24 =	sadd.s32 $0x4800, s21;
	[dreg:$0x1b] =	wrdreg s23  }
0x19: {  	s25 =	sadd.s32 $0x5A00, s21;
	[dreg:$0x1c] =	wrdreg s24  }
0x1a: {  	s12 =	sadd.s32 s14, s12;
	s26 =	sadd.s32 $0x6C00, s21;
	[dreg:$0x1d] =	wrdreg s25  }
0x1b: {  	s11 =	sadd.s32 $0x70, s21;
	s30 =	sadd.s32 $0x7E00, s21;
	[dreg:$0x1e] =	wrdreg s26  }
0x1c: {  	s20 =	sshll.u32 s12, $0x4;
	s0 =	sshrl.u32 s11, $0x3;
	[dreg:$0x1f] =	wrdreg s30  }
0x1d: {  	s15 =	sadd.s32 s9, s20;
	s20 =	sadd.s32 $0x1200, s21;
	[dreg:$0x17] =	wrdreg s0  }
0x1e: {  	s4 =	sadd.s32 $0x9000, s21;
	[dreg:$0x19] =	wrdreg s20  }
0x1f: {  	s5 =	sadd.s32 $0xA200, s21;
	[smem:$0x7EF] =	sst s4  }
0x20: {  	s6 =	sadd.s32 $0xB400, s21;
	[smem:$0x7F0] =	sst s5  }
0x21: {  	s8 =	sadd.s32 $0xC600, s21;
	[smem:$0x7F1] =	sst s6  }
0x22: {  	s28 =	simm.s32 $0x1;
	s10 =	sadd.s32 $0xD800, s21;
	[smem:$0x7F2] =	sst s8  }
0x23: {  	s29 =	simm.s32 $0x2;
	s11 =	sadd.s32 $0xEA00, s21;
	[smem:$0x7F3] =	sst s10  }
0x24: {  	s31 =	simm.s32 $0x7;
	s13 =	sadd.s32 $0xFC00, s21;
	[smem:$0x7F4] =	sst s11  }
0x25: {  	s16 =	smul.u32 $0x48, s12;
	s22 =	sadd.s32 $0x13200, s21;
	[smem:$0x7F5] =	sst s13  }
0x26: {  	s19 =	smul.u32 $0xC00, s12;
	s23 =	sadd.s32 $0x14400, s21;
	[smem:$0x7F8] =	sst s22  }
0x27: {  	s24 =	sadd.s32 $0x15600, s21;
	s16 =	sadd.s32 s1, s16;
	[smem:$0x7F9] =	sst s23  }
0x28: {  	s17 =	sadd.s32 s7, s19;
	s19 =	sadd.s32 $0x80, s21;
	[smem:$0x7FA] =	sst s24  }
0x29: {  	s20 =	sadd.s32 $0x12000, s21;
	[dreg:$0xb] =	wrdreg s15;
	s25 =	sadd.s32 $0x100, s15  }
0x2a: {  	s22 =	simm.s32 $0x8;
	s5 =	simm.s32 $0x40;
	[smem:$0x7F7] =	sst s20  }
0x2b: {  	s6 =	simm.s32 $0x1BC80;
	s10 =	simm.s32 $0x1C0C0;
	[smem:$0x7FB] =	sst s25  }
0x2c: {  	s8 =	simm.s32 $0x3;
	s11 =	simm.s32 $0x20;
	[dreg:$0xc] =	wrdreg s16  }
0x2d: {  	s15 =	simm.s32 $0x1D700;
	s0 =	sshrl.u32 s19, $0x3;
	[dreg:$0xd] =	wrdreg s17  }
.Ltmp0:
0x2e: {  	s19 =	sadd.s32 $0x10E00, s21;
	[dreg:$0x18] =	wrdreg s0;
	(pc) =	sbr.rel .LBB2_1-.Ltmp0, $4  }
0x2f: {  	s26 =	sadd.s32 $0x480, s16;
	s30 =	sadd.s32 $0xC000, s17;
	[smem:$0x7F6] =	sst s19  }
0x30: {  	s17 =	simm.s32 $0x1C4E0;
	s16 =	simm.s32 $0x4;
	[smem:$0x7FC] =	sst s26  }
0x31: {  	s20 =	simm.s32 $0x6;
	[smem:$0x7FD] =	sst s30;
	s26 =	ssub.s32 $0x4E2, s14  }
0x32: {  	s0 =	simm.s32 $0x1C500;
	s14 =	simm.s32 $0x1C4C0;
	s19 =	simm.s32 $0x5  }
.LBB2_27:
0x33: {  	s18 =	rddreg [dreg:$0x5]  }
0x34: {  	s4 =	rddreg [dreg:$0xf];
	s18 =	sadd.s32 $0x1, s18  }
0x35: {  	p0 =	sne.s32 s18, s4  }
.Ltmp1:
0x36: {  	_ = 	snop;
	(pc) =	sbr.rel @!p0 .LBB2_28-.Ltmp1, $1  }
0x37: {  	_ =	sdelay $0x3  }
.LBB2_1:
.Ltmp2:
0x38: {  	(pc) =	sbr.rel .LBB2_2-.Ltmp2, $2  }
0x39: {  	_ =	sdelay $0x2  }
0x3a: {  	[dreg:$0x5] =	wrdreg s18;
	s4 =	simm.s32 $0x0  }
.LBB2_26:
0x3b: {  	s13 =	sld [smem:$0x7EE];
	_ =	sdelay $0x1  }
0x3c: {  	s4 =	rddreg [dreg:$0xe];
	[bflag:$0x0] =	sbarrier.arrive $0xFFFF  }
0x3d: {  	s24 =	rddreg [dreg:$0x9];
	s4 =	sadd.s32 s4, s13  }
0x3e: {  	s22 =	simm.s32 $0x8;
	s21 =	rddreg [dreg:$0xa];
	s4 =	sshrl.u32 s4, $0x4  }
0x3f: {  	s25 =	sshrl.u32 s21, $0x3;
	s4 =	sadd.s32 s24, s4;
	s24 =	simm.s32 $0x12  }
0x40: {  	[hbm:s4@s22], [sflag:s23] =	dma.strided [spmem:s25@s24], $0x4E2, s28, $0x2   }
0x41: {  	_ =	swait.ge [sflag:s31], $0x4E2  }
0x42: {  	[sflag:s31] =	ssyncset.done $0x0  }
0x43: {  	s30 =	sadd.s32 $0x13880, s4;
	s18 =	rddreg [dreg:$0x11];
	[sflag:s31] =	ssyncadd.s32 $0xFFFFFB1E  }
0x44: {  	[hbm:s30@s22], [sflag:s23] =	dma.strided [spmem:s18@s24], $0x4E2, s28, $0x2   }
0x45: {  	_ =	swait.ge [sflag:s31], $0x4E2  }
0x46: {  	[sflag:s31] =	ssyncset.done $0x0  }
0x47: {  	s25 =	sadd.s32 $0x27100, s4;
	s30 =	rddreg [dreg:$0x12];
	[sflag:s31] =	ssyncadd.s32 $0xFFFFFB1E  }
0x48: {  	[hbm:s25@s22], [sflag:s23] =	dma.strided [spmem:s30@s24], $0x4E2, s28, $0x2   }
0x49: {  	_ =	swait.ge [sflag:s31], $0x4E2  }
0x4a: {  	[sflag:s31] =	ssyncset.done $0x0  }
0x4b: {  	s25 =	sadd.s32 $0x3A980, s4;
	s30 =	rddreg [dreg:$0x13];
	[sflag:s31] =	ssyncadd.s32 $0xFFFFFB1E  }
0x4c: {  	[hbm:s25@s22], [sflag:s23] =	dma.strided [spmem:s30@s24], $0x4E2, s28, $0x2   }
0x4d: {  	_ =	swait.ge [sflag:s31], $0x4E2  }
0x4e: {  	[sflag:s31] =	ssyncset.done $0x0  }
0x4f: {  	s25 =	sadd.s32 $0x4E200, s4;
	s30 =	rddreg [dreg:$0x14];
	[sflag:s31] =	ssyncadd.s32 $0xFFFFFB1E  }
0x50: {  	[hbm:s25@s22], [sflag:s23] =	dma.strided [spmem:s30@s24], $0x4E2, s28, $0x2   }
0x51: {  	_ =	swait.ge [sflag:s31], $0x4E2  }
0x52: {  	[sflag:s31] =	ssyncset.done $0x0  }
0x53: {  	s25 =	sadd.s32 $0x61A80, s4;
	s30 =	rddreg [dreg:$0x15];
	[sflag:s31] =	ssyncadd.s32 $0xFFFFFB1E  }
0x54: {  	[hbm:s25@s22], [sflag:s23] =	dma.strided [spmem:s30@s24], $0x4E2, s28, $0x2   }
0x55: {  	_ =	swait.ge [sflag:s31], $0x4E2  }
0x56: {  	[sflag:s31] =	ssyncset.done $0x0  }
0x57: {  	s25 =	sadd.s32 $0x75300, s4;
	s30 =	rddreg [dreg:$0x16];
	[sflag:s31] =	ssyncadd.s32 $0xFFFFFB1E  }
0x58: {  	[hbm:s25@s22], [sflag:s23] =	dma.strided [spmem:s30@s24], $0x4E2, s28, $0x2   }
0x59: {  	_ =	swait.ge [sflag:s31], $0x4E2  }
0x5a: {  	[sflag:s31] =	ssyncset.done $0x0  }
0x5b: {  	s25 =	sadd.s32 $0x88B80, s4;
	s30 =	rddreg [dreg:$0x17];
	[sflag:s31] =	ssyncadd.s32 $0xFFFFFB1E  }
0x5c: {  	[hbm:s25@s22], [sflag:s23] =	dma.strided [spmem:s30@s24], $0x4E2, s28, $0x2   }
0x5d: {  	_ =	swait.ge [sflag:s31], $0x4E2  }
0x5e: {  	[sflag:s31] =	ssyncset.done $0x0  }
0x5f: {  	s4 =	sadd.s32 $0x9C400, s4;
	s25 =	rddreg [dreg:$0x18];
	[sflag:s31] =	ssyncadd.s32 $0xFFFFFB1E  }
0x60: {  	[hbm:s4@s22], [sflag:s23] =	dma.strided [spmem:s25@s24], $0x4E2, s28, $0x2   }
0x61: {  	_ =	swait.ge [sflag:s31], $0x4E2  }
0x62: {  	s30 =	sld [smem:$0x7ED];
	_ =	sdelay $0x2  }
0x63: {  	s4 =	sadd.s32 $0x1, s30  }
0x64: {  	p0 =	sne.s32 s4, $0x4  }
.Ltmp3:
0x65: {  	_ = 	snop;
	(pc) =	sbr.rel @!p0 .LBB2_27-.Ltmp3, $3  }
0x66: {  	_ =	sdelay $0x1  }
0x67: {  	[sflag:s31] =	ssyncset.done $0x0  }
0x68: {  	[sflag:s31] =	ssyncadd.s32 $0xFFFFFB1E  }
.LBB2_2:
0x69: {  	[smem:$0x7ED] =	sst s4  }
0x6a: {  	s13 =	sshll.u32 s4, $0x5;
	s25 =	rddreg [dreg:$0x7]  }
0x6b: {  	s30 =	stileid.u32;
	s18 =	rddreg [dreg:$0x6];
	s4 =	sor.u32 s25, s13  }
0x6c: {  	[smem:$0x7EE] =	sst s13;
	s13 =	sshll.u32 s30, $0x6;
	s4 =	sshrl.u32 s4, $0x4  }
0x6d: {  	s23 =	sor.u32 $0x1C07, s13;
	s4 =	sadd.s32 s18, s4;
	s18 =	rddreg [dreg:$0x10]  }
0x6e: {  	[spmem:s18@s29], [sflag:s23] =	dma.strided [hbm:s4@s22], $0x4E2, s28, $0x2   }
0x6f: {  	_ =	swait.ge [sflag:s31], $0x4E2  }
0x70: {  	[sflag:s31] =	ssyncset.done $0x0  }
0x71: {  	s25 =	simm.s32 $0x0;
	s24 =	rddreg [dreg:$0x8];
	[sflag:s31] =	ssyncadd.s32 $0xFFFFFB1E  }
0x72: {  	[tilespmem:s0], [sflag:$0x7] =	stream.linear.gather [hbm4b:s24+s25], $0x1200, $0x38;
	[tilespmem:$0x1E900] =	vst v63  }
0x73: {  	_ =	swait.ge [sflag:s31], $0x1200  }
0x74: {  	[sflag:s31] =	ssyncset.done $0x0  }
0x75: {  	[sflag:s31] =	ssyncadd.s32 $0xFFFFEE00  }
0x76: {  	[spmem:s21] =	stream.linear.scatter [tilespmem:s0], [sflag:$0x7], $0x1200, $0x38;
	[tilespmem:$0x1E900] =	vst v63  }
0x77: {  	_ =	swait.ge [sflag:s31], $0x1200  }
0x78: {  	[sflag:s31] =	ssyncset.done $0x0  }
0x79: {  	s30 =	rddreg [dreg:$0x19];
	[sflag:s31] =	ssyncadd.s32 $0xFFFFEE00  }
0x7a: {  	[spmem:s30] =	stream.linear.scatter [tilespmem:s0], [sflag:$0x7], $0x1200, $0x38;
	[tilespmem:$0x1E900] =	vst v63  }
0x7b: {  	_ =	swait.ge [sflag:s31], $0x1200  }
0x7c: {  	[sflag:s31] =	ssyncset.done $0x0  }
0x7d: {  	s13 =	rddreg [dreg:$0x1a];
	[sflag:s31] =	ssyncadd.s32 $0xFFFFEE00  }
0x7e: {  	[spmem:s13] =	stream.linear.scatter [tilespmem:s0], [sflag:$0x7], $0x1200, $0x38;
	[tilespmem:$0x1E900] =	vst v63  }
0x7f: {  	_ =	swait.ge [sflag:s31], $0x1200  }
0x80: {  	[sflag:s31] =	ssyncset.done $0x0  }
0x81: {  	s18 =	rddreg [dreg:$0x1b];
	[sflag:s31] =	ssyncadd.s32 $0xFFFFEE00  }
0x82: {  	[spmem:s18] =	stream.linear.scatter [tilespmem:s0], [sflag:$0x7], $0x1200, $0x38;
	[tilespmem:$0x1E900] =	vst v63  }
0x83: {  	_ =	swait.ge [sflag:s31], $0x1200  }
0x84: {  	[sflag:s31] =	ssyncset.done $0x0  }
0x85: {  	s21 =	rddreg [dreg:$0x1c];
	[sflag:s31] =	ssyncadd.s32 $0xFFFFEE00  }
0x86: {  	[spmem:s21] =	stream.linear.scatter [tilespmem:s0], [sflag:$0x7], $0x1200, $0x38;
	[tilespmem:$0x1E900] =	vst v63  }
0x87: {  	_ =	swait.ge [sflag:s31], $0x1200  }
0x88: {  	[sflag:s31] =	ssyncset.done $0x0  }
0x89: {  	s22 =	rddreg [dreg:$0x1d];
	[sflag:s31] =	ssyncadd.s32 $0xFFFFEE00  }
0x8a: {  	[spmem:s22] =	stream.linear.scatter [tilespmem:s0], [sflag:$0x7], $0x1200, $0x38;
	[tilespmem:$0x1E900] =	vst v63  }
0x8b: {  	_ =	swait.ge [sflag:s31], $0x1200  }
0x8c: {  	[sflag:s31] =	ssyncset.done $0x0  }
0x8d: {  	s24 =	rddreg [dreg:$0x1e];
	[sflag:s31] =	ssyncadd.s32 $0xFFFFEE00  }
0x8e: {  	[spmem:s24] =	stream.linear.scatter [tilespmem:s0], [sflag:$0x7], $0x1200, $0x38;
	[tilespmem:$0x1E900] =	vst v63  }
0x8f: {  	_ =	swait.ge [sflag:s31], $0x1200  }
0x90: {  	[sflag:s31] =	ssyncset.done $0x0  }
0x91: {  	s30 =	rddreg [dreg:$0x1f];
	[sflag:s31] =	ssyncadd.s32 $0xFFFFEE00  }
0x92: {  	[spmem:s30] =	stream.linear.scatter [tilespmem:s0], [sflag:$0x7], $0x1200, $0x38;
	[tilespmem:$0x1E900] =	vst v63  }
0x93: {  	_ =	swait.ge [sflag:s31], $0x1200  }
0x94: {  	s13 =	sld [smem:$0x7EF]  }
0x95: {  	[sflag:s31] =	ssyncset.done $0x0  }
0x96: {  	[sflag:s31] =	ssyncadd.s32 $0xFFFFEE00  }
0x97: {  	[spmem:s13] =	stream.linear.scatter [tilespmem:s0], [sflag:$0x7], $0x1200, $0x38;
	[tilespmem:$0x1E900] =	vst v63  }
0x98: {  	_ =	swait.ge [sflag:s31], $0x1200  }
0x99: {  	s18 =	sld [smem:$0x7F0]  }
0x9a: {  	[sflag:s31] =	ssyncset.done $0x0  }
0x9b: {  	[sflag:s31] =	ssyncadd.s32 $0xFFFFEE00  }
0x9c: {  	[spmem:s18] =	stream.linear.scatter [tilespmem:s0], [sflag:$0x7], $0x1200, $0x38;
	[tilespmem:$0x1E900] =	vst v63  }
0x9d: {  	_ =	swait.ge [sflag:s31], $0x1200  }
0x9e: {  	s21 =	sld [smem:$0x7F1]  }
0x9f: {  	[sflag:s31] =	ssyncset.done $0x0  }
0xa0: {  	[sflag:s31] =	ssyncadd.s32 $0xFFFFEE00  }
0xa1: {  	[spmem:s21] =	stream.linear.scatter [tilespmem:s0], [sflag:$0x7], $0x1200, $0x38;
	[tilespmem:$0x1E900] =	vst v63  }
0xa2: {  	_ =	swait.ge [sflag:s31], $0x1200  }
0xa3: {  	s22 =	sld [smem:$0x7F2]  }
0xa4: {  	[sflag:s31] =	ssyncset.done $0x0  }
0xa5: {  	[sflag:s31] =	ssyncadd.s32 $0xFFFFEE00  }
0xa6: {  	[spmem:s22] =	stream.linear.scatter [tilespmem:s0], [sflag:$0x7], $0x1200, $0x38;
	[tilespmem:$0x1E900] =	vst v63  }
0xa7: {  	_ =	swait.ge [sflag:s31], $0x1200  }
0xa8: {  	s24 =	sld [smem:$0x7F3]  }
0xa9: {  	[sflag:s31] =	ssyncset.done $0x0  }
0xaa: {  	[sflag:s31] =	ssyncadd.s32 $0xFFFFEE00  }
0xab: {  	[spmem:s24] =	stream.linear.scatter [tilespmem:s0], [sflag:$0x7], $0x1200, $0x38;
	[tilespmem:$0x1E900] =	vst v63  }
0xac: {  	_ =	swait.ge [sflag:s31], $0x1200  }
0xad: {  	s30 =	sld [smem:$0x7F4]  }
0xae: {  	[sflag:s31] =	ssyncset.done $0x0  }
0xaf: {  	[sflag:s31] =	ssyncadd.s32 $0xFFFFEE00  }
0xb0: {  	[spmem:s30] =	stream.linear.scatter [tilespmem:s0], [sflag:$0x7], $0x1200, $0x38;
	[tilespmem:$0x1E900] =	vst v63  }
0xb1: {  	_ =	swait.ge [sflag:s31], $0x1200  }
0xb2: {  	s13 =	sld [smem:$0x7F5]  }
0xb3: {  	[sflag:s31] =	ssyncset.done $0x0  }
0xb4: {  	[sflag:s31] =	ssyncadd.s32 $0xFFFFEE00  }
0xb5: {  	[spmem:s13] =	stream.linear.scatter [tilespmem:s0], [sflag:$0x7], $0x1200, $0x38;
	[tilespmem:$0x1E900] =	vst v63  }
0xb6: {  	_ =	swait.ge [sflag:s31], $0x1200  }
0xb7: {  	s18 =	sld [smem:$0x7F6]  }
0xb8: {  	[sflag:s31] =	ssyncset.done $0x0  }
0xb9: {  	[sflag:s31] =	ssyncadd.s32 $0xFFFFEE00  }
0xba: {  	[spmem:s18] =	stream.linear.scatter [tilespmem:s0], [sflag:$0x7], $0x1200, $0x38;
	[tilespmem:$0x1E900] =	vst v63  }
0xbb: {  	_ =	swait.ge [sflag:s31], $0x1200  }
0xbc: {  	s21 =	sld [smem:$0x7F7]  }
0xbd: {  	[sflag:s31] =	ssyncset.done $0x0  }
0xbe: {  	[sflag:s31] =	ssyncadd.s32 $0xFFFFEE00  }
0xbf: {  	[spmem:s21] =	stream.linear.scatter [tilespmem:s0], [sflag:$0x7], $0x1200, $0x38;
	[tilespmem:$0x1E900] =	vst v63  }
0xc0: {  	_ =	swait.ge [sflag:s31], $0x1200  }
0xc1: {  	s22 =	sld [smem:$0x7F8]  }
0xc2: {  	[sflag:s31] =	ssyncset.done $0x0  }
0xc3: {  	[sflag:s31] =	ssyncadd.s32 $0xFFFFEE00  }
0xc4: {  	[spmem:s22] =	stream.linear.scatter [tilespmem:s0], [sflag:$0x7], $0x1200, $0x38;
	[tilespmem:$0x1E900] =	vst v63  }
0xc5: {  	_ =	swait.ge [sflag:s31], $0x1200  }
0xc6: {  	s24 =	sld [smem:$0x7F9]  }
0xc7: {  	[sflag:s31] =	ssyncset.done $0x0  }
0xc8: {  	[sflag:s31] =	ssyncadd.s32 $0xFFFFEE00  }
0xc9: {  	[spmem:s24] =	stream.linear.scatter [tilespmem:s0], [sflag:$0x7], $0x1200, $0x38;
	[tilespmem:$0x1E900] =	vst v63  }
0xca: {  	_ =	swait.ge [sflag:s31], $0x1200  }
0xcb: {  	s30 =	sld [smem:$0x7FA]  }
0xcc: {  	[sflag:s31] =	ssyncset.done $0x0  }
0xcd: {  	[sflag:s31] =	ssyncadd.s32 $0xFFFFEE00  }
0xce: {  	[spmem:s30] =	stream.linear.scatter [tilespmem:s0], [sflag:$0x7], $0x990, $0x38;
	[tilespmem:$0x1E900] =	vst v63  }
0xcf: {  	_ =	swait.ge [sflag:s31], $0x990  }
0xd0: {  	[sflag:s31] =	ssyncset.done $0x0  }
0xd1: {  	[sflag:s31] =	ssyncadd.s32 $0xFFFFF670  }
0xd2: {  	[bflag:$0x0] =	sbarrier.arrive $0xFFFF  }
0xd3: {  	s13 =	rddreg [dreg:$0xb]  }
0xd4: {  	s18 =	simm.s32 $0x186A0;
	s21 =	rddreg [dreg:$0xc]  }
0xd5: {  	[tilespmem:s18], [sflag:$0x1] =	stream.linear.gather [hbm4b:s13+s25], $0x80, $0x38;
	[tilespmem:$0x1E900] =	vst v63  }
0xd6: {  	s22 =	simm.s32 $0x187A0;
	s30 =	simm.s32 $0x18C40;
	s24 =	rddreg [dreg:$0xd]  }
0xd7: {  	[tilespmem:s22], [sflag:$0x1] =	stream.linear.gather [hbm4b:s21+s25], $0x240, $0x38;
	[tilespmem:$0x1E900] =	vst v63  }
0xd8: {  	s13 =	simm.s32 $0x60;
	s18 =	simm.s32 $0x180;
	s21 =	sld [smem:$0x7FB]  }
0xd9: {  	[tilespmem:s30], [sflag:$0x1] =	stream.strided.gather [hbm4b:s24+s13], $0x1800, s18, s13, $0x38;
	[tilespmem:$0x1E900] =	vst v63  }
0xda: {  	s22 =	simm.s32 $0x18720;
	s24 =	sld [smem:$0x7FC]  }
0xdb: {  	[tilespmem:s22], [sflag:$0x2] =	stream.linear.gather [hbm4b:s21+s25], $0x80, $0x38;
	[tilespmem:$0x1E900] =	vst v63  }
0xdc: {  	s30 =	simm.s32 $0x189F0;
	s21 =	sld [smem:$0x7FD]  }
0xdd: {  	[tilespmem:s30], [sflag:$0x2] =	stream.linear.gather [hbm4b:s24+s25], $0x240, $0x38;
	[tilespmem:$0x1E900] =	vst v63  }
0xde: {  	s22 =	simm.s32 $0x1A440  }
0xdf: {  	[tilespmem:s22], [sflag:$0x2] =	stream.strided.gather [hbm4b:s21+s13], $0x1800, s18, s13, $0x38;
	[tilespmem:$0x1E900] =	vst v63  }
0xe0: {  	_ =	swait.ge [sflag:s28], $0x80  }
0xe1: {  	[sflag:s28] =	ssyncset.done $0x0  }
0xe2: {  	[sflag:s28] =	ssyncadd.s32 $0xFFFFFF80  }
0xe3: {  	_ =	swait.ge [sflag:s28], $0x240  }
0xe4: {  	[sflag:s28] =	ssyncset.done $0x0  }
0xe5: {  	[sflag:s28] =	ssyncadd.s32 $0xFFFFFDC0  }
0xe6: {  	_ =	swait.ge [sflag:s28], $0x1800  }
0xe7: {  	[sflag:s28] =	ssyncset.done $0x0  }
0xe8: {  	[sflag:s28] =	ssyncadd.s32 $0xFFFFE800  }
0xe9: {  	v0 =	vld [tilespmem:$0x186A0]  }
0xea: {  	v1 =	vld [tilespmem:$0x186B0]  }
0xeb: {  	v2 =	vld [tilespmem:$0x186C0]  }
0xec: {  	v3 =	vld [tilespmem:$0x186D0];
	_ =	sdelay $0x1  }
.Ltmp4:
0xed: {  	[tilespmem:$0x1BC40] =	vst v0;
	(pc) =	sbr.rel .LBB2_3-.Ltmp4, $4  }
0xee: {  	[tilespmem:$0x1BC50] =	vst v1  }
0xef: {  	[tilespmem:$0x1BC60] =	vst v2  }
0xf0: {  	s24 =	simm.s32 $0x1BC40;
	s30 =	simm.s32 $0x1BCC0;
	[tilespmem:$0x1BC70] =	vst v3  }
0xf1: {  	[tilespmem:s30], [sflag:$0x3] =	stream.indirect.gather [spmem:s2], $0x10, s24, s5, $0xb8;
	[tilespmem:$0x1E900] =	vst v63  }
.LBB2_24:
0xf2: {  	v31 =	vmul.f32 v21, v31  }
0xf3: {  	v39 =	vmul.f32 v7, v16;
	v50 =	vmul.f32 v29, v16;
	v54 =	vpack.i.f32.bf16 v36, v37  }
0xf4: {  	v6 =	vmul.f32 v33, v6;
	[tilespmem:s13+$0xFFFFFFC0] =	vst v54;
	v31 =	vpack.i.f32.bf16 v34, v31  }
0xf5: {  	v30 =	vmul.f32 v33, v30;
	v16 =	vpack.i.f32.bf16 v39, v50;
	[tilespmem:s13+$0x30] =	vst v31  }
0xf6: {  	v18 =	vmul.f32 v33, v18;
	v6 =	vpack.i.f32.bf16 v26, v6;
	[tilespmem:s13+$0xFFFFFFF0] =	vst v16  }
0xf7: {  	v58 =	vmul.f32 v21, v22;
	v53 =	vpack.i.f32.bf16 v27, v30;
	[tilespmem:s13+$0x80] =	vst v6  }
0xf8: {  	v1 =	vmul.f32 v29, v1;
	v55 =	vpack.i.f32.bf16 v28, v18;
	[tilespmem:s13+$0x60] =	vst v53  }
0xf9: {  	v3 =	vmul.f32 v33, v3;
	v59 =	vpack.i.f32.bf16 v14, v58;
	[tilespmem:s13+$0x70] =	vst v55  }
0xfa: {  	v0 =	vmul.f32 v21, v0;
	v1 =	vpack.i.f32.bf16 v20, v1;
	[tilespmem:s13+$0x20] =	vst v59  }
0xfb: {  	v38 =	vmul.f32 v38, v23;
	v4 =	vmul.f32 v33, v4;
	v60 =	vpack.i.f32.bf16 v9, v3;
	[tilespmem:s13+$0xFFFFFFE0] =	vst v1  }
0xfc: {  	v51 =	vmul.f32 v35, v23;
	v61 =	vmul.f32 v7, v13;
	v0 =	vpack.i.f32.bf16 v10, v0;
	[tilespmem:s13+$0x50] =	vst v60  }
0xfd: {  	v8 =	vmul.f32 v38, v8;
	v62 =	vpack.i.f32.bf16 v2, v4;
	[tilespmem:s13+$0x10] =	vst v0  }
0xfe: {  	v15 =	vmul.f32 v51, v15;
	v63 =	vpack.i.f32.bf16 v61, v12;
	[tilespmem:s13+$0x40] =	vst v62  }
0xff: {  	v5 =	vmul.f32 v51, v5;
	[tilespmem:s13+$0xFFFFFFD0] =	vst v63;
	v8 =	vpack.i.f32.bf16 v19, v8  }
0x100: {  	v52 =	vmul.f32 v51, v24;
	v15 =	vpack.i.f32.bf16 v17, v15;
	[tilespmem:s13+$0xFFFFFF70] =	vst v8  }
0x101: {  	v56 =	vmul.f32 v29, v32;
	v57 =	vmul.f32 v7, v32;
	v5 =	vpack.i.f32.bf16 v11, v5;
	[tilespmem:s13+$0xFFFFFFA0] =	vst v15  }
0x102: {  	v8 =	vpack.i.f32.bf16 v25, v52;
	[tilespmem:s13+$0xFFFFFF90] =	vst v5  }
0x103: {  	[tilespmem:s13+$0xFFFFFF80] =	vst v8;
	v8 =	vpack.i.f32.bf16 v57, v56  }
0x104: {  	[tilespmem:s13+$0xFFFFFFB0] =	vst v8  }
0x105: {  	[spmem:s3] =	stream.indirect.scatter.add.bf16 [tilespmem:s15], [sflag:$0x6], $0x90, s17, s11, $0xb8;
	[tilespmem:$0x1E900] =	vst v63  }
.LBB2_25:
0x106: {  	s4 =	sadd.s32 $0x50, s18  }
0x107: {  	p0 =	sge.u32 s4, s26  }
0x108: {  	s25 =	sadd.s32 $0x1, s25;
	s4 =	sadd.s32 @!p0 s12, s4  }
0x109: {  	s18 =	simm.s32 @!p0 $0x0;
	s13 =	sshll.u32 @!p0 s4, $0x4;
	s22 =	smul.u32 @!p0 $0x48, s4  }
0x10a: {  	s21 =	simm.s32 @!p0 $0x18720;
	s4 =	smul.u32 @!p0 $0xC00, s4;
	s13 =	sadd.s32 @!p0 s9, s13  }
0x10b: {  	[tilespmem:s21], [sflag:$0x2] =	stream.linear.gather @!p0 [hbm4b:s13+s18], $0x80, $0x38;
	[tilespmem:$0x1E900] =	vst v63  }
0x10c: {  	s13 =	sadd.s32 @!p0 s1, s22;
	s21 =	simm.s32 @!p0 $0x189F0;
	s4 =	sadd.s32 @!p0 s7, s4  }
0x10d: {  	[tilespmem:s21], [sflag:$0x2] =	stream.linear.gather @!p0 [hbm4b:s13+s18], $0x240, $0x38;
	[tilespmem:$0x1E900] =	vst v63  }
0x10e: {  	s13 =	simm.s32 @!p0 $0x60;
	s18 =	simm.s32 @!p0 $0x180;
	s21 =	simm.s32 @!p0 $0x1A440  }
0x10f: {  	[tilespmem:s21], [sflag:$0x2] =	stream.strided.gather @!p0 [hbm4b:s4+s13], $0x1800, s18, s13, $0x38;
	[tilespmem:$0x1E900] =	vst v63  }
0x110: {  	p0 =	sne.s32 s25, $0x14  }
.Ltmp5:
0x111: {  	_ = 	snop;
	(pc) =	sbr.rel @!p0 .LBB2_26-.Ltmp5, $1  }
0x112: {  	_ =	sdelay $0x3  }
.LBB2_3:
0x113: {  	_ =	swait.ge [sflag:s29], $0x80  }
0x114: {  	[sflag:s29] =	ssyncset.done $0x0  }
0x115: {  	[sflag:s29] =	ssyncadd.s32 $0xFFFFFF80  }
0x116: {  	_ =	swait.ge [sflag:s29], $0x240  }
0x117: {  	[sflag:s29] =	ssyncset.done $0x0  }
0x118: {  	[sflag:s29] =	ssyncadd.s32 $0xFFFFFDC0  }
0x119: {  	_ =	swait.ge [sflag:s29], $0x1800  }
0x11a: {  	[sflag:s29] =	ssyncset.done $0x0  }
0x11b: {  	[sflag:s29] =	ssyncadd.s32 $0xFFFFE800  }
0x11c: {  	v0 =	vld [tilespmem:$0x18720]  }
0x11d: {  	v1 =	vld [tilespmem:$0x18730]  }
0x11e: {  	v2 =	vld [tilespmem:$0x18740]  }
0x11f: {  	v3 =	vld [tilespmem:$0x18750];
	_ =	sdelay $0x1  }
0x120: {  	[tilespmem:$0x1BC80] =	vst v0  }
0x121: {  	[tilespmem:$0x1BC90] =	vst v1  }
0x122: {  	[tilespmem:$0x1BCA0] =	vst v2  }
0x123: {  	[tilespmem:$0x1BCB0] =	vst v3  }
0x124: {  	[tilespmem:s10], [sflag:$0x4] =	stream.indirect.gather [spmem:s2], $0x10, s6, s5, $0xb8;
	[tilespmem:$0x1E900] =	vst v63  }
0x125: {  	_ =	swait.ge [sflag:s8], $0x400  }
0x126: {  	p0 =	seq.s32 s25, $0x0;
	[sflag:s8] =	ssyncset.done $0x0  }
0x127: {  	s4 =	simm.s32 @!p0 $0x5;
	[sflag:s8] =	ssyncadd.s32 $0xFFFFFC00  }
0x128: {  	_ =	swait.ge @!p0 [sflag:s4], $0x1200  }
0x129: {  	[sflag:s4] =	ssyncset.done @!p0 $0x0  }
0x12a: {  	[sflag:s4] =	ssyncadd.s32 @!p0 $0xFFFFEE00  }
0x12b: {  	v0 =	vld [tilespmem:$0x186E0]  }
0x12c: {  	v1 =	vld [tilespmem:$0x186F0];
	_ =	sdelay $0x3  }
0x12d: {  	[tilespmem:$0x1C4C0] =	vst v0  }
0x12e: {  	s13 =	simm.s32 $0x187A9;
	[tilespmem:$0x1C4D0] =	vst v1  }
0x12f: {  	v9 =	vld [tilespmem:s13+$0x0];
	_ =	sdelay $0x1  }
0x130: {  	s4 =	simm.s32 $0x18CA0;
	v12 =	vld [tilespmem:s13+$0xFFFFFFF7]  }
0x131: {  	s18 =	simm.s32 $0x1BCD0;
	v2 =	vld [tilespmem:s4+$0xFFFFFFB0]  }
0x132: {  	v10 =	vld [tilespmem:s18+$0xFFFFFFF0]  }
0x133: {  	v7 =	vld [tilespmem:s18+$0x0];
	v0 =	vbroadcast v9, $0x1;
	v6 =	vbroadcast v9, $0x8  }
0x134: {  	v11 =	vld [tilespmem:s4+$0x0];
	v14 =	vbroadcast v9, $0x0;
	v3 =	vbroadcast v9, $0x5  }
0x135: {  	v13 =	vld [tilespmem:s4+$0xFFFFFFF0];
	v8 =	vbroadcast v12, $0x0;
	v5 =	vbroadcast v12, $0x2  }
0x136: {  	v15 =	vld [tilespmem:s4+$0x50];
	v1 =	vbroadcast v12, $0x7;
	v16 =	vbroadcast v12, $0x8  }
0x137: {  	v17 =	vld [tilespmem:s4+$0x10];
	v35 =	vbroadcast v12, $0x5;
	v4 =	vbroadcast v9, $0x4  }
0x138: {  	v23 =	vld [tilespmem:s4+$0xFFFFFFD0];
	v31 =	vbroadcast v9, $0x3;
	v18 =	vbroadcast v9, $0x7  }
0x139: {  	v24 =	vld [tilespmem:s4+$0x30];
	v33 =	vunpack.i.l.bf16.f32 v7;
	v22 =	vbroadcast v9, $0x2;
	v30 =	vbroadcast v9, $0x6  }
0x13a: {  	v29 =	vld [tilespmem:s4+$0xFFFFFFE0];
	v20 =	vunpack.i.u.bf16.f32 v10;
	v32 =	vbroadcast v12, $0x4;
	v11 =	vmul.f32 v11, v33  }
0x13b: {  	v21 =	vunpack.i.u.bf16.f32 v7;
	v7 =	vmul.f32 v13, v20;
	v2 =	vmul.f32 v2, v20  }
0x13c: {  	v28 =	vmul.f32 v15, v21;
	v13 =	vbroadcast v12, $0x6  }
0x13d: {  	v17 =	vmul.f32 v17, v21;
	v20 =	vmul.f32 v23, v20  }
0x13e: {  	v15 =	vbroadcast v12, $0x3;
	v21 =	vmul.f32 v24, v21;
	v23 =	vunpack.i.l.bf16.f32 v10  }
0x13f: {  	v24 =	vbroadcast v12, $0x1;
	v29 =	vmul.f32 v29, v23  }
0x140: {  	v19 =	vmul.f32 v2, v8;
	v37 =	vmul.f32 v11, v14  }
0x141: {  	v36 =	vld [tilespmem:s4+$0x20];
	v2 =	vmul.f32 v28, v4;
	v26 =	vmul.f32 v28, v6  }
0x142: {  	v11 =	vmul.f32 v20, v5;
	v38 =	vmul.f32 v17, v14  }
0x143: {  	v39 =	vld [tilespmem:s4+$0x40];
	v34 =	vmul.f32 v21, v31;
	v27 =	vmul.f32 v28, v30  }
0x144: {  	v17 =	vmul.f32 v20, v15;
	v14 =	vmul.f32 v21, v22  }
0x145: {  	v25 =	vmul.f32 v20, v24;
	v9 =	vmul.f32 v28, v3  }
0x146: {  	v10 =	vmul.f32 v21, v0;
	v21 =	vmul.f32 v36, v33  }
0x147: {  	v36 =	vmul.f32 v7, v35;
	v28 =	vmul.f32 v28, v18;
	v12 =	vpack.i.f32.bf16 v38, v37;
	v38 =	vld [tilespmem:s4+$0xFFFFFFA0]  }
0x148: {  	s24 =	simm.s32 $0x1C590;
	s21 =	simm.s32 $0x0;
	s30 =	simm.s32 $0x1BCF0;
	v20 =	vmul.f32 v7, v1;
	v33 =	vmul.f32 v39, v33  }
0x149: {  	s22 =	simm.s32 $0x187BB;
	s18 =	sshll.u32 s25, $0x6;
	s13 =	simm.s32 $0x1C590;
	v37 =	vmul.f32 v29, v35;
	v35 =	vld [tilespmem:s4+$0xFFFFFFC0];
	[tilespmem:s24+$0x0] =	vst v12;
	v12 =	vmul.f32 v29, v13  }
.LBB2_4:
0x14a: {  	v39 =	vld [tilespmem:s22+$0x0];
	s21 =	sadd.s32 $0x2, s21;
	v40 =	vmul.f32 v29, v32;
	v41 =	vmul.f32 v7, v16;
	s4 =	sadd.s32 $0xC0, s4;
	s24 =	sadd.s32 $0x120, s24  }
0x14b: {  	v16 =	vmul.f32 v29, v16;
	v31 =	vmul.f32 v21, v31;
	v42 =	vld [tilespmem:s4+$0xFFFFFFB0];
	p1 =	slt.u32 s21, $0x1E  }
0x14c: {  	v44 =	vmul.f32 v33, v6;
	v43 =	vld [tilespmem:s4+$0xFFFFFFD0];
	v38 =	vmul.f32 v38, v23  }
0x14d: {  	v36 =	vpack.i.f32.bf16 v36, v37;
	v37 =	vmul.f32 v7, v13;
	v22 =	vmul.f32 v21, v22;
	v45 =	vld [tilespmem:s30+$0xFFFFFFF0]  }
0x14e: {  	v13 =	vmul.f32 v33, v30;
	v6 =	vpack.i.f32.bf16 v34, v31;
	v46 =	vld [tilespmem:s22+$0xFFFFFFF7];
	v8 =	vmul.f32 v38, v8  }
0x14f: {  	v16 =	vpack.i.f32.bf16 v41, v16;
	v34 =	vmul.f32 v33, v3;
	v30 =	vld [tilespmem:s30+$0x0];
	v31 =	vbroadcast v39, $0x1;
	[tilespmem:s13+$0x30] =	vst v6  }
0x150: {  	v7 =	vmul.f32 v7, v32;
	v6 =	vbroadcast v39, $0x8;
	v38 =	vld [tilespmem:s4+$0x0];
	v3 =	vpack.i.f32.bf16 v19, v8;
	[tilespmem:s13+$0xFFFFFFF0] =	vst v16  }
0x151: {  	v18 =	vmul.f32 v33, v18;
	v32 =	vbroadcast v39, $0x0;
	v16 =	vpack.i.f32.bf16 v26, v44;
	v41 =	vld [tilespmem:s4+$0xFFFFFFE0];
	[tilespmem:s13+$0xFFFFFF70] =	vst v3  }
0x152: {  	v33 =	vmul.f32 v33, v4;
	v3 =	vbroadcast v39, $0x5;
	v26 =	vunpack.i.u.bf16.f32 v45  }
0x153: {  	v19 =	vmul.f32 v35, v23;
	v23 =	vpack.i.f32.bf16 v7, v40;
	v8 =	vbroadcast v46, $0x0;
	v44 =	vld [tilespmem:s4+$0x20]  }
0x154: {  	v29 =	vmul.f32 v29, v1;
	v35 =	vbroadcast v46, $0x2;
	v7 =	vld [tilespmem:s4+$0xFFFFFFF0];
	v40 =	vunpack.i.l.bf16.f32 v30  }
0x155: {  	v4 =	vpack.i.f32.bf16 v27, v13;
	v24 =	vmul.f32 v19, v24;
	v1 =	vbroadcast v46, $0x7;
	v47 =	vld [tilespmem:s4+$0x50];
	[tilespmem:s13+$0x80] =	vst v16  }
0x156: {  	v13 =	vmul.f32 v19, v15;
	v27 =	vunpack.i.u.bf16.f32 v30;
	v16 =	vbroadcast v46, $0x8;
	v30 =	vld [tilespmem:s4+$0x10];
	[tilespmem:s13+$0x60] =	vst v4  }
0x157: {  	v48 =	vbroadcast v46, $0x5;
	v15 =	vpack.i.f32.bf16 v25, v24;
	v4 =	vbroadcast v39, $0x4;
	[tilespmem:s13+$0xFFFFFFC0] =	vst v36  }
0x158: {  	v5 =	vmul.f32 v19, v5;
	v24 =	vmul.f32 v38, v40;
	[tilespmem:s13+$0xFFFFFF80] =	vst v15;
	v15 =	vpack.i.f32.bf16 v28, v18  }
0x159: {  	v13 =	vpack.i.f32.bf16 v17, v13;
	v17 =	vmul.f32 v21, v0;
	v7 =	vmul.f32 v7, v26;
	[tilespmem:s13+$0x70] =	vst v15  }
0x15a: {  	v11 =	vpack.i.f32.bf16 v11, v5;
	v15 =	vmul.f32 v42, v26;
	v28 =	vmul.f32 v47, v27;
	[tilespmem:s13+$0xFFFFFFA0] =	vst v13  }
0x15b: {  	v22 =	vpack.i.f32.bf16 v14, v22;
	v0 =	vmovc v31;
	v13 =	vbroadcast v46, $0x6;
	v21 =	vmul.f32 v30, v27;
	[tilespmem:s13+$0xFFFFFF90] =	vst v11  }
0x15c: {  	v25 =	vmul.f32 v24, v32;
	v19 =	vmul.f32 v15, v8;
	v11 =	vpack.i.f32.bf16 v20, v29;
	v14 =	vld [tilespmem:s4+$0x30];
	[tilespmem:s13+$0xFFFFFFB0] =	vst v23  }
0x15d: {  	v31 =	vbroadcast v39, $0x3;
	v5 =	vmovc v35;
	v18 =	vbroadcast v39, $0x7;
	v23 =	vunpack.i.l.bf16.f32 v45;
	[tilespmem:s13+$0x20] =	vst v22  }
0x15e: {  	v9 =	vpack.i.f32.bf16 v9, v34;
	v20 =	vmul.f32 v28, v4;
	v22 =	vbroadcast v39, $0x2;
	[tilespmem:s13+$0xFFFFFFE0] =	vst v11  }
0x15f: {  	v10 =	vpack.i.f32.bf16 v10, v17;
	v29 =	vmul.f32 v43, v26;
	v30 =	vbroadcast v39, $0x6;
	[tilespmem:s13+$0x50] =	vst v9  }
0x160: {  	v15 =	vbroadcast v46, $0x3;
	v26 =	vmul.f32 v28, v6;
	v9 =	vpack.i.f32.bf16 v2, v33;
	v2 =	vmovc v20;
	[tilespmem:s13+$0x10] =	vst v10  }
0x161: {  	v12 =	vpack.i.f32.bf16 v37, v12;
	v11 =	vmul.f32 v29, v5;
	v10 =	vmul.f32 v14, v27;
	[tilespmem:s13+$0x40] =	vst v9  }
0x162: {  	v24 =	vbroadcast v46, $0x1;
	v9 =	vmul.f32 v21, v32;
	[tilespmem:s13+$0xFFFFFFD0] =	vst v12;
	s13 =	smov.u32 s24  }
0x163: {  	v27 =	vmul.f32 v28, v30;
	v34 =	vmul.f32 v10, v31  }
0x164: {  	v17 =	vmul.f32 v29, v15;
	v9 =	vpack.i.f32.bf16 v9, v25;
	v14 =	vmul.f32 v10, v22;
	v33 =	vld [tilespmem:s4+$0x40]  }
0x165: {  	v25 =	vmul.f32 v29, v24;
	[tilespmem:s24+$0x0] =	vst v9;
	v9 =	vmul.f32 v28, v3  }
.Ltmp6:
0x166: {  	v32 =	vbroadcast v46, $0x4;
	v10 =	vmul.f32 v10, v0;
	(pc) =	sbr.rel @p1 .LBB2_4-.Ltmp6, $4  }
0x167: {  	v21 =	vmul.f32 v44, v40;
	v29 =	vmul.f32 v41, v23  }
0x168: {  	v36 =	vmul.f32 v7, v48;
	v28 =	vmul.f32 v28, v18;
	v38 =	vld [tilespmem:s4+$0xFFFFFFA0]  }
0x169: {  	v20 =	vmul.f32 v7, v1;
	v37 =	vmul.f32 v29, v48  }
0x16a: {  	s22 =	sadd.s32 $0x12, s22;
	s30 =	sadd.s32 $0x20, s30;
	v12 =	vmul.f32 v29, v13;
	v33 =	vmul.f32 v33, v40;
	v35 =	vld [tilespmem:s4+$0xFFFFFFC0]  }
0x16b: {  	v31 =	vmul.f32 v21, v31  }
0x16c: {  	v39 =	vmul.f32 v7, v16;
	v16 =	vmul.f32 v29, v16  }
0x16d: {  	v1 =	vmul.f32 v29, v1;
	v31 =	vpack.i.f32.bf16 v34, v31  }
0x16e: {  	v0 =	vmul.f32 v21, v0;
	v16 =	vpack.i.f32.bf16 v39, v16;
	[tilespmem:s13+$0x30] =	vst v31  }
0x16f: {  	v6 =	vmul.f32 v33, v6;
	v1 =	vpack.i.f32.bf16 v20, v1;
	[tilespmem:s13+$0xFFFFFFF0] =	vst v16  }
0x170: {  	v3 =	vmul.f32 v33, v3;
	v0 =	vpack.i.f32.bf16 v10, v0;
	[tilespmem:s13+$0xFFFFFFE0] =	vst v1  }
0x171: {  	v4 =	vmul.f32 v33, v4;
	v6 =	vpack.i.f32.bf16 v26, v6;
	[tilespmem:s13+$0x10] =	vst v0  }
0x172: {  	v1 =	vpack.i.f32.bf16 v9, v3;
	[tilespmem:s13+$0x80] =	vst v6  }
0x173: {  	v18 =	vmul.f32 v33, v18;
	v38 =	vmul.f32 v38, v23;
	v0 =	vpack.i.f32.bf16 v2, v4;
	[tilespmem:s13+$0x50] =	vst v1  }
0x174: {  	v3 =	vmul.f32 v7, v13;
	v6 =	vpack.i.f32.bf16 v36, v37;
	[tilespmem:s13+$0x40] =	vst v0  }
0x175: {  	v8 =	vmul.f32 v38, v8;
	v16 =	vmul.f32 v35, v23;
	[tilespmem:s13+$0xFFFFFFC0] =	vst v6;
	v6 =	vpack.i.f32.bf16 v28, v18  }
0x176: {  	v30 =	vmul.f32 v33, v30;
	v1 =	vpack.i.f32.bf16 v3, v12;
	[tilespmem:s13+$0x70] =	vst v6  }
0x177: {  	v8 =	vpack.i.f32.bf16 v19, v8;
	v15 =	vmul.f32 v16, v15;
	[tilespmem:s13+$0xFFFFFFD0] =	vst v1  }
0x178: {  	v19 =	vpack.i.f32.bf16 v27, v30;
	[tilespmem:s13+$0xFFFFFF70] =	vst v8;
	v8 =	vmul.f32 v16, v24  }
0x179: {  	v5 =	vmul.f32 v16, v5;
	[tilespmem:s13+$0x60] =	vst v19;
	v15 =	vpack.i.f32.bf16 v17, v15  }
0x17a: {  	v6 =	vmul.f32 v21, v22;
	v8 =	vpack.i.f32.bf16 v25, v8;
	[tilespmem:s13+$0xFFFFFFA0] =	vst v15  }
0x17b: {  	v16 =	vmul.f32 v7, v32;
	v5 =	vpack.i.f32.bf16 v11, v5;
	[tilespmem:s13+$0xFFFFFF80] =	vst v8;
	v8 =	vmul.f32 v29, v32  }
0x17c: {  	[tilespmem:s13+$0xFFFFFF90] =	vst v5;
	v5 =	vpack.i.f32.bf16 v14, v6  }
0x17d: {  	[tilespmem:s13+$0x20] =	vst v5;
	v8 =	vpack.i.f32.bf16 v16, v8  }
0x17e: {  	s4 =	simm.s32 @!p0 $0x6;
	[tilespmem:s13+$0xFFFFFFB0] =	vst v8  }
0x17f: {  	[spmem:s3] =	stream.indirect.scatter.add.bf16 [tilespmem:s0], [sflag:$0x5], $0x90, s14, s11, $0xb8;
	[tilespmem:$0x1E900] =	vst v63  }
0x180: {  	_ =	swait.ge @!p0 [sflag:s4], $0x1200  }
0x181: {  	[sflag:s4] =	ssyncset.done @!p0 $0x0  }
0x182: {  	[sflag:s4] =	ssyncadd.s32 @!p0 $0xFFFFEE00  }
0x183: {  	v0 =	vld [tilespmem:$0x18700]  }
0x184: {  	v1 =	vld [tilespmem:$0x18710];
	_ =	sdelay $0x3  }
0x185: {  	[tilespmem:$0x1C4E0] =	vst v0  }
0x186: {  	s24 =	simm.s32 $0x188C9;
	[tilespmem:$0x1C4F0] =	vst v1  }
0x187: {  	v9 =	vld [tilespmem:s24+$0x0];
	_ =	sdelay $0x1  }
0x188: {  	s4 =	simm.s32 $0x198F0;
	v12 =	vld [tilespmem:s24+$0xFFFFFFF7]  }
0x189: {  	s21 =	simm.s32 $0x1BED0;
	v2 =	vld [tilespmem:s4+$0xFFFFFF60]  }
0x18a: {  	v10 =	vld [tilespmem:s21+$0xFFFFFFF0]  }
0x18b: {  	v7 =	vld [tilespmem:s21+$0x0];
	v0 =	vbroadcast v9, $0x1;
	v6 =	vbroadcast v9, $0x8  }
0x18c: {  	v11 =	vld [tilespmem:s4+$0xFFFFFFB0];
	v14 =	vbroadcast v9, $0x0;
	v3 =	vbroadcast v9, $0x5  }
0x18d: {  	v13 =	vld [tilespmem:s4+$0xFFFFFFA0];
	v8 =	vbroadcast v12, $0x0;
	v5 =	vbroadcast v12, $0x2  }
0x18e: {  	v15 =	vld [tilespmem:s4+$0x0];
	v1 =	vbroadcast v12, $0x7;
	v16 =	vbroadcast v12, $0x8  }
0x18f: {  	v17 =	vld [tilespmem:s4+$0xFFFFFFC0];
	v59 =	vbroadcast v12, $0x5;
	v4 =	vbroadcast v9, $0x4  }
0x190: {  	v23 =	vld [tilespmem:s4+$0xFFFFFF80];
	v31 =	vbroadcast v9, $0x3;
	v18 =	vbroadcast v9, $0x7  }
0x191: {  	v24 =	vld [tilespmem:s4+$0xFFFFFFE0];
	v58 =	vunpack.i.l.bf16.f32 v7;
	v22 =	vbroadcast v9, $0x2;
	v30 =	vbroadcast v9, $0x6  }
0x192: {  	v63 =	vld [tilespmem:s4+$0xFFFFFFF0];
	v20 =	vunpack.i.u.bf16.f32 v10;
	v32 =	vbroadcast v12, $0x4;
	v11 =	vmul.f32 v11, v58  }
0x193: {  	v29 =	vld [tilespmem:s4+$0xFFFFFF90];
	v21 =	vunpack.i.u.bf16.f32 v7;
	v7 =	vmul.f32 v13, v20;
	v2 =	vmul.f32 v2, v20  }
0x194: {  	v28 =	vmul.f32 v15, v21;
	v13 =	vbroadcast v12, $0x6  }
0x195: {  	v17 =	vmul.f32 v17, v21;
	v20 =	vmul.f32 v23, v20  }
0x196: {  	v15 =	vbroadcast v12, $0x3;
	v21 =	vmul.f32 v24, v21  }
0x197: {  	v24 =	vbroadcast v12, $0x1;
	v23 =	vunpack.i.l.bf16.f32 v10;
	v33 =	vmul.f32 v63, v58  }
0x198: {  	v29 =	vmul.f32 v29, v23;
	v19 =	vmul.f32 v2, v8  }
0x199: {  	v60 =	vmul.f32 v11, v14;
	v2 =	vmul.f32 v28, v4  }
0x19a: {  	v61 =	vld [tilespmem:s4+$0xFFFFFFD0];
	v26 =	vmul.f32 v28, v6;
	v11 =	vmul.f32 v20, v5  }
0x19b: {  	v62 =	vmul.f32 v17, v14;
	v34 =	vmul.f32 v21, v31  }
0x19c: {  	v27 =	vmul.f32 v28, v30;
	v17 =	vmul.f32 v20, v15  }
0x19d: {  	v14 =	vmul.f32 v21, v22;
	v25 =	vmul.f32 v20, v24  }
0x19e: {  	v9 =	vmul.f32 v28, v3;
	v10 =	vmul.f32 v21, v0  }
0x19f: {  	v38 =	vld [tilespmem:s4+$0xFFFFFF50];
	v21 =	vmul.f32 v61, v58;
	v36 =	vmul.f32 v7, v59  }
0x1a0: {  	s30 =	simm.s32 $0x1BEF0;
	s24 =	simm.s32 $0x1D790;
	v28 =	vmul.f32 v28, v18;
	v20 =	vmul.f32 v7, v1;
	v12 =	vpack.i.f32.bf16 v62, v60  }
0x1a1: {  	s22 =	simm.s32 $0x188DB;
	s13 =	simm.s32 $0x1D790;
	s21 =	simm.s32 $0x20;
	v35 =	vld [tilespmem:s4+$0xFFFFFF70];
	v37 =	vmul.f32 v29, v59;
	[tilespmem:s24+$0x0] =	vst v12;
	v12 =	vmul.f32 v29, v13  }
.LBB2_6:
0x1a2: {  	v39 =	vld [tilespmem:s22+$0x0];
	s21 =	sadd.s32 $0x2, s21;
	v40 =	vmul.f32 v29, v32;
	v41 =	vmul.f32 v7, v16;
	s24 =	sadd.s32 $0x120, s24;
	s4 =	sadd.s32 $0xC0, s4  }
0x1a3: {  	v16 =	vmul.f32 v29, v16;
	v31 =	vmul.f32 v21, v31;
	v42 =	vld [tilespmem:s4+$0xFFFFFF60];
	p0 =	slt.u32 s21, $0x3E  }
0x1a4: {  	v44 =	vmul.f32 v33, v6;
	v43 =	vld [tilespmem:s4+$0xFFFFFF80];
	v38 =	vmul.f32 v38, v23  }
0x1a5: {  	v36 =	vpack.i.f32.bf16 v36, v37;
	v37 =	vmul.f32 v7, v13;
	v22 =	vmul.f32 v21, v22;
	v45 =	vld [tilespmem:s30+$0xFFFFFFF0]  }
0x1a6: {  	v13 =	vmul.f32 v33, v30;
	v6 =	vpack.i.f32.bf16 v34, v31;
	v46 =	vld [tilespmem:s22+$0xFFFFFFF7];
	v8 =	vmul.f32 v38, v8  }
0x1a7: {  	v16 =	vpack.i.f32.bf16 v41, v16;
	v34 =	vmul.f32 v33, v3;
	v30 =	vld [tilespmem:s30+$0x0];
	v31 =	vbroadcast v39, $0x1;
	[tilespmem:s13+$0x30] =	vst v6  }
0x1a8: {  	v7 =	vmul.f32 v7, v32;
	v6 =	vbroadcast v39, $0x8;
	v38 =	vld [tilespmem:s4+$0xFFFFFFB0];
	v3 =	vpack.i.f32.bf16 v19, v8;
	[tilespmem:s13+$0xFFFFFFF0] =	vst v16  }
0x1a9: {  	v18 =	vmul.f32 v33, v18;
	v32 =	vbroadcast v39, $0x0;
	v16 =	vpack.i.f32.bf16 v26, v44;
	v41 =	vld [tilespmem:s4+$0xFFFFFF90];
	[tilespmem:s13+$0xFFFFFF70] =	vst v3  }
0x1aa: {  	v33 =	vmul.f32 v33, v4;
	v3 =	vbroadcast v39, $0x5;
	v26 =	vunpack.i.u.bf16.f32 v45  }
0x1ab: {  	v19 =	vmul.f32 v35, v23;
	v23 =	vpack.i.f32.bf16 v7, v40;
	v8 =	vbroadcast v46, $0x0;
	v44 =	vld [tilespmem:s4+$0xFFFFFFD0]  }
0x1ac: {  	v29 =	vmul.f32 v29, v1;
	v35 =	vbroadcast v46, $0x2;
	v7 =	vld [tilespmem:s4+$0xFFFFFFA0];
	v40 =	vunpack.i.l.bf16.f32 v30  }
0x1ad: {  	v4 =	vpack.i.f32.bf16 v27, v13;
	v24 =	vmul.f32 v19, v24;
	v1 =	vbroadcast v46, $0x7;
	v47 =	vld [tilespmem:s4+$0x0];
	[tilespmem:s13+$0x80] =	vst v16  }
0x1ae: {  	v13 =	vmul.f32 v19, v15;
	v27 =	vunpack.i.u.bf16.f32 v30;
	v16 =	vbroadcast v46, $0x8;
	v30 =	vld [tilespmem:s4+$0xFFFFFFC0];
	[tilespmem:s13+$0x60] =	vst v4  }
0x1af: {  	v48 =	vbroadcast v46, $0x5;
	v15 =	vpack.i.f32.bf16 v25, v24;
	v4 =	vbroadcast v39, $0x4;
	[tilespmem:s13+$0xFFFFFFC0] =	vst v36  }
0x1b0: {  	v5 =	vmul.f32 v19, v5;
	v24 =	vmul.f32 v38, v40;
	[tilespmem:s13+$0xFFFFFF80] =	vst v15;
	v15 =	vpack.i.f32.bf16 v28, v18  }
0x1b1: {  	v13 =	vpack.i.f32.bf16 v17, v13;
	v17 =	vmul.f32 v21, v0;
	v7 =	vmul.f32 v7, v26;
	[tilespmem:s13+$0x70] =	vst v15  }
0x1b2: {  	v11 =	vpack.i.f32.bf16 v11, v5;
	v15 =	vmul.f32 v42, v26;
	v28 =	vmul.f32 v47, v27;
	[tilespmem:s13+$0xFFFFFFA0] =	vst v13  }
0x1b3: {  	v22 =	vpack.i.f32.bf16 v14, v22;
	v0 =	vmovc v31;
	v13 =	vbroadcast v46, $0x6;
	v21 =	vmul.f32 v30, v27;
	[tilespmem:s13+$0xFFFFFF90] =	vst v11  }
0x1b4: {  	v25 =	vmul.f32 v24, v32;
	v19 =	vmul.f32 v15, v8;
	v11 =	vpack.i.f32.bf16 v20, v29;
	v14 =	vld [tilespmem:s4+$0xFFFFFFE0];
	[tilespmem:s13+$0xFFFFFFB0] =	vst v23  }
0x1b5: {  	v31 =	vbroadcast v39, $0x3;
	v5 =	vmovc v35;
	v18 =	vbroadcast v39, $0x7;
	v23 =	vunpack.i.l.bf16.f32 v45;
	[tilespmem:s13+$0x20] =	vst v22  }
0x1b6: {  	v9 =	vpack.i.f32.bf16 v9, v34;
	v20 =	vmul.f32 v28, v4;
	v22 =	vbroadcast v39, $0x2;
	[tilespmem:s13+$0xFFFFFFE0] =	vst v11  }
0x1b7: {  	v10 =	vpack.i.f32.bf16 v10, v17;
	v29 =	vmul.f32 v43, v26;
	v30 =	vbroadcast v39, $0x6;
	[tilespmem:s13+$0x50] =	vst v9  }
0x1b8: {  	v15 =	vbroadcast v46, $0x3;
	v26 =	vmul.f32 v28, v6;
	v9 =	vpack.i.f32.bf16 v2, v33;
	v2 =	vmovc v20;
	[tilespmem:s13+$0x10] =	vst v10  }
0x1b9: {  	v12 =	vpack.i.f32.bf16 v37, v12;
	v11 =	vmul.f32 v29, v5;
	v10 =	vmul.f32 v14, v27;
	[tilespmem:s13+$0x40] =	vst v9  }
0x1ba: {  	v24 =	vbroadcast v46, $0x1;
	v9 =	vmul.f32 v21, v32;
	[tilespmem:s13+$0xFFFFFFD0] =	vst v12;
	s13 =	smov.u32 s24  }
0x1bb: {  	v27 =	vmul.f32 v28, v30;
	v34 =	vmul.f32 v10, v31  }
0x1bc: {  	v17 =	vmul.f32 v29, v15;
	v9 =	vpack.i.f32.bf16 v9, v25;
	v14 =	vmul.f32 v10, v22;
	v33 =	vld [tilespmem:s4+$0xFFFFFFF0]  }
0x1bd: {  	v25 =	vmul.f32 v29, v24;
	[tilespmem:s24+$0x0] =	vst v9;
	v9 =	vmul.f32 v28, v3  }
.Ltmp7:
0x1be: {  	v32 =	vbroadcast v46, $0x4;
	v10 =	vmul.f32 v10, v0;
	(pc) =	sbr.rel @p0 .LBB2_6-.Ltmp7, $4  }
0x1bf: {  	v21 =	vmul.f32 v44, v40;
	v29 =	vmul.f32 v41, v23  }
0x1c0: {  	v36 =	vmul.f32 v7, v48;
	v28 =	vmul.f32 v28, v18;
	v38 =	vld [tilespmem:s4+$0xFFFFFF50]  }
0x1c1: {  	v20 =	vmul.f32 v7, v1;
	v37 =	vmul.f32 v29, v48  }
0x1c2: {  	s22 =	sadd.s32 $0x12, s22;
	s30 =	sadd.s32 $0x20, s30;
	v12 =	vmul.f32 v29, v13;
	v33 =	vmul.f32 v33, v40;
	v35 =	vld [tilespmem:s4+$0xFFFFFF70]  }
0x1c3: {  	v31 =	vmul.f32 v21, v31  }
0x1c4: {  	v39 =	vmul.f32 v7, v16;
	v16 =	vmul.f32 v29, v16  }
0x1c5: {  	v1 =	vmul.f32 v29, v1;
	v31 =	vpack.i.f32.bf16 v34, v31  }
0x1c6: {  	v0 =	vmul.f32 v21, v0;
	v16 =	vpack.i.f32.bf16 v39, v16;
	[tilespmem:s13+$0x30] =	vst v31  }
0x1c7: {  	v6 =	vmul.f32 v33, v6;
	v1 =	vpack.i.f32.bf16 v20, v1;
	[tilespmem:s13+$0xFFFFFFF0] =	vst v16  }
0x1c8: {  	v3 =	vmul.f32 v33, v3;
	v0 =	vpack.i.f32.bf16 v10, v0;
	[tilespmem:s13+$0xFFFFFFE0] =	vst v1  }
0x1c9: {  	v4 =	vmul.f32 v33, v4;
	v6 =	vpack.i.f32.bf16 v26, v6;
	[tilespmem:s13+$0x10] =	vst v0  }
0x1ca: {  	v1 =	vpack.i.f32.bf16 v9, v3;
	[tilespmem:s13+$0x80] =	vst v6  }
0x1cb: {  	v18 =	vmul.f32 v33, v18;
	v38 =	vmul.f32 v38, v23;
	v0 =	vpack.i.f32.bf16 v2, v4;
	[tilespmem:s13+$0x50] =	vst v1  }
0x1cc: {  	v3 =	vmul.f32 v7, v13;
	v6 =	vpack.i.f32.bf16 v36, v37;
	[tilespmem:s13+$0x40] =	vst v0  }
0x1cd: {  	v8 =	vmul.f32 v38, v8;
	v16 =	vmul.f32 v35, v23;
	[tilespmem:s13+$0xFFFFFFC0] =	vst v6;
	v6 =	vpack.i.f32.bf16 v28, v18  }
0x1ce: {  	v30 =	vmul.f32 v33, v30;
	v1 =	vpack.i.f32.bf16 v3, v12;
	[tilespmem:s13+$0x70] =	vst v6  }
0x1cf: {  	v8 =	vpack.i.f32.bf16 v19, v8;
	v15 =	vmul.f32 v16, v15;
	[tilespmem:s13+$0xFFFFFFD0] =	vst v1  }
0x1d0: {  	v19 =	vpack.i.f32.bf16 v27, v30;
	[tilespmem:s13+$0xFFFFFF70] =	vst v8;
	v8 =	vmul.f32 v16, v24  }
0x1d1: {  	v5 =	vmul.f32 v16, v5;
	[tilespmem:s13+$0x60] =	vst v19;
	v15 =	vpack.i.f32.bf16 v17, v15  }
0x1d2: {  	v6 =	vmul.f32 v21, v22;
	v8 =	vpack.i.f32.bf16 v25, v8;
	[tilespmem:s13+$0xFFFFFFA0] =	vst v15  }
0x1d3: {  	s4 =	sor.u32 $0x20, s18;
	v16 =	vmul.f32 v7, v32;
	v5 =	vpack.i.f32.bf16 v11, v5;
	[tilespmem:s13+$0xFFFFFF80] =	vst v8;
	v8 =	vmul.f32 v29, v32  }
0x1d4: {  	p0 =	sge.u32 s4, s26;
	[tilespmem:s13+$0xFFFFFF90] =	vst v5;
	v5 =	vpack.i.f32.bf16 v14, v6  }
0x1d5: {  	s4 =	sadd.s32 @!p0 s12, s4;
	[tilespmem:s13+$0x20] =	vst v5;
	v8 =	vpack.i.f32.bf16 v16, v8  }
0x1d6: {  	s21 =	simm.s32 @!p0 $0x0;
	s24 =	smul.u32 @!p0 $0x48, s4;
	[tilespmem:s13+$0xFFFFFFB0] =	vst v8;
	s13 =	sshll.u32 @!p0 s4, $0x4  }
0x1d7: {  	[spmem:s3] =	stream.indirect.scatter.add.bf16 [tilespmem:s15], [sflag:$0x6], $0x90, s17, s11, $0xb8;
	[tilespmem:$0x1E900] =	vst v63  }
0x1d8: {  	s22 =	simm.s32 @!p0 $0x186A0;
	s4 =	smul.u32 @!p0 $0xC00, s4;
	s13 =	sadd.s32 @!p0 s9, s13  }
0x1d9: {  	[tilespmem:s22], [sflag:$0x1] =	stream.linear.gather @!p0 [hbm4b:s13+s21], $0x80, $0x38;
	[tilespmem:$0x1E900] =	vst v63  }
0x1da: {  	s4 =	sadd.s32 @!p0 s7, s4;
	s13 =	sadd.s32 @!p0 s1, s24;
	s22 =	simm.s32 @!p0 $0x187A0  }
0x1db: {  	[tilespmem:s22], [sflag:$0x1] =	stream.linear.gather @!p0 [hbm4b:s13+s21], $0x240, $0x38;
	[tilespmem:$0x1E900] =	vst v63  }
0x1dc: {  	s13 =	simm.s32 @!p0 $0x60;
	s21 =	simm.s32 @!p0 $0x180;
	s22 =	simm.s32 @!p0 $0x18C40  }
0x1dd: {  	[tilespmem:s22], [sflag:$0x1] =	stream.strided.gather @!p0 [hbm4b:s4+s13], $0x1800, s21, s13, $0x38;
	[tilespmem:$0x1E900] =	vst v63  }
0x1de: {  	s4 =	simm.s32 @!p0 $0x1  }
0x1df: {  	_ =	swait.ge @!p0 [sflag:s4], $0x80  }
0x1e0: {  	[sflag:s4] =	ssyncset.done @!p0 $0x0  }
0x1e1: {  	[sflag:s4] =	ssyncadd.s32 @!p0 $0xFFFFFF80  }
0x1e2: {  	_ =	swait.ge @!p0 [sflag:s4], $0x240  }
0x1e3: {  	[sflag:s4] =	ssyncset.done @!p0 $0x0  }
0x1e4: {  	[sflag:s4] =	ssyncadd.s32 @!p0 $0xFFFFFDC0  }
0x1e5: {  	_ =	swait.ge @!p0 [sflag:s4], $0x1800  }
0x1e6: {  	[sflag:s4] =	ssyncset.done @!p0 $0x0  }
0x1e7: {  	[sflag:s4] =	ssyncadd.s32 @!p0 $0xFFFFE800  }
0x1e8: {  	v0 =	vld @!p0 [tilespmem:$0x186A0]  }
0x1e9: {  	v1 =	vld @!p0 [tilespmem:$0x186B0]  }
0x1ea: {  	v2 =	vld @!p0 [tilespmem:$0x186C0]  }
0x1eb: {  	v3 =	vld @!p0 [tilespmem:$0x186D0];
	_ =	sdelay $0x1  }
0x1ec: {  	[tilespmem:$0x1BC40] =	vst @!p0 v0  }
0x1ed: {  	[tilespmem:$0x1BC50] =	vst @!p0 v1  }
0x1ee: {  	[tilespmem:$0x1BC60] =	vst @!p0 v2  }
0x1ef: {  	s13 =	simm.s32 @!p0 $0x1BC40;
	s21 =	simm.s32 @!p0 $0x1BCC0;
	s4 =	simm.s32 @!p0 $0x40;
	[tilespmem:$0x1BC70] =	vst @!p0 v3  }
0x1f0: {  	[tilespmem:s21], [sflag:$0x3] =	stream.indirect.gather @!p0 [spmem:s2], $0x10, s13, s4, $0xb8;
	[tilespmem:$0x1E900] =	vst v63  }
0x1f1: {  	_ =	swait.ge [sflag:s16], $0x400  }
0x1f2: {  	[sflag:s16] =	ssyncset.done $0x0  }
0x1f3: {  	[sflag:s16] =	ssyncadd.s32 $0xFFFFFC00  }
0x1f4: {  	_ =	swait.ge [sflag:s19], $0x1200  }
0x1f5: {  	[sflag:s19] =	ssyncset.done $0x0  }
0x1f6: {  	[sflag:s19] =	ssyncadd.s32 $0xFFFFEE00  }
0x1f7: {  	v0 =	vld [tilespmem:$0x18760]  }
0x1f8: {  	v1 =	vld [tilespmem:$0x18770];
	_ =	sdelay $0x3  }
0x1f9: {  	[tilespmem:$0x1C4C0] =	vst v0  }
0x1fa: {  	s22 =	simm.s32 $0x189F9;
	[tilespmem:$0x1C4D0] =	vst v1  }
0x1fb: {  	v9 =	vld [tilespmem:s22+$0x0];
	_ =	sdelay $0x1  }
0x1fc: {  	s4 =	simm.s32 $0x1A4A0;
	v12 =	vld [tilespmem:s22+$0xFFFFFFF7]  }
0x1fd: {  	s24 =	simm.s32 $0x1C0D0;
	v2 =	vld [tilespmem:s4+$0xFFFFFFB0]  }
0x1fe: {  	v10 =	vld [tilespmem:s24+$0xFFFFFFF0]  }
0x1ff: {  	v7 =	vld [tilespmem:s24+$0x0];
	v0 =	vbroadcast v9, $0x1;
	v6 =	vbroadcast v9, $0x8  }
0x200: {  	v11 =	vld [tilespmem:s4+$0x0];
	v14 =	vbroadcast v9, $0x0;
	v3 =	vbroadcast v9, $0x5  }
0x201: {  	v13 =	vld [tilespmem:s4+$0xFFFFFFF0];
	v8 =	vbroadcast v12, $0x0;
	v5 =	vbroadcast v12, $0x2  }
0x202: {  	v15 =	vld [tilespmem:s4+$0x50];
	v1 =	vbroadcast v12, $0x7;
	v16 =	vbroadcast v12, $0x8  }
0x203: {  	v17 =	vld [tilespmem:s4+$0x10];
	v59 =	vbroadcast v12, $0x5;
	v4 =	vbroadcast v9, $0x4  }
0x204: {  	v23 =	vld [tilespmem:s4+$0xFFFFFFD0];
	v31 =	vbroadcast v9, $0x3;
	v18 =	vbroadcast v9, $0x7  }
0x205: {  	v24 =	vld [tilespmem:s4+$0x30];
	v58 =	vunpack.i.l.bf16.f32 v7;
	v22 =	vbroadcast v9, $0x2;
	v30 =	vbroadcast v9, $0x6  }
0x206: {  	v63 =	vld [tilespmem:s4+$0x40];
	v20 =	vunpack.i.u.bf16.f32 v10;
	v32 =	vbroadcast v12, $0x4;
	v11 =	vmul.f32 v11, v58  }
0x207: {  	v29 =	vld [tilespmem:s4+$0xFFFFFFE0];
	v21 =	vunpack.i.u.bf16.f32 v7;
	v7 =	vmul.f32 v13, v20;
	v2 =	vmul.f32 v2, v20  }
0x208: {  	v28 =	vmul.f32 v15, v21;
	v13 =	vbroadcast v12, $0x6  }
0x209: {  	v17 =	vmul.f32 v17, v21;
	v20 =	vmul.f32 v23, v20  }
0x20a: {  	v15 =	vbroadcast v12, $0x3;
	v21 =	vmul.f32 v24, v21  }
0x20b: {  	v24 =	vbroadcast v12, $0x1;
	v23 =	vunpack.i.l.bf16.f32 v10;
	v33 =	vmul.f32 v63, v58  }
0x20c: {  	v29 =	vmul.f32 v29, v23;
	v19 =	vmul.f32 v2, v8  }
0x20d: {  	v60 =	vmul.f32 v11, v14;
	v2 =	vmul.f32 v28, v4  }
0x20e: {  	v61 =	vld [tilespmem:s4+$0x20];
	v26 =	vmul.f32 v28, v6;
	v11 =	vmul.f32 v20, v5  }
0x20f: {  	v62 =	vmul.f32 v17, v14;
	v34 =	vmul.f32 v21, v31  }
0x210: {  	v27 =	vmul.f32 v28, v30;
	v17 =	vmul.f32 v20, v15  }
0x211: {  	v14 =	vmul.f32 v21, v22;
	v25 =	vmul.f32 v20, v24  }
0x212: {  	v9 =	vmul.f32 v28, v3;
	v10 =	vmul.f32 v21, v0  }
0x213: {  	v38 =	vld [tilespmem:s4+$0xFFFFFFA0];
	v21 =	vmul.f32 v61, v58;
	v36 =	vmul.f32 v7, v59  }
0x214: {  	s30 =	simm.s32 $0x1C0F0;
	s24 =	simm.s32 $0x1C590;
	v28 =	vmul.f32 v28, v18;
	v20 =	vmul.f32 v7, v1;
	v12 =	vpack.i.f32.bf16 v62, v60  }
0x215: {  	s21 =	simm.s32 $0x0;
	s13 =	simm.s32 $0x1C590;
	v35 =	vld [tilespmem:s4+$0xFFFFFFC0];
	s22 =	simm.s32 $0x18A0B;
	v37 =	vmul.f32 v29, v59;
	[tilespmem:s24+$0x0] =	vst v12;
	v12 =	vmul.f32 v29, v13  }
.LBB2_8:
0x216: {  	v39 =	vld [tilespmem:s22+$0x0];
	s21 =	sadd.s32 $0x2, s21;
	v40 =	vmul.f32 v29, v32;
	v41 =	vmul.f32 v7, v16;
	s4 =	sadd.s32 $0xC0, s4;
	s24 =	sadd.s32 $0x120, s24  }
0x217: {  	v16 =	vmul.f32 v29, v16;
	v31 =	vmul.f32 v21, v31;
	v42 =	vld [tilespmem:s4+$0xFFFFFFB0];
	p1 =	slt.u32 s21, $0x1E  }
0x218: {  	v44 =	vmul.f32 v33, v6;
	v43 =	vld [tilespmem:s4+$0xFFFFFFD0];
	v38 =	vmul.f32 v38, v23  }
0x219: {  	v36 =	vpack.i.f32.bf16 v36, v37;
	v37 =	vmul.f32 v7, v13;
	v22 =	vmul.f32 v21, v22;
	v45 =	vld [tilespmem:s30+$0xFFFFFFF0]  }
0x21a: {  	v13 =	vmul.f32 v33, v30;
	v6 =	vpack.i.f32.bf16 v34, v31;
	v46 =	vld [tilespmem:s22+$0xFFFFFFF7];
	v8 =	vmul.f32 v38, v8  }
0x21b: {  	v16 =	vpack.i.f32.bf16 v41, v16;
	v34 =	vmul.f32 v33, v3;
	v30 =	vld [tilespmem:s30+$0x0];
	v31 =	vbroadcast v39, $0x1;
	[tilespmem:s13+$0x30] =	vst v6  }
0x21c: {  	v7 =	vmul.f32 v7, v32;
	v6 =	vbroadcast v39, $0x8;
	v38 =	vld [tilespmem:s4+$0x0];
	v3 =	vpack.i.f32.bf16 v19, v8;
	[tilespmem:s13+$0xFFFFFFF0] =	vst v16  }
0x21d: {  	v18 =	vmul.f32 v33, v18;
	v32 =	vbroadcast v39, $0x0;
	v16 =	vpack.i.f32.bf16 v26, v44;
	v41 =	vld [tilespmem:s4+$0xFFFFFFE0];
	[tilespmem:s13+$0xFFFFFF70] =	vst v3  }
0x21e: {  	v33 =	vmul.f32 v33, v4;
	v3 =	vbroadcast v39, $0x5;
	v26 =	vunpack.i.u.bf16.f32 v45  }
0x21f: {  	v19 =	vmul.f32 v35, v23;
	v23 =	vpack.i.f32.bf16 v7, v40;
	v8 =	vbroadcast v46, $0x0;
	v44 =	vld [tilespmem:s4+$0x20]  }
0x220: {  	v29 =	vmul.f32 v29, v1;
	v35 =	vbroadcast v46, $0x2;
	v7 =	vld [tilespmem:s4+$0xFFFFFFF0];
	v40 =	vunpack.i.l.bf16.f32 v30  }
0x221: {  	v4 =	vpack.i.f32.bf16 v27, v13;
	v24 =	vmul.f32 v19, v24;
	v1 =	vbroadcast v46, $0x7;
	v47 =	vld [tilespmem:s4+$0x50];
	[tilespmem:s13+$0x80] =	vst v16  }
0x222: {  	v13 =	vmul.f32 v19, v15;
	v27 =	vunpack.i.u.bf16.f32 v30;
	v16 =	vbroadcast v46, $0x8;
	v30 =	vld [tilespmem:s4+$0x10];
	[tilespmem:s13+$0x60] =	vst v4  }
0x223: {  	v48 =	vbroadcast v46, $0x5;
	v15 =	vpack.i.f32.bf16 v25, v24;
	v4 =	vbroadcast v39, $0x4;
	[tilespmem:s13+$0xFFFFFFC0] =	vst v36  }
0x224: {  	v5 =	vmul.f32 v19, v5;
	v24 =	vmul.f32 v38, v40;
	[tilespmem:s13+$0xFFFFFF80] =	vst v15;
	v15 =	vpack.i.f32.bf16 v28, v18  }
0x225: {  	v13 =	vpack.i.f32.bf16 v17, v13;
	v17 =	vmul.f32 v21, v0;
	v7 =	vmul.f32 v7, v26;
	[tilespmem:s13+$0x70] =	vst v15  }
0x226: {  	v11 =	vpack.i.f32.bf16 v11, v5;
	v15 =	vmul.f32 v42, v26;
	v28 =	vmul.f32 v47, v27;
	[tilespmem:s13+$0xFFFFFFA0] =	vst v13  }
0x227: {  	v22 =	vpack.i.f32.bf16 v14, v22;
	v0 =	vmovc v31;
	v13 =	vbroadcast v46, $0x6;
	v21 =	vmul.f32 v30, v27;
	[tilespmem:s13+$0xFFFFFF90] =	vst v11  }
0x228: {  	v25 =	vmul.f32 v24, v32;
	v19 =	vmul.f32 v15, v8;
	v11 =	vpack.i.f32.bf16 v20, v29;
	v14 =	vld [tilespmem:s4+$0x30];
	[tilespmem:s13+$0xFFFFFFB0] =	vst v23  }
0x229: {  	v31 =	vbroadcast v39, $0x3;
	v5 =	vmovc v35;
	v18 =	vbroadcast v39, $0x7;
	v23 =	vunpack.i.l.bf16.f32 v45;
	[tilespmem:s13+$0x20] =	vst v22  }
0x22a: {  	v9 =	vpack.i.f32.bf16 v9, v34;
	v20 =	vmul.f32 v28, v4;
	v22 =	vbroadcast v39, $0x2;
	[tilespmem:s13+$0xFFFFFFE0] =	vst v11  }
0x22b: {  	v10 =	vpack.i.f32.bf16 v10, v17;
	v29 =	vmul.f32 v43, v26;
	v30 =	vbroadcast v39, $0x6;
	[tilespmem:s13+$0x50] =	vst v9  }
0x22c: {  	v15 =	vbroadcast v46, $0x3;
	v26 =	vmul.f32 v28, v6;
	v9 =	vpack.i.f32.bf16 v2, v33;
	v2 =	vmovc v20;
	[tilespmem:s13+$0x10] =	vst v10  }
0x22d: {  	v12 =	vpack.i.f32.bf16 v37, v12;
	v11 =	vmul.f32 v29, v5;
	v10 =	vmul.f32 v14, v27;
	[tilespmem:s13+$0x40] =	vst v9  }
0x22e: {  	v24 =	vbroadcast v46, $0x1;
	v9 =	vmul.f32 v21, v32;
	[tilespmem:s13+$0xFFFFFFD0] =	vst v12;
	s13 =	smov.u32 s24  }
0x22f: {  	v27 =	vmul.f32 v28, v30;
	v34 =	vmul.f32 v10, v31  }
0x230: {  	v17 =	vmul.f32 v29, v15;
	v9 =	vpack.i.f32.bf16 v9, v25;
	v14 =	vmul.f32 v10, v22;
	v33 =	vld [tilespmem:s4+$0x40]  }
0x231: {  	v25 =	vmul.f32 v29, v24;
	[tilespmem:s24+$0x0] =	vst v9;
	v9 =	vmul.f32 v28, v3  }
.Ltmp8:
0x232: {  	v32 =	vbroadcast v46, $0x4;
	v10 =	vmul.f32 v10, v0;
	(pc) =	sbr.rel @p1 .LBB2_8-.Ltmp8, $4  }
0x233: {  	v21 =	vmul.f32 v44, v40;
	v29 =	vmul.f32 v41, v23  }
0x234: {  	v36 =	vmul.f32 v7, v48;
	v28 =	vmul.f32 v28, v18;
	v38 =	vld [tilespmem:s4+$0xFFFFFFA0]  }
0x235: {  	v20 =	vmul.f32 v7, v1;
	v37 =	vmul.f32 v29, v48  }
0x236: {  	s22 =	sadd.s32 $0x12, s22;
	s30 =	sadd.s32 $0x20, s30;
	v12 =	vmul.f32 v29, v13;
	v33 =	vmul.f32 v33, v40;
	v35 =	vld [tilespmem:s4+$0xFFFFFFC0]  }
0x237: {  	v31 =	vmul.f32 v21, v31  }
0x238: {  	v39 =	vmul.f32 v7, v16;
	v16 =	vmul.f32 v29, v16  }
0x239: {  	v1 =	vmul.f32 v29, v1;
	v31 =	vpack.i.f32.bf16 v34, v31  }
0x23a: {  	v0 =	vmul.f32 v21, v0;
	v16 =	vpack.i.f32.bf16 v39, v16;
	[tilespmem:s13+$0x30] =	vst v31  }
0x23b: {  	v6 =	vmul.f32 v33, v6;
	v1 =	vpack.i.f32.bf16 v20, v1;
	[tilespmem:s13+$0xFFFFFFF0] =	vst v16  }
0x23c: {  	v3 =	vmul.f32 v33, v3;
	v0 =	vpack.i.f32.bf16 v10, v0;
	[tilespmem:s13+$0xFFFFFFE0] =	vst v1  }
0x23d: {  	v4 =	vmul.f32 v33, v4;
	v6 =	vpack.i.f32.bf16 v26, v6;
	[tilespmem:s13+$0x10] =	vst v0  }
0x23e: {  	v1 =	vpack.i.f32.bf16 v9, v3;
	[tilespmem:s13+$0x80] =	vst v6  }
0x23f: {  	v18 =	vmul.f32 v33, v18;
	v38 =	vmul.f32 v38, v23;
	v0 =	vpack.i.f32.bf16 v2, v4;
	[tilespmem:s13+$0x50] =	vst v1  }
0x240: {  	v3 =	vmul.f32 v7, v13;
	v6 =	vpack.i.f32.bf16 v36, v37;
	[tilespmem:s13+$0x40] =	vst v0  }
0x241: {  	v8 =	vmul.f32 v38, v8;
	v16 =	vmul.f32 v35, v23;
	[tilespmem:s13+$0xFFFFFFC0] =	vst v6;
	v6 =	vpack.i.f32.bf16 v28, v18  }
0x242: {  	v30 =	vmul.f32 v33, v30;
	v1 =	vpack.i.f32.bf16 v3, v12;
	[tilespmem:s13+$0x70] =	vst v6  }
0x243: {  	v8 =	vpack.i.f32.bf16 v19, v8;
	v15 =	vmul.f32 v16, v15;
	[tilespmem:s13+$0xFFFFFFD0] =	vst v1  }
0x244: {  	v19 =	vpack.i.f32.bf16 v27, v30;
	[tilespmem:s13+$0xFFFFFF70] =	vst v8;
	v8 =	vmul.f32 v16, v24  }
0x245: {  	v5 =	vmul.f32 v16, v5;
	[tilespmem:s13+$0x60] =	vst v19;
	v15 =	vpack.i.f32.bf16 v17, v15  }
0x246: {  	v6 =	vmul.f32 v21, v22;
	v8 =	vpack.i.f32.bf16 v25, v8;
	[tilespmem:s13+$0xFFFFFFA0] =	vst v15  }
0x247: {  	v16 =	vmul.f32 v7, v32;
	v5 =	vpack.i.f32.bf16 v11, v5;
	[tilespmem:s13+$0xFFFFFF80] =	vst v8;
	v8 =	vmul.f32 v29, v32  }
0x248: {  	[tilespmem:s13+$0xFFFFFF90] =	vst v5;
	v5 =	vpack.i.f32.bf16 v14, v6  }
0x249: {  	[tilespmem:s13+$0x20] =	vst v5;
	v8 =	vpack.i.f32.bf16 v16, v8  }
0x24a: {  	[tilespmem:s13+$0xFFFFFFB0] =	vst v8  }
0x24b: {  	[spmem:s3] =	stream.indirect.scatter.add.bf16 [tilespmem:s0], [sflag:$0x5], $0x90, s14, s11, $0xb8;
	[tilespmem:$0x1E900] =	vst v63  }
0x24c: {  	_ =	swait.ge [sflag:s20], $0x1200  }
0x24d: {  	[sflag:s20] =	ssyncset.done $0x0  }
0x24e: {  	[sflag:s20] =	ssyncadd.s32 $0xFFFFEE00  }
0x24f: {  	v0 =	vld [tilespmem:$0x18780]  }
0x250: {  	v1 =	vld [tilespmem:$0x18790];
	_ =	sdelay $0x3  }
0x251: {  	[tilespmem:$0x1C4E0] =	vst v0  }
0x252: {  	s24 =	simm.s32 $0x18B19;
	[tilespmem:$0x1C4F0] =	vst v1  }
0x253: {  	v9 =	vld [tilespmem:s24+$0x0];
	_ =	sdelay $0x1  }
0x254: {  	s4 =	simm.s32 $0x1B0F0;
	v12 =	vld [tilespmem:s24+$0xFFFFFFF7]  }
0x255: {  	s21 =	simm.s32 $0x1C2D0;
	v2 =	vld [tilespmem:s4+$0xFFFFFF60]  }
0x256: {  	v10 =	vld [tilespmem:s21+$0xFFFFFFF0]  }
0x257: {  	v7 =	vld [tilespmem:s21+$0x0];
	v0 =	vbroadcast v9, $0x1;
	v6 =	vbroadcast v9, $0x8  }
0x258: {  	v11 =	vld [tilespmem:s4+$0xFFFFFFB0];
	v14 =	vbroadcast v9, $0x0;
	v3 =	vbroadcast v9, $0x5  }
0x259: {  	v13 =	vld [tilespmem:s4+$0xFFFFFFA0];
	v8 =	vbroadcast v12, $0x0;
	v5 =	vbroadcast v12, $0x2  }
0x25a: {  	v15 =	vld [tilespmem:s4+$0x0];
	v1 =	vbroadcast v12, $0x7;
	v16 =	vbroadcast v12, $0x8  }
0x25b: {  	v17 =	vld [tilespmem:s4+$0xFFFFFFC0];
	v59 =	vbroadcast v12, $0x5;
	v4 =	vbroadcast v9, $0x4  }
0x25c: {  	v23 =	vld [tilespmem:s4+$0xFFFFFF80];
	v31 =	vbroadcast v9, $0x3;
	v18 =	vbroadcast v9, $0x7  }
0x25d: {  	v24 =	vld [tilespmem:s4+$0xFFFFFFE0];
	v58 =	vunpack.i.l.bf16.f32 v7;
	v22 =	vbroadcast v9, $0x2;
	v30 =	vbroadcast v9, $0x6  }
0x25e: {  	v63 =	vld [tilespmem:s4+$0xFFFFFFF0];
	v20 =	vunpack.i.u.bf16.f32 v10;
	v32 =	vbroadcast v12, $0x4;
	v11 =	vmul.f32 v11, v58  }
0x25f: {  	v29 =	vld [tilespmem:s4+$0xFFFFFF90];
	v21 =	vunpack.i.u.bf16.f32 v7;
	v7 =	vmul.f32 v13, v20;
	v2 =	vmul.f32 v2, v20  }
0x260: {  	v28 =	vmul.f32 v15, v21;
	v13 =	vbroadcast v12, $0x6  }
0x261: {  	v17 =	vmul.f32 v17, v21;
	v20 =	vmul.f32 v23, v20  }
0x262: {  	v15 =	vbroadcast v12, $0x3;
	v21 =	vmul.f32 v24, v21  }
0x263: {  	v24 =	vbroadcast v12, $0x1;
	v23 =	vunpack.i.l.bf16.f32 v10;
	v33 =	vmul.f32 v63, v58  }
0x264: {  	v29 =	vmul.f32 v29, v23;
	v19 =	vmul.f32 v2, v8  }
0x265: {  	v60 =	vmul.f32 v11, v14;
	v2 =	vmul.f32 v28, v4  }
0x266: {  	v61 =	vld [tilespmem:s4+$0xFFFFFFD0];
	v26 =	vmul.f32 v28, v6;
	v11 =	vmul.f32 v20, v5  }
0x267: {  	v62 =	vmul.f32 v17, v14;
	v34 =	vmul.f32 v21, v31  }
0x268: {  	v27 =	vmul.f32 v28, v30;
	v17 =	vmul.f32 v20, v15  }
0x269: {  	v14 =	vmul.f32 v21, v22;
	v25 =	vmul.f32 v20, v24  }
0x26a: {  	v9 =	vmul.f32 v28, v3;
	v10 =	vmul.f32 v21, v0  }
0x26b: {  	v38 =	vld [tilespmem:s4+$0xFFFFFF50];
	v21 =	vmul.f32 v61, v58;
	v36 =	vmul.f32 v7, v59  }
0x26c: {  	s30 =	simm.s32 $0x1C2F0;
	s24 =	simm.s32 $0x1D790;
	v28 =	vmul.f32 v28, v18;
	v20 =	vmul.f32 v7, v1;
	v12 =	vpack.i.f32.bf16 v62, v60  }
0x26d: {  	s22 =	simm.s32 $0x18B2B;
	s13 =	simm.s32 $0x1D790;
	s21 =	simm.s32 $0x20;
	v35 =	vld [tilespmem:s4+$0xFFFFFF70];
	v37 =	vmul.f32 v29, v59;
	[tilespmem:s24+$0x0] =	vst v12;
	v12 =	vmul.f32 v29, v13  }
.LBB2_10:
0x26e: {  	v39 =	vld [tilespmem:s22+$0x0];
	s21 =	sadd.s32 $0x2, s21;
	v40 =	vmul.f32 v29, v32;
	v41 =	vmul.f32 v7, v16;
	s24 =	sadd.s32 $0x120, s24;
	s4 =	sadd.s32 $0xC0, s4  }
0x26f: {  	v16 =	vmul.f32 v29, v16;
	v31 =	vmul.f32 v21, v31;
	v42 =	vld [tilespmem:s4+$0xFFFFFF60];
	p1 =	slt.u32 s21, $0x3E  }
0x270: {  	v44 =	vmul.f32 v33, v6;
	v43 =	vld [tilespmem:s4+$0xFFFFFF80];
	v38 =	vmul.f32 v38, v23  }
0x271: {  	v36 =	vpack.i.f32.bf16 v36, v37;
	v37 =	vmul.f32 v7, v13;
	v22 =	vmul.f32 v21, v22;
	v45 =	vld [tilespmem:s30+$0xFFFFFFF0]  }
0x272: {  	v13 =	vmul.f32 v33, v30;
	v6 =	vpack.i.f32.bf16 v34, v31;
	v46 =	vld [tilespmem:s22+$0xFFFFFFF7];
	v8 =	vmul.f32 v38, v8  }
0x273: {  	v16 =	vpack.i.f32.bf16 v41, v16;
	v34 =	vmul.f32 v33, v3;
	v30 =	vld [tilespmem:s30+$0x0];
	v31 =	vbroadcast v39, $0x1;
	[tilespmem:s13+$0x30] =	vst v6  }
0x274: {  	v7 =	vmul.f32 v7, v32;
	v6 =	vbroadcast v39, $0x8;
	v38 =	vld [tilespmem:s4+$0xFFFFFFB0];
	v3 =	vpack.i.f32.bf16 v19, v8;
	[tilespmem:s13+$0xFFFFFFF0] =	vst v16  }
0x275: {  	v18 =	vmul.f32 v33, v18;
	v32 =	vbroadcast v39, $0x0;
	v16 =	vpack.i.f32.bf16 v26, v44;
	v41 =	vld [tilespmem:s4+$0xFFFFFF90];
	[tilespmem:s13+$0xFFFFFF70] =	vst v3  }
0x276: {  	v33 =	vmul.f32 v33, v4;
	v3 =	vbroadcast v39, $0x5;
	v26 =	vunpack.i.u.bf16.f32 v45  }
0x277: {  	v19 =	vmul.f32 v35, v23;
	v23 =	vpack.i.f32.bf16 v7, v40;
	v8 =	vbroadcast v46, $0x0;
	v44 =	vld [tilespmem:s4+$0xFFFFFFD0]  }
0x278: {  	v29 =	vmul.f32 v29, v1;
	v35 =	vbroadcast v46, $0x2;
	v7 =	vld [tilespmem:s4+$0xFFFFFFA0];
	v40 =	vunpack.i.l.bf16.f32 v30  }
0x279: {  	v4 =	vpack.i.f32.bf16 v27, v13;
	v24 =	vmul.f32 v19, v24;
	v1 =	vbroadcast v46, $0x7;
	v47 =	vld [tilespmem:s4+$0x0];
	[tilespmem:s13+$0x80] =	vst v16  }
0x27a: {  	v13 =	vmul.f32 v19, v15;
	v27 =	vunpack.i.u.bf16.f32 v30;
	v16 =	vbroadcast v46, $0x8;
	v30 =	vld [tilespmem:s4+$0xFFFFFFC0];
	[tilespmem:s13+$0x60] =	vst v4  }
0x27b: {  	v48 =	vbroadcast v46, $0x5;
	v15 =	vpack.i.f32.bf16 v25, v24;
	v4 =	vbroadcast v39, $0x4;
	[tilespmem:s13+$0xFFFFFFC0] =	vst v36  }
0x27c: {  	v5 =	vmul.f32 v19, v5;
	v24 =	vmul.f32 v38, v40;
	[tilespmem:s13+$0xFFFFFF80] =	vst v15;
	v15 =	vpack.i.f32.bf16 v28, v18  }
0x27d: {  	v13 =	vpack.i.f32.bf16 v17, v13;
	v17 =	vmul.f32 v21, v0;
	v7 =	vmul.f32 v7, v26;
	[tilespmem:s13+$0x70] =	vst v15  }
0x27e: {  	v11 =	vpack.i.f32.bf16 v11, v5;
	v15 =	vmul.f32 v42, v26;
	v28 =	vmul.f32 v47, v27;
	[tilespmem:s13+$0xFFFFFFA0] =	vst v13  }
0x27f: {  	v22 =	vpack.i.f32.bf16 v14, v22;
	v0 =	vmovc v31;
	v13 =	vbroadcast v46, $0x6;
	v21 =	vmul.f32 v30, v27;
	[tilespmem:s13+$0xFFFFFF90] =	vst v11  }
0x280: {  	v25 =	vmul.f32 v24, v32;
	v19 =	vmul.f32 v15, v8;
	v11 =	vpack.i.f32.bf16 v20, v29;
	v14 =	vld [tilespmem:s4+$0xFFFFFFE0];
	[tilespmem:s13+$0xFFFFFFB0] =	vst v23  }
0x281: {  	v31 =	vbroadcast v39, $0x3;
	v5 =	vmovc v35;
	v18 =	vbroadcast v39, $0x7;
	v23 =	vunpack.i.l.bf16.f32 v45;
	[tilespmem:s13+$0x20] =	vst v22  }
0x282: {  	v9 =	vpack.i.f32.bf16 v9, v34;
	v20 =	vmul.f32 v28, v4;
	v22 =	vbroadcast v39, $0x2;
	[tilespmem:s13+$0xFFFFFFE0] =	vst v11  }
0x283: {  	v10 =	vpack.i.f32.bf16 v10, v17;
	v29 =	vmul.f32 v43, v26;
	v30 =	vbroadcast v39, $0x6;
	[tilespmem:s13+$0x50] =	vst v9  }
0x284: {  	v15 =	vbroadcast v46, $0x3;
	v26 =	vmul.f32 v28, v6;
	v9 =	vpack.i.f32.bf16 v2, v33;
	v2 =	vmovc v20;
	[tilespmem:s13+$0x10] =	vst v10  }
0x285: {  	v12 =	vpack.i.f32.bf16 v37, v12;
	v11 =	vmul.f32 v29, v5;
	v10 =	vmul.f32 v14, v27;
	[tilespmem:s13+$0x40] =	vst v9  }
0x286: {  	v24 =	vbroadcast v46, $0x1;
	v9 =	vmul.f32 v21, v32;
	[tilespmem:s13+$0xFFFFFFD0] =	vst v12;
	s13 =	smov.u32 s24  }
0x287: {  	v27 =	vmul.f32 v28, v30;
	v34 =	vmul.f32 v10, v31  }
0x288: {  	v17 =	vmul.f32 v29, v15;
	v9 =	vpack.i.f32.bf16 v9, v25;
	v14 =	vmul.f32 v10, v22;
	v33 =	vld [tilespmem:s4+$0xFFFFFFF0]  }
0x289: {  	v25 =	vmul.f32 v29, v24;
	[tilespmem:s24+$0x0] =	vst v9;
	v9 =	vmul.f32 v28, v3  }
.Ltmp9:
0x28a: {  	v32 =	vbroadcast v46, $0x4;
	v10 =	vmul.f32 v10, v0;
	(pc) =	sbr.rel @p1 .LBB2_10-.Ltmp9, $4  }
0x28b: {  	v21 =	vmul.f32 v44, v40;
	v29 =	vmul.f32 v41, v23  }
0x28c: {  	v36 =	vmul.f32 v7, v48;
	v28 =	vmul.f32 v28, v18;
	v38 =	vld [tilespmem:s4+$0xFFFFFF50]  }
0x28d: {  	v20 =	vmul.f32 v7, v1;
	v37 =	vmul.f32 v29, v48  }
0x28e: {  	s22 =	sadd.s32 $0x12, s22;
	s30 =	sadd.s32 $0x20, s30;
	v12 =	vmul.f32 v29, v13;
	v33 =	vmul.f32 v33, v40;
	v35 =	vld [tilespmem:s4+$0xFFFFFF70]  }
0x28f: {  	v31 =	vmul.f32 v21, v31  }
0x290: {  	v39 =	vmul.f32 v7, v16;
	v50 =	vmul.f32 v29, v16;
	v54 =	vpack.i.f32.bf16 v36, v37  }
0x291: {  	v58 =	vmul.f32 v21, v22;
	[tilespmem:s13+$0xFFFFFFC0] =	vst v54;
	v31 =	vpack.i.f32.bf16 v34, v31  }
0x292: {  	v1 =	vmul.f32 v29, v1;
	v16 =	vpack.i.f32.bf16 v39, v50;
	[tilespmem:s13+$0x30] =	vst v31  }
0x293: {  	v0 =	vmul.f32 v21, v0;
	v59 =	vpack.i.f32.bf16 v14, v58;
	[tilespmem:s13+$0xFFFFFFF0] =	vst v16  }
0x294: {  	v61 =	vmul.f32 v7, v13;
	v1 =	vpack.i.f32.bf16 v20, v1;
	[tilespmem:s13+$0x20] =	vst v59  }
0x295: {  	v6 =	vmul.f32 v33, v6;
	v0 =	vpack.i.f32.bf16 v10, v0;
	[tilespmem:s13+$0xFFFFFFE0] =	vst v1  }
0x296: {  	v30 =	vmul.f32 v33, v30;
	v63 =	vpack.i.f32.bf16 v61, v12;
	[tilespmem:s13+$0x10] =	vst v0  }
0x297: {  	v18 =	vmul.f32 v33, v18;
	v6 =	vpack.i.f32.bf16 v26, v6;
	[tilespmem:s13+$0xFFFFFFD0] =	vst v63  }
0x298: {  	v3 =	vmul.f32 v33, v3;
	v38 =	vmul.f32 v38, v23;
	v53 =	vpack.i.f32.bf16 v27, v30;
	[tilespmem:s13+$0x80] =	vst v6  }
0x299: {  	v4 =	vmul.f32 v33, v4;
	v55 =	vpack.i.f32.bf16 v28, v18;
	v51 =	vmul.f32 v35, v23;
	[tilespmem:s13+$0x60] =	vst v53  }
0x29a: {  	v60 =	vpack.i.f32.bf16 v9, v3;
	v8 =	vmul.f32 v38, v8;
	[tilespmem:s13+$0x70] =	vst v55  }
0x29b: {  	v62 =	vpack.i.f32.bf16 v2, v4;
	[tilespmem:s13+$0x50] =	vst v60;
	v52 =	vmul.f32 v51, v24  }
0x29c: {  	[tilespmem:s13+$0x40] =	vst v62;
	v8 =	vpack.i.f32.bf16 v19, v8;
	v15 =	vmul.f32 v51, v15  }
0x29d: {  	v5 =	vmul.f32 v51, v5;
	[tilespmem:s13+$0xFFFFFF70] =	vst v8;
	v8 =	vpack.i.f32.bf16 v25, v52  }
0x29e: {  	v56 =	vmul.f32 v29, v32;
	v57 =	vmul.f32 v7, v32;
	s4 =	sor.u32 $0x30, s18;
	v15 =	vpack.i.f32.bf16 v17, v15;
	[tilespmem:s13+$0xFFFFFF80] =	vst v8  }
0x29f: {  	p1 =	sge.u32 s4, s26;
	v5 =	vpack.i.f32.bf16 v11, v5;
	[tilespmem:s13+$0xFFFFFFA0] =	vst v15  }
0x2a0: {  	s4 =	sadd.s32 @!p1 s12, s4;
	v8 =	vpack.i.f32.bf16 v57, v56;
	[tilespmem:s13+$0xFFFFFF90] =	vst v5  }
0x2a1: {  	s21 =	simm.s32 @!p1 $0x0;
	s24 =	smul.u32 @!p1 $0x48, s4;
	[tilespmem:s13+$0xFFFFFFB0] =	vst v8;
	s13 =	sshll.u32 @!p1 s4, $0x4  }
0x2a2: {  	[spmem:s3] =	stream.indirect.scatter.add.bf16 [tilespmem:s15], [sflag:$0x6], $0x90, s17, s11, $0xb8;
	[tilespmem:$0x1E900] =	vst v63  }
0x2a3: {  	s22 =	simm.s32 @!p1 $0x18720;
	s4 =	smul.u32 @!p1 $0xC00, s4;
	s13 =	sadd.s32 @!p1 s9, s13  }
0x2a4: {  	[tilespmem:s22], [sflag:$0x2] =	stream.linear.gather @!p1 [hbm4b:s13+s21], $0x80, $0x38;
	[tilespmem:$0x1E900] =	vst v63  }
0x2a5: {  	s4 =	sadd.s32 @!p1 s7, s4;
	s13 =	sadd.s32 @!p1 s1, s24;
	s22 =	simm.s32 @!p1 $0x189F0  }
0x2a6: {  	[tilespmem:s22], [sflag:$0x2] =	stream.linear.gather @!p1 [hbm4b:s13+s21], $0x240, $0x38;
	[tilespmem:$0x1E900] =	vst v63  }
0x2a7: {  	s13 =	simm.s32 @!p1 $0x60;
	s21 =	simm.s32 @!p1 $0x180;
	s22 =	simm.s32 @!p1 $0x1A440  }
0x2a8: {  	[tilespmem:s22], [sflag:$0x2] =	stream.strided.gather @!p1 [hbm4b:s4+s13], $0x1800, s21, s13, $0x38;
	[tilespmem:$0x1E900] =	vst v63  }
0x2a9: {  	s4 =	simm.s32 @!p1 $0x2  }
0x2aa: {  	_ =	swait.ge @!p1 [sflag:s4], $0x80  }
0x2ab: {  	[sflag:s4] =	ssyncset.done @!p1 $0x0  }
0x2ac: {  	[sflag:s4] =	ssyncadd.s32 @!p1 $0xFFFFFF80  }
0x2ad: {  	_ =	swait.ge @!p1 [sflag:s4], $0x240  }
0x2ae: {  	[sflag:s4] =	ssyncset.done @!p1 $0x0  }
0x2af: {  	[sflag:s4] =	ssyncadd.s32 @!p1 $0xFFFFFDC0  }
0x2b0: {  	_ =	swait.ge @!p1 [sflag:s4], $0x1800  }
0x2b1: {  	[sflag:s4] =	ssyncset.done @!p1 $0x0  }
0x2b2: {  	[sflag:s4] =	ssyncadd.s32 @!p1 $0xFFFFE800  }
0x2b3: {  	v0 =	vld @!p1 [tilespmem:$0x18720]  }
0x2b4: {  	v1 =	vld @!p1 [tilespmem:$0x18730]  }
0x2b5: {  	v2 =	vld @!p1 [tilespmem:$0x18740]  }
0x2b6: {  	v3 =	vld @!p1 [tilespmem:$0x18750];
	_ =	sdelay $0x1  }
.Ltmp10:
0x2b7: {  	[tilespmem:$0x1BC80] =	vst @!p1 v0;
	(pc) =	sbr.rel @p0 .LBB2_29-.Ltmp10, $4  }
0x2b8: {  	[tilespmem:$0x1BC90] =	vst @!p1 v1  }
0x2b9: {  	[tilespmem:$0x1BCA0] =	vst @!p1 v2  }
0x2ba: {  	s13 =	simm.s32 @!p1 $0x1BC80;
	s21 =	simm.s32 @!p1 $0x1C0C0;
	s4 =	simm.s32 @!p1 $0x40;
	[tilespmem:$0x1BCB0] =	vst @!p1 v3  }
0x2bb: {  	[tilespmem:s21], [sflag:$0x4] =	stream.indirect.gather @!p1 [spmem:s2], $0x10, s13, s4, $0xb8;
	[tilespmem:$0x1E900] =	vst v63  }
0x2bc: {  	_ =	swait.ge [sflag:s8], $0x400  }
0x2bd: {  	[sflag:s8] =	ssyncset.done $0x0  }
0x2be: {  	[sflag:s8] =	ssyncadd.s32 $0xFFFFFC00  }
0x2bf: {  	_ =	swait.ge [sflag:s19], $0x1200  }
0x2c0: {  	[sflag:s19] =	ssyncset.done $0x0  }
0x2c1: {  	[sflag:s19] =	ssyncadd.s32 $0xFFFFEE00  }
0x2c2: {  	v0 =	vld [tilespmem:$0x186E0]  }
0x2c3: {  	v1 =	vld [tilespmem:$0x186F0];
	_ =	sdelay $0x3  }
0x2c4: {  	[tilespmem:$0x1C4C0] =	vst v0  }
0x2c5: {  	s13 =	simm.s32 $0x187A9;
	[tilespmem:$0x1C4D0] =	vst v1  }
0x2c6: {  	v9 =	vld [tilespmem:s13+$0x0];
	_ =	sdelay $0x1  }
0x2c7: {  	s4 =	simm.s32 $0x18CA0;
	v12 =	vld [tilespmem:s13+$0xFFFFFFF7]  }
0x2c8: {  	s21 =	simm.s32 $0x1BCD0;
	v2 =	vld [tilespmem:s4+$0xFFFFFFB0]  }
0x2c9: {  	v10 =	vld [tilespmem:s21+$0xFFFFFFF0]  }
0x2ca: {  	v7 =	vld [tilespmem:s21+$0x0];
	v0 =	vbroadcast v9, $0x1;
	v6 =	vbroadcast v9, $0x8  }
0x2cb: {  	v11 =	vld [tilespmem:s4+$0x0];
	v14 =	vbroadcast v9, $0x0;
	v3 =	vbroadcast v9, $0x5  }
0x2cc: {  	v13 =	vld [tilespmem:s4+$0xFFFFFFF0];
	v8 =	vbroadcast v12, $0x0;
	v5 =	vbroadcast v12, $0x2  }
0x2cd: {  	v15 =	vld [tilespmem:s4+$0x50];
	v1 =	vbroadcast v12, $0x7;
	v16 =	vbroadcast v12, $0x8  }
0x2ce: {  	v17 =	vld [tilespmem:s4+$0x10];
	v35 =	vbroadcast v12, $0x5;
	v4 =	vbroadcast v9, $0x4  }
0x2cf: {  	v23 =	vld [tilespmem:s4+$0xFFFFFFD0];
	v31 =	vbroadcast v9, $0x3;
	v18 =	vbroadcast v9, $0x7  }
0x2d0: {  	v24 =	vld [tilespmem:s4+$0x30];
	v33 =	vunpack.i.l.bf16.f32 v7;
	v22 =	vbroadcast v9, $0x2;
	v30 =	vbroadcast v9, $0x6  }
0x2d1: {  	v29 =	vld [tilespmem:s4+$0xFFFFFFE0];
	v20 =	vunpack.i.u.bf16.f32 v10;
	v32 =	vbroadcast v12, $0x4;
	v11 =	vmul.f32 v11, v33  }
0x2d2: {  	v21 =	vunpack.i.u.bf16.f32 v7;
	v7 =	vmul.f32 v13, v20;
	v2 =	vmul.f32 v2, v20  }
0x2d3: {  	v28 =	vmul.f32 v15, v21;
	v13 =	vbroadcast v12, $0x6  }
0x2d4: {  	v17 =	vmul.f32 v17, v21;
	v20 =	vmul.f32 v23, v20  }
0x2d5: {  	v15 =	vbroadcast v12, $0x3;
	v21 =	vmul.f32 v24, v21;
	v23 =	vunpack.i.l.bf16.f32 v10  }
0x2d6: {  	v24 =	vbroadcast v12, $0x1;
	v29 =	vmul.f32 v29, v23  }
0x2d7: {  	v19 =	vmul.f32 v2, v8;
	v37 =	vmul.f32 v11, v14  }
0x2d8: {  	v36 =	vld [tilespmem:s4+$0x20];
	v2 =	vmul.f32 v28, v4;
	v26 =	vmul.f32 v28, v6  }
0x2d9: {  	v11 =	vmul.f32 v20, v5;
	v38 =	vmul.f32 v17, v14  }
0x2da: {  	v39 =	vld [tilespmem:s4+$0x40];
	v34 =	vmul.f32 v21, v31;
	v27 =	vmul.f32 v28, v30  }
0x2db: {  	v17 =	vmul.f32 v20, v15;
	v14 =	vmul.f32 v21, v22  }
0x2dc: {  	v25 =	vmul.f32 v20, v24;
	v9 =	vmul.f32 v28, v3  }
0x2dd: {  	v10 =	vmul.f32 v21, v0;
	v21 =	vmul.f32 v36, v33  }
0x2de: {  	v36 =	vmul.f32 v7, v35;
	v28 =	vmul.f32 v28, v18;
	v12 =	vpack.i.f32.bf16 v38, v37;
	v38 =	vld [tilespmem:s4+$0xFFFFFFA0]  }
0x2df: {  	s24 =	simm.s32 $0x1C590;
	s30 =	simm.s32 $0x1BCF0;
	v20 =	vmul.f32 v7, v1;
	v33 =	vmul.f32 v39, v33  }
0x2e0: {  	s22 =	simm.s32 $0x187BB;
	s21 =	simm.s32 $0x0;
	s13 =	simm.s32 $0x1C590;
	v37 =	vmul.f32 v29, v35;
	v35 =	vld [tilespmem:s4+$0xFFFFFFC0];
	[tilespmem:s24+$0x0] =	vst v12;
	v12 =	vmul.f32 v29, v13  }
.LBB2_13:
0x2e1: {  	v39 =	vld [tilespmem:s22+$0x0];
	s21 =	sadd.s32 $0x2, s21;
	v40 =	vmul.f32 v29, v32;
	v41 =	vmul.f32 v7, v16;
	s4 =	sadd.s32 $0xC0, s4;
	s24 =	sadd.s32 $0x120, s24  }
0x2e2: {  	v16 =	vmul.f32 v29, v16;
	v31 =	vmul.f32 v21, v31;
	v42 =	vld [tilespmem:s4+$0xFFFFFFB0];
	p2 =	slt.u32 s21, $0x1E  }
0x2e3: {  	v44 =	vmul.f32 v33, v6;
	v43 =	vld [tilespmem:s4+$0xFFFFFFD0];
	v38 =	vmul.f32 v38, v23  }
0x2e4: {  	v36 =	vpack.i.f32.bf16 v36, v37;
	v37 =	vmul.f32 v7, v13;
	v22 =	vmul.f32 v21, v22;
	v45 =	vld [tilespmem:s30+$0xFFFFFFF0]  }
0x2e5: {  	v13 =	vmul.f32 v33, v30;
	v6 =	vpack.i.f32.bf16 v34, v31;
	v46 =	vld [tilespmem:s22+$0xFFFFFFF7];
	v8 =	vmul.f32 v38, v8  }
0x2e6: {  	v16 =	vpack.i.f32.bf16 v41, v16;
	v34 =	vmul.f32 v33, v3;
	v30 =	vld [tilespmem:s30+$0x0];
	v31 =	vbroadcast v39, $0x1;
	[tilespmem:s13+$0x30] =	vst v6  }
0x2e7: {  	v7 =	vmul.f32 v7, v32;
	v6 =	vbroadcast v39, $0x8;
	v38 =	vld [tilespmem:s4+$0x0];
	v3 =	vpack.i.f32.bf16 v19, v8;
	[tilespmem:s13+$0xFFFFFFF0] =	vst v16  }
0x2e8: {  	v18 =	vmul.f32 v33, v18;
	v32 =	vbroadcast v39, $0x0;
	v16 =	vpack.i.f32.bf16 v26, v44;
	v41 =	vld [tilespmem:s4+$0xFFFFFFE0];
	[tilespmem:s13+$0xFFFFFF70] =	vst v3  }
0x2e9: {  	v33 =	vmul.f32 v33, v4;
	v3 =	vbroadcast v39, $0x5;
	v26 =	vunpack.i.u.bf16.f32 v45  }
0x2ea: {  	v19 =	vmul.f32 v35, v23;
	v23 =	vpack.i.f32.bf16 v7, v40;
	v8 =	vbroadcast v46, $0x0;
	v44 =	vld [tilespmem:s4+$0x20]  }
0x2eb: {  	v29 =	vmul.f32 v29, v1;
	v35 =	vbroadcast v46, $0x2;
	v7 =	vld [tilespmem:s4+$0xFFFFFFF0];
	v40 =	vunpack.i.l.bf16.f32 v30  }
0x2ec: {  	v4 =	vpack.i.f32.bf16 v27, v13;
	v24 =	vmul.f32 v19, v24;
	v1 =	vbroadcast v46, $0x7;
	v47 =	vld [tilespmem:s4+$0x50];
	[tilespmem:s13+$0x80] =	vst v16  }
0x2ed: {  	v13 =	vmul.f32 v19, v15;
	v27 =	vunpack.i.u.bf16.f32 v30;
	v16 =	vbroadcast v46, $0x8;
	v30 =	vld [tilespmem:s4+$0x10];
	[tilespmem:s13+$0x60] =	vst v4  }
0x2ee: {  	v48 =	vbroadcast v46, $0x5;
	v15 =	vpack.i.f32.bf16 v25, v24;
	v4 =	vbroadcast v39, $0x4;
	[tilespmem:s13+$0xFFFFFFC0] =	vst v36  }
0x2ef: {  	v5 =	vmul.f32 v19, v5;
	v24 =	vmul.f32 v38, v40;
	[tilespmem:s13+$0xFFFFFF80] =	vst v15;
	v15 =	vpack.i.f32.bf16 v28, v18  }
0x2f0: {  	v13 =	vpack.i.f32.bf16 v17, v13;
	v17 =	vmul.f32 v21, v0;
	v7 =	vmul.f32 v7, v26;
	[tilespmem:s13+$0x70] =	vst v15  }
0x2f1: {  	v11 =	vpack.i.f32.bf16 v11, v5;
	v15 =	vmul.f32 v42, v26;
	v28 =	vmul.f32 v47, v27;
	[tilespmem:s13+$0xFFFFFFA0] =	vst v13  }
0x2f2: {  	v22 =	vpack.i.f32.bf16 v14, v22;
	v0 =	vmovc v31;
	v13 =	vbroadcast v46, $0x6;
	v21 =	vmul.f32 v30, v27;
	[tilespmem:s13+$0xFFFFFF90] =	vst v11  }
0x2f3: {  	v25 =	vmul.f32 v24, v32;
	v19 =	vmul.f32 v15, v8;
	v11 =	vpack.i.f32.bf16 v20, v29;
	v14 =	vld [tilespmem:s4+$0x30];
	[tilespmem:s13+$0xFFFFFFB0] =	vst v23  }
0x2f4: {  	v31 =	vbroadcast v39, $0x3;
	v5 =	vmovc v35;
	v18 =	vbroadcast v39, $0x7;
	v23 =	vunpack.i.l.bf16.f32 v45;
	[tilespmem:s13+$0x20] =	vst v22  }
0x2f5: {  	v9 =	vpack.i.f32.bf16 v9, v34;
	v20 =	vmul.f32 v28, v4;
	v22 =	vbroadcast v39, $0x2;
	[tilespmem:s13+$0xFFFFFFE0] =	vst v11  }
0x2f6: {  	v10 =	vpack.i.f32.bf16 v10, v17;
	v29 =	vmul.f32 v43, v26;
	v30 =	vbroadcast v39, $0x6;
	[tilespmem:s13+$0x50] =	vst v9  }
0x2f7: {  	v15 =	vbroadcast v46, $0x3;
	v26 =	vmul.f32 v28, v6;
	v9 =	vpack.i.f32.bf16 v2, v33;
	v2 =	vmovc v20;
	[tilespmem:s13+$0x10] =	vst v10  }
0x2f8: {  	v12 =	vpack.i.f32.bf16 v37, v12;
	v11 =	vmul.f32 v29, v5;
	v10 =	vmul.f32 v14, v27;
	[tilespmem:s13+$0x40] =	vst v9  }
0x2f9: {  	v24 =	vbroadcast v46, $0x1;
	v9 =	vmul.f32 v21, v32;
	[tilespmem:s13+$0xFFFFFFD0] =	vst v12;
	s13 =	smov.u32 s24  }
0x2fa: {  	v27 =	vmul.f32 v28, v30;
	v34 =	vmul.f32 v10, v31  }
0x2fb: {  	v17 =	vmul.f32 v29, v15;
	v9 =	vpack.i.f32.bf16 v9, v25;
	v14 =	vmul.f32 v10, v22;
	v33 =	vld [tilespmem:s4+$0x40]  }
0x2fc: {  	v25 =	vmul.f32 v29, v24;
	[tilespmem:s24+$0x0] =	vst v9;
	v9 =	vmul.f32 v28, v3  }
.Ltmp11:
0x2fd: {  	v32 =	vbroadcast v46, $0x4;
	v10 =	vmul.f32 v10, v0;
	(pc) =	sbr.rel @p2 .LBB2_13-.Ltmp11, $4  }
0x2fe: {  	v21 =	vmul.f32 v44, v40;
	v29 =	vmul.f32 v41, v23  }
0x2ff: {  	v36 =	vmul.f32 v7, v48;
	v28 =	vmul.f32 v28, v18;
	v38 =	vld [tilespmem:s4+$0xFFFFFFA0]  }
0x300: {  	v20 =	vmul.f32 v7, v1;
	v37 =	vmul.f32 v29, v48  }
0x301: {  	s22 =	sadd.s32 $0x12, s22;
	s30 =	sadd.s32 $0x20, s30;
	v12 =	vmul.f32 v29, v13;
	v33 =	vmul.f32 v33, v40;
	v35 =	vld [tilespmem:s4+$0xFFFFFFC0]  }
0x302: {  	v31 =	vmul.f32 v21, v31  }
0x303: {  	v39 =	vmul.f32 v7, v16;
	v16 =	vmul.f32 v29, v16  }
0x304: {  	v1 =	vmul.f32 v29, v1;
	v31 =	vpack.i.f32.bf16 v34, v31  }
0x305: {  	v0 =	vmul.f32 v21, v0;
	v16 =	vpack.i.f32.bf16 v39, v16;
	[tilespmem:s13+$0x30] =	vst v31  }
0x306: {  	v6 =	vmul.f32 v33, v6;
	v1 =	vpack.i.f32.bf16 v20, v1;
	[tilespmem:s13+$0xFFFFFFF0] =	vst v16  }
0x307: {  	v3 =	vmul.f32 v33, v3;
	v0 =	vpack.i.f32.bf16 v10, v0;
	[tilespmem:s13+$0xFFFFFFE0] =	vst v1  }
0x308: {  	v4 =	vmul.f32 v33, v4;
	v6 =	vpack.i.f32.bf16 v26, v6;
	[tilespmem:s13+$0x10] =	vst v0  }
0x309: {  	v1 =	vpack.i.f32.bf16 v9, v3;
	[tilespmem:s13+$0x80] =	vst v6  }
0x30a: {  	v18 =	vmul.f32 v33, v18;
	v38 =	vmul.f32 v38, v23;
	v0 =	vpack.i.f32.bf16 v2, v4;
	[tilespmem:s13+$0x50] =	vst v1  }
0x30b: {  	v3 =	vmul.f32 v7, v13;
	v6 =	vpack.i.f32.bf16 v36, v37;
	[tilespmem:s13+$0x40] =	vst v0  }
0x30c: {  	v8 =	vmul.f32 v38, v8;
	v16 =	vmul.f32 v35, v23;
	[tilespmem:s13+$0xFFFFFFC0] =	vst v6;
	v6 =	vpack.i.f32.bf16 v28, v18  }
0x30d: {  	v30 =	vmul.f32 v33, v30;
	v1 =	vpack.i.f32.bf16 v3, v12;
	[tilespmem:s13+$0x70] =	vst v6  }
0x30e: {  	v8 =	vpack.i.f32.bf16 v19, v8;
	v15 =	vmul.f32 v16, v15;
	[tilespmem:s13+$0xFFFFFFD0] =	vst v1  }
0x30f: {  	v19 =	vpack.i.f32.bf16 v27, v30;
	[tilespmem:s13+$0xFFFFFF70] =	vst v8;
	v8 =	vmul.f32 v16, v24  }
0x310: {  	v5 =	vmul.f32 v16, v5;
	[tilespmem:s13+$0x60] =	vst v19;
	v15 =	vpack.i.f32.bf16 v17, v15  }
0x311: {  	v6 =	vmul.f32 v21, v22;
	v8 =	vpack.i.f32.bf16 v25, v8;
	[tilespmem:s13+$0xFFFFFFA0] =	vst v15  }
0x312: {  	v16 =	vmul.f32 v7, v32;
	v5 =	vpack.i.f32.bf16 v11, v5;
	[tilespmem:s13+$0xFFFFFF80] =	vst v8;
	v8 =	vmul.f32 v29, v32  }
0x313: {  	[tilespmem:s13+$0xFFFFFF90] =	vst v5;
	v5 =	vpack.i.f32.bf16 v14, v6  }
0x314: {  	[tilespmem:s13+$0x20] =	vst v5;
	v8 =	vpack.i.f32.bf16 v16, v8  }
0x315: {  	[tilespmem:s13+$0xFFFFFFB0] =	vst v8  }
0x316: {  	[spmem:s3] =	stream.indirect.scatter.add.bf16 [tilespmem:s0], [sflag:$0x5], $0x90, s14, s11, $0xb8;
	[tilespmem:$0x1E900] =	vst v63  }
0x317: {  	_ =	swait.ge [sflag:s20], $0x1200  }
0x318: {  	[sflag:s20] =	ssyncset.done $0x0  }
0x319: {  	[sflag:s20] =	ssyncadd.s32 $0xFFFFEE00  }
0x31a: {  	v0 =	vld [tilespmem:$0x18700]  }
0x31b: {  	v1 =	vld [tilespmem:$0x18710];
	_ =	sdelay $0x3  }
0x31c: {  	[tilespmem:$0x1C4E0] =	vst v0  }
0x31d: {  	s24 =	simm.s32 $0x188C9;
	[tilespmem:$0x1C4F0] =	vst v1  }
0x31e: {  	v9 =	vld [tilespmem:s24+$0x0];
	_ =	sdelay $0x1  }
0x31f: {  	s4 =	simm.s32 $0x198F0;
	v12 =	vld [tilespmem:s24+$0xFFFFFFF7]  }
0x320: {  	s21 =	simm.s32 $0x1BED0;
	v2 =	vld [tilespmem:s4+$0xFFFFFF60]  }
0x321: {  	v10 =	vld [tilespmem:s21+$0xFFFFFFF0]  }
0x322: {  	v7 =	vld [tilespmem:s21+$0x0];
	v0 =	vbroadcast v9, $0x1;
	v6 =	vbroadcast v9, $0x8  }
0x323: {  	v11 =	vld [tilespmem:s4+$0xFFFFFFB0];
	v14 =	vbroadcast v9, $0x0;
	v3 =	vbroadcast v9, $0x5  }
0x324: {  	v13 =	vld [tilespmem:s4+$0xFFFFFFA0];
	v8 =	vbroadcast v12, $0x0;
	v5 =	vbroadcast v12, $0x2  }
0x325: {  	v15 =	vld [tilespmem:s4+$0x0];
	v1 =	vbroadcast v12, $0x7;
	v16 =	vbroadcast v12, $0x8  }
0x326: {  	v17 =	vld [tilespmem:s4+$0xFFFFFFC0];
	v59 =	vbroadcast v12, $0x5;
	v4 =	vbroadcast v9, $0x4  }
0x327: {  	v23 =	vld [tilespmem:s4+$0xFFFFFF80];
	v31 =	vbroadcast v9, $0x3;
	v18 =	vbroadcast v9, $0x7  }
0x328: {  	v24 =	vld [tilespmem:s4+$0xFFFFFFE0];
	v58 =	vunpack.i.l.bf16.f32 v7;
	v22 =	vbroadcast v9, $0x2;
	v30 =	vbroadcast v9, $0x6  }
0x329: {  	v63 =	vld [tilespmem:s4+$0xFFFFFFF0];
	v20 =	vunpack.i.u.bf16.f32 v10;
	v32 =	vbroadcast v12, $0x4;
	v11 =	vmul.f32 v11, v58  }
0x32a: {  	v29 =	vld [tilespmem:s4+$0xFFFFFF90];
	v21 =	vunpack.i.u.bf16.f32 v7;
	v7 =	vmul.f32 v13, v20;
	v2 =	vmul.f32 v2, v20  }
0x32b: {  	v28 =	vmul.f32 v15, v21;
	v13 =	vbroadcast v12, $0x6  }
0x32c: {  	v17 =	vmul.f32 v17, v21;
	v20 =	vmul.f32 v23, v20  }
0x32d: {  	v15 =	vbroadcast v12, $0x3;
	v21 =	vmul.f32 v24, v21  }
0x32e: {  	v24 =	vbroadcast v12, $0x1;
	v23 =	vunpack.i.l.bf16.f32 v10;
	v33 =	vmul.f32 v63, v58  }
0x32f: {  	v29 =	vmul.f32 v29, v23;
	v19 =	vmul.f32 v2, v8  }
0x330: {  	v60 =	vmul.f32 v11, v14;
	v2 =	vmul.f32 v28, v4  }
0x331: {  	v61 =	vld [tilespmem:s4+$0xFFFFFFD0];
	v26 =	vmul.f32 v28, v6;
	v11 =	vmul.f32 v20, v5  }
0x332: {  	v62 =	vmul.f32 v17, v14;
	v34 =	vmul.f32 v21, v31  }
0x333: {  	v27 =	vmul.f32 v28, v30;
	v17 =	vmul.f32 v20, v15  }
0x334: {  	v14 =	vmul.f32 v21, v22;
	v25 =	vmul.f32 v20, v24  }
0x335: {  	v9 =	vmul.f32 v28, v3;
	v10 =	vmul.f32 v21, v0  }
0x336: {  	v38 =	vld [tilespmem:s4+$0xFFFFFF50];
	v21 =	vmul.f32 v61, v58;
	v36 =	vmul.f32 v7, v59  }
0x337: {  	s30 =	simm.s32 $0x1BEF0;
	s24 =	simm.s32 $0x1D790;
	v28 =	vmul.f32 v28, v18;
	v20 =	vmul.f32 v7, v1;
	v12 =	vpack.i.f32.bf16 v62, v60  }
0x338: {  	s22 =	simm.s32 $0x188DB;
	s13 =	simm.s32 $0x1D790;
	s21 =	simm.s32 $0x20;
	v35 =	vld [tilespmem:s4+$0xFFFFFF70];
	v37 =	vmul.f32 v29, v59;
	[tilespmem:s24+$0x0] =	vst v12;
	v12 =	vmul.f32 v29, v13  }
.LBB2_15:
0x339: {  	v39 =	vld [tilespmem:s22+$0x0];
	s21 =	sadd.s32 $0x2, s21;
	v40 =	vmul.f32 v29, v32;
	v41 =	vmul.f32 v7, v16;
	s24 =	sadd.s32 $0x120, s24;
	s4 =	sadd.s32 $0xC0, s4  }
0x33a: {  	v16 =	vmul.f32 v29, v16;
	v31 =	vmul.f32 v21, v31;
	v42 =	vld [tilespmem:s4+$0xFFFFFF60];
	p2 =	slt.u32 s21, $0x3E  }
0x33b: {  	v44 =	vmul.f32 v33, v6;
	v43 =	vld [tilespmem:s4+$0xFFFFFF80];
	v38 =	vmul.f32 v38, v23  }
0x33c: {  	v36 =	vpack.i.f32.bf16 v36, v37;
	v37 =	vmul.f32 v7, v13;
	v22 =	vmul.f32 v21, v22;
	v45 =	vld [tilespmem:s30+$0xFFFFFFF0]  }
0x33d: {  	v13 =	vmul.f32 v33, v30;
	v6 =	vpack.i.f32.bf16 v34, v31;
	v46 =	vld [tilespmem:s22+$0xFFFFFFF7];
	v8 =	vmul.f32 v38, v8  }
0x33e: {  	v16 =	vpack.i.f32.bf16 v41, v16;
	v34 =	vmul.f32 v33, v3;
	v30 =	vld [tilespmem:s30+$0x0];
	v31 =	vbroadcast v39, $0x1;
	[tilespmem:s13+$0x30] =	vst v6  }
0x33f: {  	v7 =	vmul.f32 v7, v32;
	v6 =	vbroadcast v39, $0x8;
	v38 =	vld [tilespmem:s4+$0xFFFFFFB0];
	v3 =	vpack.i.f32.bf16 v19, v8;
	[tilespmem:s13+$0xFFFFFFF0] =	vst v16  }
0x340: {  	v18 =	vmul.f32 v33, v18;
	v32 =	vbroadcast v39, $0x0;
	v16 =	vpack.i.f32.bf16 v26, v44;
	v41 =	vld [tilespmem:s4+$0xFFFFFF90];
	[tilespmem:s13+$0xFFFFFF70] =	vst v3  }
0x341: {  	v33 =	vmul.f32 v33, v4;
	v3 =	vbroadcast v39, $0x5;
	v26 =	vunpack.i.u.bf16.f32 v45  }
0x342: {  	v19 =	vmul.f32 v35, v23;
	v23 =	vpack.i.f32.bf16 v7, v40;
	v8 =	vbroadcast v46, $0x0;
	v44 =	vld [tilespmem:s4+$0xFFFFFFD0]  }
0x343: {  	v29 =	vmul.f32 v29, v1;
	v35 =	vbroadcast v46, $0x2;
	v7 =	vld [tilespmem:s4+$0xFFFFFFA0];
	v40 =	vunpack.i.l.bf16.f32 v30  }
0x344: {  	v4 =	vpack.i.f32.bf16 v27, v13;
	v24 =	vmul.f32 v19, v24;
	v1 =	vbroadcast v46, $0x7;
	v47 =	vld [tilespmem:s4+$0x0];
	[tilespmem:s13+$0x80] =	vst v16  }
0x345: {  	v13 =	vmul.f32 v19, v15;
	v27 =	vunpack.i.u.bf16.f32 v30;
	v16 =	vbroadcast v46, $0x8;
	v30 =	vld [tilespmem:s4+$0xFFFFFFC0];
	[tilespmem:s13+$0x60] =	vst v4  }
0x346: {  	v48 =	vbroadcast v46, $0x5;
	v15 =	vpack.i.f32.bf16 v25, v24;
	v4 =	vbroadcast v39, $0x4;
	[tilespmem:s13+$0xFFFFFFC0] =	vst v36  }
0x347: {  	v5 =	vmul.f32 v19, v5;
	v24 =	vmul.f32 v38, v40;
	[tilespmem:s13+$0xFFFFFF80] =	vst v15;
	v15 =	vpack.i.f32.bf16 v28, v18  }
0x348: {  	v13 =	vpack.i.f32.bf16 v17, v13;
	v17 =	vmul.f32 v21, v0;
	v7 =	vmul.f32 v7, v26;
	[tilespmem:s13+$0x70] =	vst v15  }
0x349: {  	v11 =	vpack.i.f32.bf16 v11, v5;
	v15 =	vmul.f32 v42, v26;
	v28 =	vmul.f32 v47, v27;
	[tilespmem:s13+$0xFFFFFFA0] =	vst v13  }
0x34a: {  	v22 =	vpack.i.f32.bf16 v14, v22;
	v0 =	vmovc v31;
	v13 =	vbroadcast v46, $0x6;
	v21 =	vmul.f32 v30, v27;
	[tilespmem:s13+$0xFFFFFF90] =	vst v11  }
0x34b: {  	v25 =	vmul.f32 v24, v32;
	v19 =	vmul.f32 v15, v8;
	v11 =	vpack.i.f32.bf16 v20, v29;
	v14 =	vld [tilespmem:s4+$0xFFFFFFE0];
	[tilespmem:s13+$0xFFFFFFB0] =	vst v23  }
0x34c: {  	v31 =	vbroadcast v39, $0x3;
	v5 =	vmovc v35;
	v18 =	vbroadcast v39, $0x7;
	v23 =	vunpack.i.l.bf16.f32 v45;
	[tilespmem:s13+$0x20] =	vst v22  }
0x34d: {  	v9 =	vpack.i.f32.bf16 v9, v34;
	v20 =	vmul.f32 v28, v4;
	v22 =	vbroadcast v39, $0x2;
	[tilespmem:s13+$0xFFFFFFE0] =	vst v11  }
0x34e: {  	v10 =	vpack.i.f32.bf16 v10, v17;
	v29 =	vmul.f32 v43, v26;
	v30 =	vbroadcast v39, $0x6;
	[tilespmem:s13+$0x50] =	vst v9  }
0x34f: {  	v15 =	vbroadcast v46, $0x3;
	v26 =	vmul.f32 v28, v6;
	v9 =	vpack.i.f32.bf16 v2, v33;
	v2 =	vmovc v20;
	[tilespmem:s13+$0x10] =	vst v10  }
0x350: {  	v12 =	vpack.i.f32.bf16 v37, v12;
	v11 =	vmul.f32 v29, v5;
	v10 =	vmul.f32 v14, v27;
	[tilespmem:s13+$0x40] =	vst v9  }
0x351: {  	v24 =	vbroadcast v46, $0x1;
	v9 =	vmul.f32 v21, v32;
	[tilespmem:s13+$0xFFFFFFD0] =	vst v12;
	s13 =	smov.u32 s24  }
0x352: {  	v27 =	vmul.f32 v28, v30;
	v34 =	vmul.f32 v10, v31  }
0x353: {  	v17 =	vmul.f32 v29, v15;
	v9 =	vpack.i.f32.bf16 v9, v25;
	v14 =	vmul.f32 v10, v22;
	v33 =	vld [tilespmem:s4+$0xFFFFFFF0]  }
0x354: {  	v25 =	vmul.f32 v29, v24;
	[tilespmem:s24+$0x0] =	vst v9;
	v9 =	vmul.f32 v28, v3  }
.Ltmp12:
0x355: {  	v32 =	vbroadcast v46, $0x4;
	v10 =	vmul.f32 v10, v0;
	(pc) =	sbr.rel @p2 .LBB2_15-.Ltmp12, $4  }
0x356: {  	v21 =	vmul.f32 v44, v40;
	v29 =	vmul.f32 v41, v23  }
0x357: {  	v36 =	vmul.f32 v7, v48;
	v28 =	vmul.f32 v28, v18;
	v38 =	vld [tilespmem:s4+$0xFFFFFF50]  }
0x358: {  	v20 =	vmul.f32 v7, v1;
	v37 =	vmul.f32 v29, v48  }
0x359: {  	s22 =	sadd.s32 $0x12, s22;
	s30 =	sadd.s32 $0x20, s30;
	v12 =	vmul.f32 v29, v13;
	v33 =	vmul.f32 v33, v40;
	v35 =	vld [tilespmem:s4+$0xFFFFFF70]  }
0x35a: {  	v31 =	vmul.f32 v21, v31  }
0x35b: {  	v39 =	vmul.f32 v7, v16;
	v50 =	vmul.f32 v29, v16;
	v54 =	vpack.i.f32.bf16 v36, v37  }
0x35c: {  	v58 =	vmul.f32 v21, v22;
	[tilespmem:s13+$0xFFFFFFC0] =	vst v54;
	v31 =	vpack.i.f32.bf16 v34, v31  }
0x35d: {  	v1 =	vmul.f32 v29, v1;
	v16 =	vpack.i.f32.bf16 v39, v50;
	[tilespmem:s13+$0x30] =	vst v31  }
0x35e: {  	v0 =	vmul.f32 v21, v0;
	v59 =	vpack.i.f32.bf16 v14, v58;
	[tilespmem:s13+$0xFFFFFFF0] =	vst v16  }
0x35f: {  	v61 =	vmul.f32 v7, v13;
	v1 =	vpack.i.f32.bf16 v20, v1;
	[tilespmem:s13+$0x20] =	vst v59  }
0x360: {  	v6 =	vmul.f32 v33, v6;
	v0 =	vpack.i.f32.bf16 v10, v0;
	[tilespmem:s13+$0xFFFFFFE0] =	vst v1  }
0x361: {  	v30 =	vmul.f32 v33, v30;
	v63 =	vpack.i.f32.bf16 v61, v12;
	[tilespmem:s13+$0x10] =	vst v0  }
0x362: {  	v18 =	vmul.f32 v33, v18;
	v6 =	vpack.i.f32.bf16 v26, v6;
	[tilespmem:s13+$0xFFFFFFD0] =	vst v63  }
0x363: {  	v3 =	vmul.f32 v33, v3;
	v38 =	vmul.f32 v38, v23;
	v53 =	vpack.i.f32.bf16 v27, v30;
	[tilespmem:s13+$0x80] =	vst v6  }
0x364: {  	v4 =	vmul.f32 v33, v4;
	v55 =	vpack.i.f32.bf16 v28, v18;
	v51 =	vmul.f32 v35, v23;
	[tilespmem:s13+$0x60] =	vst v53  }
0x365: {  	v60 =	vpack.i.f32.bf16 v9, v3;
	v8 =	vmul.f32 v38, v8;
	[tilespmem:s13+$0x70] =	vst v55  }
0x366: {  	v62 =	vpack.i.f32.bf16 v2, v4;
	[tilespmem:s13+$0x50] =	vst v60;
	v52 =	vmul.f32 v51, v24  }
0x367: {  	[tilespmem:s13+$0x40] =	vst v62;
	v8 =	vpack.i.f32.bf16 v19, v8;
	v15 =	vmul.f32 v51, v15  }
0x368: {  	v5 =	vmul.f32 v51, v5;
	[tilespmem:s13+$0xFFFFFF70] =	vst v8;
	v8 =	vpack.i.f32.bf16 v25, v52  }
.Ltmp13:
0x369: {  	v56 =	vmul.f32 v29, v32;
	v57 =	vmul.f32 v7, v32;
	v15 =	vpack.i.f32.bf16 v17, v15;
	[tilespmem:s13+$0xFFFFFF80] =	vst v8;
	(pc) =	sbr.rel .LBB2_17-.Ltmp13, $4  }
0x36a: {  	v5 =	vpack.i.f32.bf16 v11, v5;
	[tilespmem:s13+$0xFFFFFFA0] =	vst v15  }
0x36b: {  	v8 =	vpack.i.f32.bf16 v57, v56;
	[tilespmem:s13+$0xFFFFFF90] =	vst v5  }
0x36c: {  	[tilespmem:s13+$0xFFFFFFB0] =	vst v8  }
0x36d: {  	[spmem:s3] =	stream.indirect.scatter.add.bf16 [tilespmem:s15], [sflag:$0x6], $0x90, s17, s11, $0xb8;
	[tilespmem:$0x1E900] =	vst v63  }
.LBB2_29:
0x36e: {  	_ =	swait.ge [sflag:s19], $0x1200  }
0x36f: {  	[sflag:s19] =	ssyncset.done $0x0  }
0x370: {  	[sflag:s19] =	ssyncadd.s32 $0xFFFFEE00  }
0x371: {  	_ =	swait.ge [sflag:s20], $0x1200  }
0x372: {  	[sflag:s20] =	ssyncset.done $0x0  }
0x373: {  	[sflag:s20] =	ssyncadd.s32 $0xFFFFEE00  }
.LBB2_17:
0x374: {  	s4 =	sadd.s32 $0x40, s18  }
0x375: {  	p2 =	sge.u32 s4, s26  }
0x376: {  	s4 =	sadd.s32 @!p2 s12, s4  }
0x377: {  	s21 =	simm.s32 @!p2 $0x0;
	s13 =	sshll.u32 @!p2 s4, $0x4;
	s24 =	smul.u32 @!p2 $0x48, s4  }
0x378: {  	s22 =	simm.s32 @!p2 $0x186A0;
	s4 =	smul.u32 @!p2 $0xC00, s4;
	s13 =	sadd.s32 @!p2 s9, s13  }
0x379: {  	[tilespmem:s22], [sflag:$0x1] =	stream.linear.gather @!p2 [hbm4b:s13+s21], $0x80, $0x38;
	[tilespmem:$0x1E900] =	vst v63  }
0x37a: {  	s13 =	sadd.s32 @!p2 s1, s24;
	s22 =	simm.s32 @!p2 $0x187A0;
	s4 =	sadd.s32 @!p2 s7, s4  }
0x37b: {  	[tilespmem:s22], [sflag:$0x1] =	stream.linear.gather @!p2 [hbm4b:s13+s21], $0x240, $0x38;
	[tilespmem:$0x1E900] =	vst v63  }
0x37c: {  	s13 =	simm.s32 @!p2 $0x60;
	s21 =	simm.s32 @!p2 $0x180;
	s22 =	simm.s32 @!p2 $0x18C40  }
0x37d: {  	[tilespmem:s22], [sflag:$0x1] =	stream.strided.gather @!p2 [hbm4b:s4+s13], $0x1800, s21, s13, $0x38;
	[tilespmem:$0x1E900] =	vst v63  }
0x37e: {  	s4 =	simm.s32 @!p2 $0x1  }
0x37f: {  	_ =	swait.ge @!p2 [sflag:s4], $0x80  }
0x380: {  	[sflag:s4] =	ssyncset.done @!p2 $0x0  }
0x381: {  	[sflag:s4] =	ssyncadd.s32 @!p2 $0xFFFFFF80  }
0x382: {  	_ =	swait.ge @!p2 [sflag:s4], $0x240  }
0x383: {  	[sflag:s4] =	ssyncset.done @!p2 $0x0  }
0x384: {  	[sflag:s4] =	ssyncadd.s32 @!p2 $0xFFFFFDC0  }
0x385: {  	_ =	swait.ge @!p2 [sflag:s4], $0x1800  }
0x386: {  	[sflag:s4] =	ssyncset.done @!p2 $0x0  }
0x387: {  	[sflag:s4] =	ssyncadd.s32 @!p2 $0xFFFFE800  }
0x388: {  	v0 =	vld @!p2 [tilespmem:$0x186A0]  }
0x389: {  	v1 =	vld @!p2 [tilespmem:$0x186B0]  }
0x38a: {  	v2 =	vld @!p2 [tilespmem:$0x186C0]  }
0x38b: {  	v3 =	vld @!p2 [tilespmem:$0x186D0];
	_ =	sdelay $0x1  }
0x38c: {  	[tilespmem:$0x1BC40] =	vst @!p2 v0  }
0x38d: {  	[tilespmem:$0x1BC50] =	vst @!p2 v1  }
0x38e: {  	[tilespmem:$0x1BC60] =	vst @!p2 v2  }
0x38f: {  	s13 =	simm.s32 @!p2 $0x1BC40;
	s21 =	simm.s32 @!p2 $0x1BCC0;
	s4 =	simm.s32 @!p2 $0x40;
	[tilespmem:$0x1BC70] =	vst @!p2 v3  }
0x390: {  	[tilespmem:s21], [sflag:$0x3] =	stream.indirect.gather @!p2 [spmem:s2], $0x10, s13, s4, $0xb8;
	[tilespmem:$0x1E900] =	vst v63  }
0x391: {  	s4 =	simm.s32 @!p1 $0x4  }
0x392: {  	_ =	swait.ge @!p1 [sflag:s4], $0x400  }
.Ltmp14:
0x393: {  	[sflag:s4] =	ssyncset.done @!p1 $0x0;
	(pc) =	sbr.rel @p1 .LBB2_21-.Ltmp14, $4  }
0x394: {  	[sflag:s4] =	ssyncadd.s32 @!p1 $0xFFFFFC00;
	s4 =	simm.s32 @!p0 $0x5  }
0x395: {  	_ =	swait.ge @!p0 [sflag:s4], $0x1200  }
0x396: {  	[sflag:s4] =	ssyncset.done @!p0 $0x0  }
0x397: {  	[sflag:s4] =	ssyncadd.s32 @!p0 $0xFFFFEE00  }
0x398: {  	v0 =	vld [tilespmem:$0x18760]  }
0x399: {  	v1 =	vld [tilespmem:$0x18770];
	_ =	sdelay $0x3  }
0x39a: {  	[tilespmem:$0x1C4C0] =	vst v0  }
0x39b: {  	s13 =	simm.s32 $0x189F9;
	[tilespmem:$0x1C4D0] =	vst v1  }
0x39c: {  	v9 =	vld [tilespmem:s13+$0x0];
	_ =	sdelay $0x1  }
0x39d: {  	s4 =	simm.s32 $0x1A4A0;
	v12 =	vld [tilespmem:s13+$0xFFFFFFF7]  }
0x39e: {  	s21 =	simm.s32 $0x1C0D0;
	v2 =	vld [tilespmem:s4+$0xFFFFFFB0]  }
0x39f: {  	v10 =	vld [tilespmem:s21+$0xFFFFFFF0]  }
0x3a0: {  	v7 =	vld [tilespmem:s21+$0x0];
	v0 =	vbroadcast v9, $0x1;
	v6 =	vbroadcast v9, $0x8  }
0x3a1: {  	v11 =	vld [tilespmem:s4+$0x0];
	v14 =	vbroadcast v9, $0x0;
	v3 =	vbroadcast v9, $0x5  }
0x3a2: {  	v13 =	vld [tilespmem:s4+$0xFFFFFFF0];
	v8 =	vbroadcast v12, $0x0;
	v5 =	vbroadcast v12, $0x2  }
0x3a3: {  	v15 =	vld [tilespmem:s4+$0x50];
	v1 =	vbroadcast v12, $0x7;
	v16 =	vbroadcast v12, $0x8  }
0x3a4: {  	v17 =	vld [tilespmem:s4+$0x10];
	v35 =	vbroadcast v12, $0x5;
	v4 =	vbroadcast v9, $0x4  }
0x3a5: {  	v23 =	vld [tilespmem:s4+$0xFFFFFFD0];
	v31 =	vbroadcast v9, $0x3;
	v18 =	vbroadcast v9, $0x7  }
0x3a6: {  	v24 =	vld [tilespmem:s4+$0x30];
	v33 =	vunpack.i.l.bf16.f32 v7;
	v22 =	vbroadcast v9, $0x2;
	v30 =	vbroadcast v9, $0x6  }
0x3a7: {  	v29 =	vld [tilespmem:s4+$0xFFFFFFE0];
	v20 =	vunpack.i.u.bf16.f32 v10;
	v32 =	vbroadcast v12, $0x4;
	v11 =	vmul.f32 v11, v33  }
0x3a8: {  	v21 =	vunpack.i.u.bf16.f32 v7;
	v7 =	vmul.f32 v13, v20;
	v2 =	vmul.f32 v2, v20  }
0x3a9: {  	v28 =	vmul.f32 v15, v21;
	v13 =	vbroadcast v12, $0x6  }
0x3aa: {  	v17 =	vmul.f32 v17, v21;
	v20 =	vmul.f32 v23, v20  }
0x3ab: {  	v15 =	vbroadcast v12, $0x3;
	v21 =	vmul.f32 v24, v21;
	v23 =	vunpack.i.l.bf16.f32 v10  }
0x3ac: {  	v24 =	vbroadcast v12, $0x1;
	v29 =	vmul.f32 v29, v23  }
0x3ad: {  	v19 =	vmul.f32 v2, v8;
	v37 =	vmul.f32 v11, v14  }
0x3ae: {  	v36 =	vld [tilespmem:s4+$0x20];
	v2 =	vmul.f32 v28, v4;
	v26 =	vmul.f32 v28, v6  }
0x3af: {  	v11 =	vmul.f32 v20, v5;
	v38 =	vmul.f32 v17, v14  }
0x3b0: {  	v39 =	vld [tilespmem:s4+$0x40];
	v34 =	vmul.f32 v21, v31;
	v27 =	vmul.f32 v28, v30  }
0x3b1: {  	v17 =	vmul.f32 v20, v15;
	v14 =	vmul.f32 v21, v22  }
0x3b2: {  	v25 =	vmul.f32 v20, v24;
	v9 =	vmul.f32 v28, v3  }
0x3b3: {  	v10 =	vmul.f32 v21, v0;
	v21 =	vmul.f32 v36, v33  }
0x3b4: {  	v36 =	vmul.f32 v7, v35;
	v28 =	vmul.f32 v28, v18;
	v12 =	vpack.i.f32.bf16 v38, v37;
	v38 =	vld [tilespmem:s4+$0xFFFFFFA0]  }
0x3b5: {  	s24 =	simm.s32 $0x1C590;
	s30 =	simm.s32 $0x1C0F0;
	v20 =	vmul.f32 v7, v1;
	v33 =	vmul.f32 v39, v33  }
0x3b6: {  	s22 =	simm.s32 $0x18A0B;
	s21 =	simm.s32 $0x0;
	s13 =	simm.s32 $0x1C590;
	v37 =	vmul.f32 v29, v35;
	v35 =	vld [tilespmem:s4+$0xFFFFFFC0];
	[tilespmem:s24+$0x0] =	vst v12;
	v12 =	vmul.f32 v29, v13  }
.LBB2_19:
0x3b7: {  	v39 =	vld [tilespmem:s22+$0x0];
	s21 =	sadd.s32 $0x2, s21;
	v40 =	vmul.f32 v29, v32;
	v41 =	vmul.f32 v7, v16;
	s4 =	sadd.s32 $0xC0, s4;
	s24 =	sadd.s32 $0x120, s24  }
0x3b8: {  	v16 =	vmul.f32 v29, v16;
	v31 =	vmul.f32 v21, v31;
	v42 =	vld [tilespmem:s4+$0xFFFFFFB0];
	p2 =	slt.u32 s21, $0x1E  }
0x3b9: {  	v44 =	vmul.f32 v33, v6;
	v43 =	vld [tilespmem:s4+$0xFFFFFFD0];
	v38 =	vmul.f32 v38, v23  }
0x3ba: {  	v36 =	vpack.i.f32.bf16 v36, v37;
	v37 =	vmul.f32 v7, v13;
	v22 =	vmul.f32 v21, v22;
	v45 =	vld [tilespmem:s30+$0xFFFFFFF0]  }
0x3bb: {  	v13 =	vmul.f32 v33, v30;
	v6 =	vpack.i.f32.bf16 v34, v31;
	v46 =	vld [tilespmem:s22+$0xFFFFFFF7];
	v8 =	vmul.f32 v38, v8  }
0x3bc: {  	v16 =	vpack.i.f32.bf16 v41, v16;
	v34 =	vmul.f32 v33, v3;
	v30 =	vld [tilespmem:s30+$0x0];
	v31 =	vbroadcast v39, $0x1;
	[tilespmem:s13+$0x30] =	vst v6  }
0x3bd: {  	v7 =	vmul.f32 v7, v32;
	v6 =	vbroadcast v39, $0x8;
	v38 =	vld [tilespmem:s4+$0x0];
	v3 =	vpack.i.f32.bf16 v19, v8;
	[tilespmem:s13+$0xFFFFFFF0] =	vst v16  }
0x3be: {  	v18 =	vmul.f32 v33, v18;
	v32 =	vbroadcast v39, $0x0;
	v16 =	vpack.i.f32.bf16 v26, v44;
	v41 =	vld [tilespmem:s4+$0xFFFFFFE0];
	[tilespmem:s13+$0xFFFFFF70] =	vst v3  }
0x3bf: {  	v33 =	vmul.f32 v33, v4;
	v3 =	vbroadcast v39, $0x5;
	v26 =	vunpack.i.u.bf16.f32 v45  }
0x3c0: {  	v19 =	vmul.f32 v35, v23;
	v23 =	vpack.i.f32.bf16 v7, v40;
	v8 =	vbroadcast v46, $0x0;
	v44 =	vld [tilespmem:s4+$0x20]  }
0x3c1: {  	v29 =	vmul.f32 v29, v1;
	v35 =	vbroadcast v46, $0x2;
	v7 =	vld [tilespmem:s4+$0xFFFFFFF0];
	v40 =	vunpack.i.l.bf16.f32 v30  }
0x3c2: {  	v4 =	vpack.i.f32.bf16 v27, v13;
	v24 =	vmul.f32 v19, v24;
	v1 =	vbroadcast v46, $0x7;
	v47 =	vld [tilespmem:s4+$0x50];
	[tilespmem:s13+$0x80] =	vst v16  }
0x3c3: {  	v13 =	vmul.f32 v19, v15;
	v27 =	vunpack.i.u.bf16.f32 v30;
	v16 =	vbroadcast v46, $0x8;
	v30 =	vld [tilespmem:s4+$0x10];
	[tilespmem:s13+$0x60] =	vst v4  }
0x3c4: {  	v48 =	vbroadcast v46, $0x5;
	v15 =	vpack.i.f32.bf16 v25, v24;
	v4 =	vbroadcast v39, $0x4;
	[tilespmem:s13+$0xFFFFFFC0] =	vst v36  }
0x3c5: {  	v5 =	vmul.f32 v19, v5;
	v24 =	vmul.f32 v38, v40;
	[tilespmem:s13+$0xFFFFFF80] =	vst v15;
	v15 =	vpack.i.f32.bf16 v28, v18  }
0x3c6: {  	v13 =	vpack.i.f32.bf16 v17, v13;
	v17 =	vmul.f32 v21, v0;
	v7 =	vmul.f32 v7, v26;
	[tilespmem:s13+$0x70] =	vst v15  }
0x3c7: {  	v11 =	vpack.i.f32.bf16 v11, v5;
	v15 =	vmul.f32 v42, v26;
	v28 =	vmul.f32 v47, v27;
	[tilespmem:s13+$0xFFFFFFA0] =	vst v13  }
0x3c8: {  	v22 =	vpack.i.f32.bf16 v14, v22;
	v0 =	vmovc v31;
	v13 =	vbroadcast v46, $0x6;
	v21 =	vmul.f32 v30, v27;
	[tilespmem:s13+$0xFFFFFF90] =	vst v11  }
0x3c9: {  	v25 =	vmul.f32 v24, v32;
	v19 =	vmul.f32 v15, v8;
	v11 =	vpack.i.f32.bf16 v20, v29;
	v14 =	vld [tilespmem:s4+$0x30];
	[tilespmem:s13+$0xFFFFFFB0] =	vst v23  }
0x3ca: {  	v31 =	vbroadcast v39, $0x3;
	v5 =	vmovc v35;
	v18 =	vbroadcast v39, $0x7;
	v23 =	vunpack.i.l.bf16.f32 v45;
	[tilespmem:s13+$0x20] =	vst v22  }
0x3cb: {  	v9 =	vpack.i.f32.bf16 v9, v34;
	v20 =	vmul.f32 v28, v4;
	v22 =	vbroadcast v39, $0x2;
	[tilespmem:s13+$0xFFFFFFE0] =	vst v11  }
0x3cc: {  	v10 =	vpack.i.f32.bf16 v10, v17;
	v29 =	vmul.f32 v43, v26;
	v30 =	vbroadcast v39, $0x6;
	[tilespmem:s13+$0x50] =	vst v9  }
0x3cd: {  	v15 =	vbroadcast v46, $0x3;
	v26 =	vmul.f32 v28, v6;
	v9 =	vpack.i.f32.bf16 v2, v33;
	v2 =	vmovc v20;
	[tilespmem:s13+$0x10] =	vst v10  }
0x3ce: {  	v12 =	vpack.i.f32.bf16 v37, v12;
	v11 =	vmul.f32 v29, v5;
	v10 =	vmul.f32 v14, v27;
	[tilespmem:s13+$0x40] =	vst v9  }
0x3cf: {  	v24 =	vbroadcast v46, $0x1;
	v9 =	vmul.f32 v21, v32;
	[tilespmem:s13+$0xFFFFFFD0] =	vst v12;
	s13 =	smov.u32 s24  }
0x3d0: {  	v27 =	vmul.f32 v28, v30;
	v34 =	vmul.f32 v10, v31  }
0x3d1: {  	v17 =	vmul.f32 v29, v15;
	v9 =	vpack.i.f32.bf16 v9, v25;
	v14 =	vmul.f32 v10, v22;
	v33 =	vld [tilespmem:s4+$0x40]  }
0x3d2: {  	v25 =	vmul.f32 v29, v24;
	[tilespmem:s24+$0x0] =	vst v9;
	v9 =	vmul.f32 v28, v3  }
.Ltmp15:
0x3d3: {  	v32 =	vbroadcast v46, $0x4;
	v10 =	vmul.f32 v10, v0;
	(pc) =	sbr.rel @p2 .LBB2_19-.Ltmp15, $4  }
0x3d4: {  	v21 =	vmul.f32 v44, v40;
	v29 =	vmul.f32 v41, v23  }
0x3d5: {  	v36 =	vmul.f32 v7, v48;
	v28 =	vmul.f32 v28, v18;
	v38 =	vld [tilespmem:s4+$0xFFFFFFA0]  }
0x3d6: {  	v20 =	vmul.f32 v7, v1;
	v37 =	vmul.f32 v29, v48  }
0x3d7: {  	s22 =	sadd.s32 $0x12, s22;
	s30 =	sadd.s32 $0x20, s30;
	v12 =	vmul.f32 v29, v13;
	v33 =	vmul.f32 v33, v40;
	v35 =	vld [tilespmem:s4+$0xFFFFFFC0]  }
0x3d8: {  	v31 =	vmul.f32 v21, v31  }
0x3d9: {  	v39 =	vmul.f32 v7, v16;
	v50 =	vmul.f32 v29, v16;
	v54 =	vpack.i.f32.bf16 v36, v37  }
0x3da: {  	v58 =	vmul.f32 v21, v22;
	[tilespmem:s13+$0xFFFFFFC0] =	vst v54;
	v31 =	vpack.i.f32.bf16 v34, v31  }
0x3db: {  	v1 =	vmul.f32 v29, v1;
	v16 =	vpack.i.f32.bf16 v39, v50;
	[tilespmem:s13+$0x30] =	vst v31  }
0x3dc: {  	v0 =	vmul.f32 v21, v0;
	v59 =	vpack.i.f32.bf16 v14, v58;
	[tilespmem:s13+$0xFFFFFFF0] =	vst v16  }
0x3dd: {  	v61 =	vmul.f32 v7, v13;
	v1 =	vpack.i.f32.bf16 v20, v1;
	[tilespmem:s13+$0x20] =	vst v59  }
0x3de: {  	v6 =	vmul.f32 v33, v6;
	v0 =	vpack.i.f32.bf16 v10, v0;
	[tilespmem:s13+$0xFFFFFFE0] =	vst v1  }
0x3df: {  	v30 =	vmul.f32 v33, v30;
	v63 =	vpack.i.f32.bf16 v61, v12;
	[tilespmem:s13+$0x10] =	vst v0  }
0x3e0: {  	v18 =	vmul.f32 v33, v18;
	v6 =	vpack.i.f32.bf16 v26, v6;
	[tilespmem:s13+$0xFFFFFFD0] =	vst v63  }
0x3e1: {  	v3 =	vmul.f32 v33, v3;
	v38 =	vmul.f32 v38, v23;
	v53 =	vpack.i.f32.bf16 v27, v30;
	[tilespmem:s13+$0x80] =	vst v6  }
0x3e2: {  	v4 =	vmul.f32 v33, v4;
	v55 =	vpack.i.f32.bf16 v28, v18;
	v51 =	vmul.f32 v35, v23;
	[tilespmem:s13+$0x60] =	vst v53  }
0x3e3: {  	v60 =	vpack.i.f32.bf16 v9, v3;
	v8 =	vmul.f32 v38, v8;
	[tilespmem:s13+$0x70] =	vst v55  }
0x3e4: {  	v62 =	vpack.i.f32.bf16 v2, v4;
	[tilespmem:s13+$0x50] =	vst v60;
	v52 =	vmul.f32 v51, v24  }
0x3e5: {  	[tilespmem:s13+$0x40] =	vst v62;
	v8 =	vpack.i.f32.bf16 v19, v8;
	v15 =	vmul.f32 v51, v15  }
0x3e6: {  	v5 =	vmul.f32 v51, v5;
	[tilespmem:s13+$0xFFFFFF70] =	vst v8;
	v8 =	vpack.i.f32.bf16 v25, v52  }
0x3e7: {  	v56 =	vmul.f32 v29, v32;
	v57 =	vmul.f32 v7, v32;
	v15 =	vpack.i.f32.bf16 v17, v15;
	[tilespmem:s13+$0xFFFFFF80] =	vst v8  }
0x3e8: {  	v5 =	vpack.i.f32.bf16 v11, v5;
	[tilespmem:s13+$0xFFFFFFA0] =	vst v15  }
0x3e9: {  	v8 =	vpack.i.f32.bf16 v57, v56;
	[tilespmem:s13+$0xFFFFFF90] =	vst v5  }
0x3ea: {  	[tilespmem:s13+$0xFFFFFFB0] =	vst v8  }
0x3eb: {  	[spmem:s3] =	stream.indirect.scatter.add.bf16 [tilespmem:s0], [sflag:$0x5], $0x90, s14, s11, $0xb8;
	[tilespmem:$0x1E900] =	vst v63  }
.LBB2_21:
.Ltmp16:
0x3ec: {  	(pc) =	sbr.rel @p1 .LBB2_25-.Ltmp16, $4  }
0x3ed: {  	s4 =	simm.s32 @!p0 $0x6  }
0x3ee: {  	_ =	swait.ge @!p0 [sflag:s4], $0x1200  }
0x3ef: {  	[sflag:s4] =	ssyncset.done @!p0 $0x0  }
0x3f0: {  	[sflag:s4] =	ssyncadd.s32 @!p0 $0xFFFFEE00  }
0x3f1: {  	v0 =	vld [tilespmem:$0x18780]  }
0x3f2: {  	v1 =	vld [tilespmem:$0x18790];
	_ =	sdelay $0x3  }
0x3f3: {  	[tilespmem:$0x1C4E0] =	vst v0  }
0x3f4: {  	s13 =	simm.s32 $0x18B19;
	[tilespmem:$0x1C4F0] =	vst v1  }
0x3f5: {  	v9 =	vld [tilespmem:s13+$0x0];
	_ =	sdelay $0x1  }
0x3f6: {  	s4 =	simm.s32 $0x1B0F0;
	v12 =	vld [tilespmem:s13+$0xFFFFFFF7]  }
0x3f7: {  	s21 =	simm.s32 $0x1C2D0;
	v2 =	vld [tilespmem:s4+$0xFFFFFF60]  }
0x3f8: {  	v10 =	vld [tilespmem:s21+$0xFFFFFFF0]  }
0x3f9: {  	v7 =	vld [tilespmem:s21+$0x0];
	v0 =	vbroadcast v9, $0x1;
	v6 =	vbroadcast v9, $0x8  }
0x3fa: {  	v11 =	vld [tilespmem:s4+$0xFFFFFFB0];
	v14 =	vbroadcast v9, $0x0;
	v3 =	vbroadcast v9, $0x5  }
0x3fb: {  	v13 =	vld [tilespmem:s4+$0xFFFFFFA0];
	v8 =	vbroadcast v12, $0x0;
	v5 =	vbroadcast v12, $0x2  }
0x3fc: {  	v15 =	vld [tilespmem:s4+$0x0];
	v1 =	vbroadcast v12, $0x7;
	v16 =	vbroadcast v12, $0x8  }
0x3fd: {  	v17 =	vld [tilespmem:s4+$0xFFFFFFC0];
	v35 =	vbroadcast v12, $0x5;
	v4 =	vbroadcast v9, $0x4  }
0x3fe: {  	v23 =	vld [tilespmem:s4+$0xFFFFFF80];
	v31 =	vbroadcast v9, $0x3;
	v18 =	vbroadcast v9, $0x7  }
0x3ff: {  	v24 =	vld [tilespmem:s4+$0xFFFFFFE0];
	v33 =	vunpack.i.l.bf16.f32 v7;
	v22 =	vbroadcast v9, $0x2;
	v30 =	vbroadcast v9, $0x6  }
0x400: {  	v29 =	vld [tilespmem:s4+$0xFFFFFF90];
	v20 =	vunpack.i.u.bf16.f32 v10;
	v32 =	vbroadcast v12, $0x4;
	v11 =	vmul.f32 v11, v33  }
0x401: {  	v21 =	vunpack.i.u.bf16.f32 v7;
	v7 =	vmul.f32 v13, v20;
	v2 =	vmul.f32 v2, v20  }
0x402: {  	v28 =	vmul.f32 v15, v21;
	v13 =	vbroadcast v12, $0x6  }
0x403: {  	v17 =	vmul.f32 v17, v21;
	v20 =	vmul.f32 v23, v20  }
0x404: {  	v15 =	vbroadcast v12, $0x3;
	v21 =	vmul.f32 v24, v21;
	v23 =	vunpack.i.l.bf16.f32 v10  }
0x405: {  	v24 =	vbroadcast v12, $0x1;
	v29 =	vmul.f32 v29, v23  }
0x406: {  	v19 =	vmul.f32 v2, v8;
	v37 =	vmul.f32 v11, v14  }
0x407: {  	v36 =	vld [tilespmem:s4+$0xFFFFFFD0];
	v2 =	vmul.f32 v28, v4;
	v26 =	vmul.f32 v28, v6  }
0x408: {  	v11 =	vmul.f32 v20, v5;
	v38 =	vmul.f32 v17, v14  }
0x409: {  	v39 =	vld [tilespmem:s4+$0xFFFFFFF0];
	v34 =	vmul.f32 v21, v31;
	v27 =	vmul.f32 v28, v30  }
0x40a: {  	v17 =	vmul.f32 v20, v15;
	v14 =	vmul.f32 v21, v22  }
0x40b: {  	v25 =	vmul.f32 v20, v24;
	v9 =	vmul.f32 v28, v3  }
0x40c: {  	v10 =	vmul.f32 v21, v0;
	v21 =	vmul.f32 v36, v33  }
0x40d: {  	v36 =	vmul.f32 v7, v35;
	v28 =	vmul.f32 v28, v18;
	v12 =	vpack.i.f32.bf16 v38, v37;
	v38 =	vld [tilespmem:s4+$0xFFFFFF50]  }
0x40e: {  	s24 =	simm.s32 $0x1D790;
	s30 =	simm.s32 $0x1C2F0;
	v20 =	vmul.f32 v7, v1;
	v33 =	vmul.f32 v39, v33  }
0x40f: {  	s22 =	simm.s32 $0x18B2B;
	s21 =	simm.s32 $0x20;
	s13 =	simm.s32 $0x1D790;
	v37 =	vmul.f32 v29, v35;
	v35 =	vld [tilespmem:s4+$0xFFFFFF70];
	[tilespmem:s24+$0x0] =	vst v12;
	v12 =	vmul.f32 v29, v13  }
.LBB2_23:
0x410: {  	v39 =	vld [tilespmem:s22+$0x0];
	s21 =	sadd.s32 $0x2, s21;
	v40 =	vmul.f32 v29, v32;
	v41 =	vmul.f32 v7, v16;
	s24 =	sadd.s32 $0x120, s24;
	s4 =	sadd.s32 $0xC0, s4  }
0x411: {  	v16 =	vmul.f32 v29, v16;
	v31 =	vmul.f32 v21, v31;
	v42 =	vld [tilespmem:s4+$0xFFFFFF60];
	p0 =	slt.u32 s21, $0x3E  }
0x412: {  	v38 =	vmul.f32 v38, v23;
	v44 =	vmul.f32 v33, v6;
	v43 =	vld [tilespmem:s4+$0xFFFFFF80]  }
0x413: {  	v36 =	vpack.i.f32.bf16 v36, v37;
	v37 =	vmul.f32 v7, v13;
	v22 =	vmul.f32 v21, v22;
	v45 =	vld [tilespmem:s30+$0xFFFFFFF0]  }
0x414: {  	v13 =	vmul.f32 v33, v30;
	v8 =	vmul.f32 v38, v8;
	v6 =	vpack.i.f32.bf16 v34, v31;
	v46 =	vld [tilespmem:s22+$0xFFFFFFF7]  }
0x415: {  	v16 =	vpack.i.f32.bf16 v41, v16;
	v34 =	vmul.f32 v33, v3;
	v30 =	vld [tilespmem:s30+$0x0];
	v31 =	vbroadcast v39, $0x1;
	[tilespmem:s13+$0x30] =	vst v6  }
0x416: {  	v7 =	vmul.f32 v7, v32;
	v3 =	vpack.i.f32.bf16 v19, v8;
	v6 =	vbroadcast v39, $0x8;
	v38 =	vld [tilespmem:s4+$0xFFFFFFB0];
	[tilespmem:s13+$0xFFFFFFF0] =	vst v16  }
0x417: {  	v18 =	vmul.f32 v33, v18;
	v32 =	vbroadcast v39, $0x0;
	v16 =	vpack.i.f32.bf16 v26, v44;
	v41 =	vld [tilespmem:s4+$0xFFFFFF90];
	[tilespmem:s13+$0xFFFFFF70] =	vst v3  }
0x418: {  	v33 =	vmul.f32 v33, v4;
	v3 =	vbroadcast v39, $0x5;
	v26 =	vunpack.i.u.bf16.f32 v45  }
0x419: {  	v19 =	vmul.f32 v35, v23;
	v23 =	vpack.i.f32.bf16 v7, v40;
	v8 =	vbroadcast v46, $0x0;
	v44 =	vld [tilespmem:s4+$0xFFFFFFD0]  }
0x41a: {  	v29 =	vmul.f32 v29, v1;
	v35 =	vbroadcast v46, $0x2;
	v7 =	vld [tilespmem:s4+$0xFFFFFFA0];
	v40 =	vunpack.i.l.bf16.f32 v30  }
0x41b: {  	v4 =	vpack.i.f32.bf16 v27, v13;
	v24 =	vmul.f32 v19, v24;
	v1 =	vbroadcast v46, $0x7;
	v47 =	vld [tilespmem:s4+$0x0];
	[tilespmem:s13+$0x80] =	vst v16  }
0x41c: {  	v13 =	vmul.f32 v19, v15;
	v27 =	vunpack.i.u.bf16.f32 v30;
	v16 =	vbroadcast v46, $0x8;
	v30 =	vld [tilespmem:s4+$0xFFFFFFC0];
	[tilespmem:s13+$0x60] =	vst v4  }
0x41d: {  	v15 =	vpack.i.f32.bf16 v25, v24;
	v48 =	vbroadcast v46, $0x5;
	v4 =	vbroadcast v39, $0x4;
	[tilespmem:s13+$0xFFFFFFC0] =	vst v36  }
0x41e: {  	v5 =	vmul.f32 v19, v5;
	v24 =	vmul.f32 v38, v40;
	[tilespmem:s13+$0xFFFFFF80] =	vst v15;
	v15 =	vpack.i.f32.bf16 v28, v18  }
0x41f: {  	v13 =	vpack.i.f32.bf16 v17, v13;
	v17 =	vmul.f32 v21, v0;
	v7 =	vmul.f32 v7, v26;
	[tilespmem:s13+$0x70] =	vst v15  }
0x420: {  	v11 =	vpack.i.f32.bf16 v11, v5;
	v15 =	vmul.f32 v42, v26;
	v28 =	vmul.f32 v47, v27;
	[tilespmem:s13+$0xFFFFFFA0] =	vst v13  }
0x421: {  	v22 =	vpack.i.f32.bf16 v14, v22;
	v0 =	vmovc v31;
	v13 =	vbroadcast v46, $0x6;
	v21 =	vmul.f32 v30, v27;
	[tilespmem:s13+$0xFFFFFF90] =	vst v11  }
0x422: {  	v25 =	vmul.f32 v24, v32;
	v19 =	vmul.f32 v15, v8;
	v11 =	vpack.i.f32.bf16 v20, v29;
	v14 =	vld [tilespmem:s4+$0xFFFFFFE0];
	[tilespmem:s13+$0xFFFFFFB0] =	vst v23  }
0x423: {  	v31 =	vbroadcast v39, $0x3;
	v5 =	vmovc v35;
	v18 =	vbroadcast v39, $0x7;
	v23 =	vunpack.i.l.bf16.f32 v45;
	[tilespmem:s13+$0x20] =	vst v22  }
0x424: {  	v9 =	vpack.i.f32.bf16 v9, v34;
	v20 =	vmul.f32 v28, v4;
	v22 =	vbroadcast v39, $0x2;
	[tilespmem:s13+$0xFFFFFFE0] =	vst v11  }
0x425: {  	v10 =	vpack.i.f32.bf16 v10, v17;
	v29 =	vmul.f32 v43, v26;
	v30 =	vbroadcast v39, $0x6;
	[tilespmem:s13+$0x50] =	vst v9  }
0x426: {  	v15 =	vbroadcast v46, $0x3;
	v26 =	vmul.f32 v28, v6;
	v9 =	vpack.i.f32.bf16 v2, v33;
	v2 =	vmovc v20;
	[tilespmem:s13+$0x10] =	vst v10  }
0x427: {  	v12 =	vpack.i.f32.bf16 v37, v12;
	v11 =	vmul.f32 v29, v5;
	v10 =	vmul.f32 v14, v27;
	[tilespmem:s13+$0x40] =	vst v9  }
0x428: {  	v24 =	vbroadcast v46, $0x1;
	v9 =	vmul.f32 v21, v32;
	[tilespmem:s13+$0xFFFFFFD0] =	vst v12;
	s13 =	smov.u32 s24  }
0x429: {  	v27 =	vmul.f32 v28, v30;
	v34 =	vmul.f32 v10, v31  }
0x42a: {  	v17 =	vmul.f32 v29, v15;
	v9 =	vpack.i.f32.bf16 v9, v25;
	v14 =	vmul.f32 v10, v22;
	v33 =	vld [tilespmem:s4+$0xFFFFFFF0]  }
0x42b: {  	v25 =	vmul.f32 v29, v24;
	[tilespmem:s24+$0x0] =	vst v9;
	v9 =	vmul.f32 v28, v3  }
.Ltmp17:
0x42c: {  	v32 =	vbroadcast v46, $0x4;
	v10 =	vmul.f32 v10, v0;
	(pc) =	sbr.rel @p0 .LBB2_23-.Ltmp17, $4  }
0x42d: {  	v21 =	vmul.f32 v44, v40;
	v29 =	vmul.f32 v41, v23  }
0x42e: {  	v36 =	vmul.f32 v7, v48;
	v28 =	vmul.f32 v28, v18;
	v38 =	vld [tilespmem:s4+$0xFFFFFF50]  }
0x42f: {  	v20 =	vmul.f32 v7, v1;
	v37 =	vmul.f32 v29, v48  }
0x430: {  	s22 =	sadd.s32 $0x12, s22;
	s30 =	sadd.s32 $0x20, s30;
	v12 =	vmul.f32 v29, v13;
	v33 =	vmul.f32 v33, v40;
	v35 =	vld [tilespmem:s4+$0xFFFFFF70]  }
.Ltmp18:
0x431: {  	_ = 	snop;
	(pc) =	sbr.rel .LBB2_24-.Ltmp18, $1  }
0x432: {  	_ =	sdelay $0x3  }
.LBB2_28:
0x433: {  	_ =	sfence.sel $0x180000  }
0x434: {  	[bflag:$0x0] =	sbarrier.arrive $0xFFFF  }
0x435: {  	_ =	strace $0x90000047  }
0x436: {  	s0 =	stileid.u32;
	[bflag:$0x2] =	sbarrier.arrive $0xFFFF  }
0x437: {  	p0 =	sne.s32 s0, $0x0;
	s0 =	rddreg [dreg:$0x4]  }
0x438: {  	s0 =	sadd.s32 @!p0 $0x100000, s0  }
0x439: {  	[sflag:s0] =	ssyncadd.tile.s32 @!p0 $0x1;
	_ =	shalt  }
.Lfunc_end2:
_tile_overlayer_lowered:
.L_overlay_start_2:
0x43a: {  	(tag) =	ssettag $0x2  }
0x43b: {  	s0 =	rddreg [dreg:$0x0];
	s2 =	stileid.u32  }
0x43c: {  	s1 =	rddreg [dreg:$0x1];
	p0 =	sne.s32 s2, $0x0  }
0x43d: {  	s3 =	rddreg [dreg:$0x2];
	[bflag:$0x3] =	sbarrier.arrive $0xFFFF;
	s2 =	simm.s32 @!p0 $0x1C07  }
0x43e: {  	[timem:s3], [sflag:s2] =	dma.local @!p0 [hbm:s0], s1  }
0x43f: {  	s0 =	simm.s32 @!p0 $0x7  }
0x440: {  	_ =	swait.ge @!p0 [sflag:s0], s1  }
0x441: {  	s1 =	ssub.s32 @!p0 $0x0, s1;
	[sflag:s0] =	ssyncset.done @!p0 $0x0  }
0x442: {  	[sflag:s0] =	ssyncadd.s32 @!p0 s1  }
0x443: {  	[bflag:$0x3] =	sbarrier.arrive $0xFFFF  }
0x444: {  	_ =	shalt  }

</sc_bundles>
